<compile_context>
chip_gen: v7x
topology: tpu7x:2x2x1
jax: 0.10.2.dev20260603
libtpu: 0.0.44.dev20260713+nightly
codegen_flags: <defaults>
</compile_context>

<pallas_src>
import functools

import jax
import jax.numpy as jnp
from jax import lax
from jax.experimental import pallas as pl
from jax.experimental.pallas import tpu as pltpu
from jax.experimental.pallas import tpu_sc as plsc

BATCH = 16384
HIST = 50
EMB_DIM = 31
OUT_DIM = 32
TOTAL = BATCH * HIST
NUM_WORKERS = 32
ROWS_PER_WORKER = TOTAL // NUM_WORKERS
CHUNK = 256
NCHUNK = ROWS_PER_WORKER // CHUNK
GPC = CHUNK // 16
LANES = 16


def _sc_embed_body(idx_hbm, table_hbm, out_hbm,
                   idx_v, rows_a, rows_b, out_a, out_b,
                   gsem_a, gsem_b, wsem_a, wsem_b):
    wid = lax.axis_index("s") * 2 + lax.axis_index("c")
    row0 = wid * ROWS_PER_WORKER

    pltpu.sync_copy(idx_hbm.at[pl.ds(row0, ROWS_PER_WORKER)], idx_v)

    lane = lax.iota(jnp.int32, LANES)
    bufs = ((rows_a, out_a, gsem_a, wsem_a), (rows_b, out_b, gsem_b, wsem_b))

    def start_gather(ci, rows, gsem):
        @pl.loop(0, CHUNK // LANES)
        def _g(g):
            vec = idx_v[pl.ds(ci * CHUNK + g * LANES, LANES)]
            for k in range(LANES):
                i = vec[k]
                t = lax.shift_right_logical(i, 3)
                s = lax.bitwise_and(i, 7)
                pltpu.async_copy(
                    table_hbm.at[pl.ds(t, 1), s],
                    rows.at[pl.ds(g * LANES + k, 1), :], gsem)

    def drain_gather(rows, gsem):
        pltpu.make_async_copy(
            table_hbm.at[pl.ds(0, CHUNK), 0], rows, gsem).wait()

    def compute(rows, out):
        @pl.loop(0, GPC)
        def _grp(g):
            rid = lane + g * LANES
            fl = rid * OUT_DIM
            es = []
            nsq = jnp.zeros((LANES,), jnp.float32)
            for d in range(EMB_DIM):
                col = jnp.full((LANES,), d, jnp.int32)
                e = plsc.load_gather(rows, [rid, col])
                es.append(e)
                nsq = nsq + e * e
            inv = 1.0 / (nsq + 1.0)
            two_inv = inv + inv
            for d in range(EMB_DIM):
                plsc.store_scatter(out, [fl + d], es[d] * two_inv)
            plsc.store_scatter(out, [fl + EMB_DIM], (nsq - 1.0) * inv)

    start_gather(0, rows_a, gsem_a)
    start_gather(1, rows_b, gsem_b)

    @pl.loop(0, NCHUNK // 2)
    def _pair(p2):
        for p in (0, 1):
            rows, out, gsem, wsem = bufs[p]
            ci = p2 * 2 + p
            drain_gather(rows, gsem)

            @pl.when(ci >= 2)
            def _():
                pltpu.make_async_copy(
                    out,
                    out_hbm.at[pl.ds((row0 + (ci - 2) * CHUNK) * OUT_DIM,
                                     CHUNK * OUT_DIM)],
                    wsem).wait()

            compute(rows, out)
            pltpu.async_copy(
                out,
                out_hbm.at[pl.ds((row0 + ci * CHUNK) * OUT_DIM,
                                 CHUNK * OUT_DIM)],
                wsem)

            @pl.when(ci + 2 < NCHUNK)
            def _():
                start_gather(ci + 2, rows, gsem)

    pltpu.make_async_copy(
        out_a,
        out_hbm.at[pl.ds((row0 + (NCHUNK - 2) * CHUNK) * OUT_DIM,
                         CHUNK * OUT_DIM)],
        wsem_a).wait()
    pltpu.make_async_copy(
        out_b,
        out_hbm.at[pl.ds((row0 + (NCHUNK - 1) * CHUNK) * OUT_DIM,
                         CHUNK * OUT_DIM)],
        wsem_b).wait()


@jax.jit
def _sc_embed(idx, table):
    mesh = plsc.VectorSubcoreMesh(core_axis_name="c", subcore_axis_name="s")
    f = functools.partial(
        pl.kernel,
        out_type=jax.ShapeDtypeStruct((TOTAL * OUT_DIM,), jnp.float32),
        mesh=mesh,
        scratch_types=[
            pltpu.VMEM((ROWS_PER_WORKER,), jnp.int32),
            pltpu.VMEM((CHUNK, EMB_DIM), jnp.float32),
            pltpu.VMEM((CHUNK, EMB_DIM), jnp.float32),
            pltpu.VMEM((CHUNK * OUT_DIM,), jnp.float32),
            pltpu.VMEM((CHUNK * OUT_DIM,), jnp.float32),
            pltpu.SemaphoreType.DMA,
            pltpu.SemaphoreType.DMA,
            pltpu.SemaphoreType.DMA,
            pltpu.SemaphoreType.DMA,
        ],
        compiler_params=pltpu.CompilerParams(
            needs_layout_passes=False, use_tc_tiling_on_sc=True
        ),
    )(_sc_embed_body)
    return f(idx, table)


def kernel(inputs, table):
    idx = inputs.astype(jnp.int32).reshape(TOTAL)
    table3 = table.reshape(125000, 8, EMB_DIM)
    out = _sc_embed(idx, table3)
    return out.reshape(BATCH, HIST, OUT_DIM)

# --- scband reference (transcript-rebuilt; emitter-appended) ---
"""Pipeline reference for scband-embedding-layer-15101105013087 (READ-ONLY COPY).

The authoritative reference and input builder live on the scoring server;
editing this copy changes nothing except your own understanding.
"""

import jax, jax.numpy as jnp
import numpy as np

INPUT_DIM = 1000000
EMB_DIM = 31  # output_dim=32 with unit_norm -> table dim 31
BATCH = 16384
HIST = 50

def setup_inputs(seed: int = 0) -> dict:
    key = jax.random.key(seed)
    k1, k2 = jax.random.split(key)
    inputs = jax.random.randint(k1, (BATCH, HIST), 0, INPUT_DIM, dtype=jnp.int64)
    table = jax.random.normal(k2, (INPUT_DIM, EMB_DIM), dtype=jnp.float32) * 0.05
    return {"inputs": inputs, "table": table}

def reference(inputs, table):
    emb = jnp.take(table, inputs, axis=0)  # [B, L, 31]
    norm_sq = jnp.sum(jnp.square(emb), axis=-1, keepdims=True)  # [B, L, 1]
    out = jnp.concatenate([2.0 * emb, norm_sq - 1.0], axis=-1) / (norm_sq + 1.0)
    return out

if __name__ == "__main__":
    import jax
    _d = setup_inputs()
    print(jax.jit(kernel)(*tuple(_d.values())))

</pallas_src>

<mosaic_0001>
#map = affine_map<(d0, d1) -> (0)>
#map1 = affine_map<(d0, d1) -> (0, 0, 0)>
module attributes {stable_mosaic.version = 14 : i64} {
  func.func @_sc_embed_body(%arg0: i32, %arg1: i32, %arg2: memref<819200xi32, #tpu.memory_space<hbm>>, %arg3: memref<125000x8x31xf32, #tpu.memory_space<hbm>>, %arg4: memref<26214400xf32, #tpu.memory_space<hbm>>, %arg5: memref<25600xi32, #tpu.memory_space<vmem>>, %arg6: memref<256x31xf32, #tpu.memory_space<vmem>>, %arg7: memref<256x31xf32, #tpu.memory_space<vmem>>, %arg8: memref<8192xf32, #tpu.memory_space<vmem>>, %arg9: memref<8192xf32, #tpu.memory_space<vmem>>, %arg10: memref<!tpu.dma_semaphore, #tpu.memory_space<semaphore_mem>>, %arg11: memref<!tpu.dma_semaphore, #tpu.memory_space<semaphore_mem>>, %arg12: memref<!tpu.dma_semaphore, #tpu.memory_space<semaphore_mem>>, %arg13: memref<!tpu.dma_semaphore, #tpu.memory_space<semaphore_mem>>) attributes {dimension_semantics = [#tpu.dimension_semantics<core_parallel>, #tpu.dimension_semantics<subcore_parallel>], iteration_bounds = array<i64: 2, 16>, scalar_prefetch = 0 : i64, scratch_operands = 9 : i64, tpu.core_type = #tpu.core_type<sc_vector_subcore>, window_params = [{transform_indices = #map}, {transform_indices = #map1}, {transform_indices = #map}]} {
    %mul3A = arith.constant 2 : i32
    %mul3A_0 = arith.muli %arg1, %mul3A : i32
    %add3A = arith.addi %mul3A_0, %arg0 : i32
    %mul3A_1 = arith.constant 25600 : i32
    %mul3A_2 = arith.muli %add3A, %mul3A_1 : i32
    "tpu.region"() ({
      %run_scoped3A = tpu.sem_alloc : memref<!tpu.dma_semaphore, #tpu.memory_space<semaphore_mem>>
      %dma_start3A = tpu.memref_slice %arg2[%mul3A_2] : memref<819200xi32, #tpu.memory_space<hbm>> -> memref<25600xi32, #tpu.memory_space<hbm>>
      %dma_start3A_28 = tpu.memref_slice %arg2[%mul3A_2] : memref<819200xi32, #tpu.memory_space<hbm>> -> memref<25600xi32, #tpu.memory_space<hbm>>
      tpu.enqueue_dma source(%dma_start3A_28 : memref<25600xi32, #tpu.memory_space<hbm>>) target(%arg5 : memref<25600xi32, #tpu.memory_space<vmem>>) target_semaphore(%run_scoped3A : memref<!tpu.dma_semaphore, #tpu.memory_space<semaphore_mem>>)
      %dma_wait3A_29 = tpu.memref_slice %arg2[%mul3A_2] : memref<819200xi32, #tpu.memory_space<hbm>> -> memref<25600xi32, #tpu.memory_space<hbm>>
      %dma_wait3A_30 = tpu.memref_slice %arg2[%mul3A_2] : memref<819200xi32, #tpu.memory_space<hbm>> -> memref<25600xi32, #tpu.memory_space<hbm>>
      tpu.wait_dma2 semaphore(%run_scoped3A : memref<!tpu.dma_semaphore, #tpu.memory_space<semaphore_mem>>) src(%dma_wait3A_30 : memref<25600xi32, #tpu.memory_space<hbm>>) dst(%arg5 : memref<25600xi32, #tpu.memory_space<vmem>>)
      tpu.yield
    }) : () -> ()
    %iota3A = tpu.iota {dimensions = array<i32: 0>} : vector<16xi32>
    %scan3A = arith.constant 0 : i32
    %scan3A_3 = arith.constant 16 : i32
    %scan3A_4 = arith.addi %scan3A, %scan3A_3 : i32
    %scan3A_5 = arith.constant 1 : i32
    scf.for %scan3A_28 = %scan3A to %scan3A_4 step %scan3A_5  : i32 {
      %mul3A_29 = arith.constant 1 : i32
      %mul3A_30 = arith.muli %scan3A_28, %mul3A_29 : i32
      %add3A_31 = arith.constant 0 : i32
      %add3A_32 = arith.addi %add3A_31, %mul3A_30 : i32
      %mul3A_33 = arith.constant 16 : i32
      %mul3A_34 = arith.muli %add3A_32, %mul3A_33 : i32
      %add3A_35 = arith.constant 0 : i32
      %add3A_36 = arith.addi %add3A_35, %mul3A_34 : i32
      %get3A = arith.index_cast %add3A_36 : i32 to index
      %get3A_37 = tpu.vector_load %arg5[%get3A] {strides = array<i32>} : memref<25600xi32, #tpu.memory_space<vmem>>, vector<16xi32>,
      %slice3A = vector.extract_strided_slice %get3A_37 {offsets = [0], sizes = [1], strides = [1]} : vector<16xi32> to vector<1xi32>
      %squeeze3A = vector.extract %slice3A[0] : i32 from vector<1xi32>
      %shift_right_logical3A = arith.constant 3 : i32
      %shift_right_logical3A_38 = arith.shrui %squeeze3A, %shift_right_logical3A : i32
      %and3A = arith.constant 7 : i32
      %and3A_39 = arith.andi %squeeze3A, %and3A : i32
      %mul3A_40 = arith.constant 16 : i32
      %mul3A_41 = arith.muli %add3A_32, %mul3A_40 : i32
      %add3A_42 = arith.constant 0 : i32
      %add3A_43 = arith.addi %mul3A_41, %add3A_42 : i32
      %dma_start3A = arith.constant 0 : i32
      %dma_start3A_44 = tpu.memref_slice %arg6[%add3A_43, %dma_start3A] : memref<256x31xf32, #tpu.memory_space<vmem>> -> memref<1x31xf32, #tpu.memory_space<vmem>>
      %dma_start3A_45 = arith.constant 0 : i32
      %dma_start3A_46 = tpu.memref_slice %arg3[%shift_right_logical3A_38, %and3A_39, %dma_start3A_45] : memref<125000x8x31xf32, #tpu.memory_space<hbm>> -> memref<1x1x31xf32, #tpu.memory_space<hbm>>
      %dma_start3A_47 = tpu.memref_squeeze %dma_start3A_46 : memref<1x1x31xf32, #tpu.memory_space<hbm>> -> memref<1x31xf32, #tpu.memory_space<hbm>>
      %dma_start3A_48 = arith.constant 0 : i32
      %dma_start3A_49 = tpu.memref_slice %arg6[%add3A_43, %dma_start3A_48] : memref<256x31xf32, #tpu.memory_space<vmem>> -> memref<1x31xf32, #tpu.memory_space<vmem>>
      %dma_start3A_50 = arith.constant 0 : i32
      %dma_start3A_51 = tpu.memref_slice %arg3[%shift_right_logical3A_38, %and3A_39, %dma_start3A_50] : memref<125000x8x31xf32, #tpu.memory_space<hbm>> -> memref<1x1x31xf32, #tpu.memory_space<hbm>>
      %dma_start3A_52 = tpu.memref_squeeze %dma_start3A_51 : memref<1x1x31xf32, #tpu.memory_space<hbm>> -> memref<1x31xf32, #tpu.memory_space<hbm>>
      tpu.enqueue_dma source(%dma_start3A_52 : memref<1x31xf32, #tpu.memory_space<hbm>>) target(%dma_start3A_49 : memref<1x31xf32, #tpu.memory_space<vmem>>) target_semaphore(%arg10 : memref<!tpu.dma_semaphore, #tpu.memory_space<semaphore_mem>>)
      %slice3A_53 = vector.extract_strided_slice %get3A_37 {offsets = [1], sizes = [1], strides = [1]} : vector<16xi32> to vector<1xi32>
      %squeeze3A_54 = vector.extract %slice3A_53[0] : i32 from vector<1xi32>
      %shift_right_logical3A_55 = arith.constant 3 : i32
      %shift_right_logical3A_56 = arith.shrui %squeeze3A_54, %shift_right_logical3A_55 : i32
      %and3A_57 = arith.constant 7 : i32
      %and3A_58 = arith.andi %squeeze3A_54, %and3A_57 : i32
      %mul3A_59 = arith.constant 16 : i32
      %mul3A_60 = arith.muli %add3A_32, %mul3A_59 : i32
      %add3A_61 = arith.constant 1 : i32
      %add3A_62 = arith.addi %mul3A_60, %add3A_61 : i32
      %dma_start3A_63 = arith.constant 0 : i32
      %dma_start3A_64 = tpu.memref_slice %arg6[%add3A_62, %dma_start3A_63] : memref<256x31xf32, #tpu.memory_space<vmem>> -> memref<1x31xf32, #tpu.memory_space<vmem>>
      %dma_start3A_65 = arith.constant 0 : i32
      %dma_start3A_66 = tpu.memref_slice %arg3[%shift_right_logical3A_56, %and3A_58, %dma_start3A_65] : memref<125000x8x31xf32, #tpu.memory_space<hbm>> -> memref<1x1x31xf32, #tpu.memory_space<hbm>>
      %dma_start3A_67 = tpu.memref_squeeze %dma_start3A_66 : memref<1x1x31xf32, #tpu.memory_space<hbm>> -> memref<1x31xf32, #tpu.memory_space<hbm>>
      %dma_start3A_68 = arith.constant 0 : i32
      %dma_start3A_69 = tpu.memref_slice %arg6[%add3A_62, %dma_start3A_68] : memref<256x31xf32, #tpu.memory_space<vmem>> -> memref<1x31xf32, #tpu.memory_space<vmem>>
      %dma_start3A_70 = arith.constant 0 : i32
      %dma_start3A_71 = tpu.memref_slice %arg3[%shift_right_logical3A_56, %and3A_58, %dma_start3A_70] : memref<125000x8x31xf32, #tpu.memory_space<hbm>> -> memref<1x1x31xf32, #tpu.memory_space<hbm>>
      %dma_start3A_72 = tpu.memref_squeeze %dma_start3A_71 : memref<1x1x31xf32, #tpu.memory_space<hbm>> -> memref<1x31xf32, #tpu.memory_space<hbm>>
      tpu.enqueue_dma source(%dma_start3A_72 : memref<1x31xf32, #tpu.memory_space<hbm>>) target(%dma_start3A_69 : memref<1x31xf32, #tpu.memory_space<vmem>>) target_semaphore(%arg10 : memref<!tpu.dma_semaphore, #tpu.memory_space<semaphore_mem>>)
      %slice3A_73 = vector.extract_strided_slice %get3A_37 {offsets = [2], sizes = [1], strides = [1]} : vector<16xi32> to vector<1xi32>
      %squeeze3A_74 = vector.extract %slice3A_73[0] : i32 from vector<1xi32>
      %shift_right_logical3A_75 = arith.constant 3 : i32
      %shift_right_logical3A_76 = arith.shrui %squeeze3A_74, %shift_right_logical3A_75 : i32
      %and3A_77 = arith.constant 7 : i32
      %and3A_78 = arith.andi %squeeze3A_74, %and3A_77 : i32
      %mul3A_79 = arith.constant 16 : i32
      %mul3A_80 = arith.muli %add3A_32, %mul3A_79 : i32
      %add3A_81 = arith.constant 2 : i32
      %add3A_82 = arith.addi %mul3A_80, %add3A_81 : i32
      %dma_start3A_83 = arith.constant 0 : i32
      %dma_start3A_84 = tpu.memref_slice %arg6[%add3A_82, %dma_start3A_83] : memref<256x31xf32, #tpu.memory_space<vmem>> -> memref<1x31xf32, #tpu.memory_space<vmem>>
      %dma_start3A_85 = arith.constant 0 : i32
      %dma_start3A_86 = tpu.memref_slice %arg3[%shift_right_logical3A_76, %and3A_78, %dma_start3A_85] : memref<125000x8x31xf32, #tpu.memory_space<hbm>> -> memref<1x1x31xf32, #tpu.memory_space<hbm>>
      %dma_start3A_87 = tpu.memref_squeeze %dma_start3A_86 : memref<1x1x31xf32, #tpu.memory_space<hbm>> -> memref<1x31xf32, #tpu.memory_space<hbm>>
      %dma_start3A_88 = arith.constant 0 : i32
      %dma_start3A_89 = tpu.memref_slice %arg6[%add3A_82, %dma_start3A_88] : memref<256x31xf32, #tpu.memory_space<vmem>> -> memref<1x31xf32, #tpu.memory_space<vmem>>
      %dma_start3A_90 = arith.constant 0 : i32
      %dma_start3A_91 = tpu.memref_slice %arg3[%shift_right_logical3A_76, %and3A_78, %dma_start3A_90] : memref<125000x8x31xf32, #tpu.memory_space<hbm>> -> memref<1x1x31xf32, #tpu.memory_space<hbm>>
      %dma_start3A_92 = tpu.memref_squeeze %dma_start3A_91 : memref<1x1x31xf32, #tpu.memory_space<hbm>> -> memref<1x31xf32, #tpu.memory_space<hbm>>
      tpu.enqueue_dma source(%dma_start3A_92 : memref<1x31xf32, #tpu.memory_space<hbm>>) target(%dma_start3A_89 : memref<1x31xf32, #tpu.memory_space<vmem>>) target_semaphore(%arg10 : memref<!tpu.dma_semaphore, #tpu.memory_space<semaphore_mem>>)
      %slice3A_93 = vector.extract_strided_slice %get3A_37 {offsets = [3], sizes = [1], strides = [1]} : vector<16xi32> to vector<1xi32>
      %squeeze3A_94 = vector.extract %slice3A_93[0] : i32 from vector<1xi32>
      %shift_right_logical3A_95 = arith.constant 3 : i32
      %shift_right_logical3A_96 = arith.shrui %squeeze3A_94, %shift_right_logical3A_95 : i32
      %and3A_97 = arith.constant 7 : i32
      %and3A_98 = arith.andi %squeeze3A_94, %and3A_97 : i32
      %mul3A_99 = arith.constant 16 : i32
      %mul3A_100 = arith.muli %add3A_32, %mul3A_99 : i32
      %add3A_101 = arith.constant 3 : i32
      %add3A_102 = arith.addi %mul3A_100, %add3A_101 : i32
      %dma_start3A_103 = arith.constant 0 : i32
      %dma_start3A_104 = tpu.memref_slice %arg6[%add3A_102, %dma_start3A_103] : memref<256x31xf32, #tpu.memory_space<vmem>> -> memref<1x31xf32, #tpu.memory_space<vmem>>
      %dma_start3A_105 = arith.constant 0 : i32
      %dma_start3A_106 = tpu.memref_slice %arg3[%shift_right_logical3A_96, %and3A_98, %dma_start3A_105] : memref<125000x8x31xf32, #tpu.memory_space<hbm>> -> memref<1x1x31xf32, #tpu.memory_space<hbm>>
      %dma_start3A_107 = tpu.memref_squeeze %dma_start3A_106 : memref<1x1x31xf32, #tpu.memory_space<hbm>> -> memref<1x31xf32, #tpu.memory_space<hbm>>
      %dma_start3A_108 = arith.constant 0 : i32
      %dma_start3A_109 = tpu.memref_slice %arg6[%add3A_102, %dma_start3A_108] : memref<256x31xf32, #tpu.memory_space<vmem>> -> memref<1x31xf32, #tpu.memory_space<vmem>>
      %dma_start3A_110 = arith.constant 0 : i32
      %dma_start3A_111 = tpu.memref_slice %arg3[%shift_right_logical3A_96, %and3A_98, %dma_start3A_110] : memref<125000x8x31xf32, #tpu.memory_space<hbm>> -> memref<1x1x31xf32, #tpu.memory_space<hbm>>
      %dma_start3A_112 = tpu.memref_squeeze %dma_start3A_111 : memref<1x1x31xf32, #tpu.memory_space<hbm>> -> memref<1x31xf32, #tpu.memory_space<hbm>>
      tpu.enqueue_dma source(%dma_start3A_112 : memref<1x31xf32, #tpu.memory_space<hbm>>) target(%dma_start3A_109 : memref<1x31xf32, #tpu.memory_space<vmem>>) target_semaphore(%arg10 : memref<!tpu.dma_semaphore, #tpu.memory_space<semaphore_mem>>)
      %slice3A_113 = vector.extract_strided_slice %get3A_37 {offsets = [4], sizes = [1], strides = [1]} : vector<16xi32> to vector<1xi32>
      %squeeze3A_114 = vector.extract %slice3A_113[0] : i32 from vector<1xi32>
      %shift_right_logical3A_115 = arith.constant 3 : i32
      %shift_right_logical3A_116 = arith.shrui %squeeze3A_114, %shift_right_logical3A_115 : i32
      %and3A_117 = arith.constant 7 : i32
      %and3A_118 = arith.andi %squeeze3A_114, %and3A_117 : i32
      %mul3A_119 = arith.constant 16 : i32
      %mul3A_120 = arith.muli %add3A_32, %mul3A_119 : i32
      %add3A_121 = arith.constant 4 : i32
      %add3A_122 = arith.addi %mul3A_120, %add3A_121 : i32
      %dma_start3A_123 = arith.constant 0 : i32
      %dma_start3A_124 = tpu.memref_slice %arg6[%add3A_122, %dma_start3A_123] : memref<256x31xf32, #tpu.memory_space<vmem>> -> memref<1x31xf32, #tpu.memory_space<vmem>>
      %dma_start3A_125 = arith.constant 0 : i32
      %dma_start3A_126 = tpu.memref_slice %arg3[%shift_right_logical3A_116, %and3A_118, %dma_start3A_125] : memref<125000x8x31xf32, #tpu.memory_space<hbm>> -> memref<1x1x31xf32, #tpu.memory_space<hbm>>
      %dma_start3A_127 = tpu.memref_squeeze %dma_start3A_126 : memref<1x1x31xf32, #tpu.memory_space<hbm>> -> memref<1x31xf32, #tpu.memory_space<hbm>>
      %dma_start3A_128 = arith.constant 0 : i32
      %dma_start3A_129 = tpu.memref_slice %arg6[%add3A_122, %dma_start3A_128] : memref<256x31xf32, #tpu.memory_space<vmem>> -> memref<1x31xf32, #tpu.memory_space<vmem>>
      %dma_start3A_130 = arith.constant 0 : i32
      %dma_start3A_131 = tpu.memref_slice %arg3[%shift_right_logical3A_116, %and3A_118, %dma_start3A_130] : memref<125000x8x31xf32, #tpu.memory_space<hbm>> -> memref<1x1x31xf32, #tpu.memory_space<hbm>>
      %dma_start3A_132 = tpu.memref_squeeze %dma_start3A_131 : memref<1x1x31xf32, #tpu.memory_space<hbm>> -> memref<1x31xf32, #tpu.memory_space<hbm>>
      tpu.enqueue_dma source(%dma_start3A_132 : memref<1x31xf32, #tpu.memory_space<hbm>>) target(%dma_start3A_129 : memref<1x31xf32, #tpu.memory_space<vmem>>) target_semaphore(%arg10 : memref<!tpu.dma_semaphore, #tpu.memory_space<semaphore_mem>>)
      %slice3A_133 = vector.extract_strided_slice %get3A_37 {offsets = [5], sizes = [1], strides = [1]} : vector<16xi32> to vector<1xi32>
      %squeeze3A_134 = vector.extract %slice3A_133[0] : i32 from vector<1xi32>
      %shift_right_logical3A_135 = arith.constant 3 : i32
      %shift_right_logical3A_136 = arith.shrui %squeeze3A_134, %shift_right_logical3A_135 : i32
      %and3A_137 = arith.constant 7 : i32
      %and3A_138 = arith.andi %squeeze3A_134, %and3A_137 : i32
      %mul3A_139 = arith.constant 16 : i32
      %mul3A_140 = arith.muli %add3A_32, %mul3A_139 : i32
      %add3A_141 = arith.constant 5 : i32
      %add3A_142 = arith.addi %mul3A_140, %add3A_141 : i32
      %dma_start3A_143 = arith.constant 0 : i32
      %dma_start3A_144 = tpu.memref_slice %arg6[%add3A_142, %dma_start3A_143] : memref<256x31xf32, #tpu.memory_space<vmem>> -> memref<1x31xf32, #tpu.memory_space<vmem>>
      %dma_start3A_145 = arith.constant 0 : i32
      %dma_start3A_146 = tpu.memref_slice %arg3[%shift_right_logical3A_136, %and3A_138, %dma_start3A_145] : memref<125000x8x31xf32, #tpu.memory_space<hbm>> -> memref<1x1x31xf32, #tpu.memory_space<hbm>>
      %dma_start3A_147 = tpu.memref_squeeze %dma_start3A_146 : memref<1x1x31xf32, #tpu.memory_space<hbm>> -> memref<1x31xf32, #tpu.memory_space<hbm>>
      %dma_start3A_148 = arith.constant 0 : i32
      %dma_start3A_149 = tpu.memref_slice %arg6[%add3A_142, %dma_start3A_148] : memref<256x31xf32, #tpu.memory_space<vmem>> -> memref<1x31xf32, #tpu.memory_space<vmem>>
      %dma_start3A_150 = arith.constant 0 : i32
      %dma_start3A_151 = tpu.memref_slice %arg3[%shift_right_logical3A_136, %and3A_138, %dma_start3A_150] : memref<125000x8x31xf32, #tpu.memory_space<hbm>> -> memref<1x1x31xf32, #tpu.memory_space<hbm>>
      %dma_start3A_152 = tpu.memref_squeeze %dma_start3A_151 : memref<1x1x31xf32, #tpu.memory_space<hbm>> -> memref<1x31xf32, #tpu.memory_space<hbm>>
      tpu.enqueue_dma source(%dma_start3A_152 : memref<1x31xf32, #tpu.memory_space<hbm>>) target(%dma_start3A_149 : memref<1x31xf32, #tpu.memory_space<vmem>>) target_semaphore(%arg10 : memref<!tpu.dma_semaphore, #tpu.memory_space<semaphore_mem>>)
      %slice3A_153 = vector.extract_strided_slice %get3A_37 {offsets = [6], sizes = [1], strides = [1]} : vector<16xi32> to vector<1xi32>
      %squeeze3A_154 = vector.extract %slice3A_153[0] : i32 from vector<1xi32>
      %shift_right_logical3A_155 = arith.constant 3 : i32
      %shift_right_logical3A_156 = arith.shrui %squeeze3A_154, %shift_right_logical3A_155 : i32
      %and3A_157 = arith.constant 7 : i32
      %and3A_158 = arith.andi %squeeze3A_154, %and3A_157 : i32
      %mul3A_159 = arith.constant 16 : i32
      %mul3A_160 = arith.muli %add3A_32, %mul3A_159 : i32
      %add3A_161 = arith.constant 6 : i32
      %add3A_162 = arith.addi %mul3A_160, %add3A_161 : i32
      %dma_start3A_163 = arith.constant 0 : i32
      %dma_start3A_164 = tpu.memref_slice %arg6[%add3A_162, %dma_start3A_163] : memref<256x31xf32, #tpu.memory_space<vmem>> -> memref<1x31xf32, #tpu.memory_space<vmem>>
      %dma_start3A_165 = arith.constant 0 : i32
      %dma_start3A_166 = tpu.memref_slice %arg3[%shift_right_logical3A_156, %and3A_158, %dma_start3A_165] : memref<125000x8x31xf32, #tpu.memory_space<hbm>> -> memref<1x1x31xf32, #tpu.memory_space<hbm>>
      %dma_start3A_167 = tpu.memref_squeeze %dma_start3A_166 : memref<1x1x31xf32, #tpu.memory_space<hbm>> -> memref<1x31xf32, #tpu.memory_space<hbm>>
      %dma_start3A_168 = arith.constant 0 : i32
      %dma_start3A_169 = tpu.memref_slice %arg6[%add3A_162, %dma_start3A_168] : memref<256x31xf32, #tpu.memory_space<vmem>> -> memref<1x31xf32, #tpu.memory_space<vmem>>
      %dma_start3A_170 = arith.constant 0 : i32
      %dma_start3A_171 = tpu.memref_slice %arg3[%shift_right_logical3A_156, %and3A_158, %dma_start3A_170] : memref<125000x8x31xf32, #tpu.memory_space<hbm>> -> memref<1x1x31xf32, #tpu.memory_space<hbm>>
      %dma_start3A_172 = tpu.memref_squeeze %dma_start3A_171 : memref<1x1x31xf32, #tpu.memory_space<hbm>> -> memref<1x31xf32, #tpu.memory_space<hbm>>
      tpu.enqueue_dma source(%dma_start3A_172 : memref<1x31xf32, #tpu.memory_space<hbm>>) target(%dma_start3A_169 : memref<1x31xf32, #tpu.memory_space<vmem>>) target_semaphore(%arg10 : memref<!tpu.dma_semaphore, #tpu.memory_space<semaphore_mem>>)
      %slice3A_173 = vector.extract_strided_slice %get3A_37 {offsets = [7], sizes = [1], strides = [1]} : vector<16xi32> to vector<1xi32>
      %squeeze3A_174 = vector.extract %slice3A_173[0] : i32 from vector<1xi32>
      %shift_right_logical3A_175 = arith.constant 3 : i32
      %shift_right_logical3A_176 = arith.shrui %squeeze3A_174, %shift_right_logical3A_175 : i32
      %and3A_177 = arith.constant 7 : i32
      %and3A_178 = arith.andi %squeeze3A_174, %and3A_177 : i32
      %mul3A_179 = arith.constant 16 : i32
      %mul3A_180 = arith.muli %add3A_32, %mul3A_179 : i32
      %add3A_181 = arith.constant 7 : i32
      %add3A_182 = arith.addi %mul3A_180, %add3A_181 : i32
      %dma_start3A_183 = arith.constant 0 : i32
      %dma_start3A_184 = tpu.memref_slice %arg6[%add3A_182, %dma_start3A_183] : memref<256x31xf32, #tpu.memory_space<vmem>> -> memref<1x31xf32, #tpu.memory_space<vmem>>
      %dma_start3A_185 = arith.constant 0 : i32
      %dma_start3A_186 = tpu.memref_slice %arg3[%shift_right_logical3A_176, %and3A_178, %dma_start3A_185] : memref<125000x8x31xf32, #tpu.memory_space<hbm>> -> memref<1x1x31xf32, #tpu.memory_space<hbm>>
      %dma_start3A_187 = tpu.memref_squeeze %dma_start3A_186 : memref<1x1x31xf32, #tpu.memory_space<hbm>> -> memref<1x31xf32, #tpu.memory_space<hbm>>
      %dma_start3A_188 = arith.constant 0 : i32
      %dma_start3A_189 = tpu.memref_slice %arg6[%add3A_182, %dma_start3A_188] : memref<256x31xf32, #tpu.memory_space<vmem>> -> memref<1x31xf32, #tpu.memory_space<vmem>>
      %dma_start3A_190 = arith.constant 0 : i32
      %dma_start3A_191 = tpu.memref_slice %arg3[%shift_right_logical3A_176, %and3A_178, %dma_start3A_190] : memref<125000x8x31xf32, #tpu.memory_space<hbm>> -> memref<1x1x31xf32, #tpu.memory_space<hbm>>
      %dma_start3A_192 = tpu.memref_squeeze %dma_start3A_191 : memref<1x1x31xf32, #tpu.memory_space<hbm>> -> memref<1x31xf32, #tpu.memory_space<hbm>>
      tpu.enqueue_dma source(%dma_start3A_192 : memref<1x31xf32, #tpu.memory_space<hbm>>) target(%dma_start3A_189 : memref<1x31xf32, #tpu.memory_space<vmem>>) target_semaphore(%arg10 : memref<!tpu.dma_semaphore, #tpu.memory_space<semaphore_mem>>)
      %slice3A_193 = vector.extract_strided_slice %get3A_37 {offsets = [8], sizes = [1], strides = [1]} : vector<16xi32> to vector<1xi32>
      %squeeze3A_194 = vector.extract %slice3A_193[0] : i32 from vector<1xi32>
      %shift_right_logical3A_195 = arith.constant 3 : i32
      %shift_right_logical3A_196 = arith.shrui %squeeze3A_194, %shift_right_logical3A_195 : i32
      %and3A_197 = arith.constant 7 : i32
      %and3A_198 = arith.andi %squeeze3A_194, %and3A_197 : i32
      %mul3A_199 = arith.constant 16 : i32
      %mul3A_200 = arith.muli %add3A_32, %mul3A_199 : i32
      %add3A_201 = arith.constant 8 : i32
      %add3A_202 = arith.addi %mul3A_200, %add3A_201 : i32
      %dma_start3A_203 = arith.constant 0 : i32
      %dma_start3A_204 = tpu.memref_slice %arg6[%add3A_202, %dma_start3A_203] : memref<256x31xf32, #tpu.memory_space<vmem>> -> memref<1x31xf32, #tpu.memory_space<vmem>>
      %dma_start3A_205 = arith.constant 0 : i32
      %dma_start3A_206 = tpu.memref_slice %arg3[%shift_right_logical3A_196, %and3A_198, %dma_start3A_205] : memref<125000x8x31xf32, #tpu.memory_space<hbm>> -> memref<1x1x31xf32, #tpu.memory_space<hbm>>
      %dma_start3A_207 = tpu.memref_squeeze %dma_start3A_206 : memref<1x1x31xf32, #tpu.memory_space<hbm>> -> memref<1x31xf32, #tpu.memory_space<hbm>>
      %dma_start3A_208 = arith.constant 0 : i32
      %dma_start3A_209 = tpu.memref_slice %arg6[%add3A_202, %dma_start3A_208] : memref<256x31xf32, #tpu.memory_space<vmem>> -> memref<1x31xf32, #tpu.memory_space<vmem>>
      %dma_start3A_210 = arith.constant 0 : i32
      %dma_start3A_211 = tpu.memref_slice %arg3[%shift_right_logical3A_196, %and3A_198, %dma_start3A_210] : memref<125000x8x31xf32, #tpu.memory_space<hbm>> -> memref<1x1x31xf32, #tpu.memory_space<hbm>>
      %dma_start3A_212 = tpu.memref_squeeze %dma_start3A_211 : memref<1x1x31xf32, #tpu.memory_space<hbm>> -> memref<1x31xf32, #tpu.memory_space<hbm>>
      tpu.enqueue_dma source(%dma_start3A_212 : memref<1x31xf32, #tpu.memory_space<hbm>>) target(%dma_start3A_209 : memref<1x31xf32, #tpu.memory_space<vmem>>) target_semaphore(%arg10 : memref<!tpu.dma_semaphore, #tpu.memory_space<semaphore_mem>>)
      %slice3A_213 = vector.extract_strided_slice %get3A_37 {offsets = [9], sizes = [1], strides = [1]} : vector<16xi32> to vector<1xi32>
      %squeeze3A_214 = vector.extract %slice3A_213[0] : i32 from vector<1xi32>
      %shift_right_logical3A_215 = arith.constant 3 : i32
      %shift_right_logical3A_216 = arith.shrui %squeeze3A_214, %shift_right_logical3A_215 : i32
      %and3A_217 = arith.constant 7 : i32
      %and3A_218 = arith.andi %squeeze3A_214, %and3A_217 : i32
      %mul3A_219 = arith.constant 16 : i32
      %mul3A_220 = arith.muli %add3A_32, %mul3A_219 : i32
      %add3A_221 = arith.constant 9 : i32
      %add3A_222 = arith.addi %mul3A_220, %add3A_221 : i32
      %dma_start3A_223 = arith.constant 0 : i32
      %dma_start3A_224 = tpu.memref_slice %arg6[%add3A_222, %dma_start3A_223] : memref<256x31xf32, #tpu.memory_space<vmem>> -> memref<1x31xf32, #tpu.memory_space<vmem>>
      %dma_start3A_225 = arith.constant 0 : i32
      %dma_start3A_226 = tpu.memref_slice %arg3[%shift_right_logical3A_216, %and3A_218, %dma_start3A_225] : memref<125000x8x31xf32, #tpu.memory_space<hbm>> -> memref<1x1x31xf32, #tpu.memory_space<hbm>>
      %dma_start3A_227 = tpu.memref_squeeze %dma_start3A_226 : memref<1x1x31xf32, #tpu.memory_space<hbm>> -> memref<1x31xf32, #tpu.memory_space<hbm>>
      %dma_start3A_228 = arith.constant 0 : i32
      %dma_start3A_229 = tpu.memref_slice %arg6[%add3A_222, %dma_start3A_228] : memref<256x31xf32, #tpu.memory_space<vmem>> -> memref<1x31xf32, #tpu.memory_space<vmem>>
      %dma_start3A_230 = arith.constant 0 : i32
      %dma_start3A_231 = tpu.memref_slice %arg3[%shift_right_logical3A_216, %and3A_218, %dma_start3A_230] : memref<125000x8x31xf32, #tpu.memory_space<hbm>> -> memref<1x1x31xf32, #tpu.memory_space<hbm>>
      %dma_start3A_232 = tpu.memref_squeeze %dma_start3A_231 : memref<1x1x31xf32, #tpu.memory_space<hbm>> -> memref<1x31xf32, #tpu.memory_space<hbm>>
      tpu.enqueue_dma source(%dma_start3A_232 : memref<1x31xf32, #tpu.memory_space<hbm>>) target(%dma_start3A_229 : memref<1x31xf32, #tpu.memory_space<vmem>>) target_semaphore(%arg10 : memref<!tpu.dma_semaphore, #tpu.memory_space<semaphore_mem>>)
      %slice3A_233 = vector.extract_strided_slice %get3A_37 {offsets = [10], sizes = [1], strides = [1]} : vector<16xi32> to vector<1xi32>
      %squeeze3A_234 = vector.extract %slice3A_233[0] : i32 from vector<1xi32>
      %shift_right_logical3A_235 = arith.constant 3 : i32
      %shift_right_logical3A_236 = arith.shrui %squeeze3A_234, %shift_right_logical3A_235 : i32
      %and3A_237 = arith.constant 7 : i32
      %and3A_238 = arith.andi %squeeze3A_234, %and3A_237 : i32
      %mul3A_239 = arith.constant 16 : i32
      %mul3A_240 = arith.muli %add3A_32, %mul3A_239 : i32
      %add3A_241 = arith.constant 10 : i32
      %add3A_242 = arith.addi %mul3A_240, %add3A_241 : i32
      %dma_start3A_243 = arith.constant 0 : i32
      %dma_start3A_244 = tpu.memref_slice %arg6[%add3A_242, %dma_start3A_243] : memref<256x31xf32, #tpu.memory_space<vmem>> -> memref<1x31xf32, #tpu.memory_space<vmem>>
      %dma_start3A_245 = arith.constant 0 : i32
      %dma_start3A_246 = tpu.memref_slice %arg3[%shift_right_logical3A_236, %and3A_238, %dma_start3A_245] : memref<125000x8x31xf32, #tpu.memory_space<hbm>> -> memref<1x1x31xf32, #tpu.memory_space<hbm>>
      %dma_start3A_247 = tpu.memref_squeeze %dma_start3A_246 : memref<1x1x31xf32, #tpu.memory_space<hbm>> -> memref<1x31xf32, #tpu.memory_space<hbm>>
      %dma_start3A_248 = arith.constant 0 : i32
      %dma_start3A_249 = tpu.memref_slice %arg6[%add3A_242, %dma_start3A_248] : memref<256x31xf32, #tpu.memory_space<vmem>> -> memref<1x31xf32, #tpu.memory_space<vmem>>
      %dma_start3A_250 = arith.constant 0 : i32
      %dma_start3A_251 = tpu.memref_slice %arg3[%shift_right_logical3A_236, %and3A_238, %dma_start3A_250] : memref<125000x8x31xf32, #tpu.memory_space<hbm>> -> memref<1x1x31xf32, #tpu.memory_space<hbm>>
      %dma_start3A_252 = tpu.memref_squeeze %dma_start3A_251 : memref<1x1x31xf32, #tpu.memory_space<hbm>> -> memref<1x31xf32, #tpu.memory_space<hbm>>
      tpu.enqueue_dma source(%dma_start3A_252 : memref<1x31xf32, #tpu.memory_space<hbm>>) target(%dma_start3A_249 : memref<1x31xf32, #tpu.memory_space<vmem>>) target_semaphore(%arg10 : memref<!tpu.dma_semaphore, #tpu.memory_space<semaphore_mem>>)
      %slice3A_253 = vector.extract_strided_slice %get3A_37 {offsets = [11], sizes = [1], strides = [1]} : vector<16xi32> to vector<1xi32>
      %squeeze3A_254 = vector.extract %slice3A_253[0] : i32 from vector<1xi32>
      %shift_right_logical3A_255 = arith.constant 3 : i32
      %shift_right_logical3A_256 = arith.shrui %squeeze3A_254, %shift_right_logical3A_255 : i32
      %and3A_257 = arith.constant 7 : i32
      %and3A_258 = arith.andi %squeeze3A_254, %and3A_257 : i32
      %mul3A_259 = arith.constant 16 : i32
      %mul3A_260 = arith.muli %add3A_32, %mul3A_259 : i32
      %add3A_261 = arith.constant 11 : i32
      %add3A_262 = arith.addi %mul3A_260, %add3A_261 : i32
      %dma_start3A_263 = arith.constant 0 : i32
      %dma_start3A_264 = tpu.memref_slice %arg6[%add3A_262, %dma_start3A_263] : memref<256x31xf32, #tpu.memory_space<vmem>> -> memref<1x31xf32, #tpu.memory_space<vmem>>
      %dma_start3A_265 = arith.constant 0 : i32
      %dma_start3A_266 = tpu.memref_slice %arg3[%shift_right_logical3A_256, %and3A_258, %dma_start3A_265] : memref<125000x8x31xf32, #tpu.memory_space<hbm>> -> memref<1x1x31xf32, #tpu.memory_space<hbm>>
      %dma_start3A_267 = tpu.memref_squeeze %dma_start3A_266 : memref<1x1x31xf32, #tpu.memory_space<hbm>> -> memref<1x31xf32, #tpu.memory_space<hbm>>
      %dma_start3A_268 = arith.constant 0 : i32
      %dma_start3A_269 = tpu.memref_slice %arg6[%add3A_262, %dma_start3A_268] : memref<256x31xf32, #tpu.memory_space<vmem>> -> memref<1x31xf32, #tpu.memory_space<vmem>>
      %dma_start3A_270 = arith.constant 0 : i32
      %dma_start3A_271 = tpu.memref_slice %arg3[%shift_right_logical3A_256, %and3A_258, %dma_start3A_270] : memref<125000x8x31xf32, #tpu.memory_space<hbm>> -> memref<1x1x31xf32, #tpu.memory_space<hbm>>
      %dma_start3A_272 = tpu.memref_squeeze %dma_start3A_271 : memref<1x1x31xf32, #tpu.memory_space<hbm>> -> memref<1x31xf32, #tpu.memory_space<hbm>>
      tpu.enqueue_dma source(%dma_start3A_272 : memref<1x31xf32, #tpu.memory_space<hbm>>) target(%dma_start3A_269 : memref<1x31xf32, #tpu.memory_space<vmem>>) target_semaphore(%arg10 : memref<!tpu.dma_semaphore, #tpu.memory_space<semaphore_mem>>)
      %slice3A_273 = vector.extract_strided_slice %get3A_37 {offsets = [12], sizes = [1], strides = [1]} : vector<16xi32> to vector<1xi32>
      %squeeze3A_274 = vector.extract %slice3A_273[0] : i32 from vector<1xi32>
      %shift_right_logical3A_275 = arith.constant 3 : i32
      %shift_right_logical3A_276 = arith.shrui %squeeze3A_274, %shift_right_logical3A_275 : i32
      %and3A_277 = arith.constant 7 : i32
      %and3A_278 = arith.andi %squeeze3A_274, %and3A_277 : i32
      %mul3A_279 = arith.constant 16 : i32
      %mul3A_280 = arith.muli %add3A_32, %mul3A_279 : i32
      %add3A_281 = arith.constant 12 : i32
      %add3A_282 = arith.addi %mul3A_280, %add3A_281 : i32
      %dma_start3A_283 = arith.constant 0 : i32
      %dma_start3A_284 = tpu.memref_slice %arg6[%add3A_282, %dma_start3A_283] : memref<256x31xf32, #tpu.memory_space<vmem>> -> memref<1x31xf32, #tpu.memory_space<vmem>>
      %dma_start3A_285 = arith.constant 0 : i32
      %dma_start3A_286 = tpu.memref_slice %arg3[%shift_right_logical3A_276, %and3A_278, %dma_start3A_285] : memref<125000x8x31xf32, #tpu.memory_space<hbm>> -> memref<1x1x31xf32, #tpu.memory_space<hbm>>
      %dma_start3A_287 = tpu.memref_squeeze %dma_start3A_286 : memref<1x1x31xf32, #tpu.memory_space<hbm>> -> memref<1x31xf32, #tpu.memory_space<hbm>>
      %dma_start3A_288 = arith.constant 0 : i32
      %dma_start3A_289 = tpu.memref_slice %arg6[%add3A_282, %dma_start3A_288] : memref<256x31xf32, #tpu.memory_space<vmem>> -> memref<1x31xf32, #tpu.memory_space<vmem>>
      %dma_start3A_290 = arith.constant 0 : i32
      %dma_start3A_291 = tpu.memref_slice %arg3[%shift_right_logical3A_276, %and3A_278, %dma_start3A_290] : memref<125000x8x31xf32, #tpu.memory_space<hbm>> -> memref<1x1x31xf32, #tpu.memory_space<hbm>>
      %dma_start3A_292 = tpu.memref_squeeze %dma_start3A_291 : memref<1x1x31xf32, #tpu.memory_space<hbm>> -> memref<1x31xf32, #tpu.memory_space<hbm>>
      tpu.enqueue_dma source(%dma_start3A_292 : memref<1x31xf32, #tpu.memory_space<hbm>>) target(%dma_start3A_289 : memref<1x31xf32, #tpu.memory_space<vmem>>) target_semaphore(%arg10 : memref<!tpu.dma_semaphore, #tpu.memory_space<semaphore_mem>>)
      %slice3A_293 = vector.extract_strided_slice %get3A_37 {offsets = [13], sizes = [1], strides = [1]} : vector<16xi32> to vector<1xi32>
      %squeeze3A_294 = vector.extract %slice3A_293[0] : i32 from vector<1xi32>
      %shift_right_logical3A_295 = arith.constant 3 : i32
      %shift_right_logical3A_296 = arith.shrui %squeeze3A_294, %shift_right_logical3A_295 : i32
      %and3A_297 = arith.constant 7 : i32
      %and3A_298 = arith.andi %squeeze3A_294, %and3A_297 : i32
      %mul3A_299 = arith.constant 16 : i32
      %mul3A_300 = arith.muli %add3A_32, %mul3A_299 : i32
      %add3A_301 = arith.constant 13 : i32
      %add3A_302 = arith.addi %mul3A_300, %add3A_301 : i32
      %dma_start3A_303 = arith.constant 0 : i32
      %dma_start3A_304 = tpu.memref_slice %arg6[%add3A_302, %dma_start3A_303] : memref<256x31xf32, #tpu.memory_space<vmem>> -> memref<1x31xf32, #tpu.memory_space<vmem>>
      %dma_start3A_305 = arith.constant 0 : i32
      %dma_start3A_306 = tpu.memref_slice %arg3[%shift_right_logical3A_296, %and3A_298, %dma_start3A_305] : memref<125000x8x31xf32, #tpu.memory_space<hbm>> -> memref<1x1x31xf32, #tpu.memory_space<hbm>>
      %dma_start3A_307 = tpu.memref_squeeze %dma_start3A_306 : memref<1x1x31xf32, #tpu.memory_space<hbm>> -> memref<1x31xf32, #tpu.memory_space<hbm>>
      %dma_start3A_308 = arith.constant 0 : i32
      %dma_start3A_309 = tpu.memref_slice %arg6[%add3A_302, %dma_start3A_308] : memref<256x31xf32, #tpu.memory_space<vmem>> -> memref<1x31xf32, #tpu.memory_space<vmem>>
      %dma_start3A_310 = arith.constant 0 : i32
      %dma_start3A_311 = tpu.memref_slice %arg3[%shift_right_logical3A_296, %and3A_298, %dma_start3A_310] : memref<125000x8x31xf32, #tpu.memory_space<hbm>> -> memref<1x1x31xf32, #tpu.memory_space<hbm>>
      %dma_start3A_312 = tpu.memref_squeeze %dma_start3A_311 : memref<1x1x31xf32, #tpu.memory_space<hbm>> -> memref<1x31xf32, #tpu.memory_space<hbm>>
      tpu.enqueue_dma source(%dma_start3A_312 : memref<1x31xf32, #tpu.memory_space<hbm>>) target(%dma_start3A_309 : memref<1x31xf32, #tpu.memory_space<vmem>>) target_semaphore(%arg10 : memref<!tpu.dma_semaphore, #tpu.memory_space<semaphore_mem>>)
      %slice3A_313 = vector.extract_strided_slice %get3A_37 {offsets = [14], sizes = [1], strides = [1]} : vector<16xi32> to vector<1xi32>
      %squeeze3A_314 = vector.extract %slice3A_313[0] : i32 from vector<1xi32>
      %shift_right_logical3A_315 = arith.constant 3 : i32
      %shift_right_logical3A_316 = arith.shrui %squeeze3A_314, %shift_right_logical3A_315 : i32
      %and3A_317 = arith.constant 7 : i32
      %and3A_318 = arith.andi %squeeze3A_314, %and3A_317 : i32
      %mul3A_319 = arith.constant 16 : i32
      %mul3A_320 = arith.muli %add3A_32, %mul3A_319 : i32
      %add3A_321 = arith.constant 14 : i32
      %add3A_322 = arith.addi %mul3A_320, %add3A_321 : i32
      %dma_start3A_323 = arith.constant 0 : i32
      %dma_start3A_324 = tpu.memref_slice %arg6[%add3A_322, %dma_start3A_323] : memref<256x31xf32, #tpu.memory_space<vmem>> -> memref<1x31xf32, #tpu.memory_space<vmem>>
      %dma_start3A_325 = arith.constant 0 : i32
      %dma_start3A_326 = tpu.memref_slice %arg3[%shift_right_logical3A_316, %and3A_318, %dma_start3A_325] : memref<125000x8x31xf32, #tpu.memory_space<hbm>> -> memref<1x1x31xf32, #tpu.memory_space<hbm>>
      %dma_start3A_327 = tpu.memref_squeeze %dma_start3A_326 : memref<1x1x31xf32, #tpu.memory_space<hbm>> -> memref<1x31xf32, #tpu.memory_space<hbm>>
      %dma_start3A_328 = arith.constant 0 : i32
      %dma_start3A_329 = tpu.memref_slice %arg6[%add3A_322, %dma_start3A_328] : memref<256x31xf32, #tpu.memory_space<vmem>> -> memref<1x31xf32, #tpu.memory_space<vmem>>
      %dma_start3A_330 = arith.constant 0 : i32
      %dma_start3A_331 = tpu.memref_slice %arg3[%shift_right_logical3A_316, %and3A_318, %dma_start3A_330] : memref<125000x8x31xf32, #tpu.memory_space<hbm>> -> memref<1x1x31xf32, #tpu.memory_space<hbm>>
      %dma_start3A_332 = tpu.memref_squeeze %dma_start3A_331 : memref<1x1x31xf32, #tpu.memory_space<hbm>> -> memref<1x31xf32, #tpu.memory_space<hbm>>
      tpu.enqueue_dma source(%dma_start3A_332 : memref<1x31xf32, #tpu.memory_space<hbm>>) target(%dma_start3A_329 : memref<1x31xf32, #tpu.memory_space<vmem>>) target_semaphore(%arg10 : memref<!tpu.dma_semaphore, #tpu.memory_space<semaphore_mem>>)
      %slice3A_333 = vector.extract_strided_slice %get3A_37 {offsets = [15], sizes = [1], strides = [1]} : vector<16xi32> to vector<1xi32>
      %squeeze3A_334 = vector.extract %slice3A_333[0] : i32 from vector<1xi32>
      %shift_right_logical3A_335 = arith.constant 3 : i32
      %shift_right_logical3A_336 = arith.shrui %squeeze3A_334, %shift_right_logical3A_335 : i32
      %and3A_337 = arith.constant 7 : i32
      %and3A_338 = arith.andi %squeeze3A_334, %and3A_337 : i32
      %mul3A_339 = arith.constant 16 : i32
      %mul3A_340 = arith.muli %add3A_32, %mul3A_339 : i32
      %add3A_341 = arith.constant 15 : i32
      %add3A_342 = arith.addi %mul3A_340, %add3A_341 : i32
      %dma_start3A_343 = arith.constant 0 : i32
      %dma_start3A_344 = tpu.memref_slice %arg6[%add3A_342, %dma_start3A_343] : memref<256x31xf32, #tpu.memory_space<vmem>> -> memref<1x31xf32, #tpu.memory_space<vmem>>
      %dma_start3A_345 = arith.constant 0 : i32
      %dma_start3A_346 = tpu.memref_slice %arg3[%shift_right_logical3A_336, %and3A_338, %dma_start3A_345] : memref<125000x8x31xf32, #tpu.memory_space<hbm>> -> memref<1x1x31xf32, #tpu.memory_space<hbm>>
      %dma_start3A_347 = tpu.memref_squeeze %dma_start3A_346 : memref<1x1x31xf32, #tpu.memory_space<hbm>> -> memref<1x31xf32, #tpu.memory_space<hbm>>
      %dma_start3A_348 = arith.constant 0 : i32
      %dma_start3A_349 = tpu.memref_slice %arg6[%add3A_342, %dma_start3A_348] : memref<256x31xf32, #tpu.memory_space<vmem>> -> memref<1x31xf32, #tpu.memory_space<vmem>>
      %dma_start3A_350 = arith.constant 0 : i32
      %dma_start3A_351 = tpu.memref_slice %arg3[%shift_right_logical3A_336, %and3A_338, %dma_start3A_350] : memref<125000x8x31xf32, #tpu.memory_space<hbm>> -> memref<1x1x31xf32, #tpu.memory_space<hbm>>
      %dma_start3A_352 = tpu.memref_squeeze %dma_start3A_351 : memref<1x1x31xf32, #tpu.memory_space<hbm>> -> memref<1x31xf32, #tpu.memory_space<hbm>>
      tpu.enqueue_dma source(%dma_start3A_352 : memref<1x31xf32, #tpu.memory_space<hbm>>) target(%dma_start3A_349 : memref<1x31xf32, #tpu.memory_space<vmem>>) target_semaphore(%arg10 : memref<!tpu.dma_semaphore, #tpu.memory_space<semaphore_mem>>)
    }
    %scan3A_6 = arith.constant 16 : i32
    %scan3A_7 = arith.constant 0 : i32
    %scan3A_8 = arith.constant 16 : i32
    %scan3A_9 = arith.addi %scan3A_7, %scan3A_8 : i32
    %scan3A_10 = arith.constant 1 : i32
    scf.for %scan3A_28 = %scan3A_7 to %scan3A_9 step %scan3A_10  : i32 {
      %mul3A_29 = arith.constant 1 : i32
      %mul3A_30 = arith.muli %scan3A_28, %mul3A_29 : i32
      %add3A_31 = arith.constant 0 : i32
      %add3A_32 = arith.addi %add3A_31, %mul3A_30 : i32
      %mul3A_33 = arith.constant 16 : i32
      %mul3A_34 = arith.muli %add3A_32, %mul3A_33 : i32
      %add3A_35 = arith.constant 256 : i32
      %add3A_36 = arith.addi %add3A_35, %mul3A_34 : i32
      %get3A = arith.index_cast %add3A_36 : i32 to index
      %get3A_37 = tpu.vector_load %arg5[%get3A] {strides = array<i32>} : memref<25600xi32, #tpu.memory_space<vmem>>, vector<16xi32>,
      %slice3A = vector.extract_strided_slice %get3A_37 {offsets = [0], sizes = [1], strides = [1]} : vector<16xi32> to vector<1xi32>
      %squeeze3A = vector.extract %slice3A[0] : i32 from vector<1xi32>
      %shift_right_logical3A = arith.constant 3 : i32
      %shift_right_logical3A_38 = arith.shrui %squeeze3A, %shift_right_logical3A : i32
      %and3A = arith.constant 7 : i32
      %and3A_39 = arith.andi %squeeze3A, %and3A : i32
      %mul3A_40 = arith.constant 16 : i32
      %mul3A_41 = arith.muli %add3A_32, %mul3A_40 : i32
      %add3A_42 = arith.constant 0 : i32
      %add3A_43 = arith.addi %mul3A_41, %add3A_42 : i32
      %dma_start3A = arith.constant 0 : i32
      %dma_start3A_44 = tpu.memref_slice %arg7[%add3A_43, %dma_start3A] : memref<256x31xf32, #tpu.memory_space<vmem>> -> memref<1x31xf32, #tpu.memory_space<vmem>>
      %dma_start3A_45 = arith.constant 0 : i32
      %dma_start3A_46 = tpu.memref_slice %arg3[%shift_right_logical3A_38, %and3A_39, %dma_start3A_45] : memref<125000x8x31xf32, #tpu.memory_space<hbm>> -> memref<1x1x31xf32, #tpu.memory_space<hbm>>
      %dma_start3A_47 = tpu.memref_squeeze %dma_start3A_46 : memref<1x1x31xf32, #tpu.memory_space<hbm>> -> memref<1x31xf32, #tpu.memory_space<hbm>>
      %dma_start3A_48 = arith.constant 0 : i32
      %dma_start3A_49 = tpu.memref_slice %arg7[%add3A_43, %dma_start3A_48] : memref<256x31xf32, #tpu.memory_space<vmem>> -> memref<1x31xf32, #tpu.memory_space<vmem>>
      %dma_start3A_50 = arith.constant 0 : i32
      %dma_start3A_51 = tpu.memref_slice %arg3[%shift_right_logical3A_38, %and3A_39, %dma_start3A_50] : memref<125000x8x31xf32, #tpu.memory_space<hbm>> -> memref<1x1x31xf32, #tpu.memory_space<hbm>>
      %dma_start3A_52 = tpu.memref_squeeze %dma_start3A_51 : memref<1x1x31xf32, #tpu.memory_space<hbm>> -> memref<1x31xf32, #tpu.memory_space<hbm>>
      tpu.enqueue_dma source(%dma_start3A_52 : memref<1x31xf32, #tpu.memory_space<hbm>>) target(%dma_start3A_49 : memref<1x31xf32, #tpu.memory_space<vmem>>) target_semaphore(%arg11 : memref<!tpu.dma_semaphore, #tpu.memory_space<semaphore_mem>>)
      %slice3A_53 = vector.extract_strided_slice %get3A_37 {offsets = [1], sizes = [1], strides = [1]} : vector<16xi32> to vector<1xi32>
      %squeeze3A_54 = vector.extract %slice3A_53[0] : i32 from vector<1xi32>
      %shift_right_logical3A_55 = arith.constant 3 : i32
      %shift_right_logical3A_56 = arith.shrui %squeeze3A_54, %shift_right_logical3A_55 : i32
      %and3A_57 = arith.constant 7 : i32
      %and3A_58 = arith.andi %squeeze3A_54, %and3A_57 : i32
      %mul3A_59 = arith.constant 16 : i32
      %mul3A_60 = arith.muli %add3A_32, %mul3A_59 : i32
      %add3A_61 = arith.constant 1 : i32
      %add3A_62 = arith.addi %mul3A_60, %add3A_61 : i32
      %dma_start3A_63 = arith.constant 0 : i32
      %dma_start3A_64 = tpu.memref_slice %arg7[%add3A_62, %dma_start3A_63] : memref<256x31xf32, #tpu.memory_space<vmem>> -> memref<1x31xf32, #tpu.memory_space<vmem>>
      %dma_start3A_65 = arith.constant 0 : i32
      %dma_start3A_66 = tpu.memref_slice %arg3[%shift_right_logical3A_56, %and3A_58, %dma_start3A_65] : memref<125000x8x31xf32, #tpu.memory_space<hbm>> -> memref<1x1x31xf32, #tpu.memory_space<hbm>>
      %dma_start3A_67 = tpu.memref_squeeze %dma_start3A_66 : memref<1x1x31xf32, #tpu.memory_space<hbm>> -> memref<1x31xf32, #tpu.memory_space<hbm>>
      %dma_start3A_68 = arith.constant 0 : i32
      %dma_start3A_69 = tpu.memref_slice %arg7[%add3A_62, %dma_start3A_68] : memref<256x31xf32, #tpu.memory_space<vmem>> -> memref<1x31xf32, #tpu.memory_space<vmem>>
      %dma_start3A_70 = arith.constant 0 : i32
      %dma_start3A_71 = tpu.memref_slice %arg3[%shift_right_logical3A_56, %and3A_58, %dma_start3A_70] : memref<125000x8x31xf32, #tpu.memory_space<hbm>> -> memref<1x1x31xf32, #tpu.memory_space<hbm>>
      %dma_start3A_72 = tpu.memref_squeeze %dma_start3A_71 : memref<1x1x31xf32, #tpu.memory_space<hbm>> -> memref<1x31xf32, #tpu.memory_space<hbm>>
      tpu.enqueue_dma source(%dma_start3A_72 : memref<1x31xf32, #tpu.memory_space<hbm>>) target(%dma_start3A_69 : memref<1x31xf32, #tpu.memory_space<vmem>>) target_semaphore(%arg11 : memref<!tpu.dma_semaphore, #tpu.memory_space<semaphore_mem>>)
      %slice3A_73 = vector.extract_strided_slice %get3A_37 {offsets = [2], sizes = [1], strides = [1]} : vector<16xi32> to vector<1xi32>
      %squeeze3A_74 = vector.extract %slice3A_73[0] : i32 from vector<1xi32>
      %shift_right_logical3A_75 = arith.constant 3 : i32
      %shift_right_logical3A_76 = arith.shrui %squeeze3A_74, %shift_right_logical3A_75 : i32
      %and3A_77 = arith.constant 7 : i32
      %and3A_78 = arith.andi %squeeze3A_74, %and3A_77 : i32
      %mul3A_79 = arith.constant 16 : i32
      %mul3A_80 = arith.muli %add3A_32, %mul3A_79 : i32
      %add3A_81 = arith.constant 2 : i32
      %add3A_82 = arith.addi %mul3A_80, %add3A_81 : i32
      %dma_start3A_83 = arith.constant 0 : i32
      %dma_start3A_84 = tpu.memref_slice %arg7[%add3A_82, %dma_start3A_83] : memref<256x31xf32, #tpu.memory_space<vmem>> -> memref<1x31xf32, #tpu.memory_space<vmem>>
      %dma_start3A_85 = arith.constant 0 : i32
      %dma_start3A_86 = tpu.memref_slice %arg3[%shift_right_logical3A_76, %and3A_78, %dma_start3A_85] : memref<125000x8x31xf32, #tpu.memory_space<hbm>> -> memref<1x1x31xf32, #tpu.memory_space<hbm>>
      %dma_start3A_87 = tpu.memref_squeeze %dma_start3A_86 : memref<1x1x31xf32, #tpu.memory_space<hbm>> -> memref<1x31xf32, #tpu.memory_space<hbm>>
      %dma_start3A_88 = arith.constant 0 : i32
      %dma_start3A_89 = tpu.memref_slice %arg7[%add3A_82, %dma_start3A_88] : memref<256x31xf32, #tpu.memory_space<vmem>> -> memref<1x31xf32, #tpu.memory_space<vmem>>
      %dma_start3A_90 = arith.constant 0 : i32
      %dma_start3A_91 = tpu.memref_slice %arg3[%shift_right_logical3A_76, %and3A_78, %dma_start3A_90] : memref<125000x8x31xf32, #tpu.memory_space<hbm>> -> memref<1x1x31xf32, #tpu.memory_space<hbm>>
      %dma_start3A_92 = tpu.memref_squeeze %dma_start3A_91 : memref<1x1x31xf32, #tpu.memory_space<hbm>> -> memref<1x31xf32, #tpu.memory_space<hbm>>
      tpu.enqueue_dma source(%dma_start3A_92 : memref<1x31xf32, #tpu.memory_space<hbm>>) target(%dma_start3A_89 : memref<1x31xf32, #tpu.memory_space<vmem>>) target_semaphore(%arg11 : memref<!tpu.dma_semaphore, #tpu.memory_space<semaphore_mem>>)
      %slice3A_93 = vector.extract_strided_slice %get3A_37 {offsets = [3], sizes = [1], strides = [1]} : vector<16xi32> to vector<1xi32>
      %squeeze3A_94 = vector.extract %slice3A_93[0] : i32 from vector<1xi32>
      %shift_right_logical3A_95 = arith.constant 3 : i32
      %shift_right_logical3A_96 = arith.shrui %squeeze3A_94, %shift_right_logical3A_95 : i32
      %and3A_97 = arith.constant 7 : i32
      %and3A_98 = arith.andi %squeeze3A_94, %and3A_97 : i32
      %mul3A_99 = arith.constant 16 : i32
      %mul3A_100 = arith.muli %add3A_32, %mul3A_99 : i32
      %add3A_101 = arith.constant 3 : i32
      %add3A_102 = arith.addi %mul3A_100, %add3A_101 : i32
      %dma_start3A_103 = arith.constant 0 : i32
      %dma_start3A_104 = tpu.memref_slice %arg7[%add3A_102, %dma_start3A_103] : memref<256x31xf32, #tpu.memory_space<vmem>> -> memref<1x31xf32, #tpu.memory_space<vmem>>
      %dma_start3A_105 = arith.constant 0 : i32
      %dma_start3A_106 = tpu.memref_slice %arg3[%shift_right_logical3A_96, %and3A_98, %dma_start3A_105] : memref<125000x8x31xf32, #tpu.memory_space<hbm>> -> memref<1x1x31xf32, #tpu.memory_space<hbm>>
      %dma_start3A_107 = tpu.memref_squeeze %dma_start3A_106 : memref<1x1x31xf32, #tpu.memory_space<hbm>> -> memref<1x31xf32, #tpu.memory_space<hbm>>
      %dma_start3A_108 = arith.constant 0 : i32
      %dma_start3A_109 = tpu.memref_slice %arg7[%add3A_102, %dma_start3A_108] : memref<256x31xf32, #tpu.memory_space<vmem>> -> memref<1x31xf32, #tpu.memory_space<vmem>>
      %dma_start3A_110 = arith.constant 0 : i32
      %dma_start3A_111 = tpu.memref_slice %arg3[%shift_right_logical3A_96, %and3A_98, %dma_start3A_110] : memref<125000x8x31xf32, #tpu.memory_space<hbm>> -> memref<1x1x31xf32, #tpu.memory_space<hbm>>
      %dma_start3A_112 = tpu.memref_squeeze %dma_start3A_111 : memref<1x1x31xf32, #tpu.memory_space<hbm>> -> memref<1x31xf32, #tpu.memory_space<hbm>>
      tpu.enqueue_dma source(%dma_start3A_112 : memref<1x31xf32, #tpu.memory_space<hbm>>) target(%dma_start3A_109 : memref<1x31xf32, #tpu.memory_space<vmem>>) target_semaphore(%arg11 : memref<!tpu.dma_semaphore, #tpu.memory_space<semaphore_mem>>)
      %slice3A_113 = vector.extract_strided_slice %get3A_37 {offsets = [4], sizes = [1], strides = [1]} : vector<16xi32> to vector<1xi32>
      %squeeze3A_114 = vector.extract %slice3A_113[0] : i32 from vector<1xi32>
      %shift_right_logical3A_115 = arith.constant 3 : i32
      %shift_right_logical3A_116 = arith.shrui %squeeze3A_114, %shift_right_logical3A_115 : i32
      %and3A_117 = arith.constant 7 : i32
      %and3A_118 = arith.andi %squeeze3A_114, %and3A_117 : i32
      %mul3A_119 = arith.constant 16 : i32
      %mul3A_120 = arith.muli %add3A_32, %mul3A_119 : i32
      %add3A_121 = arith.constant 4 : i32
      %add3A_122 = arith.addi %mul3A_120, %add3A_121 : i32
      %dma_start3A_123 = arith.constant 0 : i32
      %dma_start3A_124 = tpu.memref_slice %arg7[%add3A_122, %dma_start3A_123] : memref<256x31xf32, #tpu.memory_space<vmem>> -> memref<1x31xf32, #tpu.memory_space<vmem>>
      %dma_start3A_125 = arith.constant 0 : i32
      %dma_start3A_126 = tpu.memref_slice %arg3[%shift_right_logical3A_116, %and3A_118, %dma_start3A_125] : memref<125000x8x31xf32, #tpu.memory_space<hbm>> -> memref<1x1x31xf32, #tpu.memory_space<hbm>>
      %dma_start3A_127 = tpu.memref_squeeze %dma_start3A_126 : memref<1x1x31xf32, #tpu.memory_space<hbm>> -> memref<1x31xf32, #tpu.memory_space<hbm>>
      %dma_start3A_128 = arith.constant 0 : i32
      %dma_start3A_129 = tpu.memref_slice %arg7[%add3A_122, %dma_start3A_128] : memref<256x31xf32, #tpu.memory_space<vmem>> -> memref<1x31xf32, #tpu.memory_space<vmem>>
      %dma_start3A_130 = arith.constant 0 : i32
      %dma_start3A_131 = tpu.memref_slice %arg3[%shift_right_logical3A_116, %and3A_118, %dma_start3A_130] : memref<125000x8x31xf32, #tpu.memory_space<hbm>> -> memref<1x1x31xf32, #tpu.memory_space<hbm>>
      %dma_start3A_132 = tpu.memref_squeeze %dma_start3A_131 : memref<1x1x31xf32, #tpu.memory_space<hbm>> -> memref<1x31xf32, #tpu.memory_space<hbm>>
      tpu.enqueue_dma source(%dma_start3A_132 : memref<1x31xf32, #tpu.memory_space<hbm>>) target(%dma_start3A_129 : memref<1x31xf32, #tpu.memory_space<vmem>>) target_semaphore(%arg11 : memref<!tpu.dma_semaphore, #tpu.memory_space<semaphore_mem>>)
      %slice3A_133 = vector.extract_strided_slice %get3A_37 {offsets = [5], sizes = [1], strides = [1]} : vector<16xi32> to vector<1xi32>
      %squeeze3A_134 = vector.extract %slice3A_133[0] : i32 from vector<1xi32>
      %shift_right_logical3A_135 = arith.constant 3 : i32
      %shift_right_logical3A_136 = arith.shrui %squeeze3A_134, %shift_right_logical3A_135 : i32
      %and3A_137 = arith.constant 7 : i32
      %and3A_138 = arith.andi %squeeze3A_134, %and3A_137 : i32
      %mul3A_139 = arith.constant 16 : i32
      %mul3A_140 = arith.muli %add3A_32, %mul3A_139 : i32
      %add3A_141 = arith.constant 5 : i32
      %add3A_142 = arith.addi %mul3A_140, %add3A_141 : i32
      %dma_start3A_143 = arith.constant 0 : i32
      %dma_start3A_144 = tpu.memref_slice %arg7[%add3A_142, %dma_start3A_143] : memref<256x31xf32, #tpu.memory_space<vmem>> -> memref<1x31xf32, #tpu.memory_space<vmem>>
      %dma_start3A_145 = arith.constant 0 : i32
      %dma_start3A_146 = tpu.memref_slice %arg3[%shift_right_logical3A_136, %and3A_138, %dma_start3A_145] : memref<125000x8x31xf32, #tpu.memory_space<hbm>> -> memref<1x1x31xf32, #tpu.memory_space<hbm>>
      %dma_start3A_147 = tpu.memref_squeeze %dma_start3A_146 : memref<1x1x31xf32, #tpu.memory_space<hbm>> -> memref<1x31xf32, #tpu.memory_space<hbm>>
      %dma_start3A_148 = arith.constant 0 : i32
      %dma_start3A_149 = tpu.memref_slice %arg7[%add3A_142, %dma_start3A_148] : memref<256x31xf32, #tpu.memory_space<vmem>> -> memref<1x31xf32, #tpu.memory_space<vmem>>
      %dma_start3A_150 = arith.constant 0 : i32
      %dma_start3A_151 = tpu.memref_slice %arg3[%shift_right_logical3A_136, %and3A_138, %dma_start3A_150] : memref<125000x8x31xf32, #tpu.memory_space<hbm>> -> memref<1x1x31xf32, #tpu.memory_space<hbm>>
      %dma_start3A_152 = tpu.memref_squeeze %dma_start3A_151 : memref<1x1x31xf32, #tpu.memory_space<hbm>> -> memref<1x31xf32, #tpu.memory_space<hbm>>
      tpu.enqueue_dma source(%dma_start3A_152 : memref<1x31xf32, #tpu.memory_space<hbm>>) target(%dma_start3A_149 : memref<1x31xf32, #tpu.memory_space<vmem>>) target_semaphore(%arg11 : memref<!tpu.dma_semaphore, #tpu.memory_space<semaphore_mem>>)
      %slice3A_153 = vector.extract_strided_slice %get3A_37 {offsets = [6], sizes = [1], strides = [1]} : vector<16xi32> to vector<1xi32>
      %squeeze3A_154 = vector.extract %slice3A_153[0] : i32 from vector<1xi32>
      %shift_right_logical3A_155 = arith.constant 3 : i32
      %shift_right_logical3A_156 = arith.shrui %squeeze3A_154, %shift_right_logical3A_155 : i32
      %and3A_157 = arith.constant 7 : i32
      %and3A_158 = arith.andi %squeeze3A_154, %and3A_157 : i32
      %mul3A_159 = arith.constant 16 : i32
      %mul3A_160 = arith.muli %add3A_32, %mul3A_159 : i32
      %add3A_161 = arith.constant 6 : i32
      %add3A_162 = arith.addi %mul3A_160, %add3A_161 : i32
      %dma_start3A_163 = arith.constant 0 : i32
      %dma_start3A_164 = tpu.memref_slice %arg7[%add3A_162, %dma_start3A_163] : memref<256x31xf32, #tpu.memory_space<vmem>> -> memref<1x31xf32, #tpu.memory_space<vmem>>
      %dma_start3A_165 = arith.constant 0 : i32
      %dma_start3A_166 = tpu.memref_slice %arg3[%shift_right_logical3A_156, %and3A_158, %dma_start3A_165] : memref<125000x8x31xf32, #tpu.memory_space<hbm>> -> memref<1x1x31xf32, #tpu.memory_space<hbm>>
      %dma_start3A_167 = tpu.memref_squeeze %dma_start3A_166 : memref<1x1x31xf32, #tpu.memory_space<hbm>> -> memref<1x31xf32, #tpu.memory_space<hbm>>
      %dma_start3A_168 = arith.constant 0 : i32
      %dma_start3A_169 = tpu.memref_slice %arg7[%add3A_162, %dma_start3A_168] : memref<256x31xf32, #tpu.memory_space<vmem>> -> memref<1x31xf32, #tpu.memory_space<vmem>>
      %dma_start3A_170 = arith.constant 0 : i32
      %dma_start3A_171 = tpu.memref_slice %arg3[%shift_right_logical3A_156, %and3A_158, %dma_start3A_170] : memref<125000x8x31xf32, #tpu.memory_space<hbm>> -> memref<1x1x31xf32, #tpu.memory_space<hbm>>
      %dma_start3A_172 = tpu.memref_squeeze %dma_start3A_171 : memref<1x1x31xf32, #tpu.memory_space<hbm>> -> memref<1x31xf32, #tpu.memory_space<hbm>>
      tpu.enqueue_dma source(%dma_start3A_172 : memref<1x31xf32, #tpu.memory_space<hbm>>) target(%dma_start3A_169 : memref<1x31xf32, #tpu.memory_space<vmem>>) target_semaphore(%arg11 : memref<!tpu.dma_semaphore, #tpu.memory_space<semaphore_mem>>)
      %slice3A_173 = vector.extract_strided_slice %get3A_37 {offsets = [7], sizes = [1], strides = [1]} : vector<16xi32> to vector<1xi32>
      %squeeze3A_174 = vector.extract %slice3A_173[0] : i32 from vector<1xi32>
      %shift_right_logical3A_175 = arith.constant 3 : i32
      %shift_right_logical3A_176 = arith.shrui %squeeze3A_174, %shift_right_logical3A_175 : i32
      %and3A_177 = arith.constant 7 : i32
      %and3A_178 = arith.andi %squeeze3A_174, %and3A_177 : i32
      %mul3A_179 = arith.constant 16 : i32
      %mul3A_180 = arith.muli %add3A_32, %mul3A_179 : i32
      %add3A_181 = arith.constant 7 : i32
      %add3A_182 = arith.addi %mul3A_180, %add3A_181 : i32
      %dma_start3A_183 = arith.constant 0 : i32
      %dma_start3A_184 = tpu.memref_slice %arg7[%add3A_182, %dma_start3A_183] : memref<256x31xf32, #tpu.memory_space<vmem>> -> memref<1x31xf32, #tpu.memory_space<vmem>>
      %dma_start3A_185 = arith.constant 0 : i32
      %dma_start3A_186 = tpu.memref_slice %arg3[%shift_right_logical3A_176, %and3A_178, %dma_start3A_185] : memref<125000x8x31xf32, #tpu.memory_space<hbm>> -> memref<1x1x31xf32, #tpu.memory_space<hbm>>
      %dma_start3A_187 = tpu.memref_squeeze %dma_start3A_186 : memref<1x1x31xf32, #tpu.memory_space<hbm>> -> memref<1x31xf32, #tpu.memory_space<hbm>>
      %dma_start3A_188 = arith.constant 0 : i32
      %dma_start3A_189 = tpu.memref_slice %arg7[%add3A_182, %dma_start3A_188] : memref<256x31xf32, #tpu.memory_space<vmem>> -> memref<1x31xf32, #tpu.memory_space<vmem>>
      %dma_start3A_190 = arith.constant 0 : i32
      %dma_start3A_191 = tpu.memref_slice %arg3[%shift_right_logical3A_176, %and3A_178, %dma_start3A_190] : memref<125000x8x31xf32, #tpu.memory_space<hbm>> -> memref<1x1x31xf32, #tpu.memory_space<hbm>>
      %dma_start3A_192 = tpu.memref_squeeze %dma_start3A_191 : memref<1x1x31xf32, #tpu.memory_space<hbm>> -> memref<1x31xf32, #tpu.memory_space<hbm>>
      tpu.enqueue_dma source(%dma_start3A_192 : memref<1x31xf32, #tpu.memory_space<hbm>>) target(%dma_start3A_189 : memref<1x31xf32, #tpu.memory_space<vmem>>) target_semaphore(%arg11 : memref<!tpu.dma_semaphore, #tpu.memory_space<semaphore_mem>>)
      %slice3A_193 = vector.extract_strided_slice %get3A_37 {offsets = [8], sizes = [1], strides = [1]} : vector<16xi32> to vector<1xi32>
      %squeeze3A_194 = vector.extract %slice3A_193[0] : i32 from vector<1xi32>
      %shift_right_logical3A_195 = arith.constant 3 : i32
      %shift_right_logical3A_196 = arith.shrui %squeeze3A_194, %shift_right_logical3A_195 : i32
      %and3A_197 = arith.constant 7 : i32
      %and3A_198 = arith.andi %squeeze3A_194, %and3A_197 : i32
      %mul3A_199 = arith.constant 16 : i32
      %mul3A_200 = arith.muli %add3A_32, %mul3A_199 : i32
      %add3A_201 = arith.constant 8 : i32
      %add3A_202 = arith.addi %mul3A_200, %add3A_201 : i32
      %dma_start3A_203 = arith.constant 0 : i32
      %dma_start3A_204 = tpu.memref_slice %arg7[%add3A_202, %dma_start3A_203] : memref<256x31xf32, #tpu.memory_space<vmem>> -> memref<1x31xf32, #tpu.memory_space<vmem>>
      %dma_start3A_205 = arith.constant 0 : i32
      %dma_start3A_206 = tpu.memref_slice %arg3[%shift_right_logical3A_196, %and3A_198, %dma_start3A_205] : memref<125000x8x31xf32, #tpu.memory_space<hbm>> -> memref<1x1x31xf32, #tpu.memory_space<hbm>>
      %dma_start3A_207 = tpu.memref_squeeze %dma_start3A_206 : memref<1x1x31xf32, #tpu.memory_space<hbm>> -> memref<1x31xf32, #tpu.memory_space<hbm>>
      %dma_start3A_208 = arith.constant 0 : i32
      %dma_start3A_209 = tpu.memref_slice %arg7[%add3A_202, %dma_start3A_208] : memref<256x31xf32, #tpu.memory_space<vmem>> -> memref<1x31xf32, #tpu.memory_space<vmem>>
      %dma_start3A_210 = arith.constant 0 : i32
      %dma_start3A_211 = tpu.memref_slice %arg3[%shift_right_logical3A_196, %and3A_198, %dma_start3A_210] : memref<125000x8x31xf32, #tpu.memory_space<hbm>> -> memref<1x1x31xf32, #tpu.memory_space<hbm>>
      %dma_start3A_212 = tpu.memref_squeeze %dma_start3A_211 : memref<1x1x31xf32, #tpu.memory_space<hbm>> -> memref<1x31xf32, #tpu.memory_space<hbm>>
      tpu.enqueue_dma source(%dma_start3A_212 : memref<1x31xf32, #tpu.memory_space<hbm>>) target(%dma_start3A_209 : memref<1x31xf32, #tpu.memory_space<vmem>>) target_semaphore(%arg11 : memref<!tpu.dma_semaphore, #tpu.memory_space<semaphore_mem>>)
      %slice3A_213 = vector.extract_strided_slice %get3A_37 {offsets = [9], sizes = [1], strides = [1]} : vector<16xi32> to vector<1xi32>
      %squeeze3A_214 = vector.extract %slice3A_213[0] : i32 from vector<1xi32>
      %shift_right_logical3A_215 = arith.constant 3 : i32
      %shift_right_logical3A_216 = arith.shrui %squeeze3A_214, %shift_right_logical3A_215 : i32
      %and3A_217 = arith.constant 7 : i32
      %and3A_218 = arith.andi %squeeze3A_214, %and3A_217 : i32
      %mul3A_219 = arith.constant 16 : i32
      %mul3A_220 = arith.muli %add3A_32, %mul3A_219 : i32
      %add3A_221 = arith.constant 9 : i32
      %add3A_222 = arith.addi %mul3A_220, %add3A_221 : i32
      %dma_start3A_223 = arith.constant 0 : i32
      %dma_start3A_224 = tpu.memref_slice %arg7[%add3A_222, %dma_start3A_223] : memref<256x31xf32, #tpu.memory_space<vmem>> -> memref<1x31xf32, #tpu.memory_space<vmem>>
      %dma_start3A_225 = arith.constant 0 : i32
      %dma_start3A_226 = tpu.memref_slice %arg3[%shift_right_logical3A_216, %and3A_218, %dma_start3A_225] : memref<125000x8x31xf32, #tpu.memory_space<hbm>> -> memref<1x1x31xf32, #tpu.memory_space<hbm>>
      %dma_start3A_227 = tpu.memref_squeeze %dma_start3A_226 : memref<1x1x31xf32, #tpu.memory_space<hbm>> -> memref<1x31xf32, #tpu.memory_space<hbm>>
      %dma_start3A_228 = arith.constant 0 : i32
      %dma_start3A_229 = tpu.memref_slice %arg7[%add3A_222, %dma_start3A_228] : memref<256x31xf32, #tpu.memory_space<vmem>> -> memref<1x31xf32, #tpu.memory_space<vmem>>
      %dma_start3A_230 = arith.constant 0 : i32
      %dma_start3A_231 = tpu.memref_slice %arg3[%shift_right_logical3A_216, %and3A_218, %dma_start3A_230] : memref<125000x8x31xf32, #tpu.memory_space<hbm>> -> memref<1x1x31xf32, #tpu.memory_space<hbm>>
      %dma_start3A_232 = tpu.memref_squeeze %dma_start3A_231 : memref<1x1x31xf32, #tpu.memory_space<hbm>> -> memref<1x31xf32, #tpu.memory_space<hbm>>
      tpu.enqueue_dma source(%dma_start3A_232 : memref<1x31xf32, #tpu.memory_space<hbm>>) target(%dma_start3A_229 : memref<1x31xf32, #tpu.memory_space<vmem>>) target_semaphore(%arg11 : memref<!tpu.dma_semaphore, #tpu.memory_space<semaphore_mem>>)
      %slice3A_233 = vector.extract_strided_slice %get3A_37 {offsets = [10], sizes = [1], strides = [1]} : vector<16xi32> to vector<1xi32>
      %squeeze3A_234 = vector.extract %slice3A_233[0] : i32 from vector<1xi32>
      %shift_right_logical3A_235 = arith.constant 3 : i32
      %shift_right_logical3A_236 = arith.shrui %squeeze3A_234, %shift_right_logical3A_235 : i32
      %and3A_237 = arith.constant 7 : i32
      %and3A_238 = arith.andi %squeeze3A_234, %and3A_237 : i32
      %mul3A_239 = arith.constant 16 : i32
      %mul3A_240 = arith.muli %add3A_32, %mul3A_239 : i32
      %add3A_241 = arith.constant 10 : i32
      %add3A_242 = arith.addi %mul3A_240, %add3A_241 : i32
      %dma_start3A_243 = arith.constant 0 : i32
      %dma_start3A_244 = tpu.memref_slice %arg7[%add3A_242, %dma_start3A_243] : memref<256x31xf32, #tpu.memory_space<vmem>> -> memref<1x31xf32, #tpu.memory_space<vmem>>
      %dma_start3A_245 = arith.constant 0 : i32
      %dma_start3A_246 = tpu.memref_slice %arg3[%shift_right_logical3A_236, %and3A_238, %dma_start3A_245] : memref<125000x8x31xf32, #tpu.memory_space<hbm>> -> memref<1x1x31xf32, #tpu.memory_space<hbm>>
      %dma_start3A_247 = tpu.memref_squeeze %dma_start3A_246 : memref<1x1x31xf32, #tpu.memory_space<hbm>> -> memref<1x31xf32, #tpu.memory_space<hbm>>
      %dma_start3A_248 = arith.constant 0 : i32
      %dma_start3A_249 = tpu.memref_slice %arg7[%add3A_242, %dma_start3A_248] : memref<256x31xf32, #tpu.memory_space<vmem>> -> memref<1x31xf32, #tpu.memory_space<vmem>>
      %dma_start3A_250 = arith.constant 0 : i32
      %dma_start3A_251 = tpu.memref_slice %arg3[%shift_right_logical3A_236, %and3A_238, %dma_start3A_250] : memref<125000x8x31xf32, #tpu.memory_space<hbm>> -> memref<1x1x31xf32, #tpu.memory_space<hbm>>
      %dma_start3A_252 = tpu.memref_squeeze %dma_start3A_251 : memref<1x1x31xf32, #tpu.memory_space<hbm>> -> memref<1x31xf32, #tpu.memory_space<hbm>>
      tpu.enqueue_dma source(%dma_start3A_252 : memref<1x31xf32, #tpu.memory_space<hbm>>) target(%dma_start3A_249 : memref<1x31xf32, #tpu.memory_space<vmem>>) target_semaphore(%arg11 : memref<!tpu.dma_semaphore, #tpu.memory_space<semaphore_mem>>)
      %slice3A_253 = vector.extract_strided_slice %get3A_37 {offsets = [11], sizes = [1], strides = [1]} : vector<16xi32> to vector<1xi32>
      %squeeze3A_254 = vector.extract %slice3A_253[0] : i32 from vector<1xi32>
      %shift_right_logical3A_255 = arith.constant 3 : i32
      %shift_right_logical3A_256 = arith.shrui %squeeze3A_254, %shift_right_logical3A_255 : i32
      %and3A_257 = arith.constant 7 : i32
      %and3A_258 = arith.andi %squeeze3A_254, %and3A_257 : i32
      %mul3A_259 = arith.constant 16 : i32
      %mul3A_260 = arith.muli %add3A_32, %mul3A_259 : i32
      %add3A_261 = arith.constant 11 : i32
      %add3A_262 = arith.addi %mul3A_260, %add3A_261 : i32
      %dma_start3A_263 = arith.constant 0 : i32
      %dma_start3A_264 = tpu.memref_slice %arg7[%add3A_262, %dma_start3A_263] : memref<256x31xf32, #tpu.memory_space<vmem>> -> memref<1x31xf32, #tpu.memory_space<vmem>>
      %dma_start3A_265 = arith.constant 0 : i32
      %dma_start3A_266 = tpu.memref_slice %arg3[%shift_right_logical3A_256, %and3A_258, %dma_start3A_265] : memref<125000x8x31xf32, #tpu.memory_space<hbm>> -> memref<1x1x31xf32, #tpu.memory_space<hbm>>
      %dma_start3A_267 = tpu.memref_squeeze %dma_start3A_266 : memref<1x1x31xf32, #tpu.memory_space<hbm>> -> memref<1x31xf32, #tpu.memory_space<hbm>>
      %dma_start3A_268 = arith.constant 0 : i32
      %dma_start3A_269 = tpu.memref_slice %arg7[%add3A_262, %dma_start3A_268] : memref<256x31xf32, #tpu.memory_space<vmem>> -> memref<1x31xf32, #tpu.memory_space<vmem>>
      %dma_start3A_270 = arith.constant 0 : i32
      %dma_start3A_271 = tpu.memref_slice %arg3[%shift_right_logical3A_256, %and3A_258, %dma_start3A_270] : memref<125000x8x31xf32, #tpu.memory_space<hbm>> -> memref<1x1x31xf32, #tpu.memory_space<hbm>>
      %dma_start3A_272 = tpu.memref_squeeze %dma_start3A_271 : memref<1x1x31xf32, #tpu.memory_space<hbm>> -> memref<1x31xf32, #tpu.memory_space<hbm>>
      tpu.enqueue_dma source(%dma_start3A_272 : memref<1x31xf32, #tpu.memory_space<hbm>>) target(%dma_start3A_269 : memref<1x31xf32, #tpu.memory_space<vmem>>) target_semaphore(%arg11 : memref<!tpu.dma_semaphore, #tpu.memory_space<semaphore_mem>>)
      %slice3A_273 = vector.extract_strided_slice %get3A_37 {offsets = [12], sizes = [1], strides = [1]} : vector<16xi32> to vector<1xi32>
      %squeeze3A_274 = vector.extract %slice3A_273[0] : i32 from vector<1xi32>
      %shift_right_logical3A_275 = arith.constant 3 : i32
      %shift_right_logical3A_276 = arith.shrui %squeeze3A_274, %shift_right_logical3A_275 : i32
      %and3A_277 = arith.constant 7 : i32
      %and3A_278 = arith.andi %squeeze3A_274, %and3A_277 : i32
      %mul3A_279 = arith.constant 16 : i32
      %mul3A_280 = arith.muli %add3A_32, %mul3A_279 : i32
      %add3A_281 = arith.constant 12 : i32
      %add3A_282 = arith.addi %mul3A_280, %add3A_281 : i32
      %dma_start3A_283 = arith.constant 0 : i32
      %dma_start3A_284 = tpu.memref_slice %arg7[%add3A_282, %dma_start3A_283] : memref<256x31xf32, #tpu.memory_space<vmem>> -> memref<1x31xf32, #tpu.memory_space<vmem>>
      %dma_start3A_285 = arith.constant 0 : i32
      %dma_start3A_286 = tpu.memref_slice %arg3[%shift_right_logical3A_276, %and3A_278, %dma_start3A_285] : memref<125000x8x31xf32, #tpu.memory_space<hbm>> -> memref<1x1x31xf32, #tpu.memory_space<hbm>>
      %dma_start3A_287 = tpu.memref_squeeze %dma_start3A_286 : memref<1x1x31xf32, #tpu.memory_space<hbm>> -> memref<1x31xf32, #tpu.memory_space<hbm>>
      %dma_start3A_288 = arith.constant 0 : i32
      %dma_start3A_289 = tpu.memref_slice %arg7[%add3A_282, %dma_start3A_288] : memref<256x31xf32, #tpu.memory_space<vmem>> -> memref<1x31xf32, #tpu.memory_space<vmem>>
      %dma_start3A_290 = arith.constant 0 : i32
      %dma_start3A_291 = tpu.memref_slice %arg3[%shift_right_logical3A_276, %and3A_278, %dma_start3A_290] : memref<125000x8x31xf32, #tpu.memory_space<hbm>> -> memref<1x1x31xf32, #tpu.memory_space<hbm>>
      %dma_start3A_292 = tpu.memref_squeeze %dma_start3A_291 : memref<1x1x31xf32, #tpu.memory_space<hbm>> -> memref<1x31xf32, #tpu.memory_space<hbm>>
      tpu.enqueue_dma source(%dma_start3A_292 : memref<1x31xf32, #tpu.memory_space<hbm>>) target(%dma_start3A_289 : memref<1x31xf32, #tpu.memory_space<vmem>>) target_semaphore(%arg11 : memref<!tpu.dma_semaphore, #tpu.memory_space<semaphore_mem>>)
      %slice3A_293 = vector.extract_strided_slice %get3A_37 {offsets = [13], sizes = [1], strides = [1]} : vector<16xi32> to vector<1xi32>
      %squeeze3A_294 = vector.extract %slice3A_293[0] : i32 from vector<1xi32>
      %shift_right_logical3A_295 = arith.constant 3 : i32
      %shift_right_logical3A_296 = arith.shrui %squeeze3A_294, %shift_right_logical3A_295 : i32
      %and3A_297 = arith.constant 7 : i32
      %and3A_298 = arith.andi %squeeze3A_294, %and3A_297 : i32
      %mul3A_299 = arith.constant 16 : i32
      %mul3A_300 = arith.muli %add3A_32, %mul3A_299 : i32
      %add3A_301 = arith.constant 13 : i32
      %add3A_302 = arith.addi %mul3A_300, %add3A_301 : i32
      %dma_start3A_303 = arith.constant 0 : i32
      %dma_start3A_304 = tpu.memref_slice %arg7[%add3A_302, %dma_start3A_303] : memref<256x31xf32, #tpu.memory_space<vmem>> -> memref<1x31xf32, #tpu.memory_space<vmem>>
      %dma_start3A_305 = arith.constant 0 : i32
      %dma_start3A_306 = tpu.memref_slice %arg3[%shift_right_logical3A_296, %and3A_298, %dma_start3A_305] : memref<125000x8x31xf32, #tpu.memory_space<hbm>> -> memref<1x1x31xf32, #tpu.memory_space<hbm>>
      %dma_start3A_307 = tpu.memref_squeeze %dma_start3A_306 : memref<1x1x31xf32, #tpu.memory_space<hbm>> -> memref<1x31xf32, #tpu.memory_space<hbm>>
      %dma_start3A_308 = arith.constant 0 : i32
      %dma_start3A_309 = tpu.memref_slice %arg7[%add3A_302, %dma_start3A_308] : memref<256x31xf32, #tpu.memory_space<vmem>> -> memref<1x31xf32, #tpu.memory_space<vmem>>
      %dma_start3A_310 = arith.constant 0 : i32
      %dma_start3A_311 = tpu.memref_slice %arg3[%shift_right_logical3A_296, %and3A_298, %dma_start3A_310] : memref<125000x8x31xf32, #tpu.memory_space<hbm>> -> memref<1x1x31xf32, #tpu.memory_space<hbm>>
      %dma_start3A_312 = tpu.memref_squeeze %dma_start3A_311 : memref<1x1x31xf32, #tpu.memory_space<hbm>> -> memref<1x31xf32, #tpu.memory_space<hbm>>
      tpu.enqueue_dma source(%dma_start3A_312 : memref<1x31xf32, #tpu.memory_space<hbm>>) target(%dma_start3A_309 : memref<1x31xf32, #tpu.memory_space<vmem>>) target_semaphore(%arg11 : memref<!tpu.dma_semaphore, #tpu.memory_space<semaphore_mem>>)
      %slice3A_313 = vector.extract_strided_slice %get3A_37 {offsets = [14], sizes = [1], strides = [1]} : vector<16xi32> to vector<1xi32>
      %squeeze3A_314 = vector.extract %slice3A_313[0] : i32 from vector<1xi32>
      %shift_right_logical3A_315 = arith.constant 3 : i32
      %shift_right_logical3A_316 = arith.shrui %squeeze3A_314, %shift_right_logical3A_315 : i32
      %and3A_317 = arith.constant 7 : i32
      %and3A_318 = arith.andi %squeeze3A_314, %and3A_317 : i32
      %mul3A_319 = arith.constant 16 : i32
      %mul3A_320 = arith.muli %add3A_32, %mul3A_319 : i32
      %add3A_321 = arith.constant 14 : i32
      %add3A_322 = arith.addi %mul3A_320, %add3A_321 : i32
      %dma_start3A_323 = arith.constant 0 : i32
      %dma_start3A_324 = tpu.memref_slice %arg7[%add3A_322, %dma_start3A_323] : memref<256x31xf32, #tpu.memory_space<vmem>> -> memref<1x31xf32, #tpu.memory_space<vmem>>
      %dma_start3A_325 = arith.constant 0 : i32
      %dma_start3A_326 = tpu.memref_slice %arg3[%shift_right_logical3A_316, %and3A_318, %dma_start3A_325] : memref<125000x8x31xf32, #tpu.memory_space<hbm>> -> memref<1x1x31xf32, #tpu.memory_space<hbm>>
      %dma_start3A_327 = tpu.memref_squeeze %dma_start3A_326 : memref<1x1x31xf32, #tpu.memory_space<hbm>> -> memref<1x31xf32, #tpu.memory_space<hbm>>
      %dma_start3A_328 = arith.constant 0 : i32
      %dma_start3A_329 = tpu.memref_slice %arg7[%add3A_322, %dma_start3A_328] : memref<256x31xf32, #tpu.memory_space<vmem>> -> memref<1x31xf32, #tpu.memory_space<vmem>>
      %dma_start3A_330 = arith.constant 0 : i32
      %dma_start3A_331 = tpu.memref_slice %arg3[%shift_right_logical3A_316, %and3A_318, %dma_start3A_330] : memref<125000x8x31xf32, #tpu.memory_space<hbm>> -> memref<1x1x31xf32, #tpu.memory_space<hbm>>
      %dma_start3A_332 = tpu.memref_squeeze %dma_start3A_331 : memref<1x1x31xf32, #tpu.memory_space<hbm>> -> memref<1x31xf32, #tpu.memory_space<hbm>>
      tpu.enqueue_dma source(%dma_start3A_332 : memref<1x31xf32, #tpu.memory_space<hbm>>) target(%dma_start3A_329 : memref<1x31xf32, #tpu.memory_space<vmem>>) target_semaphore(%arg11 : memref<!tpu.dma_semaphore, #tpu.memory_space<semaphore_mem>>)
      %slice3A_333 = vector.extract_strided_slice %get3A_37 {offsets = [15], sizes = [1], strides = [1]} : vector<16xi32> to vector<1xi32>
      %squeeze3A_334 = vector.extract %slice3A_333[0] : i32 from vector<1xi32>
      %shift_right_logical3A_335 = arith.constant 3 : i32
      %shift_right_logical3A_336 = arith.shrui %squeeze3A_334, %shift_right_logical3A_335 : i32
      %and3A_337 = arith.constant 7 : i32
      %and3A_338 = arith.andi %squeeze3A_334, %and3A_337 : i32
      %mul3A_339 = arith.constant 16 : i32
      %mul3A_340 = arith.muli %add3A_32, %mul3A_339 : i32
      %add3A_341 = arith.constant 15 : i32
      %add3A_342 = arith.addi %mul3A_340, %add3A_341 : i32
      %dma_start3A_343 = arith.constant 0 : i32
      %dma_start3A_344 = tpu.memref_slice %arg7[%add3A_342, %dma_start3A_343] : memref<256x31xf32, #tpu.memory_space<vmem>> -> memref<1x31xf32, #tpu.memory_space<vmem>>
      %dma_start3A_345 = arith.constant 0 : i32
      %dma_start3A_346 = tpu.memref_slice %arg3[%shift_right_logical3A_336, %and3A_338, %dma_start3A_345] : memref<125000x8x31xf32, #tpu.memory_space<hbm>> -> memref<1x1x31xf32, #tpu.memory_space<hbm>>
      %dma_start3A_347 = tpu.memref_squeeze %dma_start3A_346 : memref<1x1x31xf32, #tpu.memory_space<hbm>> -> memref<1x31xf32, #tpu.memory_space<hbm>>
      %dma_start3A_348 = arith.constant 0 : i32
      %dma_start3A_349 = tpu.memref_slice %arg7[%add3A_342, %dma_start3A_348] : memref<256x31xf32, #tpu.memory_space<vmem>> -> memref<1x31xf32, #tpu.memory_space<vmem>>
      %dma_start3A_350 = arith.constant 0 : i32
      %dma_start3A_351 = tpu.memref_slice %arg3[%shift_right_logical3A_336, %and3A_338, %dma_start3A_350] : memref<125000x8x31xf32, #tpu.memory_space<hbm>> -> memref<1x1x31xf32, #tpu.memory_space<hbm>>
      %dma_start3A_352 = tpu.memref_squeeze %dma_start3A_351 : memref<1x1x31xf32, #tpu.memory_space<hbm>> -> memref<1x31xf32, #tpu.memory_space<hbm>>
      tpu.enqueue_dma source(%dma_start3A_352 : memref<1x31xf32, #tpu.memory_space<hbm>>) target(%dma_start3A_349 : memref<1x31xf32, #tpu.memory_space<vmem>>) target_semaphore(%arg11 : memref<!tpu.dma_semaphore, #tpu.memory_space<semaphore_mem>>)
    }
    %scan3A_11 = arith.constant 16 : i32
    %scan3A_12 = arith.constant 0 : i32
    %scan3A_13 = arith.constant 50 : i32
    %scan3A_14 = arith.addi %scan3A_12, %scan3A_13 : i32
    %scan3A_15 = arith.constant 1 : i32
    scf.for %scan3A_28 = %scan3A_12 to %scan3A_14 step %scan3A_15  : i32 {
      %mul3A_29 = arith.constant 1 : i32
      %mul3A_30 = arith.muli %scan3A_28, %mul3A_29 : i32
      %add3A_31 = arith.constant 0 : i32
      %add3A_32 = arith.addi %add3A_31, %mul3A_30 : i32
      %mul3A_33 = arith.constant 2 : i32
      %mul3A_34 = arith.muli %add3A_32, %mul3A_33 : i32
      %add3A_35 = arith.constant 0 : i32
      %add3A_36 = arith.addi %mul3A_34, %add3A_35 : i32
      %dma_wait3A_37 = arith.constant 0 : i32
      %dma_wait3A_38 = arith.constant 0 : i32
      %dma_wait3A_39 = arith.constant 0 : i32
      %dma_wait3A_40 = tpu.memref_slice %arg3[%dma_wait3A_38, %dma_wait3A_37, %dma_wait3A_39] : memref<125000x8x31xf32, #tpu.memory_space<hbm>> -> memref<256x1x31xf32, #tpu.memory_space<hbm>>
      %dma_wait3A_41 = tpu.memref_squeeze %dma_wait3A_40 : memref<256x1x31xf32, #tpu.memory_space<hbm>> -> memref<256x31xf32, #tpu.memory_space<hbm>>
      %dma_wait3A_42 = arith.constant 0 : i32
      %dma_wait3A_43 = arith.constant 0 : i32
      %dma_wait3A_44 = tpu.memref_slice %arg3[%dma_wait3A_42, %dma_wait3A_37, %dma_wait3A_43] : memref<125000x8x31xf32, #tpu.memory_space<hbm>> -> memref<256x1x31xf32, #tpu.memory_space<hbm>>
      %dma_wait3A_45 = tpu.memref_squeeze %dma_wait3A_44 : memref<256x1x31xf32, #tpu.memory_space<hbm>> -> memref<256x31xf32, #tpu.memory_space<hbm>>
      tpu.wait_dma2 semaphore(%arg10 : memref<!tpu.dma_semaphore, #tpu.memory_space<semaphore_mem>>) src(%dma_wait3A_45 : memref<256x31xf32, #tpu.memory_space<hbm>>) dst(%arg6 : memref<256x31xf32, #tpu.memory_space<vmem>>)
      %ge3A = arith.constant 2 : i32
      %ge3A_46 = arith.cmpi sge, %add3A_36, %ge3A : i32
      %convert_element_type3A = arith.extui %ge3A_46 : i1 to i32
      %cond3A = arith.constant 0 : i32
      %cond3A_47 = arith.cmpi ne, %convert_element_type3A, %cond3A : i32
      scf.if %cond3A_47 {
        %sub3A = arith.constant 2 : i32
        %sub3A_102 = arith.subi %add3A_36, %sub3A : i32
        %mul3A_103 = arith.constant 256 : i32
        %mul3A_104 = arith.muli %sub3A_102, %mul3A_103 : i32
        %add3A_105 = arith.addi %mul3A_2, %mul3A_104 : i32
        %mul3A_106 = arith.constant 32 : i32
        %mul3A_107 = arith.muli %add3A_105, %mul3A_106 : i32
        %dma_wait3A_108 = tpu.memref_slice %arg4[%mul3A_107] : memref<26214400xf32, #tpu.memory_space<hbm>> -> memref<8192xf32, #tpu.memory_space<hbm>>
        %dma_wait3A_109 = tpu.memref_slice %arg4[%mul3A_107] : memref<26214400xf32, #tpu.memory_space<hbm>> -> memref<8192xf32, #tpu.memory_space<hbm>>
        tpu.wait_dma2 semaphore(%arg12 : memref<!tpu.dma_semaphore, #tpu.memory_space<semaphore_mem>>) src(%arg8 : memref<8192xf32, #tpu.memory_space<vmem>>) dst(%dma_wait3A_109 : memref<8192xf32, #tpu.memory_space<hbm>>)
      } else {
      }
      %scan3A_48 = arith.constant 0 : i32
      %scan3A_49 = arith.constant 16 : i32
      %scan3A_50 = arith.addi %scan3A_48, %scan3A_49 : i32
      %scan3A_51 = arith.constant 1 : i32
      scf.for %scan3A_102 = %scan3A_48 to %scan3A_50 step %scan3A_51  : i32 {
        %mul3A_103 = arith.constant 1 : i32
        %mul3A_104 = arith.muli %scan3A_102, %mul3A_103 : i32
        %add3A_105 = arith.constant 0 : i32
        %add3A_106 = arith.addi %add3A_105, %mul3A_104 : i32
        %mul3A_107 = arith.constant 16 : i32
        %mul3A_108 = arith.muli %add3A_106, %mul3A_107 : i32
        %add3A_109 = vector.broadcast %mul3A_108 : i32 to vector<16xi32>
        %add3A_110 = arith.addi %iota3A, %add3A_109 : vector<16xi32>
        %mul3A_111 = arith.constant 32 : i32
        %mul3A_112 = vector.broadcast %mul3A_111 : i32 to vector<16xi32>
        %mul3A_113 = arith.muli %add3A_110, %mul3A_112 : vector<16xi32>
        %broadcast_in_dim3A = arith.constant 0.000000e+00 : f32
        %broadcast_in_dim3A_114 = vector.broadcast %broadcast_in_dim3A : f32 to vector<16xf32>
        %broadcast_in_dim3A_115 = arith.constant 0 : i32
        %broadcast_in_dim3A_116 = vector.broadcast %broadcast_in_dim3A_115 : i32 to vector<16xi32>
        %gather3A = tpu.vector_load_idx %arg6[%add3A_110, %broadcast_in_dim3A_116] : memref<256x31xf32, #tpu.memory_space<vmem>>[vector<16xi32>, vector<16xi32>], vector<16xf32>,
        %mul3A_117 = arith.mulf %gather3A, %gather3A : vector<16xf32>
        %add3A_118 = arith.addf %broadcast_in_dim3A_114, %mul3A_117 : vector<16xf32>
        %broadcast_in_dim3A_119 = arith.constant 1 : i32
        %broadcast_in_dim3A_120 = vector.broadcast %broadcast_in_dim3A_119 : i32 to vector<16xi32>
        %gather3A_121 = tpu.vector_load_idx %arg6[%add3A_110, %broadcast_in_dim3A_120] : memref<256x31xf32, #tpu.memory_space<vmem>>[vector<16xi32>, vector<16xi32>], vector<16xf32>,
        %mul3A_122 = arith.mulf %gather3A_121, %gather3A_121 : vector<16xf32>
        %add3A_123 = arith.addf %add3A_118, %mul3A_122 : vector<16xf32>
        %broadcast_in_dim3A_124 = arith.constant 2 : i32
        %broadcast_in_dim3A_125 = vector.broadcast %broadcast_in_dim3A_124 : i32 to vector<16xi32>
        %gather3A_126 = tpu.vector_load_idx %arg6[%add3A_110, %broadcast_in_dim3A_125] : memref<256x31xf32, #tpu.memory_space<vmem>>[vector<16xi32>, vector<16xi32>], vector<16xf32>,
        %mul3A_127 = arith.mulf %gather3A_126, %gather3A_126 : vector<16xf32>
        %add3A_128 = arith.addf %add3A_123, %mul3A_127 : vector<16xf32>
        %broadcast_in_dim3A_129 = arith.constant 3 : i32
        %broadcast_in_dim3A_130 = vector.broadcast %broadcast_in_dim3A_129 : i32 to vector<16xi32>
        %gather3A_131 = tpu.vector_load_idx %arg6[%add3A_110, %broadcast_in_dim3A_130] : memref<256x31xf32, #tpu.memory_space<vmem>>[vector<16xi32>, vector<16xi32>], vector<16xf32>,
        %mul3A_132 = arith.mulf %gather3A_131, %gather3A_131 : vector<16xf32>
        %add3A_133 = arith.addf %add3A_128, %mul3A_132 : vector<16xf32>
        %broadcast_in_dim3A_134 = arith.constant 4 : i32
        %broadcast_in_dim3A_135 = vector.broadcast %broadcast_in_dim3A_134 : i32 to vector<16xi32>
        %gather3A_136 = tpu.vector_load_idx %arg6[%add3A_110, %broadcast_in_dim3A_135] : memref<256x31xf32, #tpu.memory_space<vmem>>[vector<16xi32>, vector<16xi32>], vector<16xf32>,
        %mul3A_137 = arith.mulf %gather3A_136, %gather3A_136 : vector<16xf32>
        %add3A_138 = arith.addf %add3A_133, %mul3A_137 : vector<16xf32>
        %broadcast_in_dim3A_139 = arith.constant 5 : i32
        %broadcast_in_dim3A_140 = vector.broadcast %broadcast_in_dim3A_139 : i32 to vector<16xi32>
        %gather3A_141 = tpu.vector_load_idx %arg6[%add3A_110, %broadcast_in_dim3A_140] : memref<256x31xf32, #tpu.memory_space<vmem>>[vector<16xi32>, vector<16xi32>], vector<16xf32>,
        %mul3A_142 = arith.mulf %gather3A_141, %gather3A_141 : vector<16xf32>
        %add3A_143 = arith.addf %add3A_138, %mul3A_142 : vector<16xf32>
        %broadcast_in_dim3A_144 = arith.constant 6 : i32
        %broadcast_in_dim3A_145 = vector.broadcast %broadcast_in_dim3A_144 : i32 to vector<16xi32>
        %gather3A_146 = tpu.vector_load_idx %arg6[%add3A_110, %broadcast_in_dim3A_145] : memref<256x31xf32, #tpu.memory_space<vmem>>[vector<16xi32>, vector<16xi32>], vector<16xf32>,
        %mul3A_147 = arith.mulf %gather3A_146, %gather3A_146 : vector<16xf32>
        %add3A_148 = arith.addf %add3A_143, %mul3A_147 : vector<16xf32>
        %broadcast_in_dim3A_149 = arith.constant 7 : i32
        %broadcast_in_dim3A_150 = vector.broadcast %broadcast_in_dim3A_149 : i32 to vector<16xi32>
        %gather3A_151 = tpu.vector_load_idx %arg6[%add3A_110, %broadcast_in_dim3A_150] : memref<256x31xf32, #tpu.memory_space<vmem>>[vector<16xi32>, vector<16xi32>], vector<16xf32>,
        %mul3A_152 = arith.mulf %gather3A_151, %gather3A_151 : vector<16xf32>
        %add3A_153 = arith.addf %add3A_148, %mul3A_152 : vector<16xf32>
        %broadcast_in_dim3A_154 = arith.constant 8 : i32
        %broadcast_in_dim3A_155 = vector.broadcast %broadcast_in_dim3A_154 : i32 to vector<16xi32>
        %gather3A_156 = tpu.vector_load_idx %arg6[%add3A_110, %broadcast_in_dim3A_155] : memref<256x31xf32, #tpu.memory_space<vmem>>[vector<16xi32>, vector<16xi32>], vector<16xf32>,
        %mul3A_157 = arith.mulf %gather3A_156, %gather3A_156 : vector<16xf32>
        %add3A_158 = arith.addf %add3A_153, %mul3A_157 : vector<16xf32>
        %broadcast_in_dim3A_159 = arith.constant 9 : i32
        %broadcast_in_dim3A_160 = vector.broadcast %broadcast_in_dim3A_159 : i32 to vector<16xi32>
        %gather3A_161 = tpu.vector_load_idx %arg6[%add3A_110, %broadcast_in_dim3A_160] : memref<256x31xf32, #tpu.memory_space<vmem>>[vector<16xi32>, vector<16xi32>], vector<16xf32>,
        %mul3A_162 = arith.mulf %gather3A_161, %gather3A_161 : vector<16xf32>
        %add3A_163 = arith.addf %add3A_158, %mul3A_162 : vector<16xf32>
        %broadcast_in_dim3A_164 = arith.constant 10 : i32
        %broadcast_in_dim3A_165 = vector.broadcast %broadcast_in_dim3A_164 : i32 to vector<16xi32>
        %gather3A_166 = tpu.vector_load_idx %arg6[%add3A_110, %broadcast_in_dim3A_165] : memref<256x31xf32, #tpu.memory_space<vmem>>[vector<16xi32>, vector<16xi32>], vector<16xf32>,
        %mul3A_167 = arith.mulf %gather3A_166, %gather3A_166 : vector<16xf32>
        %add3A_168 = arith.addf %add3A_163, %mul3A_167 : vector<16xf32>
        %broadcast_in_dim3A_169 = arith.constant 11 : i32
        %broadcast_in_dim3A_170 = vector.broadcast %broadcast_in_dim3A_169 : i32 to vector<16xi32>
        %gather3A_171 = tpu.vector_load_idx %arg6[%add3A_110, %broadcast_in_dim3A_170] : memref<256x31xf32, #tpu.memory_space<vmem>>[vector<16xi32>, vector<16xi32>], vector<16xf32>,
        %mul3A_172 = arith.mulf %gather3A_171, %gather3A_171 : vector<16xf32>
        %add3A_173 = arith.addf %add3A_168, %mul3A_172 : vector<16xf32>
        %broadcast_in_dim3A_174 = arith.constant 12 : i32
        %broadcast_in_dim3A_175 = vector.broadcast %broadcast_in_dim3A_174 : i32 to vector<16xi32>
        %gather3A_176 = tpu.vector_load_idx %arg6[%add3A_110, %broadcast_in_dim3A_175] : memref<256x31xf32, #tpu.memory_space<vmem>>[vector<16xi32>, vector<16xi32>], vector<16xf32>,
        %mul3A_177 = arith.mulf %gather3A_176, %gather3A_176 : vector<16xf32>
        %add3A_178 = arith.addf %add3A_173, %mul3A_177 : vector<16xf32>
        %broadcast_in_dim3A_179 = arith.constant 13 : i32
        %broadcast_in_dim3A_180 = vector.broadcast %broadcast_in_dim3A_179 : i32 to vector<16xi32>
        %gather3A_181 = tpu.vector_load_idx %arg6[%add3A_110, %broadcast_in_dim3A_180] : memref<256x31xf32, #tpu.memory_space<vmem>>[vector<16xi32>, vector<16xi32>], vector<16xf32>,
        %mul3A_182 = arith.mulf %gather3A_181, %gather3A_181 : vector<16xf32>
        %add3A_183 = arith.addf %add3A_178, %mul3A_182 : vector<16xf32>
        %broadcast_in_dim3A_184 = arith.constant 14 : i32
        %broadcast_in_dim3A_185 = vector.broadcast %broadcast_in_dim3A_184 : i32 to vector<16xi32>
        %gather3A_186 = tpu.vector_load_idx %arg6[%add3A_110, %broadcast_in_dim3A_185] : memref<256x31xf32, #tpu.memory_space<vmem>>[vector<16xi32>, vector<16xi32>], vector<16xf32>,
        %mul3A_187 = arith.mulf %gather3A_186, %gather3A_186 : vector<16xf32>
        %add3A_188 = arith.addf %add3A_183, %mul3A_187 : vector<16xf32>
        %broadcast_in_dim3A_189 = arith.constant 15 : i32
        %broadcast_in_dim3A_190 = vector.broadcast %broadcast_in_dim3A_189 : i32 to vector<16xi32>
        %gather3A_191 = tpu.vector_load_idx %arg6[%add3A_110, %broadcast_in_dim3A_190] : memref<256x31xf32, #tpu.memory_space<vmem>>[vector<16xi32>, vector<16xi32>], vector<16xf32>,
        %mul3A_192 = arith.mulf %gather3A_191, %gather3A_191 : vector<16xf32>
        %add3A_193 = arith.addf %add3A_188, %mul3A_192 : vector<16xf32>
        %broadcast_in_dim3A_194 = arith.constant 16 : i32
        %broadcast_in_dim3A_195 = vector.broadcast %broadcast_in_dim3A_194 : i32 to vector<16xi32>
        %gather3A_196 = tpu.vector_load_idx %arg6[%add3A_110, %broadcast_in_dim3A_195] : memref<256x31xf32, #tpu.memory_space<vmem>>[vector<16xi32>, vector<16xi32>], vector<16xf32>,
        %mul3A_197 = arith.mulf %gather3A_196, %gather3A_196 : vector<16xf32>
        %add3A_198 = arith.addf %add3A_193, %mul3A_197 : vector<16xf32>
        %broadcast_in_dim3A_199 = arith.constant 17 : i32
        %broadcast_in_dim3A_200 = vector.broadcast %broadcast_in_dim3A_199 : i32 to vector<16xi32>
        %gather3A_201 = tpu.vector_load_idx %arg6[%add3A_110, %broadcast_in_dim3A_200] : memref<256x31xf32, #tpu.memory_space<vmem>>[vector<16xi32>, vector<16xi32>], vector<16xf32>,
        %mul3A_202 = arith.mulf %gather3A_201, %gather3A_201 : vector<16xf32>
        %add3A_203 = arith.addf %add3A_198, %mul3A_202 : vector<16xf32>
        %broadcast_in_dim3A_204 = arith.constant 18 : i32
        %broadcast_in_dim3A_205 = vector.broadcast %broadcast_in_dim3A_204 : i32 to vector<16xi32>
        %gather3A_206 = tpu.vector_load_idx %arg6[%add3A_110, %broadcast_in_dim3A_205] : memref<256x31xf32, #tpu.memory_space<vmem>>[vector<16xi32>, vector<16xi32>], vector<16xf32>,
        %mul3A_207 = arith.mulf %gather3A_206, %gather3A_206 : vector<16xf32>
        %add3A_208 = arith.addf %add3A_203, %mul3A_207 : vector<16xf32>
        %broadcast_in_dim3A_209 = arith.constant 19 : i32
        %broadcast_in_dim3A_210 = vector.broadcast %broadcast_in_dim3A_209 : i32 to vector<16xi32>
        %gather3A_211 = tpu.vector_load_idx %arg6[%add3A_110, %broadcast_in_dim3A_210] : memref<256x31xf32, #tpu.memory_space<vmem>>[vector<16xi32>, vector<16xi32>], vector<16xf32>,
        %mul3A_212 = arith.mulf %gather3A_211, %gather3A_211 : vector<16xf32>
        %add3A_213 = arith.addf %add3A_208, %mul3A_212 : vector<16xf32>
        %broadcast_in_dim3A_214 = arith.constant 20 : i32
        %broadcast_in_dim3A_215 = vector.broadcast %broadcast_in_dim3A_214 : i32 to vector<16xi32>
        %gather3A_216 = tpu.vector_load_idx %arg6[%add3A_110, %broadcast_in_dim3A_215] : memref<256x31xf32, #tpu.memory_space<vmem>>[vector<16xi32>, vector<16xi32>], vector<16xf32>,
        %mul3A_217 = arith.mulf %gather3A_216, %gather3A_216 : vector<16xf32>
        %add3A_218 = arith.addf %add3A_213, %mul3A_217 : vector<16xf32>
        %broadcast_in_dim3A_219 = arith.constant 21 : i32
        %broadcast_in_dim3A_220 = vector.broadcast %broadcast_in_dim3A_219 : i32 to vector<16xi32>
        %gather3A_221 = tpu.vector_load_idx %arg6[%add3A_110, %broadcast_in_dim3A_220] : memref<256x31xf32, #tpu.memory_space<vmem>>[vector<16xi32>, vector<16xi32>], vector<16xf32>,
        %mul3A_222 = arith.mulf %gather3A_221, %gather3A_221 : vector<16xf32>
        %add3A_223 = arith.addf %add3A_218, %mul3A_222 : vector<16xf32>
        %broadcast_in_dim3A_224 = arith.constant 22 : i32
        %broadcast_in_dim3A_225 = vector.broadcast %broadcast_in_dim3A_224 : i32 to vector<16xi32>
        %gather3A_226 = tpu.vector_load_idx %arg6[%add3A_110, %broadcast_in_dim3A_225] : memref<256x31xf32, #tpu.memory_space<vmem>>[vector<16xi32>, vector<16xi32>], vector<16xf32>,
        %mul3A_227 = arith.mulf %gather3A_226, %gather3A_226 : vector<16xf32>
        %add3A_228 = arith.addf %add3A_223, %mul3A_227 : vector<16xf32>
        %broadcast_in_dim3A_229 = arith.constant 23 : i32
        %broadcast_in_dim3A_230 = vector.broadcast %broadcast_in_dim3A_229 : i32 to vector<16xi32>
        %gather3A_231 = tpu.vector_load_idx %arg6[%add3A_110, %broadcast_in_dim3A_230] : memref<256x31xf32, #tpu.memory_space<vmem>>[vector<16xi32>, vector<16xi32>], vector<16xf32>,
        %mul3A_232 = arith.mulf %gather3A_231, %gather3A_231 : vector<16xf32>
        %add3A_233 = arith.addf %add3A_228, %mul3A_232 : vector<16xf32>
        %broadcast_in_dim3A_234 = arith.constant 24 : i32
        %broadcast_in_dim3A_235 = vector.broadcast %broadcast_in_dim3A_234 : i32 to vector<16xi32>
        %gather3A_236 = tpu.vector_load_idx %arg6[%add3A_110, %broadcast_in_dim3A_235] : memref<256x31xf32, #tpu.memory_space<vmem>>[vector<16xi32>, vector<16xi32>], vector<16xf32>,
        %mul3A_237 = arith.mulf %gather3A_236, %gather3A_236 : vector<16xf32>
        %add3A_238 = arith.addf %add3A_233, %mul3A_237 : vector<16xf32>
        %broadcast_in_dim3A_239 = arith.constant 25 : i32
        %broadcast_in_dim3A_240 = vector.broadcast %broadcast_in_dim3A_239 : i32 to vector<16xi32>
        %gather3A_241 = tpu.vector_load_idx %arg6[%add3A_110, %broadcast_in_dim3A_240] : memref<256x31xf32, #tpu.memory_space<vmem>>[vector<16xi32>, vector<16xi32>], vector<16xf32>,
        %mul3A_242 = arith.mulf %gather3A_241, %gather3A_241 : vector<16xf32>
        %add3A_243 = arith.addf %add3A_238, %mul3A_242 : vector<16xf32>
        %broadcast_in_dim3A_244 = arith.constant 26 : i32
        %broadcast_in_dim3A_245 = vector.broadcast %broadcast_in_dim3A_244 : i32 to vector<16xi32>
        %gather3A_246 = tpu.vector_load_idx %arg6[%add3A_110, %broadcast_in_dim3A_245] : memref<256x31xf32, #tpu.memory_space<vmem>>[vector<16xi32>, vector<16xi32>], vector<16xf32>,
        %mul3A_247 = arith.mulf %gather3A_246, %gather3A_246 : vector<16xf32>
        %add3A_248 = arith.addf %add3A_243, %mul3A_247 : vector<16xf32>
        %broadcast_in_dim3A_249 = arith.constant 27 : i32
        %broadcast_in_dim3A_250 = vector.broadcast %broadcast_in_dim3A_249 : i32 to vector<16xi32>
        %gather3A_251 = tpu.vector_load_idx %arg6[%add3A_110, %broadcast_in_dim3A_250] : memref<256x31xf32, #tpu.memory_space<vmem>>[vector<16xi32>, vector<16xi32>], vector<16xf32>,
        %mul3A_252 = arith.mulf %gather3A_251, %gather3A_251 : vector<16xf32>
        %add3A_253 = arith.addf %add3A_248, %mul3A_252 : vector<16xf32>
        %broadcast_in_dim3A_254 = arith.constant 28 : i32
        %broadcast_in_dim3A_255 = vector.broadcast %broadcast_in_dim3A_254 : i32 to vector<16xi32>
        %gather3A_256 = tpu.vector_load_idx %arg6[%add3A_110, %broadcast_in_dim3A_255] : memref<256x31xf32, #tpu.memory_space<vmem>>[vector<16xi32>, vector<16xi32>], vector<16xf32>,
        %mul3A_257 = arith.mulf %gather3A_256, %gather3A_256 : vector<16xf32>
        %add3A_258 = arith.addf %add3A_253, %mul3A_257 : vector<16xf32>
        %broadcast_in_dim3A_259 = arith.constant 29 : i32
        %broadcast_in_dim3A_260 = vector.broadcast %broadcast_in_dim3A_259 : i32 to vector<16xi32>
        %gather3A_261 = tpu.vector_load_idx %arg6[%add3A_110, %broadcast_in_dim3A_260] : memref<256x31xf32, #tpu.memory_space<vmem>>[vector<16xi32>, vector<16xi32>], vector<16xf32>,
        %mul3A_262 = arith.mulf %gather3A_261, %gather3A_261 : vector<16xf32>
        %add3A_263 = arith.addf %add3A_258, %mul3A_262 : vector<16xf32>
        %broadcast_in_dim3A_264 = arith.constant 30 : i32
        %broadcast_in_dim3A_265 = vector.broadcast %broadcast_in_dim3A_264 : i32 to vector<16xi32>
        %gather3A_266 = tpu.vector_load_idx %arg6[%add3A_110, %broadcast_in_dim3A_265] : memref<256x31xf32, #tpu.memory_space<vmem>>[vector<16xi32>, vector<16xi32>], vector<16xf32>,
        %mul3A_267 = arith.mulf %gather3A_266, %gather3A_266 : vector<16xf32>
        %add3A_268 = arith.addf %add3A_263, %mul3A_267 : vector<16xf32>
        %add3A_269 = arith.constant 1.000000e+00 : f32
        %add3A_270 = vector.broadcast %add3A_269 : f32 to vector<16xf32>
        %add3A_271 = arith.addf %add3A_268, %add3A_270 : vector<16xf32>
        %div3A = arith.constant 1.000000e+00 : f32
        %div3A_272 = vector.broadcast %div3A : f32 to vector<16xf32>
        %div3A_273 = arith.divf %div3A_272, %add3A_271 : vector<16xf32>
        %add3A_274 = arith.addf %div3A_273, %div3A_273 : vector<16xf32>
        %add3A_275 = arith.constant 0 : i32
        %add3A_276 = vector.broadcast %add3A_275 : i32 to vector<16xi32>
        %add3A_277 = arith.addi %mul3A_113, %add3A_276 : vector<16xi32>
        %mul3A_278 = arith.mulf %gather3A, %add3A_274 : vector<16xf32>
        tpu.vector_store_idx %arg8[%add3A_277], %mul3A_278 : memref<8192xf32, #tpu.memory_space<vmem>>[vector<16xi32>], vector<16xf32>,
        %add3A_279 = arith.constant 1 : i32
        %add3A_280 = vector.broadcast %add3A_279 : i32 to vector<16xi32>
        %add3A_281 = arith.addi %mul3A_113, %add3A_280 : vector<16xi32>
        %mul3A_282 = arith.mulf %gather3A_121, %add3A_274 : vector<16xf32>
        tpu.vector_store_idx %arg8[%add3A_281], %mul3A_282 : memref<8192xf32, #tpu.memory_space<vmem>>[vector<16xi32>], vector<16xf32>,
        %add3A_283 = arith.constant 2 : i32
        %add3A_284 = vector.broadcast %add3A_283 : i32 to vector<16xi32>
        %add3A_285 = arith.addi %mul3A_113, %add3A_284 : vector<16xi32>
        %mul3A_286 = arith.mulf %gather3A_126, %add3A_274 : vector<16xf32>
        tpu.vector_store_idx %arg8[%add3A_285], %mul3A_286 : memref<8192xf32, #tpu.memory_space<vmem>>[vector<16xi32>], vector<16xf32>,
        %add3A_287 = arith.constant 3 : i32
        %add3A_288 = vector.broadcast %add3A_287 : i32 to vector<16xi32>
        %add3A_289 = arith.addi %mul3A_113, %add3A_288 : vector<16xi32>
        %mul3A_290 = arith.mulf %gather3A_131, %add3A_274 : vector<16xf32>
        tpu.vector_store_idx %arg8[%add3A_289], %mul3A_290 : memref<8192xf32, #tpu.memory_space<vmem>>[vector<16xi32>], vector<16xf32>,
        %add3A_291 = arith.constant 4 : i32
        %add3A_292 = vector.broadcast %add3A_291 : i32 to vector<16xi32>
        %add3A_293 = arith.addi %mul3A_113, %add3A_292 : vector<16xi32>
        %mul3A_294 = arith.mulf %gather3A_136, %add3A_274 : vector<16xf32>
        tpu.vector_store_idx %arg8[%add3A_293], %mul3A_294 : memref<8192xf32, #tpu.memory_space<vmem>>[vector<16xi32>], vector<16xf32>,
        %add3A_295 = arith.constant 5 : i32
        %add3A_296 = vector.broadcast %add3A_295 : i32 to vector<16xi32>
        %add3A_297 = arith.addi %mul3A_113, %add3A_296 : vector<16xi32>
        %mul3A_298 = arith.mulf %gather3A_141, %add3A_274 : vector<16xf32>
        tpu.vector_store_idx %arg8[%add3A_297], %mul3A_298 : memref<8192xf32, #tpu.memory_space<vmem>>[vector<16xi32>], vector<16xf32>,
        %add3A_299 = arith.constant 6 : i32
        %add3A_300 = vector.broadcast %add3A_299 : i32 to vector<16xi32>
        %add3A_301 = arith.addi %mul3A_113, %add3A_300 : vector<16xi32>
        %mul3A_302 = arith.mulf %gather3A_146, %add3A_274 : vector<16xf32>
        tpu.vector_store_idx %arg8[%add3A_301], %mul3A_302 : memref<8192xf32, #tpu.memory_space<vmem>>[vector<16xi32>], vector<16xf32>,
        %add3A_303 = arith.constant 7 : i32
        %add3A_304 = vector.broadcast %add3A_303 : i32 to vector<16xi32>
        %add3A_305 = arith.addi %mul3A_113, %add3A_304 : vector<16xi32>
        %mul3A_306 = arith.mulf %gather3A_151, %add3A_274 : vector<16xf32>
        tpu.vector_store_idx %arg8[%add3A_305], %mul3A_306 : memref<8192xf32, #tpu.memory_space<vmem>>[vector<16xi32>], vector<16xf32>,
        %add3A_307 = arith.constant 8 : i32
        %add3A_308 = vector.broadcast %add3A_307 : i32 to vector<16xi32>
        %add3A_309 = arith.addi %mul3A_113, %add3A_308 : vector<16xi32>
        %mul3A_310 = arith.mulf %gather3A_156, %add3A_274 : vector<16xf32>
        tpu.vector_store_idx %arg8[%add3A_309], %mul3A_310 : memref<8192xf32, #tpu.memory_space<vmem>>[vector<16xi32>], vector<16xf32>,
        %add3A_311 = arith.constant 9 : i32
        %add3A_312 = vector.broadcast %add3A_311 : i32 to vector<16xi32>
        %add3A_313 = arith.addi %mul3A_113, %add3A_312 : vector<16xi32>
        %mul3A_314 = arith.mulf %gather3A_161, %add3A_274 : vector<16xf32>
        tpu.vector_store_idx %arg8[%add3A_313], %mul3A_314 : memref<8192xf32, #tpu.memory_space<vmem>>[vector<16xi32>], vector<16xf32>,
        %add3A_315 = arith.constant 10 : i32
        %add3A_316 = vector.broadcast %add3A_315 : i32 to vector<16xi32>
        %add3A_317 = arith.addi %mul3A_113, %add3A_316 : vector<16xi32>
        %mul3A_318 = arith.mulf %gather3A_166, %add3A_274 : vector<16xf32>
        tpu.vector_store_idx %arg8[%add3A_317], %mul3A_318 : memref<8192xf32, #tpu.memory_space<vmem>>[vector<16xi32>], vector<16xf32>,
        %add3A_319 = arith.constant 11 : i32
        %add3A_320 = vector.broadcast %add3A_319 : i32 to vector<16xi32>
        %add3A_321 = arith.addi %mul3A_113, %add3A_320 : vector<16xi32>
        %mul3A_322 = arith.mulf %gather3A_171, %add3A_274 : vector<16xf32>
        tpu.vector_store_idx %arg8[%add3A_321], %mul3A_322 : memref<8192xf32, #tpu.memory_space<vmem>>[vector<16xi32>], vector<16xf32>,
        %add3A_323 = arith.constant 12 : i32
        %add3A_324 = vector.broadcast %add3A_323 : i32 to vector<16xi32>
        %add3A_325 = arith.addi %mul3A_113, %add3A_324 : vector<16xi32>
        %mul3A_326 = arith.mulf %gather3A_176, %add3A_274 : vector<16xf32>
        tpu.vector_store_idx %arg8[%add3A_325], %mul3A_326 : memref<8192xf32, #tpu.memory_space<vmem>>[vector<16xi32>], vector<16xf32>,
        %add3A_327 = arith.constant 13 : i32
        %add3A_328 = vector.broadcast %add3A_327 : i32 to vector<16xi32>
        %add3A_329 = arith.addi %mul3A_113, %add3A_328 : vector<16xi32>
        %mul3A_330 = arith.mulf %gather3A_181, %add3A_274 : vector<16xf32>
        tpu.vector_store_idx %arg8[%add3A_329], %mul3A_330 : memref<8192xf32, #tpu.memory_space<vmem>>[vector<16xi32>], vector<16xf32>,
        %add3A_331 = arith.constant 14 : i32
        %add3A_332 = vector.broadcast %add3A_331 : i32 to vector<16xi32>
        %add3A_333 = arith.addi %mul3A_113, %add3A_332 : vector<16xi32>
        %mul3A_334 = arith.mulf %gather3A_186, %add3A_274 : vector<16xf32>
        tpu.vector_store_idx %arg8[%add3A_333], %mul3A_334 : memref<8192xf32, #tpu.memory_space<vmem>>[vector<16xi32>], vector<16xf32>,
        %add3A_335 = arith.constant 15 : i32
        %add3A_336 = vector.broadcast %add3A_335 : i32 to vector<16xi32>
        %add3A_337 = arith.addi %mul3A_113, %add3A_336 : vector<16xi32>
        %mul3A_338 = arith.mulf %gather3A_191, %add3A_274 : vector<16xf32>
        tpu.vector_store_idx %arg8[%add3A_337], %mul3A_338 : memref<8192xf32, #tpu.memory_space<vmem>>[vector<16xi32>], vector<16xf32>,
        %add3A_339 = arith.constant 16 : i32
        %add3A_340 = vector.broadcast %add3A_339 : i32 to vector<16xi32>
        %add3A_341 = arith.addi %mul3A_113, %add3A_340 : vector<16xi32>
        %mul3A_342 = arith.mulf %gather3A_196, %add3A_274 : vector<16xf32>
        tpu.vector_store_idx %arg8[%add3A_341], %mul3A_342 : memref<8192xf32, #tpu.memory_space<vmem>>[vector<16xi32>], vector<16xf32>,
        %add3A_343 = arith.constant 17 : i32
        %add3A_344 = vector.broadcast %add3A_343 : i32 to vector<16xi32>
        %add3A_345 = arith.addi %mul3A_113, %add3A_344 : vector<16xi32>
        %mul3A_346 = arith.mulf %gather3A_201, %add3A_274 : vector<16xf32>
        tpu.vector_store_idx %arg8[%add3A_345], %mul3A_346 : memref<8192xf32, #tpu.memory_space<vmem>>[vector<16xi32>], vector<16xf32>,
        %add3A_347 = arith.constant 18 : i32
        %add3A_348 = vector.broadcast %add3A_347 : i32 to vector<16xi32>
        %add3A_349 = arith.addi %mul3A_113, %add3A_348 : vector<16xi32>
        %mul3A_350 = arith.mulf %gather3A_206, %add3A_274 : vector<16xf32>
        tpu.vector_store_idx %arg8[%add3A_349], %mul3A_350 : memref<8192xf32, #tpu.memory_space<vmem>>[vector<16xi32>], vector<16xf32>,
        %add3A_351 = arith.constant 19 : i32
        %add3A_352 = vector.broadcast %add3A_351 : i32 to vector<16xi32>
        %add3A_353 = arith.addi %mul3A_113, %add3A_352 : vector<16xi32>
        %mul3A_354 = arith.mulf %gather3A_211, %add3A_274 : vector<16xf32>
        tpu.vector_store_idx %arg8[%add3A_353], %mul3A_354 : memref<8192xf32, #tpu.memory_space<vmem>>[vector<16xi32>], vector<16xf32>,
        %add3A_355 = arith.constant 20 : i32
        %add3A_356 = vector.broadcast %add3A_355 : i32 to vector<16xi32>
        %add3A_357 = arith.addi %mul3A_113, %add3A_356 : vector<16xi32>
        %mul3A_358 = arith.mulf %gather3A_216, %add3A_274 : vector<16xf32>
        tpu.vector_store_idx %arg8[%add3A_357], %mul3A_358 : memref<8192xf32, #tpu.memory_space<vmem>>[vector<16xi32>], vector<16xf32>,
        %add3A_359 = arith.constant 21 : i32
        %add3A_360 = vector.broadcast %add3A_359 : i32 to vector<16xi32>
        %add3A_361 = arith.addi %mul3A_113, %add3A_360 : vector<16xi32>
        %mul3A_362 = arith.mulf %gather3A_221, %add3A_274 : vector<16xf32>
        tpu.vector_store_idx %arg8[%add3A_361], %mul3A_362 : memref<8192xf32, #tpu.memory_space<vmem>>[vector<16xi32>], vector<16xf32>,
        %add3A_363 = arith.constant 22 : i32
        %add3A_364 = vector.broadcast %add3A_363 : i32 to vector<16xi32>
        %add3A_365 = arith.addi %mul3A_113, %add3A_364 : vector<16xi32>
        %mul3A_366 = arith.mulf %gather3A_226, %add3A_274 : vector<16xf32>
        tpu.vector_store_idx %arg8[%add3A_365], %mul3A_366 : memref<8192xf32, #tpu.memory_space<vmem>>[vector<16xi32>], vector<16xf32>,
        %add3A_367 = arith.constant 23 : i32
        %add3A_368 = vector.broadcast %add3A_367 : i32 to vector<16xi32>
        %add3A_369 = arith.addi %mul3A_113, %add3A_368 : vector<16xi32>
        %mul3A_370 = arith.mulf %gather3A_231, %add3A_274 : vector<16xf32>
        tpu.vector_store_idx %arg8[%add3A_369], %mul3A_370 : memref<8192xf32, #tpu.memory_space<vmem>>[vector<16xi32>], vector<16xf32>,
        %add3A_371 = arith.constant 24 : i32
        %add3A_372 = vector.broadcast %add3A_371 : i32 to vector<16xi32>
        %add3A_373 = arith.addi %mul3A_113, %add3A_372 : vector<16xi32>
        %mul3A_374 = arith.mulf %gather3A_236, %add3A_274 : vector<16xf32>
        tpu.vector_store_idx %arg8[%add3A_373], %mul3A_374 : memref<8192xf32, #tpu.memory_space<vmem>>[vector<16xi32>], vector<16xf32>,
        %add3A_375 = arith.constant 25 : i32
        %add3A_376 = vector.broadcast %add3A_375 : i32 to vector<16xi32>
        %add3A_377 = arith.addi %mul3A_113, %add3A_376 : vector<16xi32>
        %mul3A_378 = arith.mulf %gather3A_241, %add3A_274 : vector<16xf32>
        tpu.vector_store_idx %arg8[%add3A_377], %mul3A_378 : memref<8192xf32, #tpu.memory_space<vmem>>[vector<16xi32>], vector<16xf32>,
        %add3A_379 = arith.constant 26 : i32
        %add3A_380 = vector.broadcast %add3A_379 : i32 to vector<16xi32>
        %add3A_381 = arith.addi %mul3A_113, %add3A_380 : vector<16xi32>
        %mul3A_382 = arith.mulf %gather3A_246, %add3A_274 : vector<16xf32>
        tpu.vector_store_idx %arg8[%add3A_381], %mul3A_382 : memref<8192xf32, #tpu.memory_space<vmem>>[vector<16xi32>], vector<16xf32>,
        %add3A_383 = arith.constant 27 : i32
        %add3A_384 = vector.broadcast %add3A_383 : i32 to vector<16xi32>
        %add3A_385 = arith.addi %mul3A_113, %add3A_384 : vector<16xi32>
        %mul3A_386 = arith.mulf %gather3A_251, %add3A_274 : vector<16xf32>
        tpu.vector_store_idx %arg8[%add3A_385], %mul3A_386 : memref<8192xf32, #tpu.memory_space<vmem>>[vector<16xi32>], vector<16xf32>,
        %add3A_387 = arith.constant 28 : i32
        %add3A_388 = vector.broadcast %add3A_387 : i32 to vector<16xi32>
        %add3A_389 = arith.addi %mul3A_113, %add3A_388 : vector<16xi32>
        %mul3A_390 = arith.mulf %gather3A_256, %add3A_274 : vector<16xf32>
        tpu.vector_store_idx %arg8[%add3A_389], %mul3A_390 : memref<8192xf32, #tpu.memory_space<vmem>>[vector<16xi32>], vector<16xf32>,
        %add3A_391 = arith.constant 29 : i32
        %add3A_392 = vector.broadcast %add3A_391 : i32 to vector<16xi32>
        %add3A_393 = arith.addi %mul3A_113, %add3A_392 : vector<16xi32>
        %mul3A_394 = arith.mulf %gather3A_261, %add3A_274 : vector<16xf32>
        tpu.vector_store_idx %arg8[%add3A_393], %mul3A_394 : memref<8192xf32, #tpu.memory_space<vmem>>[vector<16xi32>], vector<16xf32>,
        %add3A_395 = arith.constant 30 : i32
        %add3A_396 = vector.broadcast %add3A_395 : i32 to vector<16xi32>
        %add3A_397 = arith.addi %mul3A_113, %add3A_396 : vector<16xi32>
        %mul3A_398 = arith.mulf %gather3A_266, %add3A_274 : vector<16xf32>
        tpu.vector_store_idx %arg8[%add3A_397], %mul3A_398 : memref<8192xf32, #tpu.memory_space<vmem>>[vector<16xi32>], vector<16xf32>,
        %add3A_399 = arith.constant 31 : i32
        %add3A_400 = vector.broadcast %add3A_399 : i32 to vector<16xi32>
        %add3A_401 = arith.addi %mul3A_113, %add3A_400 : vector<16xi32>
        %sub3A = arith.constant 1.000000e+00 : f32
        %sub3A_402 = vector.broadcast %sub3A : f32 to vector<16xf32>
        %sub3A_403 = arith.subf %add3A_268, %sub3A_402 : vector<16xf32>
        %mul3A_404 = arith.mulf %sub3A_403, %div3A_273 : vector<16xf32>
        tpu.vector_store_idx %arg8[%add3A_401], %mul3A_404 : memref<8192xf32, #tpu.memory_space<vmem>>[vector<16xi32>], vector<16xf32>,
      }
      %scan3A_52 = arith.constant 16 : i32
      %mul3A_53 = arith.constant 256 : i32
      %mul3A_54 = arith.muli %add3A_36, %mul3A_53 : i32
      %add3A_55 = arith.addi %mul3A_2, %mul3A_54 : i32
      %mul3A_56 = arith.constant 32 : i32
      %mul3A_57 = arith.muli %add3A_55, %mul3A_56 : i32
      %dma_start3A = tpu.memref_slice %arg4[%mul3A_57] : memref<26214400xf32, #tpu.memory_space<hbm>> -> memref<8192xf32, #tpu.memory_space<hbm>>
      %dma_start3A_58 = tpu.memref_slice %arg4[%mul3A_57] : memref<26214400xf32, #tpu.memory_space<hbm>> -> memref<8192xf32, #tpu.memory_space<hbm>>
      tpu.enqueue_dma source(%arg8 : memref<8192xf32, #tpu.memory_space<vmem>>) target(%dma_start3A_58 : memref<8192xf32, #tpu.memory_space<hbm>>) target_semaphore(%arg12 : memref<!tpu.dma_semaphore, #tpu.memory_space<semaphore_mem>>)
      %add3A_59 = arith.constant 2 : i32
      %add3A_60 = arith.addi %add3A_36, %add3A_59 : i32
      %lt3A = arith.constant 100 : i32
      %lt3A_61 = arith.cmpi slt, %add3A_60, %lt3A : i32
      %convert_element_type3A_62 = arith.extui %lt3A_61 : i1 to i32
      %cond3A_63 = arith.constant 0 : i32
      %cond3A_64 = arith.cmpi ne, %convert_element_type3A_62, %cond3A_63 : i32
      scf.if %cond3A_64 {
        %add3A_102 = arith.constant 2 : i32
        %add3A_103 = arith.addi %add3A_36, %add3A_102 : i32
        %scan3A_104 = arith.constant 0 : i32
        %scan3A_105 = arith.constant 16 : i32
        %scan3A_106 = arith.addi %scan3A_104, %scan3A_105 : i32
        %scan3A_107 = arith.constant 1 : i32
        scf.for %scan3A_109 = %scan3A_104 to %scan3A_106 step %scan3A_107  : i32 {
          %mul3A_110 = arith.constant 1 : i32
          %mul3A_111 = arith.muli %scan3A_109, %mul3A_110 : i32
          %add3A_112 = arith.constant 0 : i32
          %add3A_113 = arith.addi %add3A_112, %mul3A_111 : i32
          %mul3A_114 = arith.constant 256 : i32
          %mul3A_115 = arith.muli %add3A_103, %mul3A_114 : i32
          %mul3A_116 = arith.constant 16 : i32
          %mul3A_117 = arith.muli %add3A_113, %mul3A_116 : i32
          %add3A_118 = arith.addi %mul3A_115, %mul3A_117 : i32
          %get3A = arith.index_cast %add3A_118 : i32 to index
          %get3A_119 = tpu.vector_load %arg5[%get3A] {strides = array<i32>} : memref<25600xi32, #tpu.memory_space<vmem>>, vector<16xi32>,
          %slice3A = vector.extract_strided_slice %get3A_119 {offsets = [0], sizes = [1], strides = [1]} : vector<16xi32> to vector<1xi32>
          %squeeze3A = vector.extract %slice3A[0] : i32 from vector<1xi32>
          %shift_right_logical3A = arith.constant 3 : i32
          %shift_right_logical3A_120 = arith.shrui %squeeze3A, %shift_right_logical3A : i32
          %and3A = arith.constant 7 : i32
          %and3A_121 = arith.andi %squeeze3A, %and3A : i32
          %mul3A_122 = arith.constant 16 : i32
          %mul3A_123 = arith.muli %add3A_113, %mul3A_122 : i32
          %add3A_124 = arith.constant 0 : i32
          %add3A_125 = arith.addi %mul3A_123, %add3A_124 : i32
          %dma_start3A_126 = arith.constant 0 : i32
          %dma_start3A_127 = tpu.memref_slice %arg6[%add3A_125, %dma_start3A_126] : memref<256x31xf32, #tpu.memory_space<vmem>> -> memref<1x31xf32, #tpu.memory_space<vmem>>
          %dma_start3A_128 = arith.constant 0 : i32
          %dma_start3A_129 = tpu.memref_slice %arg3[%shift_right_logical3A_120, %and3A_121, %dma_start3A_128] : memref<125000x8x31xf32, #tpu.memory_space<hbm>> -> memref<1x1x31xf32, #tpu.memory_space<hbm>>
          %dma_start3A_130 = tpu.memref_squeeze %dma_start3A_129 : memref<1x1x31xf32, #tpu.memory_space<hbm>> -> memref<1x31xf32, #tpu.memory_space<hbm>>
          %dma_start3A_131 = arith.constant 0 : i32
          %dma_start3A_132 = tpu.memref_slice %arg6[%add3A_125, %dma_start3A_131] : memref<256x31xf32, #tpu.memory_space<vmem>> -> memref<1x31xf32, #tpu.memory_space<vmem>>
          %dma_start3A_133 = arith.constant 0 : i32
          %dma_start3A_134 = tpu.memref_slice %arg3[%shift_right_logical3A_120, %and3A_121, %dma_start3A_133] : memref<125000x8x31xf32, #tpu.memory_space<hbm>> -> memref<1x1x31xf32, #tpu.memory_space<hbm>>
          %dma_start3A_135 = tpu.memref_squeeze %dma_start3A_134 : memref<1x1x31xf32, #tpu.memory_space<hbm>> -> memref<1x31xf32, #tpu.memory_space<hbm>>
          tpu.enqueue_dma source(%dma_start3A_135 : memref<1x31xf32, #tpu.memory_space<hbm>>) target(%dma_start3A_132 : memref<1x31xf32, #tpu.memory_space<vmem>>) target_semaphore(%arg10 : memref<!tpu.dma_semaphore, #tpu.memory_space<semaphore_mem>>)
          %slice3A_136 = vector.extract_strided_slice %get3A_119 {offsets = [1], sizes = [1], strides = [1]} : vector<16xi32> to vector<1xi32>
          %squeeze3A_137 = vector.extract %slice3A_136[0] : i32 from vector<1xi32>
          %shift_right_logical3A_138 = arith.constant 3 : i32
          %shift_right_logical3A_139 = arith.shrui %squeeze3A_137, %shift_right_logical3A_138 : i32
          %and3A_140 = arith.constant 7 : i32
          %and3A_141 = arith.andi %squeeze3A_137, %and3A_140 : i32
          %mul3A_142 = arith.constant 16 : i32
          %mul3A_143 = arith.muli %add3A_113, %mul3A_142 : i32
          %add3A_144 = arith.constant 1 : i32
          %add3A_145 = arith.addi %mul3A_143, %add3A_144 : i32
          %dma_start3A_146 = arith.constant 0 : i32
          %dma_start3A_147 = tpu.memref_slice %arg6[%add3A_145, %dma_start3A_146] : memref<256x31xf32, #tpu.memory_space<vmem>> -> memref<1x31xf32, #tpu.memory_space<vmem>>
          %dma_start3A_148 = arith.constant 0 : i32
          %dma_start3A_149 = tpu.memref_slice %arg3[%shift_right_logical3A_139, %and3A_141, %dma_start3A_148] : memref<125000x8x31xf32, #tpu.memory_space<hbm>> -> memref<1x1x31xf32, #tpu.memory_space<hbm>>
          %dma_start3A_150 = tpu.memref_squeeze %dma_start3A_149 : memref<1x1x31xf32, #tpu.memory_space<hbm>> -> memref<1x31xf32, #tpu.memory_space<hbm>>
          %dma_start3A_151 = arith.constant 0 : i32
          %dma_start3A_152 = tpu.memref_slice %arg6[%add3A_145, %dma_start3A_151] : memref<256x31xf32, #tpu.memory_space<vmem>> -> memref<1x31xf32, #tpu.memory_space<vmem>>
          %dma_start3A_153 = arith.constant 0 : i32
          %dma_start3A_154 = tpu.memref_slice %arg3[%shift_right_logical3A_139, %and3A_141, %dma_start3A_153] : memref<125000x8x31xf32, #tpu.memory_space<hbm>> -> memref<1x1x31xf32, #tpu.memory_space<hbm>>
          %dma_start3A_155 = tpu.memref_squeeze %dma_start3A_154 : memref<1x1x31xf32, #tpu.memory_space<hbm>> -> memref<1x31xf32, #tpu.memory_space<hbm>>
          tpu.enqueue_dma source(%dma_start3A_155 : memref<1x31xf32, #tpu.memory_space<hbm>>) target(%dma_start3A_152 : memref<1x31xf32, #tpu.memory_space<vmem>>) target_semaphore(%arg10 : memref<!tpu.dma_semaphore, #tpu.memory_space<semaphore_mem>>)
          %slice3A_156 = vector.extract_strided_slice %get3A_119 {offsets = [2], sizes = [1], strides = [1]} : vector<16xi32> to vector<1xi32>
          %squeeze3A_157 = vector.extract %slice3A_156[0] : i32 from vector<1xi32>
          %shift_right_logical3A_158 = arith.constant 3 : i32
          %shift_right_logical3A_159 = arith.shrui %squeeze3A_157, %shift_right_logical3A_158 : i32
          %and3A_160 = arith.constant 7 : i32
          %and3A_161 = arith.andi %squeeze3A_157, %and3A_160 : i32
          %mul3A_162 = arith.constant 16 : i32
          %mul3A_163 = arith.muli %add3A_113, %mul3A_162 : i32
          %add3A_164 = arith.constant 2 : i32
          %add3A_165 = arith.addi %mul3A_163, %add3A_164 : i32
          %dma_start3A_166 = arith.constant 0 : i32
          %dma_start3A_167 = tpu.memref_slice %arg6[%add3A_165, %dma_start3A_166] : memref<256x31xf32, #tpu.memory_space<vmem>> -> memref<1x31xf32, #tpu.memory_space<vmem>>
          %dma_start3A_168 = arith.constant 0 : i32
          %dma_start3A_169 = tpu.memref_slice %arg3[%shift_right_logical3A_159, %and3A_161, %dma_start3A_168] : memref<125000x8x31xf32, #tpu.memory_space<hbm>> -> memref<1x1x31xf32, #tpu.memory_space<hbm>>
          %dma_start3A_170 = tpu.memref_squeeze %dma_start3A_169 : memref<1x1x31xf32, #tpu.memory_space<hbm>> -> memref<1x31xf32, #tpu.memory_space<hbm>>
          %dma_start3A_171 = arith.constant 0 : i32
          %dma_start3A_172 = tpu.memref_slice %arg6[%add3A_165, %dma_start3A_171] : memref<256x31xf32, #tpu.memory_space<vmem>> -> memref<1x31xf32, #tpu.memory_space<vmem>>
          %dma_start3A_173 = arith.constant 0 : i32
          %dma_start3A_174 = tpu.memref_slice %arg3[%shift_right_logical3A_159, %and3A_161, %dma_start3A_173] : memref<125000x8x31xf32, #tpu.memory_space<hbm>> -> memref<1x1x31xf32, #tpu.memory_space<hbm>>
          %dma_start3A_175 = tpu.memref_squeeze %dma_start3A_174 : memref<1x1x31xf32, #tpu.memory_space<hbm>> -> memref<1x31xf32, #tpu.memory_space<hbm>>
          tpu.enqueue_dma source(%dma_start3A_175 : memref<1x31xf32, #tpu.memory_space<hbm>>) target(%dma_start3A_172 : memref<1x31xf32, #tpu.memory_space<vmem>>) target_semaphore(%arg10 : memref<!tpu.dma_semaphore, #tpu.memory_space<semaphore_mem>>)
          %slice3A_176 = vector.extract_strided_slice %get3A_119 {offsets = [3], sizes = [1], strides = [1]} : vector<16xi32> to vector<1xi32>
          %squeeze3A_177 = vector.extract %slice3A_176[0] : i32 from vector<1xi32>
          %shift_right_logical3A_178 = arith.constant 3 : i32
          %shift_right_logical3A_179 = arith.shrui %squeeze3A_177, %shift_right_logical3A_178 : i32
          %and3A_180 = arith.constant 7 : i32
          %and3A_181 = arith.andi %squeeze3A_177, %and3A_180 : i32
          %mul3A_182 = arith.constant 16 : i32
          %mul3A_183 = arith.muli %add3A_113, %mul3A_182 : i32
          %add3A_184 = arith.constant 3 : i32
          %add3A_185 = arith.addi %mul3A_183, %add3A_184 : i32
          %dma_start3A_186 = arith.constant 0 : i32
          %dma_start3A_187 = tpu.memref_slice %arg6[%add3A_185, %dma_start3A_186] : memref<256x31xf32, #tpu.memory_space<vmem>> -> memref<1x31xf32, #tpu.memory_space<vmem>>
          %dma_start3A_188 = arith.constant 0 : i32
          %dma_start3A_189 = tpu.memref_slice %arg3[%shift_right_logical3A_179, %and3A_181, %dma_start3A_188] : memref<125000x8x31xf32, #tpu.memory_space<hbm>> -> memref<1x1x31xf32, #tpu.memory_space<hbm>>
          %dma_start3A_190 = tpu.memref_squeeze %dma_start3A_189 : memref<1x1x31xf32, #tpu.memory_space<hbm>> -> memref<1x31xf32, #tpu.memory_space<hbm>>
          %dma_start3A_191 = arith.constant 0 : i32
          %dma_start3A_192 = tpu.memref_slice %arg6[%add3A_185, %dma_start3A_191] : memref<256x31xf32, #tpu.memory_space<vmem>> -> memref<1x31xf32, #tpu.memory_space<vmem>>
          %dma_start3A_193 = arith.constant 0 : i32
          %dma_start3A_194 = tpu.memref_slice %arg3[%shift_right_logical3A_179, %and3A_181, %dma_start3A_193] : memref<125000x8x31xf32, #tpu.memory_space<hbm>> -> memref<1x1x31xf32, #tpu.memory_space<hbm>>
          %dma_start3A_195 = tpu.memref_squeeze %dma_start3A_194 : memref<1x1x31xf32, #tpu.memory_space<hbm>> -> memref<1x31xf32, #tpu.memory_space<hbm>>
          tpu.enqueue_dma source(%dma_start3A_195 : memref<1x31xf32, #tpu.memory_space<hbm>>) target(%dma_start3A_192 : memref<1x31xf32, #tpu.memory_space<vmem>>) target_semaphore(%arg10 : memref<!tpu.dma_semaphore, #tpu.memory_space<semaphore_mem>>)
          %slice3A_196 = vector.extract_strided_slice %get3A_119 {offsets = [4], sizes = [1], strides = [1]} : vector<16xi32> to vector<1xi32>
          %squeeze3A_197 = vector.extract %slice3A_196[0] : i32 from vector<1xi32>
          %shift_right_logical3A_198 = arith.constant 3 : i32
          %shift_right_logical3A_199 = arith.shrui %squeeze3A_197, %shift_right_logical3A_198 : i32
          %and3A_200 = arith.constant 7 : i32
          %and3A_201 = arith.andi %squeeze3A_197, %and3A_200 : i32
          %mul3A_202 = arith.constant 16 : i32
          %mul3A_203 = arith.muli %add3A_113, %mul3A_202 : i32
          %add3A_204 = arith.constant 4 : i32
          %add3A_205 = arith.addi %mul3A_203, %add3A_204 : i32
          %dma_start3A_206 = arith.constant 0 : i32
          %dma_start3A_207 = tpu.memref_slice %arg6[%add3A_205, %dma_start3A_206] : memref<256x31xf32, #tpu.memory_space<vmem>> -> memref<1x31xf32, #tpu.memory_space<vmem>>
          %dma_start3A_208 = arith.constant 0 : i32
          %dma_start3A_209 = tpu.memref_slice %arg3[%shift_right_logical3A_199, %and3A_201, %dma_start3A_208] : memref<125000x8x31xf32, #tpu.memory_space<hbm>> -> memref<1x1x31xf32, #tpu.memory_space<hbm>>
          %dma_start3A_210 = tpu.memref_squeeze %dma_start3A_209 : memref<1x1x31xf32, #tpu.memory_space<hbm>> -> memref<1x31xf32, #tpu.memory_space<hbm>>
          %dma_start3A_211 = arith.constant 0 : i32
          %dma_start3A_212 = tpu.memref_slice %arg6[%add3A_205, %dma_start3A_211] : memref<256x31xf32, #tpu.memory_space<vmem>> -> memref<1x31xf32, #tpu.memory_space<vmem>>
          %dma_start3A_213 = arith.constant 0 : i32
          %dma_start3A_214 = tpu.memref_slice %arg3[%shift_right_logical3A_199, %and3A_201, %dma_start3A_213] : memref<125000x8x31xf32, #tpu.memory_space<hbm>> -> memref<1x1x31xf32, #tpu.memory_space<hbm>>
          %dma_start3A_215 = tpu.memref_squeeze %dma_start3A_214 : memref<1x1x31xf32, #tpu.memory_space<hbm>> -> memref<1x31xf32, #tpu.memory_space<hbm>>
          tpu.enqueue_dma source(%dma_start3A_215 : memref<1x31xf32, #tpu.memory_space<hbm>>) target(%dma_start3A_212 : memref<1x31xf32, #tpu.memory_space<vmem>>) target_semaphore(%arg10 : memref<!tpu.dma_semaphore, #tpu.memory_space<semaphore_mem>>)
          %slice3A_216 = vector.extract_strided_slice %get3A_119 {offsets = [5], sizes = [1], strides = [1]} : vector<16xi32> to vector<1xi32>
          %squeeze3A_217 = vector.extract %slice3A_216[0] : i32 from vector<1xi32>
          %shift_right_logical3A_218 = arith.constant 3 : i32
          %shift_right_logical3A_219 = arith.shrui %squeeze3A_217, %shift_right_logical3A_218 : i32
          %and3A_220 = arith.constant 7 : i32
          %and3A_221 = arith.andi %squeeze3A_217, %and3A_220 : i32
          %mul3A_222 = arith.constant 16 : i32
          %mul3A_223 = arith.muli %add3A_113, %mul3A_222 : i32
          %add3A_224 = arith.constant 5 : i32
          %add3A_225 = arith.addi %mul3A_223, %add3A_224 : i32
          %dma_start3A_226 = arith.constant 0 : i32
          %dma_start3A_227 = tpu.memref_slice %arg6[%add3A_225, %dma_start3A_226] : memref<256x31xf32, #tpu.memory_space<vmem>> -> memref<1x31xf32, #tpu.memory_space<vmem>>
          %dma_start3A_228 = arith.constant 0 : i32
          %dma_start3A_229 = tpu.memref_slice %arg3[%shift_right_logical3A_219, %and3A_221, %dma_start3A_228] : memref<125000x8x31xf32, #tpu.memory_space<hbm>> -> memref<1x1x31xf32, #tpu.memory_space<hbm>>
          %dma_start3A_230 = tpu.memref_squeeze %dma_start3A_229 : memref<1x1x31xf32, #tpu.memory_space<hbm>> -> memref<1x31xf32, #tpu.memory_space<hbm>>
          %dma_start3A_231 = arith.constant 0 : i32
          %dma_start3A_232 = tpu.memref_slice %arg6[%add3A_225, %dma_start3A_231] : memref<256x31xf32, #tpu.memory_space<vmem>> -> memref<1x31xf32, #tpu.memory_space<vmem>>
          %dma_start3A_233 = arith.constant 0 : i32
          %dma_start3A_234 = tpu.memref_slice %arg3[%shift_right_logical3A_219, %and3A_221, %dma_start3A_233] : memref<125000x8x31xf32, #tpu.memory_space<hbm>> -> memref<1x1x31xf32, #tpu.memory_space<hbm>>
          %dma_start3A_235 = tpu.memref_squeeze %dma_start3A_234 : memref<1x1x31xf32, #tpu.memory_space<hbm>> -> memref<1x31xf32, #tpu.memory_space<hbm>>
          tpu.enqueue_dma source(%dma_start3A_235 : memref<1x31xf32, #tpu.memory_space<hbm>>) target(%dma_start3A_232 : memref<1x31xf32, #tpu.memory_space<vmem>>) target_semaphore(%arg10 : memref<!tpu.dma_semaphore, #tpu.memory_space<semaphore_mem>>)
          %slice3A_236 = vector.extract_strided_slice %get3A_119 {offsets = [6], sizes = [1], strides = [1]} : vector<16xi32> to vector<1xi32>
          %squeeze3A_237 = vector.extract %slice3A_236[0] : i32 from vector<1xi32>
          %shift_right_logical3A_238 = arith.constant 3 : i32
          %shift_right_logical3A_239 = arith.shrui %squeeze3A_237, %shift_right_logical3A_238 : i32
          %and3A_240 = arith.constant 7 : i32
          %and3A_241 = arith.andi %squeeze3A_237, %and3A_240 : i32
          %mul3A_242 = arith.constant 16 : i32
          %mul3A_243 = arith.muli %add3A_113, %mul3A_242 : i32
          %add3A_244 = arith.constant 6 : i32
          %add3A_245 = arith.addi %mul3A_243, %add3A_244 : i32
          %dma_start3A_246 = arith.constant 0 : i32
          %dma_start3A_247 = tpu.memref_slice %arg6[%add3A_245, %dma_start3A_246] : memref<256x31xf32, #tpu.memory_space<vmem>> -> memref<1x31xf32, #tpu.memory_space<vmem>>
          %dma_start3A_248 = arith.constant 0 : i32
          %dma_start3A_249 = tpu.memref_slice %arg3[%shift_right_logical3A_239, %and3A_241, %dma_start3A_248] : memref<125000x8x31xf32, #tpu.memory_space<hbm>> -> memref<1x1x31xf32, #tpu.memory_space<hbm>>
          %dma_start3A_250 = tpu.memref_squeeze %dma_start3A_249 : memref<1x1x31xf32, #tpu.memory_space<hbm>> -> memref<1x31xf32, #tpu.memory_space<hbm>>
          %dma_start3A_251 = arith.constant 0 : i32
          %dma_start3A_252 = tpu.memref_slice %arg6[%add3A_245, %dma_start3A_251] : memref<256x31xf32, #tpu.memory_space<vmem>> -> memref<1x31xf32, #tpu.memory_space<vmem>>
          %dma_start3A_253 = arith.constant 0 : i32
          %dma_start3A_254 = tpu.memref_slice %arg3[%shift_right_logical3A_239, %and3A_241, %dma_start3A_253] : memref<125000x8x31xf32, #tpu.memory_space<hbm>> -> memref<1x1x31xf32, #tpu.memory_space<hbm>>
          %dma_start3A_255 = tpu.memref_squeeze %dma_start3A_254 : memref<1x1x31xf32, #tpu.memory_space<hbm>> -> memref<1x31xf32, #tpu.memory_space<hbm>>
          tpu.enqueue_dma source(%dma_start3A_255 : memref<1x31xf32, #tpu.memory_space<hbm>>) target(%dma_start3A_252 : memref<1x31xf32, #tpu.memory_space<vmem>>) target_semaphore(%arg10 : memref<!tpu.dma_semaphore, #tpu.memory_space<semaphore_mem>>)
          %slice3A_256 = vector.extract_strided_slice %get3A_119 {offsets = [7], sizes = [1], strides = [1]} : vector<16xi32> to vector<1xi32>
          %squeeze3A_257 = vector.extract %slice3A_256[0] : i32 from vector<1xi32>
          %shift_right_logical3A_258 = arith.constant 3 : i32
          %shift_right_logical3A_259 = arith.shrui %squeeze3A_257, %shift_right_logical3A_258 : i32
          %and3A_260 = arith.constant 7 : i32
          %and3A_261 = arith.andi %squeeze3A_257, %and3A_260 : i32
          %mul3A_262 = arith.constant 16 : i32
          %mul3A_263 = arith.muli %add3A_113, %mul3A_262 : i32
          %add3A_264 = arith.constant 7 : i32
          %add3A_265 = arith.addi %mul3A_263, %add3A_264 : i32
          %dma_start3A_266 = arith.constant 0 : i32
          %dma_start3A_267 = tpu.memref_slice %arg6[%add3A_265, %dma_start3A_266] : memref<256x31xf32, #tpu.memory_space<vmem>> -> memref<1x31xf32, #tpu.memory_space<vmem>>
          %dma_start3A_268 = arith.constant 0 : i32
          %dma_start3A_269 = tpu.memref_slice %arg3[%shift_right_logical3A_259, %and3A_261, %dma_start3A_268] : memref<125000x8x31xf32, #tpu.memory_space<hbm>> -> memref<1x1x31xf32, #tpu.memory_space<hbm>>
          %dma_start3A_270 = tpu.memref_squeeze %dma_start3A_269 : memref<1x1x31xf32, #tpu.memory_space<hbm>> -> memref<1x31xf32, #tpu.memory_space<hbm>>
          %dma_start3A_271 = arith.constant 0 : i32
          %dma_start3A_272 = tpu.memref_slice %arg6[%add3A_265, %dma_start3A_271] : memref<256x31xf32, #tpu.memory_space<vmem>> -> memref<1x31xf32, #tpu.memory_space<vmem>>
          %dma_start3A_273 = arith.constant 0 : i32
          %dma_start3A_274 = tpu.memref_slice %arg3[%shift_right_logical3A_259, %and3A_261, %dma_start3A_273] : memref<125000x8x31xf32, #tpu.memory_space<hbm>> -> memref<1x1x31xf32, #tpu.memory_space<hbm>>
          %dma_start3A_275 = tpu.memref_squeeze %dma_start3A_274 : memref<1x1x31xf32, #tpu.memory_space<hbm>> -> memref<1x31xf32, #tpu.memory_space<hbm>>
          tpu.enqueue_dma source(%dma_start3A_275 : memref<1x31xf32, #tpu.memory_space<hbm>>) target(%dma_start3A_272 : memref<1x31xf32, #tpu.memory_space<vmem>>) target_semaphore(%arg10 : memref<!tpu.dma_semaphore, #tpu.memory_space<semaphore_mem>>)
          %slice3A_276 = vector.extract_strided_slice %get3A_119 {offsets = [8], sizes = [1], strides = [1]} : vector<16xi32> to vector<1xi32>
          %squeeze3A_277 = vector.extract %slice3A_276[0] : i32 from vector<1xi32>
          %shift_right_logical3A_278 = arith.constant 3 : i32
          %shift_right_logical3A_279 = arith.shrui %squeeze3A_277, %shift_right_logical3A_278 : i32
          %and3A_280 = arith.constant 7 : i32
          %and3A_281 = arith.andi %squeeze3A_277, %and3A_280 : i32
          %mul3A_282 = arith.constant 16 : i32
          %mul3A_283 = arith.muli %add3A_113, %mul3A_282 : i32
          %add3A_284 = arith.constant 8 : i32
          %add3A_285 = arith.addi %mul3A_283, %add3A_284 : i32
          %dma_start3A_286 = arith.constant 0 : i32
          %dma_start3A_287 = tpu.memref_slice %arg6[%add3A_285, %dma_start3A_286] : memref<256x31xf32, #tpu.memory_space<vmem>> -> memref<1x31xf32, #tpu.memory_space<vmem>>
          %dma_start3A_288 = arith.constant 0 : i32
          %dma_start3A_289 = tpu.memref_slice %arg3[%shift_right_logical3A_279, %and3A_281, %dma_start3A_288] : memref<125000x8x31xf32, #tpu.memory_space<hbm>> -> memref<1x1x31xf32, #tpu.memory_space<hbm>>
          %dma_start3A_290 = tpu.memref_squeeze %dma_start3A_289 : memref<1x1x31xf32, #tpu.memory_space<hbm>> -> memref<1x31xf32, #tpu.memory_space<hbm>>
          %dma_start3A_291 = arith.constant 0 : i32
          %dma_start3A_292 = tpu.memref_slice %arg6[%add3A_285, %dma_start3A_291] : memref<256x31xf32, #tpu.memory_space<vmem>> -> memref<1x31xf32, #tpu.memory_space<vmem>>
          %dma_start3A_293 = arith.constant 0 : i32
          %dma_start3A_294 = tpu.memref_slice %arg3[%shift_right_logical3A_279, %and3A_281, %dma_start3A_293] : memref<125000x8x31xf32, #tpu.memory_space<hbm>> -> memref<1x1x31xf32, #tpu.memory_space<hbm>>
          %dma_start3A_295 = tpu.memref_squeeze %dma_start3A_294 : memref<1x1x31xf32, #tpu.memory_space<hbm>> -> memref<1x31xf32, #tpu.memory_space<hbm>>
          tpu.enqueue_dma source(%dma_start3A_295 : memref<1x31xf32, #tpu.memory_space<hbm>>) target(%dma_start3A_292 : memref<1x31xf32, #tpu.memory_space<vmem>>) target_semaphore(%arg10 : memref<!tpu.dma_semaphore, #tpu.memory_space<semaphore_mem>>)
          %slice3A_296 = vector.extract_strided_slice %get3A_119 {offsets = [9], sizes = [1], strides = [1]} : vector<16xi32> to vector<1xi32>
          %squeeze3A_297 = vector.extract %slice3A_296[0] : i32 from vector<1xi32>
          %shift_right_logical3A_298 = arith.constant 3 : i32
          %shift_right_logical3A_299 = arith.shrui %squeeze3A_297, %shift_right_logical3A_298 : i32
          %and3A_300 = arith.constant 7 : i32
          %and3A_301 = arith.andi %squeeze3A_297, %and3A_300 : i32
          %mul3A_302 = arith.constant 16 : i32
          %mul3A_303 = arith.muli %add3A_113, %mul3A_302 : i32
          %add3A_304 = arith.constant 9 : i32
          %add3A_305 = arith.addi %mul3A_303, %add3A_304 : i32
          %dma_start3A_306 = arith.constant 0 : i32
          %dma_start3A_307 = tpu.memref_slice %arg6[%add3A_305, %dma_start3A_306] : memref<256x31xf32, #tpu.memory_space<vmem>> -> memref<1x31xf32, #tpu.memory_space<vmem>>
          %dma_start3A_308 = arith.constant 0 : i32
          %dma_start3A_309 = tpu.memref_slice %arg3[%shift_right_logical3A_299, %and3A_301, %dma_start3A_308] : memref<125000x8x31xf32, #tpu.memory_space<hbm>> -> memref<1x1x31xf32, #tpu.memory_space<hbm>>
          %dma_start3A_310 = tpu.memref_squeeze %dma_start3A_309 : memref<1x1x31xf32, #tpu.memory_space<hbm>> -> memref<1x31xf32, #tpu.memory_space<hbm>>
          %dma_start3A_311 = arith.constant 0 : i32
          %dma_start3A_312 = tpu.memref_slice %arg6[%add3A_305, %dma_start3A_311] : memref<256x31xf32, #tpu.memory_space<vmem>> -> memref<1x31xf32, #tpu.memory_space<vmem>>
          %dma_start3A_313 = arith.constant 0 : i32
          %dma_start3A_314 = tpu.memref_slice %arg3[%shift_right_logical3A_299, %and3A_301, %dma_start3A_313] : memref<125000x8x31xf32, #tpu.memory_space<hbm>> -> memref<1x1x31xf32, #tpu.memory_space<hbm>>
          %dma_start3A_315 = tpu.memref_squeeze %dma_start3A_314 : memref<1x1x31xf32, #tpu.memory_space<hbm>> -> memref<1x31xf32, #tpu.memory_space<hbm>>
          tpu.enqueue_dma source(%dma_start3A_315 : memref<1x31xf32, #tpu.memory_space<hbm>>) target(%dma_start3A_312 : memref<1x31xf32, #tpu.memory_space<vmem>>) target_semaphore(%arg10 : memref<!tpu.dma_semaphore, #tpu.memory_space<semaphore_mem>>)
          %slice3A_316 = vector.extract_strided_slice %get3A_119 {offsets = [10], sizes = [1], strides = [1]} : vector<16xi32> to vector<1xi32>
          %squeeze3A_317 = vector.extract %slice3A_316[0] : i32 from vector<1xi32>
          %shift_right_logical3A_318 = arith.constant 3 : i32
          %shift_right_logical3A_319 = arith.shrui %squeeze3A_317, %shift_right_logical3A_318 : i32
          %and3A_320 = arith.constant 7 : i32
          %and3A_321 = arith.andi %squeeze3A_317, %and3A_320 : i32
          %mul3A_322 = arith.constant 16 : i32
          %mul3A_323 = arith.muli %add3A_113, %mul3A_322 : i32
          %add3A_324 = arith.constant 10 : i32
          %add3A_325 = arith.addi %mul3A_323, %add3A_324 : i32
          %dma_start3A_326 = arith.constant 0 : i32
          %dma_start3A_327 = tpu.memref_slice %arg6[%add3A_325, %dma_start3A_326] : memref<256x31xf32, #tpu.memory_space<vmem>> -> memref<1x31xf32, #tpu.memory_space<vmem>>
          %dma_start3A_328 = arith.constant 0 : i32
          %dma_start3A_329 = tpu.memref_slice %arg3[%shift_right_logical3A_319, %and3A_321, %dma_start3A_328] : memref<125000x8x31xf32, #tpu.memory_space<hbm>> -> memref<1x1x31xf32, #tpu.memory_space<hbm>>
          %dma_start3A_330 = tpu.memref_squeeze %dma_start3A_329 : memref<1x1x31xf32, #tpu.memory_space<hbm>> -> memref<1x31xf32, #tpu.memory_space<hbm>>
          %dma_start3A_331 = arith.constant 0 : i32
          %dma_start3A_332 = tpu.memref_slice %arg6[%add3A_325, %dma_start3A_331] : memref<256x31xf32, #tpu.memory_space<vmem>> -> memref<1x31xf32, #tpu.memory_space<vmem>>
          %dma_start3A_333 = arith.constant 0 : i32
          %dma_start3A_334 = tpu.memref_slice %arg3[%shift_right_logical3A_319, %and3A_321, %dma_start3A_333] : memref<125000x8x31xf32, #tpu.memory_space<hbm>> -> memref<1x1x31xf32, #tpu.memory_space<hbm>>
          %dma_start3A_335 = tpu.memref_squeeze %dma_start3A_334 : memref<1x1x31xf32, #tpu.memory_space<hbm>> -> memref<1x31xf32, #tpu.memory_space<hbm>>
          tpu.enqueue_dma source(%dma_start3A_335 : memref<1x31xf32, #tpu.memory_space<hbm>>) target(%dma_start3A_332 : memref<1x31xf32, #tpu.memory_space<vmem>>) target_semaphore(%arg10 : memref<!tpu.dma_semaphore, #tpu.memory_space<semaphore_mem>>)
          %slice3A_336 = vector.extract_strided_slice %get3A_119 {offsets = [11], sizes = [1], strides = [1]} : vector<16xi32> to vector<1xi32>
          %squeeze3A_337 = vector.extract %slice3A_336[0] : i32 from vector<1xi32>
          %shift_right_logical3A_338 = arith.constant 3 : i32
          %shift_right_logical3A_339 = arith.shrui %squeeze3A_337, %shift_right_logical3A_338 : i32
          %and3A_340 = arith.constant 7 : i32
          %and3A_341 = arith.andi %squeeze3A_337, %and3A_340 : i32
          %mul3A_342 = arith.constant 16 : i32
          %mul3A_343 = arith.muli %add3A_113, %mul3A_342 : i32
          %add3A_344 = arith.constant 11 : i32
          %add3A_345 = arith.addi %mul3A_343, %add3A_344 : i32
          %dma_start3A_346 = arith.constant 0 : i32
          %dma_start3A_347 = tpu.memref_slice %arg6[%add3A_345, %dma_start3A_346] : memref<256x31xf32, #tpu.memory_space<vmem>> -> memref<1x31xf32, #tpu.memory_space<vmem>>
          %dma_start3A_348 = arith.constant 0 : i32
          %dma_start3A_349 = tpu.memref_slice %arg3[%shift_right_logical3A_339, %and3A_341, %dma_start3A_348] : memref<125000x8x31xf32, #tpu.memory_space<hbm>> -> memref<1x1x31xf32, #tpu.memory_space<hbm>>
          %dma_start3A_350 = tpu.memref_squeeze %dma_start3A_349 : memref<1x1x31xf32, #tpu.memory_space<hbm>> -> memref<1x31xf32, #tpu.memory_space<hbm>>
          %dma_start3A_351 = arith.constant 0 : i32
          %dma_start3A_352 = tpu.memref_slice %arg6[%add3A_345, %dma_start3A_351] : memref<256x31xf32, #tpu.memory_space<vmem>> -> memref<1x31xf32, #tpu.memory_space<vmem>>
          %dma_start3A_353 = arith.constant 0 : i32
          %dma_start3A_354 = tpu.memref_slice %arg3[%shift_right_logical3A_339, %and3A_341, %dma_start3A_353] : memref<125000x8x31xf32, #tpu.memory_space<hbm>> -> memref<1x1x31xf32, #tpu.memory_space<hbm>>
          %dma_start3A_355 = tpu.memref_squeeze %dma_start3A_354 : memref<1x1x31xf32, #tpu.memory_space<hbm>> -> memref<1x31xf32, #tpu.memory_space<hbm>>
          tpu.enqueue_dma source(%dma_start3A_355 : memref<1x31xf32, #tpu.memory_space<hbm>>) target(%dma_start3A_352 : memref<1x31xf32, #tpu.memory_space<vmem>>) target_semaphore(%arg10 : memref<!tpu.dma_semaphore, #tpu.memory_space<semaphore_mem>>)
          %slice3A_356 = vector.extract_strided_slice %get3A_119 {offsets = [12], sizes = [1], strides = [1]} : vector<16xi32> to vector<1xi32>
          %squeeze3A_357 = vector.extract %slice3A_356[0] : i32 from vector<1xi32>
          %shift_right_logical3A_358 = arith.constant 3 : i32
          %shift_right_logical3A_359 = arith.shrui %squeeze3A_357, %shift_right_logical3A_358 : i32
          %and3A_360 = arith.constant 7 : i32
          %and3A_361 = arith.andi %squeeze3A_357, %and3A_360 : i32
          %mul3A_362 = arith.constant 16 : i32
          %mul3A_363 = arith.muli %add3A_113, %mul3A_362 : i32
          %add3A_364 = arith.constant 12 : i32
          %add3A_365 = arith.addi %mul3A_363, %add3A_364 : i32
          %dma_start3A_366 = arith.constant 0 : i32
          %dma_start3A_367 = tpu.memref_slice %arg6[%add3A_365, %dma_start3A_366] : memref<256x31xf32, #tpu.memory_space<vmem>> -> memref<1x31xf32, #tpu.memory_space<vmem>>
          %dma_start3A_368 = arith.constant 0 : i32
          %dma_start3A_369 = tpu.memref_slice %arg3[%shift_right_logical3A_359, %and3A_361, %dma_start3A_368] : memref<125000x8x31xf32, #tpu.memory_space<hbm>> -> memref<1x1x31xf32, #tpu.memory_space<hbm>>
          %dma_start3A_370 = tpu.memref_squeeze %dma_start3A_369 : memref<1x1x31xf32, #tpu.memory_space<hbm>> -> memref<1x31xf32, #tpu.memory_space<hbm>>
          %dma_start3A_371 = arith.constant 0 : i32
          %dma_start3A_372 = tpu.memref_slice %arg6[%add3A_365, %dma_start3A_371] : memref<256x31xf32, #tpu.memory_space<vmem>> -> memref<1x31xf32, #tpu.memory_space<vmem>>
          %dma_start3A_373 = arith.constant 0 : i32
          %dma_start3A_374 = tpu.memref_slice %arg3[%shift_right_logical3A_359, %and3A_361, %dma_start3A_373] : memref<125000x8x31xf32, #tpu.memory_space<hbm>> -> memref<1x1x31xf32, #tpu.memory_space<hbm>>
          %dma_start3A_375 = tpu.memref_squeeze %dma_start3A_374 : memref<1x1x31xf32, #tpu.memory_space<hbm>> -> memref<1x31xf32, #tpu.memory_space<hbm>>
          tpu.enqueue_dma source(%dma_start3A_375 : memref<1x31xf32, #tpu.memory_space<hbm>>) target(%dma_start3A_372 : memref<1x31xf32, #tpu.memory_space<vmem>>) target_semaphore(%arg10 : memref<!tpu.dma_semaphore, #tpu.memory_space<semaphore_mem>>)
          %slice3A_376 = vector.extract_strided_slice %get3A_119 {offsets = [13], sizes = [1], strides = [1]} : vector<16xi32> to vector<1xi32>
          %squeeze3A_377 = vector.extract %slice3A_376[0] : i32 from vector<1xi32>
          %shift_right_logical3A_378 = arith.constant 3 : i32
          %shift_right_logical3A_379 = arith.shrui %squeeze3A_377, %shift_right_logical3A_378 : i32
          %and3A_380 = arith.constant 7 : i32
          %and3A_381 = arith.andi %squeeze3A_377, %and3A_380 : i32
          %mul3A_382 = arith.constant 16 : i32
          %mul3A_383 = arith.muli %add3A_113, %mul3A_382 : i32
          %add3A_384 = arith.constant 13 : i32
          %add3A_385 = arith.addi %mul3A_383, %add3A_384 : i32
          %dma_start3A_386 = arith.constant 0 : i32
          %dma_start3A_387 = tpu.memref_slice %arg6[%add3A_385, %dma_start3A_386] : memref<256x31xf32, #tpu.memory_space<vmem>> -> memref<1x31xf32, #tpu.memory_space<vmem>>
          %dma_start3A_388 = arith.constant 0 : i32
          %dma_start3A_389 = tpu.memref_slice %arg3[%shift_right_logical3A_379, %and3A_381, %dma_start3A_388] : memref<125000x8x31xf32, #tpu.memory_space<hbm>> -> memref<1x1x31xf32, #tpu.memory_space<hbm>>
          %dma_start3A_390 = tpu.memref_squeeze %dma_start3A_389 : memref<1x1x31xf32, #tpu.memory_space<hbm>> -> memref<1x31xf32, #tpu.memory_space<hbm>>
          %dma_start3A_391 = arith.constant 0 : i32
          %dma_start3A_392 = tpu.memref_slice %arg6[%add3A_385, %dma_start3A_391] : memref<256x31xf32, #tpu.memory_space<vmem>> -> memref<1x31xf32, #tpu.memory_space<vmem>>
          %dma_start3A_393 = arith.constant 0 : i32
          %dma_start3A_394 = tpu.memref_slice %arg3[%shift_right_logical3A_379, %and3A_381, %dma_start3A_393] : memref<125000x8x31xf32, #tpu.memory_space<hbm>> -> memref<1x1x31xf32, #tpu.memory_space<hbm>>
          %dma_start3A_395 = tpu.memref_squeeze %dma_start3A_394 : memref<1x1x31xf32, #tpu.memory_space<hbm>> -> memref<1x31xf32, #tpu.memory_space<hbm>>
          tpu.enqueue_dma source(%dma_start3A_395 : memref<1x31xf32, #tpu.memory_space<hbm>>) target(%dma_start3A_392 : memref<1x31xf32, #tpu.memory_space<vmem>>) target_semaphore(%arg10 : memref<!tpu.dma_semaphore, #tpu.memory_space<semaphore_mem>>)
          %slice3A_396 = vector.extract_strided_slice %get3A_119 {offsets = [14], sizes = [1], strides = [1]} : vector<16xi32> to vector<1xi32>
          %squeeze3A_397 = vector.extract %slice3A_396[0] : i32 from vector<1xi32>
          %shift_right_logical3A_398 = arith.constant 3 : i32
          %shift_right_logical3A_399 = arith.shrui %squeeze3A_397, %shift_right_logical3A_398 : i32
          %and3A_400 = arith.constant 7 : i32
          %and3A_401 = arith.andi %squeeze3A_397, %and3A_400 : i32
          %mul3A_402 = arith.constant 16 : i32
          %mul3A_403 = arith.muli %add3A_113, %mul3A_402 : i32
          %add3A_404 = arith.constant 14 : i32
          %add3A_405 = arith.addi %mul3A_403, %add3A_404 : i32
          %dma_start3A_406 = arith.constant 0 : i32
          %dma_start3A_407 = tpu.memref_slice %arg6[%add3A_405, %dma_start3A_406] : memref<256x31xf32, #tpu.memory_space<vmem>> -> memref<1x31xf32, #tpu.memory_space<vmem>>
          %dma_start3A_408 = arith.constant 0 : i32
          %dma_start3A_409 = tpu.memref_slice %arg3[%shift_right_logical3A_399, %and3A_401, %dma_start3A_408] : memref<125000x8x31xf32, #tpu.memory_space<hbm>> -> memref<1x1x31xf32, #tpu.memory_space<hbm>>
          %dma_start3A_410 = tpu.memref_squeeze %dma_start3A_409 : memref<1x1x31xf32, #tpu.memory_space<hbm>> -> memref<1x31xf32, #tpu.memory_space<hbm>>
          %dma_start3A_411 = arith.constant 0 : i32
          %dma_start3A_412 = tpu.memref_slice %arg6[%add3A_405, %dma_start3A_411] : memref<256x31xf32, #tpu.memory_space<vmem>> -> memref<1x31xf32, #tpu.memory_space<vmem>>
          %dma_start3A_413 = arith.constant 0 : i32
          %dma_start3A_414 = tpu.memref_slice %arg3[%shift_right_logical3A_399, %and3A_401, %dma_start3A_413] : memref<125000x8x31xf32, #tpu.memory_space<hbm>> -> memref<1x1x31xf32, #tpu.memory_space<hbm>>
          %dma_start3A_415 = tpu.memref_squeeze %dma_start3A_414 : memref<1x1x31xf32, #tpu.memory_space<hbm>> -> memref<1x31xf32, #tpu.memory_space<hbm>>
          tpu.enqueue_dma source(%dma_start3A_415 : memref<1x31xf32, #tpu.memory_space<hbm>>) target(%dma_start3A_412 : memref<1x31xf32, #tpu.memory_space<vmem>>) target_semaphore(%arg10 : memref<!tpu.dma_semaphore, #tpu.memory_space<semaphore_mem>>)
          %slice3A_416 = vector.extract_strided_slice %get3A_119 {offsets = [15], sizes = [1], strides = [1]} : vector<16xi32> to vector<1xi32>
          %squeeze3A_417 = vector.extract %slice3A_416[0] : i32 from vector<1xi32>
          %shift_right_logical3A_418 = arith.constant 3 : i32
          %shift_right_logical3A_419 = arith.shrui %squeeze3A_417, %shift_right_logical3A_418 : i32
          %and3A_420 = arith.constant 7 : i32
          %and3A_421 = arith.andi %squeeze3A_417, %and3A_420 : i32
          %mul3A_422 = arith.constant 16 : i32
          %mul3A_423 = arith.muli %add3A_113, %mul3A_422 : i32
          %add3A_424 = arith.constant 15 : i32
          %add3A_425 = arith.addi %mul3A_423, %add3A_424 : i32
          %dma_start3A_426 = arith.constant 0 : i32
          %dma_start3A_427 = tpu.memref_slice %arg6[%add3A_425, %dma_start3A_426] : memref<256x31xf32, #tpu.memory_space<vmem>> -> memref<1x31xf32, #tpu.memory_space<vmem>>
          %dma_start3A_428 = arith.constant 0 : i32
          %dma_start3A_429 = tpu.memref_slice %arg3[%shift_right_logical3A_419, %and3A_421, %dma_start3A_428] : memref<125000x8x31xf32, #tpu.memory_space<hbm>> -> memref<1x1x31xf32, #tpu.memory_space<hbm>>
          %dma_start3A_430 = tpu.memref_squeeze %dma_start3A_429 : memref<1x1x31xf32, #tpu.memory_space<hbm>> -> memref<1x31xf32, #tpu.memory_space<hbm>>
          %dma_start3A_431 = arith.constant 0 : i32
          %dma_start3A_432 = tpu.memref_slice %arg6[%add3A_425, %dma_start3A_431] : memref<256x31xf32, #tpu.memory_space<vmem>> -> memref<1x31xf32, #tpu.memory_space<vmem>>
          %dma_start3A_433 = arith.constant 0 : i32
          %dma_start3A_434 = tpu.memref_slice %arg3[%shift_right_logical3A_419, %and3A_421, %dma_start3A_433] : memref<125000x8x31xf32, #tpu.memory_space<hbm>> -> memref<1x1x31xf32, #tpu.memory_space<hbm>>
          %dma_start3A_435 = tpu.memref_squeeze %dma_start3A_434 : memref<1x1x31xf32, #tpu.memory_space<hbm>> -> memref<1x31xf32, #tpu.memory_space<hbm>>
          tpu.enqueue_dma source(%dma_start3A_435 : memref<1x31xf32, #tpu.memory_space<hbm>>) target(%dma_start3A_432 : memref<1x31xf32, #tpu.memory_space<vmem>>) target_semaphore(%arg10 : memref<!tpu.dma_semaphore, #tpu.memory_space<semaphore_mem>>)
        }
        %scan3A_108 = arith.constant 16 : i32
      } else {
      }
      %mul3A_65 = arith.constant 2 : i32
      %mul3A_66 = arith.muli %add3A_32, %mul3A_65 : i32
      %add3A_67 = arith.constant 1 : i32
      %add3A_68 = arith.addi %mul3A_66, %add3A_67 : i32
      %dma_wait3A_69 = arith.constant 0 : i32
      %dma_wait3A_70 = arith.constant 0 : i32
      %dma_wait3A_71 = arith.constant 0 : i32
      %dma_wait3A_72 = tpu.memref_slice %arg3[%dma_wait3A_70, %dma_wait3A_69, %dma_wait3A_71] : memref<125000x8x31xf32, #tpu.memory_space<hbm>> -> memref<256x1x31xf32, #tpu.memory_space<hbm>>
      %dma_wait3A_73 = tpu.memref_squeeze %dma_wait3A_72 : memref<256x1x31xf32, #tpu.memory_space<hbm>> -> memref<256x31xf32, #tpu.memory_space<hbm>>
      %dma_wait3A_74 = arith.constant 0 : i32
      %dma_wait3A_75 = arith.constant 0 : i32
      %dma_wait3A_76 = tpu.memref_slice %arg3[%dma_wait3A_74, %dma_wait3A_69, %dma_wait3A_75] : memref<125000x8x31xf32, #tpu.memory_space<hbm>> -> memref<256x1x31xf32, #tpu.memory_space<hbm>>
      %dma_wait3A_77 = tpu.memref_squeeze %dma_wait3A_76 : memref<256x1x31xf32, #tpu.memory_space<hbm>> -> memref<256x31xf32, #tpu.memory_space<hbm>>
      tpu.wait_dma2 semaphore(%arg11 : memref<!tpu.dma_semaphore, #tpu.memory_space<semaphore_mem>>) src(%dma_wait3A_77 : memref<256x31xf32, #tpu.memory_space<hbm>>) dst(%arg7 : memref<256x31xf32, #tpu.memory_space<vmem>>)
      %ge3A_78 = arith.constant 2 : i32
      %ge3A_79 = arith.cmpi sge, %add3A_68, %ge3A_78 : i32
      %convert_element_type3A_80 = arith.extui %ge3A_79 : i1 to i32
      %cond3A_81 = arith.constant 0 : i32
      %cond3A_82 = arith.cmpi ne, %convert_element_type3A_80, %cond3A_81 : i32
      scf.if %cond3A_82 {
        %sub3A = arith.constant 2 : i32
        %sub3A_102 = arith.subi %add3A_68, %sub3A : i32
        %mul3A_103 = arith.constant 256 : i32
        %mul3A_104 = arith.muli %sub3A_102, %mul3A_103 : i32
        %add3A_105 = arith.addi %mul3A_2, %mul3A_104 : i32
        %mul3A_106 = arith.constant 32 : i32
        %mul3A_107 = arith.muli %add3A_105, %mul3A_106 : i32
        %dma_wait3A_108 = tpu.memref_slice %arg4[%mul3A_107] : memref<26214400xf32, #tpu.memory_space<hbm>> -> memref<8192xf32, #tpu.memory_space<hbm>>
        %dma_wait3A_109 = tpu.memref_slice %arg4[%mul3A_107] : memref<26214400xf32, #tpu.memory_space<hbm>> -> memref<8192xf32, #tpu.memory_space<hbm>>
        tpu.wait_dma2 semaphore(%arg13 : memref<!tpu.dma_semaphore, #tpu.memory_space<semaphore_mem>>) src(%arg9 : memref<8192xf32, #tpu.memory_space<vmem>>) dst(%dma_wait3A_109 : memref<8192xf32, #tpu.memory_space<hbm>>)
      } else {
      }
      %scan3A_83 = arith.constant 0 : i32
      %scan3A_84 = arith.constant 16 : i32
      %scan3A_85 = arith.addi %scan3A_83, %scan3A_84 : i32
      %scan3A_86 = arith.constant 1 : i32
      scf.for %scan3A_102 = %scan3A_83 to %scan3A_85 step %scan3A_86  : i32 {
        %mul3A_103 = arith.constant 1 : i32
        %mul3A_104 = arith.muli %scan3A_102, %mul3A_103 : i32
        %add3A_105 = arith.constant 0 : i32
        %add3A_106 = arith.addi %add3A_105, %mul3A_104 : i32
        %mul3A_107 = arith.constant 16 : i32
        %mul3A_108 = arith.muli %add3A_106, %mul3A_107 : i32
        %add3A_109 = vector.broadcast %mul3A_108 : i32 to vector<16xi32>
        %add3A_110 = arith.addi %iota3A, %add3A_109 : vector<16xi32>
        %mul3A_111 = arith.constant 32 : i32
        %mul3A_112 = vector.broadcast %mul3A_111 : i32 to vector<16xi32>
        %mul3A_113 = arith.muli %add3A_110, %mul3A_112 : vector<16xi32>
        %broadcast_in_dim3A = arith.constant 0.000000e+00 : f32
        %broadcast_in_dim3A_114 = vector.broadcast %broadcast_in_dim3A : f32 to vector<16xf32>
        %broadcast_in_dim3A_115 = arith.constant 0 : i32
        %broadcast_in_dim3A_116 = vector.broadcast %broadcast_in_dim3A_115 : i32 to vector<16xi32>
        %gather3A = tpu.vector_load_idx %arg7[%add3A_110, %broadcast_in_dim3A_116] : memref<256x31xf32, #tpu.memory_space<vmem>>[vector<16xi32>, vector<16xi32>], vector<16xf32>,
        %mul3A_117 = arith.mulf %gather3A, %gather3A : vector<16xf32>
        %add3A_118 = arith.addf %broadcast_in_dim3A_114, %mul3A_117 : vector<16xf32>
        %broadcast_in_dim3A_119 = arith.constant 1 : i32
        %broadcast_in_dim3A_120 = vector.broadcast %broadcast_in_dim3A_119 : i32 to vector<16xi32>
        %gather3A_121 = tpu.vector_load_idx %arg7[%add3A_110, %broadcast_in_dim3A_120] : memref<256x31xf32, #tpu.memory_space<vmem>>[vector<16xi32>, vector<16xi32>], vector<16xf32>,
        %mul3A_122 = arith.mulf %gather3A_121, %gather3A_121 : vector<16xf32>
        %add3A_123 = arith.addf %add3A_118, %mul3A_122 : vector<16xf32>
        %broadcast_in_dim3A_124 = arith.constant 2 : i32
        %broadcast_in_dim3A_125 = vector.broadcast %broadcast_in_dim3A_124 : i32 to vector<16xi32>
        %gather3A_126 = tpu.vector_load_idx %arg7[%add3A_110, %broadcast_in_dim3A_125] : memref<256x31xf32, #tpu.memory_space<vmem>>[vector<16xi32>, vector<16xi32>], vector<16xf32>,
        %mul3A_127 = arith.mulf %gather3A_126, %gather3A_126 : vector<16xf32>
        %add3A_128 = arith.addf %add3A_123, %mul3A_127 : vector<16xf32>
        %broadcast_in_dim3A_129 = arith.constant 3 : i32
        %broadcast_in_dim3A_130 = vector.broadcast %broadcast_in_dim3A_129 : i32 to vector<16xi32>
        %gather3A_131 = tpu.vector_load_idx %arg7[%add3A_110, %broadcast_in_dim3A_130] : memref<256x31xf32, #tpu.memory_space<vmem>>[vector<16xi32>, vector<16xi32>], vector<16xf32>,
        %mul3A_132 = arith.mulf %gather3A_131, %gather3A_131 : vector<16xf32>
        %add3A_133 = arith.addf %add3A_128, %mul3A_132 : vector<16xf32>
        %broadcast_in_dim3A_134 = arith.constant 4 : i32
        %broadcast_in_dim3A_135 = vector.broadcast %broadcast_in_dim3A_134 : i32 to vector<16xi32>
        %gather3A_136 = tpu.vector_load_idx %arg7[%add3A_110, %broadcast_in_dim3A_135] : memref<256x31xf32, #tpu.memory_space<vmem>>[vector<16xi32>, vector<16xi32>], vector<16xf32>,
        %mul3A_137 = arith.mulf %gather3A_136, %gather3A_136 : vector<16xf32>
        %add3A_138 = arith.addf %add3A_133, %mul3A_137 : vector<16xf32>
        %broadcast_in_dim3A_139 = arith.constant 5 : i32
        %broadcast_in_dim3A_140 = vector.broadcast %broadcast_in_dim3A_139 : i32 to vector<16xi32>
        %gather3A_141 = tpu.vector_load_idx %arg7[%add3A_110, %broadcast_in_dim3A_140] : memref<256x31xf32, #tpu.memory_space<vmem>>[vector<16xi32>, vector<16xi32>], vector<16xf32>,
        %mul3A_142 = arith.mulf %gather3A_141, %gather3A_141 : vector<16xf32>
        %add3A_143 = arith.addf %add3A_138, %mul3A_142 : vector<16xf32>
        %broadcast_in_dim3A_144 = arith.constant 6 : i32
        %broadcast_in_dim3A_145 = vector.broadcast %broadcast_in_dim3A_144 : i32 to vector<16xi32>
        %gather3A_146 = tpu.vector_load_idx %arg7[%add3A_110, %broadcast_in_dim3A_145] : memref<256x31xf32, #tpu.memory_space<vmem>>[vector<16xi32>, vector<16xi32>], vector<16xf32>,
        %mul3A_147 = arith.mulf %gather3A_146, %gather3A_146 : vector<16xf32>
        %add3A_148 = arith.addf %add3A_143, %mul3A_147 : vector<16xf32>
        %broadcast_in_dim3A_149 = arith.constant 7 : i32
        %broadcast_in_dim3A_150 = vector.broadcast %broadcast_in_dim3A_149 : i32 to vector<16xi32>
        %gather3A_151 = tpu.vector_load_idx %arg7[%add3A_110, %broadcast_in_dim3A_150] : memref<256x31xf32, #tpu.memory_space<vmem>>[vector<16xi32>, vector<16xi32>], vector<16xf32>,
        %mul3A_152 = arith.mulf %gather3A_151, %gather3A_151 : vector<16xf32>
        %add3A_153 = arith.addf %add3A_148, %mul3A_152 : vector<16xf32>
        %broadcast_in_dim3A_154 = arith.constant 8 : i32
        %broadcast_in_dim3A_155 = vector.broadcast %broadcast_in_dim3A_154 : i32 to vector<16xi32>
        %gather3A_156 = tpu.vector_load_idx %arg7[%add3A_110, %broadcast_in_dim3A_155] : memref<256x31xf32, #tpu.memory_space<vmem>>[vector<16xi32>, vector<16xi32>], vector<16xf32>,
        %mul3A_157 = arith.mulf %gather3A_156, %gather3A_156 : vector<16xf32>
        %add3A_158 = arith.addf %add3A_153, %mul3A_157 : vector<16xf32>
        %broadcast_in_dim3A_159 = arith.constant 9 : i32
        %broadcast_in_dim3A_160 = vector.broadcast %broadcast_in_dim3A_159 : i32 to vector<16xi32>
        %gather3A_161 = tpu.vector_load_idx %arg7[%add3A_110, %broadcast_in_dim3A_160] : memref<256x31xf32, #tpu.memory_space<vmem>>[vector<16xi32>, vector<16xi32>], vector<16xf32>,
        %mul3A_162 = arith.mulf %gather3A_161, %gather3A_161 : vector<16xf32>
        %add3A_163 = arith.addf %add3A_158, %mul3A_162 : vector<16xf32>
        %broadcast_in_dim3A_164 = arith.constant 10 : i32
        %broadcast_in_dim3A_165 = vector.broadcast %broadcast_in_dim3A_164 : i32 to vector<16xi32>
        %gather3A_166 = tpu.vector_load_idx %arg7[%add3A_110, %broadcast_in_dim3A_165] : memref<256x31xf32, #tpu.memory_space<vmem>>[vector<16xi32>, vector<16xi32>], vector<16xf32>,
        %mul3A_167 = arith.mulf %gather3A_166, %gather3A_166 : vector<16xf32>
        %add3A_168 = arith.addf %add3A_163, %mul3A_167 : vector<16xf32>
        %broadcast_in_dim3A_169 = arith.constant 11 : i32
        %broadcast_in_dim3A_170 = vector.broadcast %broadcast_in_dim3A_169 : i32 to vector<16xi32>
        %gather3A_171 = tpu.vector_load_idx %arg7[%add3A_110, %broadcast_in_dim3A_170] : memref<256x31xf32, #tpu.memory_space<vmem>>[vector<16xi32>, vector<16xi32>], vector<16xf32>,
        %mul3A_172 = arith.mulf %gather3A_171, %gather3A_171 : vector<16xf32>
        %add3A_173 = arith.addf %add3A_168, %mul3A_172 : vector<16xf32>
        %broadcast_in_dim3A_174 = arith.constant 12 : i32
        %broadcast_in_dim3A_175 = vector.broadcast %broadcast_in_dim3A_174 : i32 to vector<16xi32>
        %gather3A_176 = tpu.vector_load_idx %arg7[%add3A_110, %broadcast_in_dim3A_175] : memref<256x31xf32, #tpu.memory_space<vmem>>[vector<16xi32>, vector<16xi32>], vector<16xf32>,
        %mul3A_177 = arith.mulf %gather3A_176, %gather3A_176 : vector<16xf32>
        %add3A_178 = arith.addf %add3A_173, %mul3A_177 : vector<16xf32>
        %broadcast_in_dim3A_179 = arith.constant 13 : i32
        %broadcast_in_dim3A_180 = vector.broadcast %broadcast_in_dim3A_179 : i32 to vector<16xi32>
        %gather3A_181 = tpu.vector_load_idx %arg7[%add3A_110, %broadcast_in_dim3A_180] : memref<256x31xf32, #tpu.memory_space<vmem>>[vector<16xi32>, vector<16xi32>], vector<16xf32>,
        %mul3A_182 = arith.mulf %gather3A_181, %gather3A_181 : vector<16xf32>
        %add3A_183 = arith.addf %add3A_178, %mul3A_182 : vector<16xf32>
        %broadcast_in_dim3A_184 = arith.constant 14 : i32
        %broadcast_in_dim3A_185 = vector.broadcast %broadcast_in_dim3A_184 : i32 to vector<16xi32>
        %gather3A_186 = tpu.vector_load_idx %arg7[%add3A_110, %broadcast_in_dim3A_185] : memref<256x31xf32, #tpu.memory_space<vmem>>[vector<16xi32>, vector<16xi32>], vector<16xf32>,
        %mul3A_187 = arith.mulf %gather3A_186, %gather3A_186 : vector<16xf32>
        %add3A_188 = arith.addf %add3A_183, %mul3A_187 : vector<16xf32>
        %broadcast_in_dim3A_189 = arith.constant 15 : i32
        %broadcast_in_dim3A_190 = vector.broadcast %broadcast_in_dim3A_189 : i32 to vector<16xi32>
        %gather3A_191 = tpu.vector_load_idx %arg7[%add3A_110, %broadcast_in_dim3A_190] : memref<256x31xf32, #tpu.memory_space<vmem>>[vector<16xi32>, vector<16xi32>], vector<16xf32>,
        %mul3A_192 = arith.mulf %gather3A_191, %gather3A_191 : vector<16xf32>
        %add3A_193 = arith.addf %add3A_188, %mul3A_192 : vector<16xf32>
        %broadcast_in_dim3A_194 = arith.constant 16 : i32
        %broadcast_in_dim3A_195 = vector.broadcast %broadcast_in_dim3A_194 : i32 to vector<16xi32>
        %gather3A_196 = tpu.vector_load_idx %arg7[%add3A_110, %broadcast_in_dim3A_195] : memref<256x31xf32, #tpu.memory_space<vmem>>[vector<16xi32>, vector<16xi32>], vector<16xf32>,
        %mul3A_197 = arith.mulf %gather3A_196, %gather3A_196 : vector<16xf32>
        %add3A_198 = arith.addf %add3A_193, %mul3A_197 : vector<16xf32>
        %broadcast_in_dim3A_199 = arith.constant 17 : i32
        %broadcast_in_dim3A_200 = vector.broadcast %broadcast_in_dim3A_199 : i32 to vector<16xi32>
        %gather3A_201 = tpu.vector_load_idx %arg7[%add3A_110, %broadcast_in_dim3A_200] : memref<256x31xf32, #tpu.memory_space<vmem>>[vector<16xi32>, vector<16xi32>], vector<16xf32>,
        %mul3A_202 = arith.mulf %gather3A_201, %gather3A_201 : vector<16xf32>
        %add3A_203 = arith.addf %add3A_198, %mul3A_202 : vector<16xf32>
        %broadcast_in_dim3A_204 = arith.constant 18 : i32
        %broadcast_in_dim3A_205 = vector.broadcast %broadcast_in_dim3A_204 : i32 to vector<16xi32>
        %gather3A_206 = tpu.vector_load_idx %arg7[%add3A_110, %broadcast_in_dim3A_205] : memref<256x31xf32, #tpu.memory_space<vmem>>[vector<16xi32>, vector<16xi32>], vector<16xf32>,
        %mul3A_207 = arith.mulf %gather3A_206, %gather3A_206 : vector<16xf32>
        %add3A_208 = arith.addf %add3A_203, %mul3A_207 : vector<16xf32>
        %broadcast_in_dim3A_209 = arith.constant 19 : i32
        %broadcast_in_dim3A_210 = vector.broadcast %broadcast_in_dim3A_209 : i32 to vector<16xi32>
        %gather3A_211 = tpu.vector_load_idx %arg7[%add3A_110, %broadcast_in_dim3A_210] : memref<256x31xf32, #tpu.memory_space<vmem>>[vector<16xi32>, vector<16xi32>], vector<16xf32>,
        %mul3A_212 = arith.mulf %gather3A_211, %gather3A_211 : vector<16xf32>
        %add3A_213 = arith.addf %add3A_208, %mul3A_212 : vector<16xf32>
        %broadcast_in_dim3A_214 = arith.constant 20 : i32
        %broadcast_in_dim3A_215 = vector.broadcast %broadcast_in_dim3A_214 : i32 to vector<16xi32>
        %gather3A_216 = tpu.vector_load_idx %arg7[%add3A_110, %broadcast_in_dim3A_215] : memref<256x31xf32, #tpu.memory_space<vmem>>[vector<16xi32>, vector<16xi32>], vector<16xf32>,
        %mul3A_217 = arith.mulf %gather3A_216, %gather3A_216 : vector<16xf32>
        %add3A_218 = arith.addf %add3A_213, %mul3A_217 : vector<16xf32>
        %broadcast_in_dim3A_219 = arith.constant 21 : i32
        %broadcast_in_dim3A_220 = vector.broadcast %broadcast_in_dim3A_219 : i32 to vector<16xi32>
        %gather3A_221 = tpu.vector_load_idx %arg7[%add3A_110, %broadcast_in_dim3A_220] : memref<256x31xf32, #tpu.memory_space<vmem>>[vector<16xi32>, vector<16xi32>], vector<16xf32>,
        %mul3A_222 = arith.mulf %gather3A_221, %gather3A_221 : vector<16xf32>
        %add3A_223 = arith.addf %add3A_218, %mul3A_222 : vector<16xf32>
        %broadcast_in_dim3A_224 = arith.constant 22 : i32
        %broadcast_in_dim3A_225 = vector.broadcast %broadcast_in_dim3A_224 : i32 to vector<16xi32>
        %gather3A_226 = tpu.vector_load_idx %arg7[%add3A_110, %broadcast_in_dim3A_225] : memref<256x31xf32, #tpu.memory_space<vmem>>[vector<16xi32>, vector<16xi32>], vector<16xf32>,
        %mul3A_227 = arith.mulf %gather3A_226, %gather3A_226 : vector<16xf32>
        %add3A_228 = arith.addf %add3A_223, %mul3A_227 : vector<16xf32>
        %broadcast_in_dim3A_229 = arith.constant 23 : i32
        %broadcast_in_dim3A_230 = vector.broadcast %broadcast_in_dim3A_229 : i32 to vector<16xi32>
        %gather3A_231 = tpu.vector_load_idx %arg7[%add3A_110, %broadcast_in_dim3A_230] : memref<256x31xf32, #tpu.memory_space<vmem>>[vector<16xi32>, vector<16xi32>], vector<16xf32>,
        %mul3A_232 = arith.mulf %gather3A_231, %gather3A_231 : vector<16xf32>
        %add3A_233 = arith.addf %add3A_228, %mul3A_232 : vector<16xf32>
        %broadcast_in_dim3A_234 = arith.constant 24 : i32
        %broadcast_in_dim3A_235 = vector.broadcast %broadcast_in_dim3A_234 : i32 to vector<16xi32>
        %gather3A_236 = tpu.vector_load_idx %arg7[%add3A_110, %broadcast_in_dim3A_235] : memref<256x31xf32, #tpu.memory_space<vmem>>[vector<16xi32>, vector<16xi32>], vector<16xf32>,
        %mul3A_237 = arith.mulf %gather3A_236, %gather3A_236 : vector<16xf32>
        %add3A_238 = arith.addf %add3A_233, %mul3A_237 : vector<16xf32>
        %broadcast_in_dim3A_239 = arith.constant 25 : i32
        %broadcast_in_dim3A_240 = vector.broadcast %broadcast_in_dim3A_239 : i32 to vector<16xi32>
        %gather3A_241 = tpu.vector_load_idx %arg7[%add3A_110, %broadcast_in_dim3A_240] : memref<256x31xf32, #tpu.memory_space<vmem>>[vector<16xi32>, vector<16xi32>], vector<16xf32>,
        %mul3A_242 = arith.mulf %gather3A_241, %gather3A_241 : vector<16xf32>
        %add3A_243 = arith.addf %add3A_238, %mul3A_242 : vector<16xf32>
        %broadcast_in_dim3A_244 = arith.constant 26 : i32
        %broadcast_in_dim3A_245 = vector.broadcast %broadcast_in_dim3A_244 : i32 to vector<16xi32>
        %gather3A_246 = tpu.vector_load_idx %arg7[%add3A_110, %broadcast_in_dim3A_245] : memref<256x31xf32, #tpu.memory_space<vmem>>[vector<16xi32>, vector<16xi32>], vector<16xf32>,
        %mul3A_247 = arith.mulf %gather3A_246, %gather3A_246 : vector<16xf32>
        %add3A_248 = arith.addf %add3A_243, %mul3A_247 : vector<16xf32>
        %broadcast_in_dim3A_249 = arith.constant 27 : i32
        %broadcast_in_dim3A_250 = vector.broadcast %broadcast_in_dim3A_249 : i32 to vector<16xi32>
        %gather3A_251 = tpu.vector_load_idx %arg7[%add3A_110, %broadcast_in_dim3A_250] : memref<256x31xf32, #tpu.memory_space<vmem>>[vector<16xi32>, vector<16xi32>], vector<16xf32>,
        %mul3A_252 = arith.mulf %gather3A_251, %gather3A_251 : vector<16xf32>
        %add3A_253 = arith.addf %add3A_248, %mul3A_252 : vector<16xf32>
        %broadcast_in_dim3A_254 = arith.constant 28 : i32
        %broadcast_in_dim3A_255 = vector.broadcast %broadcast_in_dim3A_254 : i32 to vector<16xi32>
        %gather3A_256 = tpu.vector_load_idx %arg7[%add3A_110, %broadcast_in_dim3A_255] : memref<256x31xf32, #tpu.memory_space<vmem>>[vector<16xi32>, vector<16xi32>], vector<16xf32>,
        %mul3A_257 = arith.mulf %gather3A_256, %gather3A_256 : vector<16xf32>
        %add3A_258 = arith.addf %add3A_253, %mul3A_257 : vector<16xf32>
        %broadcast_in_dim3A_259 = arith.constant 29 : i32
        %broadcast_in_dim3A_260 = vector.broadcast %broadcast_in_dim3A_259 : i32 to vector<16xi32>
        %gather3A_261 = tpu.vector_load_idx %arg7[%add3A_110, %broadcast_in_dim3A_260] : memref<256x31xf32, #tpu.memory_space<vmem>>[vector<16xi32>, vector<16xi32>], vector<16xf32>,
        %mul3A_262 = arith.mulf %gather3A_261, %gather3A_261 : vector<16xf32>
        %add3A_263 = arith.addf %add3A_258, %mul3A_262 : vector<16xf32>
        %broadcast_in_dim3A_264 = arith.constant 30 : i32
        %broadcast_in_dim3A_265 = vector.broadcast %broadcast_in_dim3A_264 : i32 to vector<16xi32>
        %gather3A_266 = tpu.vector_load_idx %arg7[%add3A_110, %broadcast_in_dim3A_265] : memref<256x31xf32, #tpu.memory_space<vmem>>[vector<16xi32>, vector<16xi32>], vector<16xf32>,
        %mul3A_267 = arith.mulf %gather3A_266, %gather3A_266 : vector<16xf32>
        %add3A_268 = arith.addf %add3A_263, %mul3A_267 : vector<16xf32>
        %add3A_269 = arith.constant 1.000000e+00 : f32
        %add3A_270 = vector.broadcast %add3A_269 : f32 to vector<16xf32>
        %add3A_271 = arith.addf %add3A_268, %add3A_270 : vector<16xf32>
        %div3A = arith.constant 1.000000e+00 : f32
        %div3A_272 = vector.broadcast %div3A : f32 to vector<16xf32>
        %div3A_273 = arith.divf %div3A_272, %add3A_271 : vector<16xf32>
        %add3A_274 = arith.addf %div3A_273, %div3A_273 : vector<16xf32>
        %add3A_275 = arith.constant 0 : i32
        %add3A_276 = vector.broadcast %add3A_275 : i32 to vector<16xi32>
        %add3A_277 = arith.addi %mul3A_113, %add3A_276 : vector<16xi32>
        %mul3A_278 = arith.mulf %gather3A, %add3A_274 : vector<16xf32>
        tpu.vector_store_idx %arg9[%add3A_277], %mul3A_278 : memref<8192xf32, #tpu.memory_space<vmem>>[vector<16xi32>], vector<16xf32>,
        %add3A_279 = arith.constant 1 : i32
        %add3A_280 = vector.broadcast %add3A_279 : i32 to vector<16xi32>
        %add3A_281 = arith.addi %mul3A_113, %add3A_280 : vector<16xi32>
        %mul3A_282 = arith.mulf %gather3A_121, %add3A_274 : vector<16xf32>
        tpu.vector_store_idx %arg9[%add3A_281], %mul3A_282 : memref<8192xf32, #tpu.memory_space<vmem>>[vector<16xi32>], vector<16xf32>,
        %add3A_283 = arith.constant 2 : i32
        %add3A_284 = vector.broadcast %add3A_283 : i32 to vector<16xi32>
        %add3A_285 = arith.addi %mul3A_113, %add3A_284 : vector<16xi32>
        %mul3A_286 = arith.mulf %gather3A_126, %add3A_274 : vector<16xf32>
        tpu.vector_store_idx %arg9[%add3A_285], %mul3A_286 : memref<8192xf32, #tpu.memory_space<vmem>>[vector<16xi32>], vector<16xf32>,
        %add3A_287 = arith.constant 3 : i32
        %add3A_288 = vector.broadcast %add3A_287 : i32 to vector<16xi32>
        %add3A_289 = arith.addi %mul3A_113, %add3A_288 : vector<16xi32>
        %mul3A_290 = arith.mulf %gather3A_131, %add3A_274 : vector<16xf32>
        tpu.vector_store_idx %arg9[%add3A_289], %mul3A_290 : memref<8192xf32, #tpu.memory_space<vmem>>[vector<16xi32>], vector<16xf32>,
        %add3A_291 = arith.constant 4 : i32
        %add3A_292 = vector.broadcast %add3A_291 : i32 to vector<16xi32>
        %add3A_293 = arith.addi %mul3A_113, %add3A_292 : vector<16xi32>
        %mul3A_294 = arith.mulf %gather3A_136, %add3A_274 : vector<16xf32>
        tpu.vector_store_idx %arg9[%add3A_293], %mul3A_294 : memref<8192xf32, #tpu.memory_space<vmem>>[vector<16xi32>], vector<16xf32>,
        %add3A_295 = arith.constant 5 : i32
        %add3A_296 = vector.broadcast %add3A_295 : i32 to vector<16xi32>
        %add3A_297 = arith.addi %mul3A_113, %add3A_296 : vector<16xi32>
        %mul3A_298 = arith.mulf %gather3A_141, %add3A_274 : vector<16xf32>
        tpu.vector_store_idx %arg9[%add3A_297], %mul3A_298 : memref<8192xf32, #tpu.memory_space<vmem>>[vector<16xi32>], vector<16xf32>,
        %add3A_299 = arith.constant 6 : i32
        %add3A_300 = vector.broadcast %add3A_299 : i32 to vector<16xi32>
        %add3A_301 = arith.addi %mul3A_113, %add3A_300 : vector<16xi32>
        %mul3A_302 = arith.mulf %gather3A_146, %add3A_274 : vector<16xf32>
        tpu.vector_store_idx %arg9[%add3A_301], %mul3A_302 : memref<8192xf32, #tpu.memory_space<vmem>>[vector<16xi32>], vector<16xf32>,
        %add3A_303 = arith.constant 7 : i32
        %add3A_304 = vector.broadcast %add3A_303 : i32 to vector<16xi32>
        %add3A_305 = arith.addi %mul3A_113, %add3A_304 : vector<16xi32>
        %mul3A_306 = arith.mulf %gather3A_151, %add3A_274 : vector<16xf32>
        tpu.vector_store_idx %arg9[%add3A_305], %mul3A_306 : memref<8192xf32, #tpu.memory_space<vmem>>[vector<16xi32>], vector<16xf32>,
        %add3A_307 = arith.constant 8 : i32
        %add3A_308 = vector.broadcast %add3A_307 : i32 to vector<16xi32>
        %add3A_309 = arith.addi %mul3A_113, %add3A_308 : vector<16xi32>
        %mul3A_310 = arith.mulf %gather3A_156, %add3A_274 : vector<16xf32>
        tpu.vector_store_idx %arg9[%add3A_309], %mul3A_310 : memref<8192xf32, #tpu.memory_space<vmem>>[vector<16xi32>], vector<16xf32>,
        %add3A_311 = arith.constant 9 : i32
        %add3A_312 = vector.broadcast %add3A_311 : i32 to vector<16xi32>
        %add3A_313 = arith.addi %mul3A_113, %add3A_312 : vector<16xi32>
        %mul3A_314 = arith.mulf %gather3A_161, %add3A_274 : vector<16xf32>
        tpu.vector_store_idx %arg9[%add3A_313], %mul3A_314 : memref<8192xf32, #tpu.memory_space<vmem>>[vector<16xi32>], vector<16xf32>,
        %add3A_315 = arith.constant 10 : i32
        %add3A_316 = vector.broadcast %add3A_315 : i32 to vector<16xi32>
        %add3A_317 = arith.addi %mul3A_113, %add3A_316 : vector<16xi32>
        %mul3A_318 = arith.mulf %gather3A_166, %add3A_274 : vector<16xf32>
        tpu.vector_store_idx %arg9[%add3A_317], %mul3A_318 : memref<8192xf32, #tpu.memory_space<vmem>>[vector<16xi32>], vector<16xf32>,
        %add3A_319 = arith.constant 11 : i32
        %add3A_320 = vector.broadcast %add3A_319 : i32 to vector<16xi32>
        %add3A_321 = arith.addi %mul3A_113, %add3A_320 : vector<16xi32>
        %mul3A_322 = arith.mulf %gather3A_171, %add3A_274 : vector<16xf32>
        tpu.vector_store_idx %arg9[%add3A_321], %mul3A_322 : memref<8192xf32, #tpu.memory_space<vmem>>[vector<16xi32>], vector<16xf32>,
        %add3A_323 = arith.constant 12 : i32
        %add3A_324 = vector.broadcast %add3A_323 : i32 to vector<16xi32>
        %add3A_325 = arith.addi %mul3A_113, %add3A_324 : vector<16xi32>
        %mul3A_326 = arith.mulf %gather3A_176, %add3A_274 : vector<16xf32>
        tpu.vector_store_idx %arg9[%add3A_325], %mul3A_326 : memref<8192xf32, #tpu.memory_space<vmem>>[vector<16xi32>], vector<16xf32>,
        %add3A_327 = arith.constant 13 : i32
        %add3A_328 = vector.broadcast %add3A_327 : i32 to vector<16xi32>
        %add3A_329 = arith.addi %mul3A_113, %add3A_328 : vector<16xi32>
        %mul3A_330 = arith.mulf %gather3A_181, %add3A_274 : vector<16xf32>
        tpu.vector_store_idx %arg9[%add3A_329], %mul3A_330 : memref<8192xf32, #tpu.memory_space<vmem>>[vector<16xi32>], vector<16xf32>,
        %add3A_331 = arith.constant 14 : i32
        %add3A_332 = vector.broadcast %add3A_331 : i32 to vector<16xi32>
        %add3A_333 = arith.addi %mul3A_113, %add3A_332 : vector<16xi32>
        %mul3A_334 = arith.mulf %gather3A_186, %add3A_274 : vector<16xf32>
        tpu.vector_store_idx %arg9[%add3A_333], %mul3A_334 : memref<8192xf32, #tpu.memory_space<vmem>>[vector<16xi32>], vector<16xf32>,
        %add3A_335 = arith.constant 15 : i32
        %add3A_336 = vector.broadcast %add3A_335 : i32 to vector<16xi32>
        %add3A_337 = arith.addi %mul3A_113, %add3A_336 : vector<16xi32>
        %mul3A_338 = arith.mulf %gather3A_191, %add3A_274 : vector<16xf32>
        tpu.vector_store_idx %arg9[%add3A_337], %mul3A_338 : memref<8192xf32, #tpu.memory_space<vmem>>[vector<16xi32>], vector<16xf32>,
        %add3A_339 = arith.constant 16 : i32
        %add3A_340 = vector.broadcast %add3A_339 : i32 to vector<16xi32>
        %add3A_341 = arith.addi %mul3A_113, %add3A_340 : vector<16xi32>
        %mul3A_342 = arith.mulf %gather3A_196, %add3A_274 : vector<16xf32>
        tpu.vector_store_idx %arg9[%add3A_341], %mul3A_342 : memref<8192xf32, #tpu.memory_space<vmem>>[vector<16xi32>], vector<16xf32>,
        %add3A_343 = arith.constant 17 : i32
        %add3A_344 = vector.broadcast %add3A_343 : i32 to vector<16xi32>
        %add3A_345 = arith.addi %mul3A_113, %add3A_344 : vector<16xi32>
        %mul3A_346 = arith.mulf %gather3A_201, %add3A_274 : vector<16xf32>
        tpu.vector_store_idx %arg9[%add3A_345], %mul3A_346 : memref<8192xf32, #tpu.memory_space<vmem>>[vector<16xi32>], vector<16xf32>,
        %add3A_347 = arith.constant 18 : i32
        %add3A_348 = vector.broadcast %add3A_347 : i32 to vector<16xi32>
        %add3A_349 = arith.addi %mul3A_113, %add3A_348 : vector<16xi32>
        %mul3A_350 = arith.mulf %gather3A_206, %add3A_274 : vector<16xf32>
        tpu.vector_store_idx %arg9[%add3A_349], %mul3A_350 : memref<8192xf32, #tpu.memory_space<vmem>>[vector<16xi32>], vector<16xf32>,
        %add3A_351 = arith.constant 19 : i32
        %add3A_352 = vector.broadcast %add3A_351 : i32 to vector<16xi32>
        %add3A_353 = arith.addi %mul3A_113, %add3A_352 : vector<16xi32>
        %mul3A_354 = arith.mulf %gather3A_211, %add3A_274 : vector<16xf32>
        tpu.vector_store_idx %arg9[%add3A_353], %mul3A_354 : memref<8192xf32, #tpu.memory_space<vmem>>[vector<16xi32>], vector<16xf32>,
        %add3A_355 = arith.constant 20 : i32
        %add3A_356 = vector.broadcast %add3A_355 : i32 to vector<16xi32>
        %add3A_357 = arith.addi %mul3A_113, %add3A_356 : vector<16xi32>
        %mul3A_358 = arith.mulf %gather3A_216, %add3A_274 : vector<16xf32>
        tpu.vector_store_idx %arg9[%add3A_357], %mul3A_358 : memref<8192xf32, #tpu.memory_space<vmem>>[vector<16xi32>], vector<16xf32>,
        %add3A_359 = arith.constant 21 : i32
        %add3A_360 = vector.broadcast %add3A_359 : i32 to vector<16xi32>
        %add3A_361 = arith.addi %mul3A_113, %add3A_360 : vector<16xi32>
        %mul3A_362 = arith.mulf %gather3A_221, %add3A_274 : vector<16xf32>
        tpu.vector_store_idx %arg9[%add3A_361], %mul3A_362 : memref<8192xf32, #tpu.memory_space<vmem>>[vector<16xi32>], vector<16xf32>,
        %add3A_363 = arith.constant 22 : i32
        %add3A_364 = vector.broadcast %add3A_363 : i32 to vector<16xi32>
        %add3A_365 = arith.addi %mul3A_113, %add3A_364 : vector<16xi32>
        %mul3A_366 = arith.mulf %gather3A_226, %add3A_274 : vector<16xf32>
        tpu.vector_store_idx %arg9[%add3A_365], %mul3A_366 : memref<8192xf32, #tpu.memory_space<vmem>>[vector<16xi32>], vector<16xf32>,
        %add3A_367 = arith.constant 23 : i32
        %add3A_368 = vector.broadcast %add3A_367 : i32 to vector<16xi32>
        %add3A_369 = arith.addi %mul3A_113, %add3A_368 : vector<16xi32>
        %mul3A_370 = arith.mulf %gather3A_231, %add3A_274 : vector<16xf32>
        tpu.vector_store_idx %arg9[%add3A_369], %mul3A_370 : memref<8192xf32, #tpu.memory_space<vmem>>[vector<16xi32>], vector<16xf32>,
        %add3A_371 = arith.constant 24 : i32
        %add3A_372 = vector.broadcast %add3A_371 : i32 to vector<16xi32>
        %add3A_373 = arith.addi %mul3A_113, %add3A_372 : vector<16xi32>
        %mul3A_374 = arith.mulf %gather3A_236, %add3A_274 : vector<16xf32>
        tpu.vector_store_idx %arg9[%add3A_373], %mul3A_374 : memref<8192xf32, #tpu.memory_space<vmem>>[vector<16xi32>], vector<16xf32>,
        %add3A_375 = arith.constant 25 : i32
        %add3A_376 = vector.broadcast %add3A_375 : i32 to vector<16xi32>
        %add3A_377 = arith.addi %mul3A_113, %add3A_376 : vector<16xi32>
        %mul3A_378 = arith.mulf %gather3A_241, %add3A_274 : vector<16xf32>
        tpu.vector_store_idx %arg9[%add3A_377], %mul3A_378 : memref<8192xf32, #tpu.memory_space<vmem>>[vector<16xi32>], vector<16xf32>,
        %add3A_379 = arith.constant 26 : i32
        %add3A_380 = vector.broadcast %add3A_379 : i32 to vector<16xi32>
        %add3A_381 = arith.addi %mul3A_113, %add3A_380 : vector<16xi32>
        %mul3A_382 = arith.mulf %gather3A_246, %add3A_274 : vector<16xf32>
        tpu.vector_store_idx %arg9[%add3A_381], %mul3A_382 : memref<8192xf32, #tpu.memory_space<vmem>>[vector<16xi32>], vector<16xf32>,
        %add3A_383 = arith.constant 27 : i32
        %add3A_384 = vector.broadcast %add3A_383 : i32 to vector<16xi32>
        %add3A_385 = arith.addi %mul3A_113, %add3A_384 : vector<16xi32>
        %mul3A_386 = arith.mulf %gather3A_251, %add3A_274 : vector<16xf32>
        tpu.vector_store_idx %arg9[%add3A_385], %mul3A_386 : memref<8192xf32, #tpu.memory_space<vmem>>[vector<16xi32>], vector<16xf32>,
        %add3A_387 = arith.constant 28 : i32
        %add3A_388 = vector.broadcast %add3A_387 : i32 to vector<16xi32>
        %add3A_389 = arith.addi %mul3A_113, %add3A_388 : vector<16xi32>
        %mul3A_390 = arith.mulf %gather3A_256, %add3A_274 : vector<16xf32>
        tpu.vector_store_idx %arg9[%add3A_389], %mul3A_390 : memref<8192xf32, #tpu.memory_space<vmem>>[vector<16xi32>], vector<16xf32>,
        %add3A_391 = arith.constant 29 : i32
        %add3A_392 = vector.broadcast %add3A_391 : i32 to vector<16xi32>
        %add3A_393 = arith.addi %mul3A_113, %add3A_392 : vector<16xi32>
        %mul3A_394 = arith.mulf %gather3A_261, %add3A_274 : vector<16xf32>
        tpu.vector_store_idx %arg9[%add3A_393], %mul3A_394 : memref<8192xf32, #tpu.memory_space<vmem>>[vector<16xi32>], vector<16xf32>,
        %add3A_395 = arith.constant 30 : i32
        %add3A_396 = vector.broadcast %add3A_395 : i32 to vector<16xi32>
        %add3A_397 = arith.addi %mul3A_113, %add3A_396 : vector<16xi32>
        %mul3A_398 = arith.mulf %gather3A_266, %add3A_274 : vector<16xf32>
        tpu.vector_store_idx %arg9[%add3A_397], %mul3A_398 : memref<8192xf32, #tpu.memory_space<vmem>>[vector<16xi32>], vector<16xf32>,
        %add3A_399 = arith.constant 31 : i32
        %add3A_400 = vector.broadcast %add3A_399 : i32 to vector<16xi32>
        %add3A_401 = arith.addi %mul3A_113, %add3A_400 : vector<16xi32>
        %sub3A = arith.constant 1.000000e+00 : f32
        %sub3A_402 = vector.broadcast %sub3A : f32 to vector<16xf32>
        %sub3A_403 = arith.subf %add3A_268, %sub3A_402 : vector<16xf32>
        %mul3A_404 = arith.mulf %sub3A_403, %div3A_273 : vector<16xf32>
        tpu.vector_store_idx %arg9[%add3A_401], %mul3A_404 : memref<8192xf32, #tpu.memory_space<vmem>>[vector<16xi32>], vector<16xf32>,
      }
      %scan3A_87 = arith.constant 16 : i32
      %mul3A_88 = arith.constant 256 : i32
      %mul3A_89 = arith.muli %add3A_68, %mul3A_88 : i32
      %add3A_90 = arith.addi %mul3A_2, %mul3A_89 : i32
      %mul3A_91 = arith.constant 32 : i32
      %mul3A_92 = arith.muli %add3A_90, %mul3A_91 : i32
      %dma_start3A_93 = tpu.memref_slice %arg4[%mul3A_92] : memref<26214400xf32, #tpu.memory_space<hbm>> -> memref<8192xf32, #tpu.memory_space<hbm>>
      %dma_start3A_94 = tpu.memref_slice %arg4[%mul3A_92] : memref<26214400xf32, #tpu.memory_space<hbm>> -> memref<8192xf32, #tpu.memory_space<hbm>>
      tpu.enqueue_dma source(%arg9 : memref<8192xf32, #tpu.memory_space<vmem>>) target(%dma_start3A_94 : memref<8192xf32, #tpu.memory_space<hbm>>) target_semaphore(%arg13 : memref<!tpu.dma_semaphore, #tpu.memory_space<semaphore_mem>>)
      %add3A_95 = arith.constant 2 : i32
      %add3A_96 = arith.addi %add3A_68, %add3A_95 : i32
      %lt3A_97 = arith.constant 100 : i32
      %lt3A_98 = arith.cmpi slt, %add3A_96, %lt3A_97 : i32
      %convert_element_type3A_99 = arith.extui %lt3A_98 : i1 to i32
      %cond3A_100 = arith.constant 0 : i32
      %cond3A_101 = arith.cmpi ne, %convert_element_type3A_99, %cond3A_100 : i32
      scf.if %cond3A_101 {
        %add3A_102 = arith.constant 2 : i32
        %add3A_103 = arith.addi %add3A_68, %add3A_102 : i32
        %scan3A_104 = arith.constant 0 : i32
        %scan3A_105 = arith.constant 16 : i32
        %scan3A_106 = arith.addi %scan3A_104, %scan3A_105 : i32
        %scan3A_107 = arith.constant 1 : i32
        scf.for %scan3A_109 = %scan3A_104 to %scan3A_106 step %scan3A_107  : i32 {
          %mul3A_110 = arith.constant 1 : i32
          %mul3A_111 = arith.muli %scan3A_109, %mul3A_110 : i32
          %add3A_112 = arith.constant 0 : i32
          %add3A_113 = arith.addi %add3A_112, %mul3A_111 : i32
          %mul3A_114 = arith.constant 256 : i32
          %mul3A_115 = arith.muli %add3A_103, %mul3A_114 : i32
          %mul3A_116 = arith.constant 16 : i32
          %mul3A_117 = arith.muli %add3A_113, %mul3A_116 : i32
          %add3A_118 = arith.addi %mul3A_115, %mul3A_117 : i32
          %get3A = arith.index_cast %add3A_118 : i32 to index
          %get3A_119 = tpu.vector_load %arg5[%get3A] {strides = array<i32>} : memref<25600xi32, #tpu.memory_space<vmem>>, vector<16xi32>,
          %slice3A = vector.extract_strided_slice %get3A_119 {offsets = [0], sizes = [1], strides = [1]} : vector<16xi32> to vector<1xi32>
          %squeeze3A = vector.extract %slice3A[0] : i32 from vector<1xi32>
          %shift_right_logical3A = arith.constant 3 : i32
          %shift_right_logical3A_120 = arith.shrui %squeeze3A, %shift_right_logical3A : i32
          %and3A = arith.constant 7 : i32
          %and3A_121 = arith.andi %squeeze3A, %and3A : i32
          %mul3A_122 = arith.constant 16 : i32
          %mul3A_123 = arith.muli %add3A_113, %mul3A_122 : i32
          %add3A_124 = arith.constant 0 : i32
          %add3A_125 = arith.addi %mul3A_123, %add3A_124 : i32
          %dma_start3A_126 = arith.constant 0 : i32
          %dma_start3A_127 = tpu.memref_slice %arg7[%add3A_125, %dma_start3A_126] : memref<256x31xf32, #tpu.memory_space<vmem>> -> memref<1x31xf32, #tpu.memory_space<vmem>>
          %dma_start3A_128 = arith.constant 0 : i32
          %dma_start3A_129 = tpu.memref_slice %arg3[%shift_right_logical3A_120, %and3A_121, %dma_start3A_128] : memref<125000x8x31xf32, #tpu.memory_space<hbm>> -> memref<1x1x31xf32, #tpu.memory_space<hbm>>
          %dma_start3A_130 = tpu.memref_squeeze %dma_start3A_129 : memref<1x1x31xf32, #tpu.memory_space<hbm>> -> memref<1x31xf32, #tpu.memory_space<hbm>>
          %dma_start3A_131 = arith.constant 0 : i32
          %dma_start3A_132 = tpu.memref_slice %arg7[%add3A_125, %dma_start3A_131] : memref<256x31xf32, #tpu.memory_space<vmem>> -> memref<1x31xf32, #tpu.memory_space<vmem>>
          %dma_start3A_133 = arith.constant 0 : i32
          %dma_start3A_134 = tpu.memref_slice %arg3[%shift_right_logical3A_120, %and3A_121, %dma_start3A_133] : memref<125000x8x31xf32, #tpu.memory_space<hbm>> -> memref<1x1x31xf32, #tpu.memory_space<hbm>>
          %dma_start3A_135 = tpu.memref_squeeze %dma_start3A_134 : memref<1x1x31xf32, #tpu.memory_space<hbm>> -> memref<1x31xf32, #tpu.memory_space<hbm>>
          tpu.enqueue_dma source(%dma_start3A_135 : memref<1x31xf32, #tpu.memory_space<hbm>>) target(%dma_start3A_132 : memref<1x31xf32, #tpu.memory_space<vmem>>) target_semaphore(%arg11 : memref<!tpu.dma_semaphore, #tpu.memory_space<semaphore_mem>>)
          %slice3A_136 = vector.extract_strided_slice %get3A_119 {offsets = [1], sizes = [1], strides = [1]} : vector<16xi32> to vector<1xi32>
          %squeeze3A_137 = vector.extract %slice3A_136[0] : i32 from vector<1xi32>
          %shift_right_logical3A_138 = arith.constant 3 : i32
          %shift_right_logical3A_139 = arith.shrui %squeeze3A_137, %shift_right_logical3A_138 : i32
          %and3A_140 = arith.constant 7 : i32
          %and3A_141 = arith.andi %squeeze3A_137, %and3A_140 : i32
          %mul3A_142 = arith.constant 16 : i32
          %mul3A_143 = arith.muli %add3A_113, %mul3A_142 : i32
          %add3A_144 = arith.constant 1 : i32
          %add3A_145 = arith.addi %mul3A_143, %add3A_144 : i32
          %dma_start3A_146 = arith.constant 0 : i32
          %dma_start3A_147 = tpu.memref_slice %arg7[%add3A_145, %dma_start3A_146] : memref<256x31xf32, #tpu.memory_space<vmem>> -> memref<1x31xf32, #tpu.memory_space<vmem>>
          %dma_start3A_148 = arith.constant 0 : i32
          %dma_start3A_149 = tpu.memref_slice %arg3[%shift_right_logical3A_139, %and3A_141, %dma_start3A_148] : memref<125000x8x31xf32, #tpu.memory_space<hbm>> -> memref<1x1x31xf32, #tpu.memory_space<hbm>>
          %dma_start3A_150 = tpu.memref_squeeze %dma_start3A_149 : memref<1x1x31xf32, #tpu.memory_space<hbm>> -> memref<1x31xf32, #tpu.memory_space<hbm>>
          %dma_start3A_151 = arith.constant 0 : i32
          %dma_start3A_152 = tpu.memref_slice %arg7[%add3A_145, %dma_start3A_151] : memref<256x31xf32, #tpu.memory_space<vmem>> -> memref<1x31xf32, #tpu.memory_space<vmem>>
          %dma_start3A_153 = arith.constant 0 : i32
          %dma_start3A_154 = tpu.memref_slice %arg3[%shift_right_logical3A_139, %and3A_141, %dma_start3A_153] : memref<125000x8x31xf32, #tpu.memory_space<hbm>> -> memref<1x1x31xf32, #tpu.memory_space<hbm>>
          %dma_start3A_155 = tpu.memref_squeeze %dma_start3A_154 : memref<1x1x31xf32, #tpu.memory_space<hbm>> -> memref<1x31xf32, #tpu.memory_space<hbm>>
          tpu.enqueue_dma source(%dma_start3A_155 : memref<1x31xf32, #tpu.memory_space<hbm>>) target(%dma_start3A_152 : memref<1x31xf32, #tpu.memory_space<vmem>>) target_semaphore(%arg11 : memref<!tpu.dma_semaphore, #tpu.memory_space<semaphore_mem>>)
          %slice3A_156 = vector.extract_strided_slice %get3A_119 {offsets = [2], sizes = [1], strides = [1]} : vector<16xi32> to vector<1xi32>
          %squeeze3A_157 = vector.extract %slice3A_156[0] : i32 from vector<1xi32>
          %shift_right_logical3A_158 = arith.constant 3 : i32
          %shift_right_logical3A_159 = arith.shrui %squeeze3A_157, %shift_right_logical3A_158 : i32
          %and3A_160 = arith.constant 7 : i32
          %and3A_161 = arith.andi %squeeze3A_157, %and3A_160 : i32
          %mul3A_162 = arith.constant 16 : i32
          %mul3A_163 = arith.muli %add3A_113, %mul3A_162 : i32
          %add3A_164 = arith.constant 2 : i32
          %add3A_165 = arith.addi %mul3A_163, %add3A_164 : i32
          %dma_start3A_166 = arith.constant 0 : i32
          %dma_start3A_167 = tpu.memref_slice %arg7[%add3A_165, %dma_start3A_166] : memref<256x31xf32, #tpu.memory_space<vmem>> -> memref<1x31xf32, #tpu.memory_space<vmem>>
          %dma_start3A_168 = arith.constant 0 : i32
          %dma_start3A_169 = tpu.memref_slice %arg3[%shift_right_logical3A_159, %and3A_161, %dma_start3A_168] : memref<125000x8x31xf32, #tpu.memory_space<hbm>> -> memref<1x1x31xf32, #tpu.memory_space<hbm>>
          %dma_start3A_170 = tpu.memref_squeeze %dma_start3A_169 : memref<1x1x31xf32, #tpu.memory_space<hbm>> -> memref<1x31xf32, #tpu.memory_space<hbm>>
          %dma_start3A_171 = arith.constant 0 : i32
          %dma_start3A_172 = tpu.memref_slice %arg7[%add3A_165, %dma_start3A_171] : memref<256x31xf32, #tpu.memory_space<vmem>> -> memref<1x31xf32, #tpu.memory_space<vmem>>
          %dma_start3A_173 = arith.constant 0 : i32
          %dma_start3A_174 = tpu.memref_slice %arg3[%shift_right_logical3A_159, %and3A_161, %dma_start3A_173] : memref<125000x8x31xf32, #tpu.memory_space<hbm>> -> memref<1x1x31xf32, #tpu.memory_space<hbm>>
          %dma_start3A_175 = tpu.memref_squeeze %dma_start3A_174 : memref<1x1x31xf32, #tpu.memory_space<hbm>> -> memref<1x31xf32, #tpu.memory_space<hbm>>
          tpu.enqueue_dma source(%dma_start3A_175 : memref<1x31xf32, #tpu.memory_space<hbm>>) target(%dma_start3A_172 : memref<1x31xf32, #tpu.memory_space<vmem>>) target_semaphore(%arg11 : memref<!tpu.dma_semaphore, #tpu.memory_space<semaphore_mem>>)
          %slice3A_176 = vector.extract_strided_slice %get3A_119 {offsets = [3], sizes = [1], strides = [1]} : vector<16xi32> to vector<1xi32>
          %squeeze3A_177 = vector.extract %slice3A_176[0] : i32 from vector<1xi32>
          %shift_right_logical3A_178 = arith.constant 3 : i32
          %shift_right_logical3A_179 = arith.shrui %squeeze3A_177, %shift_right_logical3A_178 : i32
          %and3A_180 = arith.constant 7 : i32
          %and3A_181 = arith.andi %squeeze3A_177, %and3A_180 : i32
          %mul3A_182 = arith.constant 16 : i32
          %mul3A_183 = arith.muli %add3A_113, %mul3A_182 : i32
          %add3A_184 = arith.constant 3 : i32
          %add3A_185 = arith.addi %mul3A_183, %add3A_184 : i32
          %dma_start3A_186 = arith.constant 0 : i32
          %dma_start3A_187 = tpu.memref_slice %arg7[%add3A_185, %dma_start3A_186] : memref<256x31xf32, #tpu.memory_space<vmem>> -> memref<1x31xf32, #tpu.memory_space<vmem>>
          %dma_start3A_188 = arith.constant 0 : i32
          %dma_start3A_189 = tpu.memref_slice %arg3[%shift_right_logical3A_179, %and3A_181, %dma_start3A_188] : memref<125000x8x31xf32, #tpu.memory_space<hbm>> -> memref<1x1x31xf32, #tpu.memory_space<hbm>>
          %dma_start3A_190 = tpu.memref_squeeze %dma_start3A_189 : memref<1x1x31xf32, #tpu.memory_space<hbm>> -> memref<1x31xf32, #tpu.memory_space<hbm>>
          %dma_start3A_191 = arith.constant 0 : i32
          %dma_start3A_192 = tpu.memref_slice %arg7[%add3A_185, %dma_start3A_191] : memref<256x31xf32, #tpu.memory_space<vmem>> -> memref<1x31xf32, #tpu.memory_space<vmem>>
          %dma_start3A_193 = arith.constant 0 : i32
          %dma_start3A_194 = tpu.memref_slice %arg3[%shift_right_logical3A_179, %and3A_181, %dma_start3A_193] : memref<125000x8x31xf32, #tpu.memory_space<hbm>> -> memref<1x1x31xf32, #tpu.memory_space<hbm>>
          %dma_start3A_195 = tpu.memref_squeeze %dma_start3A_194 : memref<1x1x31xf32, #tpu.memory_space<hbm>> -> memref<1x31xf32, #tpu.memory_space<hbm>>
          tpu.enqueue_dma source(%dma_start3A_195 : memref<1x31xf32, #tpu.memory_space<hbm>>) target(%dma_start3A_192 : memref<1x31xf32, #tpu.memory_space<vmem>>) target_semaphore(%arg11 : memref<!tpu.dma_semaphore, #tpu.memory_space<semaphore_mem>>)
          %slice3A_196 = vector.extract_strided_slice %get3A_119 {offsets = [4], sizes = [1], strides = [1]} : vector<16xi32> to vector<1xi32>
          %squeeze3A_197 = vector.extract %slice3A_196[0] : i32 from vector<1xi32>
          %shift_right_logical3A_198 = arith.constant 3 : i32
          %shift_right_logical3A_199 = arith.shrui %squeeze3A_197, %shift_right_logical3A_198 : i32
          %and3A_200 = arith.constant 7 : i32
          %and3A_201 = arith.andi %squeeze3A_197, %and3A_200 : i32
          %mul3A_202 = arith.constant 16 : i32
          %mul3A_203 = arith.muli %add3A_113, %mul3A_202 : i32
          %add3A_204 = arith.constant 4 : i32
          %add3A_205 = arith.addi %mul3A_203, %add3A_204 : i32
          %dma_start3A_206 = arith.constant 0 : i32
          %dma_start3A_207 = tpu.memref_slice %arg7[%add3A_205, %dma_start3A_206] : memref<256x31xf32, #tpu.memory_space<vmem>> -> memref<1x31xf32, #tpu.memory_space<vmem>>
          %dma_start3A_208 = arith.constant 0 : i32
          %dma_start3A_209 = tpu.memref_slice %arg3[%shift_right_logical3A_199, %and3A_201, %dma_start3A_208] : memref<125000x8x31xf32, #tpu.memory_space<hbm>> -> memref<1x1x31xf32, #tpu.memory_space<hbm>>
          %dma_start3A_210 = tpu.memref_squeeze %dma_start3A_209 : memref<1x1x31xf32, #tpu.memory_space<hbm>> -> memref<1x31xf32, #tpu.memory_space<hbm>>
          %dma_start3A_211 = arith.constant 0 : i32
          %dma_start3A_212 = tpu.memref_slice %arg7[%add3A_205, %dma_start3A_211] : memref<256x31xf32, #tpu.memory_space<vmem>> -> memref<1x31xf32, #tpu.memory_space<vmem>>
          %dma_start3A_213 = arith.constant 0 : i32
          %dma_start3A_214 = tpu.memref_slice %arg3[%shift_right_logical3A_199, %and3A_201, %dma_start3A_213] : memref<125000x8x31xf32, #tpu.memory_space<hbm>> -> memref<1x1x31xf32, #tpu.memory_space<hbm>>
          %dma_start3A_215 = tpu.memref_squeeze %dma_start3A_214 : memref<1x1x31xf32, #tpu.memory_space<hbm>> -> memref<1x31xf32, #tpu.memory_space<hbm>>
          tpu.enqueue_dma source(%dma_start3A_215 : memref<1x31xf32, #tpu.memory_space<hbm>>) target(%dma_start3A_212 : memref<1x31xf32, #tpu.memory_space<vmem>>) target_semaphore(%arg11 : memref<!tpu.dma_semaphore, #tpu.memory_space<semaphore_mem>>)
          %slice3A_216 = vector.extract_strided_slice %get3A_119 {offsets = [5], sizes = [1], strides = [1]} : vector<16xi32> to vector<1xi32>
          %squeeze3A_217 = vector.extract %slice3A_216[0] : i32 from vector<1xi32>
          %shift_right_logical3A_218 = arith.constant 3 : i32
          %shift_right_logical3A_219 = arith.shrui %squeeze3A_217, %shift_right_logical3A_218 : i32
          %and3A_220 = arith.constant 7 : i32
          %and3A_221 = arith.andi %squeeze3A_217, %and3A_220 : i32
          %mul3A_222 = arith.constant 16 : i32
          %mul3A_223 = arith.muli %add3A_113, %mul3A_222 : i32
          %add3A_224 = arith.constant 5 : i32
          %add3A_225 = arith.addi %mul3A_223, %add3A_224 : i32
          %dma_start3A_226 = arith.constant 0 : i32
          %dma_start3A_227 = tpu.memref_slice %arg7[%add3A_225, %dma_start3A_226] : memref<256x31xf32, #tpu.memory_space<vmem>> -> memref<1x31xf32, #tpu.memory_space<vmem>>
          %dma_start3A_228 = arith.constant 0 : i32
          %dma_start3A_229 = tpu.memref_slice %arg3[%shift_right_logical3A_219, %and3A_221, %dma_start3A_228] : memref<125000x8x31xf32, #tpu.memory_space<hbm>> -> memref<1x1x31xf32, #tpu.memory_space<hbm>>
          %dma_start3A_230 = tpu.memref_squeeze %dma_start3A_229 : memref<1x1x31xf32, #tpu.memory_space<hbm>> -> memref<1x31xf32, #tpu.memory_space<hbm>>
          %dma_start3A_231 = arith.constant 0 : i32
          %dma_start3A_232 = tpu.memref_slice %arg7[%add3A_225, %dma_start3A_231] : memref<256x31xf32, #tpu.memory_space<vmem>> -> memref<1x31xf32, #tpu.memory_space<vmem>>
          %dma_start3A_233 = arith.constant 0 : i32
          %dma_start3A_234 = tpu.memref_slice %arg3[%shift_right_logical3A_219, %and3A_221, %dma_start3A_233] : memref<125000x8x31xf32, #tpu.memory_space<hbm>> -> memref<1x1x31xf32, #tpu.memory_space<hbm>>
          %dma_start3A_235 = tpu.memref_squeeze %dma_start3A_234 : memref<1x1x31xf32, #tpu.memory_space<hbm>> -> memref<1x31xf32, #tpu.memory_space<hbm>>
          tpu.enqueue_dma source(%dma_start3A_235 : memref<1x31xf32, #tpu.memory_space<hbm>>) target(%dma_start3A_232 : memref<1x31xf32, #tpu.memory_space<vmem>>) target_semaphore(%arg11 : memref<!tpu.dma_semaphore, #tpu.memory_space<semaphore_mem>>)
          %slice3A_236 = vector.extract_strided_slice %get3A_119 {offsets = [6], sizes = [1], strides = [1]} : vector<16xi32> to vector<1xi32>
          %squeeze3A_237 = vector.extract %slice3A_236[0] : i32 from vector<1xi32>
          %shift_right_logical3A_238 = arith.constant 3 : i32
          %shift_right_logical3A_239 = arith.shrui %squeeze3A_237, %shift_right_logical3A_238 : i32
          %and3A_240 = arith.constant 7 : i32
          %and3A_241 = arith.andi %squeeze3A_237, %and3A_240 : i32
          %mul3A_242 = arith.constant 16 : i32
          %mul3A_243 = arith.muli %add3A_113, %mul3A_242 : i32
          %add3A_244 = arith.constant 6 : i32
          %add3A_245 = arith.addi %mul3A_243, %add3A_244 : i32
          %dma_start3A_246 = arith.constant 0 : i32
          %dma_start3A_247 = tpu.memref_slice %arg7[%add3A_245, %dma_start3A_246] : memref<256x31xf32, #tpu.memory_space<vmem>> -> memref<1x31xf32, #tpu.memory_space<vmem>>
          %dma_start3A_248 = arith.constant 0 : i32
          %dma_start3A_249 = tpu.memref_slice %arg3[%shift_right_logical3A_239, %and3A_241, %dma_start3A_248] : memref<125000x8x31xf32, #tpu.memory_space<hbm>> -> memref<1x1x31xf32, #tpu.memory_space<hbm>>
          %dma_start3A_250 = tpu.memref_squeeze %dma_start3A_249 : memref<1x1x31xf32, #tpu.memory_space<hbm>> -> memref<1x31xf32, #tpu.memory_space<hbm>>
          %dma_start3A_251 = arith.constant 0 : i32
          %dma_start3A_252 = tpu.memref_slice %arg7[%add3A_245, %dma_start3A_251] : memref<256x31xf32, #tpu.memory_space<vmem>> -> memref<1x31xf32, #tpu.memory_space<vmem>>
          %dma_start3A_253 = arith.constant 0 : i32
          %dma_start3A_254 = tpu.memref_slice %arg3[%shift_right_logical3A_239, %and3A_241, %dma_start3A_253] : memref<125000x8x31xf32, #tpu.memory_space<hbm>> -> memref<1x1x31xf32, #tpu.memory_space<hbm>>
          %dma_start3A_255 = tpu.memref_squeeze %dma_start3A_254 : memref<1x1x31xf32, #tpu.memory_space<hbm>> -> memref<1x31xf32, #tpu.memory_space<hbm>>
          tpu.enqueue_dma source(%dma_start3A_255 : memref<1x31xf32, #tpu.memory_space<hbm>>) target(%dma_start3A_252 : memref<1x31xf32, #tpu.memory_space<vmem>>) target_semaphore(%arg11 : memref<!tpu.dma_semaphore, #tpu.memory_space<semaphore_mem>>)
          %slice3A_256 = vector.extract_strided_slice %get3A_119 {offsets = [7], sizes = [1], strides = [1]} : vector<16xi32> to vector<1xi32>
          %squeeze3A_257 = vector.extract %slice3A_256[0] : i32 from vector<1xi32>
          %shift_right_logical3A_258 = arith.constant 3 : i32
          %shift_right_logical3A_259 = arith.shrui %squeeze3A_257, %shift_right_logical3A_258 : i32
          %and3A_260 = arith.constant 7 : i32
          %and3A_261 = arith.andi %squeeze3A_257, %and3A_260 : i32
          %mul3A_262 = arith.constant 16 : i32
          %mul3A_263 = arith.muli %add3A_113, %mul3A_262 : i32
          %add3A_264 = arith.constant 7 : i32
          %add3A_265 = arith.addi %mul3A_263, %add3A_264 : i32
          %dma_start3A_266 = arith.constant 0 : i32
          %dma_start3A_267 = tpu.memref_slice %arg7[%add3A_265, %dma_start3A_266] : memref<256x31xf32, #tpu.memory_space<vmem>> -> memref<1x31xf32, #tpu.memory_space<vmem>>
          %dma_start3A_268 = arith.constant 0 : i32
          %dma_start3A_269 = tpu.memref_slice %arg3[%shift_right_logical3A_259, %and3A_261, %dma_start3A_268] : memref<125000x8x31xf32, #tpu.memory_space<hbm>> -> memref<1x1x31xf32, #tpu.memory_space<hbm>>
          %dma_start3A_270 = tpu.memref_squeeze %dma_start3A_269 : memref<1x1x31xf32, #tpu.memory_space<hbm>> -> memref<1x31xf32, #tpu.memory_space<hbm>>
          %dma_start3A_271 = arith.constant 0 : i32
          %dma_start3A_272 = tpu.memref_slice %arg7[%add3A_265, %dma_start3A_271] : memref<256x31xf32, #tpu.memory_space<vmem>> -> memref<1x31xf32, #tpu.memory_space<vmem>>
          %dma_start3A_273 = arith.constant 0 : i32
          %dma_start3A_274 = tpu.memref_slice %arg3[%shift_right_logical3A_259, %and3A_261, %dma_start3A_273] : memref<125000x8x31xf32, #tpu.memory_space<hbm>> -> memref<1x1x31xf32, #tpu.memory_space<hbm>>
          %dma_start3A_275 = tpu.memref_squeeze %dma_start3A_274 : memref<1x1x31xf32, #tpu.memory_space<hbm>> -> memref<1x31xf32, #tpu.memory_space<hbm>>
          tpu.enqueue_dma source(%dma_start3A_275 : memref<1x31xf32, #tpu.memory_space<hbm>>) target(%dma_start3A_272 : memref<1x31xf32, #tpu.memory_space<vmem>>) target_semaphore(%arg11 : memref<!tpu.dma_semaphore, #tpu.memory_space<semaphore_mem>>)
          %slice3A_276 = vector.extract_strided_slice %get3A_119 {offsets = [8], sizes = [1], strides = [1]} : vector<16xi32> to vector<1xi32>
          %squeeze3A_277 = vector.extract %slice3A_276[0] : i32 from vector<1xi32>
          %shift_right_logical3A_278 = arith.constant 3 : i32
          %shift_right_logical3A_279 = arith.shrui %squeeze3A_277, %shift_right_logical3A_278 : i32
          %and3A_280 = arith.constant 7 : i32
          %and3A_281 = arith.andi %squeeze3A_277, %and3A_280 : i32
          %mul3A_282 = arith.constant 16 : i32
          %mul3A_283 = arith.muli %add3A_113, %mul3A_282 : i32
          %add3A_284 = arith.constant 8 : i32
          %add3A_285 = arith.addi %mul3A_283, %add3A_284 : i32
          %dma_start3A_286 = arith.constant 0 : i32
          %dma_start3A_287 = tpu.memref_slice %arg7[%add3A_285, %dma_start3A_286] : memref<256x31xf32, #tpu.memory_space<vmem>> -> memref<1x31xf32, #tpu.memory_space<vmem>>
          %dma_start3A_288 = arith.constant 0 : i32
          %dma_start3A_289 = tpu.memref_slice %arg3[%shift_right_logical3A_279, %and3A_281, %dma_start3A_288] : memref<125000x8x31xf32, #tpu.memory_space<hbm>> -> memref<1x1x31xf32, #tpu.memory_space<hbm>>
          %dma_start3A_290 = tpu.memref_squeeze %dma_start3A_289 : memref<1x1x31xf32, #tpu.memory_space<hbm>> -> memref<1x31xf32, #tpu.memory_space<hbm>>
          %dma_start3A_291 = arith.constant 0 : i32
          %dma_start3A_292 = tpu.memref_slice %arg7[%add3A_285, %dma_start3A_291] : memref<256x31xf32, #tpu.memory_space<vmem>> -> memref<1x31xf32, #tpu.memory_space<vmem>>
          %dma_start3A_293 = arith.constant 0 : i32
          %dma_start3A_294 = tpu.memref_slice %arg3[%shift_right_logical3A_279, %and3A_281, %dma_start3A_293] : memref<125000x8x31xf32, #tpu.memory_space<hbm>> -> memref<1x1x31xf32, #tpu.memory_space<hbm>>
          %dma_start3A_295 = tpu.memref_squeeze %dma_start3A_294 : memref<1x1x31xf32, #tpu.memory_space<hbm>> -> memref<1x31xf32, #tpu.memory_space<hbm>>
          tpu.enqueue_dma source(%dma_start3A_295 : memref<1x31xf32, #tpu.memory_space<hbm>>) target(%dma_start3A_292 : memref<1x31xf32, #tpu.memory_space<vmem>>) target_semaphore(%arg11 : memref<!tpu.dma_semaphore, #tpu.memory_space<semaphore_mem>>)
          %slice3A_296 = vector.extract_strided_slice %get3A_119 {offsets = [9], sizes = [1], strides = [1]} : vector<16xi32> to vector<1xi32>
          %squeeze3A_297 = vector.extract %slice3A_296[0] : i32 from vector<1xi32>
          %shift_right_logical3A_298 = arith.constant 3 : i32
          %shift_right_logical3A_299 = arith.shrui %squeeze3A_297, %shift_right_logical3A_298 : i32
          %and3A_300 = arith.constant 7 : i32
          %and3A_301 = arith.andi %squeeze3A_297, %and3A_300 : i32
          %mul3A_302 = arith.constant 16 : i32
          %mul3A_303 = arith.muli %add3A_113, %mul3A_302 : i32
          %add3A_304 = arith.constant 9 : i32
          %add3A_305 = arith.addi %mul3A_303, %add3A_304 : i32
          %dma_start3A_306 = arith.constant 0 : i32
          %dma_start3A_307 = tpu.memref_slice %arg7[%add3A_305, %dma_start3A_306] : memref<256x31xf32, #tpu.memory_space<vmem>> -> memref<1x31xf32, #tpu.memory_space<vmem>>
          %dma_start3A_308 = arith.constant 0 : i32
          %dma_start3A_309 = tpu.memref_slice %arg3[%shift_right_logical3A_299, %and3A_301, %dma_start3A_308] : memref<125000x8x31xf32, #tpu.memory_space<hbm>> -> memref<1x1x31xf32, #tpu.memory_space<hbm>>
          %dma_start3A_310 = tpu.memref_squeeze %dma_start3A_309 : memref<1x1x31xf32, #tpu.memory_space<hbm>> -> memref<1x31xf32, #tpu.memory_space<hbm>>
          %dma_start3A_311 = arith.constant 0 : i32
          %dma_start3A_312 = tpu.memref_slice %arg7[%add3A_305, %dma_start3A_311] : memref<256x31xf32, #tpu.memory_space<vmem>> -> memref<1x31xf32, #tpu.memory_space<vmem>>
          %dma_start3A_313 = arith.constant 0 : i32
          %dma_start3A_314 = tpu.memref_slice %arg3[%shift_right_logical3A_299, %and3A_301, %dma_start3A_313] : memref<125000x8x31xf32, #tpu.memory_space<hbm>> -> memref<1x1x31xf32, #tpu.memory_space<hbm>>
          %dma_start3A_315 = tpu.memref_squeeze %dma_start3A_314 : memref<1x1x31xf32, #tpu.memory_space<hbm>> -> memref<1x31xf32, #tpu.memory_space<hbm>>
          tpu.enqueue_dma source(%dma_start3A_315 : memref<1x31xf32, #tpu.memory_space<hbm>>) target(%dma_start3A_312 : memref<1x31xf32, #tpu.memory_space<vmem>>) target_semaphore(%arg11 : memref<!tpu.dma_semaphore, #tpu.memory_space<semaphore_mem>>)
          %slice3A_316 = vector.extract_strided_slice %get3A_119 {offsets = [10], sizes = [1], strides = [1]} : vector<16xi32> to vector<1xi32>
          %squeeze3A_317 = vector.extract %slice3A_316[0] : i32 from vector<1xi32>
          %shift_right_logical3A_318 = arith.constant 3 : i32
          %shift_right_logical3A_319 = arith.shrui %squeeze3A_317, %shift_right_logical3A_318 : i32
          %and3A_320 = arith.constant 7 : i32
          %and3A_321 = arith.andi %squeeze3A_317, %and3A_320 : i32
          %mul3A_322 = arith.constant 16 : i32
          %mul3A_323 = arith.muli %add3A_113, %mul3A_322 : i32
          %add3A_324 = arith.constant 10 : i32
          %add3A_325 = arith.addi %mul3A_323, %add3A_324 : i32
          %dma_start3A_326 = arith.constant 0 : i32
          %dma_start3A_327 = tpu.memref_slice %arg7[%add3A_325, %dma_start3A_326] : memref<256x31xf32, #tpu.memory_space<vmem>> -> memref<1x31xf32, #tpu.memory_space<vmem>>
          %dma_start3A_328 = arith.constant 0 : i32
          %dma_start3A_329 = tpu.memref_slice %arg3[%shift_right_logical3A_319, %and3A_321, %dma_start3A_328] : memref<125000x8x31xf32, #tpu.memory_space<hbm>> -> memref<1x1x31xf32, #tpu.memory_space<hbm>>
          %dma_start3A_330 = tpu.memref_squeeze %dma_start3A_329 : memref<1x1x31xf32, #tpu.memory_space<hbm>> -> memref<1x31xf32, #tpu.memory_space<hbm>>
          %dma_start3A_331 = arith.constant 0 : i32
          %dma_start3A_332 = tpu.memref_slice %arg7[%add3A_325, %dma_start3A_331] : memref<256x31xf32, #tpu.memory_space<vmem>> -> memref<1x31xf32, #tpu.memory_space<vmem>>
          %dma_start3A_333 = arith.constant 0 : i32
          %dma_start3A_334 = tpu.memref_slice %arg3[%shift_right_logical3A_319, %and3A_321, %dma_start3A_333] : memref<125000x8x31xf32, #tpu.memory_space<hbm>> -> memref<1x1x31xf32, #tpu.memory_space<hbm>>
          %dma_start3A_335 = tpu.memref_squeeze %dma_start3A_334 : memref<1x1x31xf32, #tpu.memory_space<hbm>> -> memref<1x31xf32, #tpu.memory_space<hbm>>
          tpu.enqueue_dma source(%dma_start3A_335 : memref<1x31xf32, #tpu.memory_space<hbm>>) target(%dma_start3A_332 : memref<1x31xf32, #tpu.memory_space<vmem>>) target_semaphore(%arg11 : memref<!tpu.dma_semaphore, #tpu.memory_space<semaphore_mem>>)
          %slice3A_336 = vector.extract_strided_slice %get3A_119 {offsets = [11], sizes = [1], strides = [1]} : vector<16xi32> to vector<1xi32>
          %squeeze3A_337 = vector.extract %slice3A_336[0] : i32 from vector<1xi32>
          %shift_right_logical3A_338 = arith.constant 3 : i32
          %shift_right_logical3A_339 = arith.shrui %squeeze3A_337, %shift_right_logical3A_338 : i32
          %and3A_340 = arith.constant 7 : i32
          %and3A_341 = arith.andi %squeeze3A_337, %and3A_340 : i32
          %mul3A_342 = arith.constant 16 : i32
          %mul3A_343 = arith.muli %add3A_113, %mul3A_342 : i32
          %add3A_344 = arith.constant 11 : i32
          %add3A_345 = arith.addi %mul3A_343, %add3A_344 : i32
          %dma_start3A_346 = arith.constant 0 : i32
          %dma_start3A_347 = tpu.memref_slice %arg7[%add3A_345, %dma_start3A_346] : memref<256x31xf32, #tpu.memory_space<vmem>> -> memref<1x31xf32, #tpu.memory_space<vmem>>
          %dma_start3A_348 = arith.constant 0 : i32
          %dma_start3A_349 = tpu.memref_slice %arg3[%shift_right_logical3A_339, %and3A_341, %dma_start3A_348] : memref<125000x8x31xf32, #tpu.memory_space<hbm>> -> memref<1x1x31xf32, #tpu.memory_space<hbm>>
          %dma_start3A_350 = tpu.memref_squeeze %dma_start3A_349 : memref<1x1x31xf32, #tpu.memory_space<hbm>> -> memref<1x31xf32, #tpu.memory_space<hbm>>
          %dma_start3A_351 = arith.constant 0 : i32
          %dma_start3A_352 = tpu.memref_slice %arg7[%add3A_345, %dma_start3A_351] : memref<256x31xf32, #tpu.memory_space<vmem>> -> memref<1x31xf32, #tpu.memory_space<vmem>>
          %dma_start3A_353 = arith.constant 0 : i32
          %dma_start3A_354 = tpu.memref_slice %arg3[%shift_right_logical3A_339, %and3A_341, %dma_start3A_353] : memref<125000x8x31xf32, #tpu.memory_space<hbm>> -> memref<1x1x31xf32, #tpu.memory_space<hbm>>
          %dma_start3A_355 = tpu.memref_squeeze %dma_start3A_354 : memref<1x1x31xf32, #tpu.memory_space<hbm>> -> memref<1x31xf32, #tpu.memory_space<hbm>>
          tpu.enqueue_dma source(%dma_start3A_355 : memref<1x31xf32, #tpu.memory_space<hbm>>) target(%dma_start3A_352 : memref<1x31xf32, #tpu.memory_space<vmem>>) target_semaphore(%arg11 : memref<!tpu.dma_semaphore, #tpu.memory_space<semaphore_mem>>)
          %slice3A_356 = vector.extract_strided_slice %get3A_119 {offsets = [12], sizes = [1], strides = [1]} : vector<16xi32> to vector<1xi32>
          %squeeze3A_357 = vector.extract %slice3A_356[0] : i32 from vector<1xi32>
          %shift_right_logical3A_358 = arith.constant 3 : i32
          %shift_right_logical3A_359 = arith.shrui %squeeze3A_357, %shift_right_logical3A_358 : i32
          %and3A_360 = arith.constant 7 : i32
          %and3A_361 = arith.andi %squeeze3A_357, %and3A_360 : i32
          %mul3A_362 = arith.constant 16 : i32
          %mul3A_363 = arith.muli %add3A_113, %mul3A_362 : i32
          %add3A_364 = arith.constant 12 : i32
          %add3A_365 = arith.addi %mul3A_363, %add3A_364 : i32
          %dma_start3A_366 = arith.constant 0 : i32
          %dma_start3A_367 = tpu.memref_slice %arg7[%add3A_365, %dma_start3A_366] : memref<256x31xf32, #tpu.memory_space<vmem>> -> memref<1x31xf32, #tpu.memory_space<vmem>>
          %dma_start3A_368 = arith.constant 0 : i32
          %dma_start3A_369 = tpu.memref_slice %arg3[%shift_right_logical3A_359, %and3A_361, %dma_start3A_368] : memref<125000x8x31xf32, #tpu.memory_space<hbm>> -> memref<1x1x31xf32, #tpu.memory_space<hbm>>
          %dma_start3A_370 = tpu.memref_squeeze %dma_start3A_369 : memref<1x1x31xf32, #tpu.memory_space<hbm>> -> memref<1x31xf32, #tpu.memory_space<hbm>>
          %dma_start3A_371 = arith.constant 0 : i32
          %dma_start3A_372 = tpu.memref_slice %arg7[%add3A_365, %dma_start3A_371] : memref<256x31xf32, #tpu.memory_space<vmem>> -> memref<1x31xf32, #tpu.memory_space<vmem>>
          %dma_start3A_373 = arith.constant 0 : i32
          %dma_start3A_374 = tpu.memref_slice %arg3[%shift_right_logical3A_359, %and3A_361, %dma_start3A_373] : memref<125000x8x31xf32, #tpu.memory_space<hbm>> -> memref<1x1x31xf32, #tpu.memory_space<hbm>>
          %dma_start3A_375 = tpu.memref_squeeze %dma_start3A_374 : memref<1x1x31xf32, #tpu.memory_space<hbm>> -> memref<1x31xf32, #tpu.memory_space<hbm>>
          tpu.enqueue_dma source(%dma_start3A_375 : memref<1x31xf32, #tpu.memory_space<hbm>>) target(%dma_start3A_372 : memref<1x31xf32, #tpu.memory_space<vmem>>) target_semaphore(%arg11 : memref<!tpu.dma_semaphore, #tpu.memory_space<semaphore_mem>>)
          %slice3A_376 = vector.extract_strided_slice %get3A_119 {offsets = [13], sizes = [1], strides = [1]} : vector<16xi32> to vector<1xi32>
          %squeeze3A_377 = vector.extract %slice3A_376[0] : i32 from vector<1xi32>
          %shift_right_logical3A_378 = arith.constant 3 : i32
          %shift_right_logical3A_379 = arith.shrui %squeeze3A_377, %shift_right_logical3A_378 : i32
          %and3A_380 = arith.constant 7 : i32
          %and3A_381 = arith.andi %squeeze3A_377, %and3A_380 : i32
          %mul3A_382 = arith.constant 16 : i32
          %mul3A_383 = arith.muli %add3A_113, %mul3A_382 : i32
          %add3A_384 = arith.constant 13 : i32
          %add3A_385 = arith.addi %mul3A_383, %add3A_384 : i32
          %dma_start3A_386 = arith.constant 0 : i32
          %dma_start3A_387 = tpu.memref_slice %arg7[%add3A_385, %dma_start3A_386] : memref<256x31xf32, #tpu.memory_space<vmem>> -> memref<1x31xf32, #tpu.memory_space<vmem>>
          %dma_start3A_388 = arith.constant 0 : i32
          %dma_start3A_389 = tpu.memref_slice %arg3[%shift_right_logical3A_379, %and3A_381, %dma_start3A_388] : memref<125000x8x31xf32, #tpu.memory_space<hbm>> -> memref<1x1x31xf32, #tpu.memory_space<hbm>>
          %dma_start3A_390 = tpu.memref_squeeze %dma_start3A_389 : memref<1x1x31xf32, #tpu.memory_space<hbm>> -> memref<1x31xf32, #tpu.memory_space<hbm>>
          %dma_start3A_391 = arith.constant 0 : i32
          %dma_start3A_392 = tpu.memref_slice %arg7[%add3A_385, %dma_start3A_391] : memref<256x31xf32, #tpu.memory_space<vmem>> -> memref<1x31xf32, #tpu.memory_space<vmem>>
          %dma_start3A_393 = arith.constant 0 : i32
          %dma_start3A_394 = tpu.memref_slice %arg3[%shift_right_logical3A_379, %and3A_381, %dma_start3A_393] : memref<125000x8x31xf32, #tpu.memory_space<hbm>> -> memref<1x1x31xf32, #tpu.memory_space<hbm>>
          %dma_start3A_395 = tpu.memref_squeeze %dma_start3A_394 : memref<1x1x31xf32, #tpu.memory_space<hbm>> -> memref<1x31xf32, #tpu.memory_space<hbm>>
          tpu.enqueue_dma source(%dma_start3A_395 : memref<1x31xf32, #tpu.memory_space<hbm>>) target(%dma_start3A_392 : memref<1x31xf32, #tpu.memory_space<vmem>>) target_semaphore(%arg11 : memref<!tpu.dma_semaphore, #tpu.memory_space<semaphore_mem>>)
          %slice3A_396 = vector.extract_strided_slice %get3A_119 {offsets = [14], sizes = [1], strides = [1]} : vector<16xi32> to vector<1xi32>
          %squeeze3A_397 = vector.extract %slice3A_396[0] : i32 from vector<1xi32>
          %shift_right_logical3A_398 = arith.constant 3 : i32
          %shift_right_logical3A_399 = arith.shrui %squeeze3A_397, %shift_right_logical3A_398 : i32
          %and3A_400 = arith.constant 7 : i32
          %and3A_401 = arith.andi %squeeze3A_397, %and3A_400 : i32
          %mul3A_402 = arith.constant 16 : i32
          %mul3A_403 = arith.muli %add3A_113, %mul3A_402 : i32
          %add3A_404 = arith.constant 14 : i32
          %add3A_405 = arith.addi %mul3A_403, %add3A_404 : i32
          %dma_start3A_406 = arith.constant 0 : i32
          %dma_start3A_407 = tpu.memref_slice %arg7[%add3A_405, %dma_start3A_406] : memref<256x31xf32, #tpu.memory_space<vmem>> -> memref<1x31xf32, #tpu.memory_space<vmem>>
          %dma_start3A_408 = arith.constant 0 : i32
          %dma_start3A_409 = tpu.memref_slice %arg3[%shift_right_logical3A_399, %and3A_401, %dma_start3A_408] : memref<125000x8x31xf32, #tpu.memory_space<hbm>> -> memref<1x1x31xf32, #tpu.memory_space<hbm>>
          %dma_start3A_410 = tpu.memref_squeeze %dma_start3A_409 : memref<1x1x31xf32, #tpu.memory_space<hbm>> -> memref<1x31xf32, #tpu.memory_space<hbm>>
          %dma_start3A_411 = arith.constant 0 : i32
          %dma_start3A_412 = tpu.memref_slice %arg7[%add3A_405, %dma_start3A_411] : memref<256x31xf32, #tpu.memory_space<vmem>> -> memref<1x31xf32, #tpu.memory_space<vmem>>
          %dma_start3A_413 = arith.constant 0 : i32
          %dma_start3A_414 = tpu.memref_slice %arg3[%shift_right_logical3A_399, %and3A_401, %dma_start3A_413] : memref<125000x8x31xf32, #tpu.memory_space<hbm>> -> memref<1x1x31xf32, #tpu.memory_space<hbm>>
          %dma_start3A_415 = tpu.memref_squeeze %dma_start3A_414 : memref<1x1x31xf32, #tpu.memory_space<hbm>> -> memref<1x31xf32, #tpu.memory_space<hbm>>
          tpu.enqueue_dma source(%dma_start3A_415 : memref<1x31xf32, #tpu.memory_space<hbm>>) target(%dma_start3A_412 : memref<1x31xf32, #tpu.memory_space<vmem>>) target_semaphore(%arg11 : memref<!tpu.dma_semaphore, #tpu.memory_space<semaphore_mem>>)
          %slice3A_416 = vector.extract_strided_slice %get3A_119 {offsets = [15], sizes = [1], strides = [1]} : vector<16xi32> to vector<1xi32>
          %squeeze3A_417 = vector.extract %slice3A_416[0] : i32 from vector<1xi32>
          %shift_right_logical3A_418 = arith.constant 3 : i32
          %shift_right_logical3A_419 = arith.shrui %squeeze3A_417, %shift_right_logical3A_418 : i32
          %and3A_420 = arith.constant 7 : i32
          %and3A_421 = arith.andi %squeeze3A_417, %and3A_420 : i32
          %mul3A_422 = arith.constant 16 : i32
          %mul3A_423 = arith.muli %add3A_113, %mul3A_422 : i32
          %add3A_424 = arith.constant 15 : i32
          %add3A_425 = arith.addi %mul3A_423, %add3A_424 : i32
          %dma_start3A_426 = arith.constant 0 : i32
          %dma_start3A_427 = tpu.memref_slice %arg7[%add3A_425, %dma_start3A_426] : memref<256x31xf32, #tpu.memory_space<vmem>> -> memref<1x31xf32, #tpu.memory_space<vmem>>
          %dma_start3A_428 = arith.constant 0 : i32
          %dma_start3A_429 = tpu.memref_slice %arg3[%shift_right_logical3A_419, %and3A_421, %dma_start3A_428] : memref<125000x8x31xf32, #tpu.memory_space<hbm>> -> memref<1x1x31xf32, #tpu.memory_space<hbm>>
          %dma_start3A_430 = tpu.memref_squeeze %dma_start3A_429 : memref<1x1x31xf32, #tpu.memory_space<hbm>> -> memref<1x31xf32, #tpu.memory_space<hbm>>
          %dma_start3A_431 = arith.constant 0 : i32
          %dma_start3A_432 = tpu.memref_slice %arg7[%add3A_425, %dma_start3A_431] : memref<256x31xf32, #tpu.memory_space<vmem>> -> memref<1x31xf32, #tpu.memory_space<vmem>>
          %dma_start3A_433 = arith.constant 0 : i32
          %dma_start3A_434 = tpu.memref_slice %arg3[%shift_right_logical3A_419, %and3A_421, %dma_start3A_433] : memref<125000x8x31xf32, #tpu.memory_space<hbm>> -> memref<1x1x31xf32, #tpu.memory_space<hbm>>
          %dma_start3A_435 = tpu.memref_squeeze %dma_start3A_434 : memref<1x1x31xf32, #tpu.memory_space<hbm>> -> memref<1x31xf32, #tpu.memory_space<hbm>>
          tpu.enqueue_dma source(%dma_start3A_435 : memref<1x31xf32, #tpu.memory_space<hbm>>) target(%dma_start3A_432 : memref<1x31xf32, #tpu.memory_space<vmem>>) target_semaphore(%arg11 : memref<!tpu.dma_semaphore, #tpu.memory_space<semaphore_mem>>)
        }
        %scan3A_108 = arith.constant 16 : i32
      } else {
      }
    }
    %scan3A_16 = arith.constant 50 : i32
    %add3A_17 = arith.constant 25088 : i32
    %add3A_18 = arith.addi %mul3A_2, %add3A_17 : i32
    %mul3A_19 = arith.constant 32 : i32
    %mul3A_20 = arith.muli %add3A_18, %mul3A_19 : i32
    %dma_wait3A = tpu.memref_slice %arg4[%mul3A_20] : memref<26214400xf32, #tpu.memory_space<hbm>> -> memref<8192xf32, #tpu.memory_space<hbm>>
    %dma_wait3A_21 = tpu.memref_slice %arg4[%mul3A_20] : memref<26214400xf32, #tpu.memory_space<hbm>> -> memref<8192xf32, #tpu.memory_space<hbm>>
    tpu.wait_dma2 semaphore(%arg12 : memref<!tpu.dma_semaphore, #tpu.memory_space<semaphore_mem>>) src(%arg8 : memref<8192xf32, #tpu.memory_space<vmem>>) dst(%dma_wait3A_21 : memref<8192xf32, #tpu.memory_space<hbm>>)
    %add3A_22 = arith.constant 25344 : i32
    %add3A_23 = arith.addi %mul3A_2, %add3A_22 : i32
    %mul3A_24 = arith.constant 32 : i32
    %mul3A_25 = arith.muli %add3A_23, %mul3A_24 : i32
    %dma_wait3A_26 = tpu.memref_slice %arg4[%mul3A_25] : memref<26214400xf32, #tpu.memory_space<hbm>> -> memref<8192xf32, #tpu.memory_space<hbm>>
    %dma_wait3A_27 = tpu.memref_slice %arg4[%mul3A_25] : memref<26214400xf32, #tpu.memory_space<hbm>> -> memref<8192xf32, #tpu.memory_space<hbm>>
    tpu.wait_dma2 semaphore(%arg13 : memref<!tpu.dma_semaphore, #tpu.memory_space<semaphore_mem>>) src(%arg9 : memref<8192xf32, #tpu.memory_space<vmem>>) dst(%dma_wait3A_27 : memref<8192xf32, #tpu.memory_space<hbm>>)
    return
  }
}

</mosaic_0001>

<sc_bundles>
// kernel: _sc_embed.3.cloned.1.call-start
scs
__scs_entry_jumppad:
0x0: {  	(pc) =	sbr.rel $0x88, $3  }
0x1: {  	(tag) =	ssettag $0x0;
	lr =	simm.s32 $0x1  }
0x2: {  	[smem:$0x3F9F] =	sst lr;
	_ =	strace $0xD0000000  }
0x3: {  	_ = 	snop  }
0x4: {  	_ = 	snop  }
0x5: {  	_ = 	snop  }
0x6: {  	_ = 	snop  }
0x7: {  	_ = 	snop  }
__scs_overlays_trampoline_lowered:
0x8: {  	[smem:$0x3FAE] =	sst s0  }
0x9: {  	[smem:$0x3FAF] =	sst s1  }
0xa: {  	[smem:$0x3FB0] =	sst s2  }
0xb: {  	[smem:$0x3FB1] =	sst s3  }
0xc: {  	[smem:$0x3FB2] =	sst s4  }
0xd: {  	[smem:$0x3FB3] =	sst s5  }
0xe: {  	[smem:$0x3FB4] =	sst s6  }
0xf: {  	[smem:$0x3FB5] =	sst s7  }
0x10: {  	[smem:$0x3FB6] =	sst s8  }
0x11: {  	[smem:$0x3FB7] =	sst s9;
	s0 =	simm.s32 @!p0 $0x0  }
0x12: {  	s1 =	sld [smem:$0x3F9D];
	s0 =	simm.s32 @p0 $0x1  }
0x13: {  	[smem:$0x3FB8] =	sst s0;
	s0 =	simm.s32 @!p1 $0x0  }
0x14: {  	s2 =	sld [smem:$0x3F9C];
	s0 =	simm.s32 @p1 $0x1  }
0x15: {  	[smem:$0x3FB9] =	sst s0;
	s0 =	simm.s32 @!p2 $0x0  }
0x16: {  	s3 =	sld [smem:$0x3FDB];
	s0 =	simm.s32 @p2 $0x1  }
0x17: {  	s4 =	simm.s32 $0x1BF5;
	[smem:$0x3FBB] =	sst s0  }
0x18: {  	s0 =	sld [smem:$0x3F9E];
	_ =	swait.ge [sflag:s4], $0x0  }
0x19: {  	s7 =	sld [smem:$0x3F9F]  }
0x1a: {  	s8 =	sadd.s32 $0xFFFFE003, lr  }
0x1b: {  	s9 =	sadd.s32 $0xFFFFFEF7, lr;
	s5 =	simm.s32 $0xFFFFFFFF;
	p2 =	slt.u32 s8, $0xFFFFF086  }
0x1c: {  	p1 =	slt.u32 s9, $0xF7A;
	s5 =	simm.s32 @!p2 $0x0  }
0x1d: {  	s5 =	simm.s32 @p1 $0x1;
	p0 =	seq.s32 s7, s2  }
0x1e: {  	s7 =	smul.u32 @!p0 $0xF7A, s2;
	p2 =	seq.s32 @!p0 s5, $0x0  }
0x1f: {  	s9 =	smul.u32 $0xF7A, s1;
	s8 =	simm.s32 @!p0 $0x1BF5;
	p2 =	por !p2, p0  }
0x20: {  	[sflag:s8] =	ssyncset.s32 @!p0 $0xFFFFF086;
	s6 =	sadd.s32 @!p0 s3, s7;
	s7 =	simm.s32 @!p0 $0x108  }
0x21: {  	s3 =	sadd.s32 s3, s9;
	s6 =	sadd.s32 @!p0 $0x88, s6;
	s7 =	simm.s32 @p2 $0x1082  }
0x22: {  	[simem:s7], [sflag:s8] =	dma.local @!p0 [hbm:s6], $0xF7A  }
0x23: {  	s9 =	sor.u32 $0xD0000000, s2;
	s6 =	simm.s32 $0x108;
	_ =	swait.ge @!p0 [sflag:s8], $0x0  }
0x24: {  	s3 =	sadd.s32 $0x88, s3;
	s6 =	simm.s32 @!p1 $0x1082;
	[sflag:s4] =	ssyncset.s32 $0xFFFFF086  }
0x25: {  	[simem:s6], [sflag:s4] =	dma.local [hbm:s3], $0xF7A  }
0x26: {  	[smem:$0x3F9F] =	sst s1;
	(tag) =	ssettag s2;
	_ =	strace s9  }
0x27: {  	s1 =	sld [smem:$0x3FAF]  }
0x28: {  	s2 =	sld [smem:$0x3FB0]  }
0x29: {  	s4 =	sld [smem:$0x3FB2]  }
0x2a: {  	p0 =	seq.s32 s5, $0x0;
	s5 =	sld [smem:$0x3FB3]  }
0x2b: {  	s6 =	sld [smem:$0x3FB4]  }
0x2c: {  	s7 =	sld [smem:$0x3FB5]  }
0x2d: {  	s3 =	simm.s32 $0x108;
	s8 =	sld [smem:$0x3FB6]  }
0x2e: {  	s3 =	simm.s32 @!p0 $0x1082;
	s9 =	sld [smem:$0x3FB7]  }
0x2f: {  	lr =	sadd.s32 s0, s3;
	s0 =	sld [smem:$0x3FAE]  }
0x30: {  	s3 =	sld [smem:$0x3FB1]  }
0x31: {  	[smem:$0x3FBA] =	sst s10  }
0x32: {  	s10 =	sld [smem:$0x3FB8];
	_ =	sdelay $0x3  }
0x33: {  	p0 =	seq.s32 s10, $0x1;
	s10 =	sld [smem:$0x3FBA];
	_ =	sdelay $0x3  }
0x34: {  	[smem:$0x3FBA] =	sst s10  }
0x35: {  	s10 =	sld [smem:$0x3FB9];
	_ =	sdelay $0x3  }
0x36: {  	p1 =	seq.s32 s10, $0x1;
	s10 =	sld [smem:$0x3FBA];
	_ =	sdelay $0x3  }
0x37: {  	[smem:$0x3FBA] =	sst s10  }
0x38: {  	s10 =	sld [smem:$0x3FBB]  }
0x39: {  	_ = 	snop;
	(pc) =	sbr.ind lr, $3  }
0x3a: {  	_ = 	snop  }
0x3b: {  	_ = 	snop  }
0x3c: {  	p2 =	seq.s32 s10, $0x1;
	s10 =	sld [smem:$0x3FBA]  }
0x3d: {  	_ =	shalt  }
0x3e: {  	_ =	shalt  }
0x3f: {  	_ =	shalt  }
0x40: {  	_ =	shalt  }
0x41: {  	_ =	shalt  }
0x42: {  	_ =	shalt  }
0x43: {  	_ =	shalt  }
0x44: {  	_ =	shalt  }
0x45: {  	_ =	shalt  }
0x46: {  	_ =	shalt  }
0x47: {  	_ =	shalt  }
0x48: {  	_ =	shalt  }
0x49: {  	_ =	shalt  }
0x4a: {  	_ =	shalt  }
0x4b: {  	_ =	shalt  }
0x4c: {  	_ =	shalt  }
0x4d: {  	_ =	shalt  }
0x4e: {  	_ =	shalt  }
0x4f: {  	_ =	shalt  }
0x50: {  	_ =	shalt  }
0x51: {  	_ =	shalt  }
0x52: {  	_ =	shalt  }
0x53: {  	_ =	shalt  }
0x54: {  	_ =	shalt  }
0x55: {  	_ =	shalt  }
0x56: {  	_ =	shalt  }
0x57: {  	_ =	shalt  }
0x58: {  	_ =	shalt  }
0x59: {  	_ =	shalt  }
0x5a: {  	_ =	shalt  }
0x5b: {  	_ =	shalt  }
0x5c: {  	_ =	shalt  }
0x5d: {  	_ =	shalt  }
0x5e: {  	_ =	shalt  }
0x5f: {  	_ =	shalt  }
0x60: {  	_ =	shalt  }
0x61: {  	_ =	shalt  }
0x62: {  	_ =	shalt  }
0x63: {  	_ =	shalt  }
0x64: {  	_ =	shalt  }
0x65: {  	_ =	shalt  }
0x66: {  	_ =	shalt  }
0x67: {  	_ =	shalt  }
0x68: {  	_ =	shalt  }
0x69: {  	_ =	shalt  }
0x6a: {  	_ =	shalt  }
0x6b: {  	_ =	shalt  }
0x6c: {  	_ =	shalt  }
0x6d: {  	_ =	shalt  }
0x6e: {  	_ =	shalt  }
0x6f: {  	_ =	shalt  }
0x70: {  	_ =	shalt  }
0x71: {  	_ =	shalt  }
0x72: {  	_ =	shalt  }
0x73: {  	_ =	shalt  }
0x74: {  	_ =	shalt  }
0x75: {  	_ =	shalt  }
0x76: {  	_ =	shalt  }
0x77: {  	_ =	shalt  }
0x78: {  	_ =	shalt  }
0x79: {  	_ =	shalt  }
0x7a: {  	_ =	shalt  }
0x7b: {  	_ =	shalt  }
0x7c: {  	_ =	shalt  }
0x7d: {  	_ =	shalt  }
0x7e: {  	_ =	shalt  }
0x7f: {  	_ =	shalt  }
0x80: {  	_ =	shalt  }
0x81: {  	_ =	shalt  }
0x82: {  	_ =	shalt  }
0x83: {  	_ =	shalt  }
0x84: {  	_ =	shalt  }
0x85: {  	_ =	shalt  }
0x86: {  	_ =	shalt  }
0x87: {  	_ =	shalt  }
.Lfunc_end0:
.L_simem_size_0:
called_computation_lowered:
.L_overlay_start_0:
0x88: {  	s2 =	sld [smem:$0x3FD9]  }
0x89: {  	s3 =	sld [smem:$0x3FFE];
	_ =	sdelay $0x1  }
0x8a: {  	s1 =	srdreg.scid  }
0x8b: {  	s0 =	sand.u32 $0x1, s1  }
0x8c: {  	s17 =	sshll.u32 s0, $0xA;
	s2 =	sadd.s32 s3, s2  }
0x8d: {  	s2 =	sadd.s32 s2, s17  }
0x8e: {  	[smem:$0x3FC6] =	sst s2  }
0x8f: {  	_ = 	snop  }
0x90: {  	s2 =	sld [smem:$0x3FC9]  }
0x91: {  	s18 =	sld [smem:$0x3FD0];
	(tm) =	ssettm $0x1  }
0x92: {  	s4 =	sld [smem:$0x3FFB];
	_ =	sdelay $0x3  }
0x93: {  	_ =	strace s4  }
0x94: {  	s4 =	sld [smem:$0x3FFC];
	_ =	sdelay $0x3  }
0x95: {  	_ =	strace s4  }
0x96: {  	s4 =	sld [smem:$0x3FFD];
	_ =	sdelay $0x3  }
0x97: {  	_ =	strace s4  }
0x98: {  	_ =	strace $0x8FFFFFFF  }
0x99: {  	s19 =	sld [smem:$0x3FDB];
	_ =	sdelay $0x1  }
0x9a: {  	s5 =	simm.s32 $_scs_section_size  }
0x9b: {  	s6 =	simm.s32 $_size__tile_overlayer_lowered;
	s7 =	simm.s32 $_tile_overlayer_lowered  }
0x9c: {  	s22 =	simm.s32 $0x1BFF;
	s21 =	sshll.u32 s7, $0x1;
	s4 =	sadd.s32 s5, s19  }
0x9d: {  	s8 =	simm.s32 $0x0;
	s20 =	sshll.u32 s6, $0x1;
	s6 =	sadd.s32 s21, s4  }
0x9e: {  	[timem:s8], [sflag:s22] =	dma.local [hbm:s6], s20  }
0x9f: {  	_ =	swait.ge [sflag:s22], s20  }
0xa0: {  	s5 =	ssub.s32 $0x0, s20;
	[sflag:s22] =	ssyncset.done $0x0  }
0xa1: {  	[sflag:s22] =	ssyncadd.s32 s5;
	_ =	sdelay $0x1  }
0xa2: {  	s23 =	simm.s32 $0x1B8B  }
0xa3: {  	_ =	swait.ge [sflag:s23], $0x1  }
0xa4: {  	[sflag:s23] =	ssyncset.done $0x0  }
0xa5: {  	s25 =	simm.s32 $0x1B8E;
	s24 =	sld [smem:$0x3FFE];
	[sflag:s23] =	ssyncadd.s32 $0xFFFFFFFF  }
0xa6: {  	s26 =	simm.s32 $execute0_lowered;
	[smem:$0x3FD2] =	sst s25  }
0xa7: {  	s6 =	sshll.u32 s26, $0x1;
	_ =	strace $0x80000046;
	[dreg:$0x1] =	wrdreg $0xFFFFFFFF  }
0xa8: {  	s28 =	simm.s32 $_size_execute0_lowered;
	s4 =	sadd.s32 s4, s6;
	[dreg:$0x0] =	wrdreg $0x0  }
0xa9: {  	s6 =	sshll.u32 s28, $0x1;
	[dreg:$0x2] =	wrdreg s4  }
0xaa: {  	[dreg:$0x3] =	wrdreg s6  }
0xab: {  	[dreg:$0x4] =	wrdreg $0xC0  }
0xac: {  	_ =	task [dreg:s8], $0x5FFFF  }
0xad: {  	[dreg:$0x1] =	wrdreg $0xFFFFFFFF  }
0xae: {  	[dreg:$0x0] =	wrdreg $0x60  }
0xaf: {  	[dreg:$0x2] =	wrdreg s2  }
0xb0: {  	[dreg:$0x3] =	wrdreg s24  }
0xb1: {  	[dreg:$0x4] =	wrdreg s18  }
0xb2: {  	[dreg:$0x5] =	wrdreg $0x9  }
0xb3: {  	_ =	task.clear_ibuf [dreg:s8], $0x6FFFF;
	_ =	strace $0x90000046  }
0xb4: {  	s29 =	simm.s32 $0x9;
	_ =	strace $0x80000048  }
0xb5: {  	_ =	swait.ge [sflag:s29], $0x1  }
0xb6: {  	[sflag:s29] =	ssyncadd.s32 $0xFFFFFFFF  }
0xb7: {  	_ =	strace $0x90000048  }
0xb8: {  	_ =	sfence  }
0xb9: {  	s30 =	sld [smem:$0x0];
	_ =	sdelay $0x2  }
0xba: {  	s31 =	sshll.u32 s1, $0xD;
	s1 =	sshrl.u32 s1, $0x2  }
0xbb: {  	s3 =	sand.u32 $0x4000, s31;
	s1 =	sadd.s32 s1, s30  }
0xbc: {  	s0 =	sor.u32 s3, s0;
	s1 =	sshll.u32 s1, $0x11  }
0xbd: {  	s0 =	sor.u32 s1, s0  }
0xbe: {  	s0 =	sadd.s32 $0x8F2B, s0  }
0xbf: {  	[sflag:s0] =	ssyncadd.remote.s32 $0x1  }
0xc0: {  	_ =	sfence.sel $0xFFFF  }
0xc1: {  	[dreg:$0x0] =	wrdreg $0xFFFFFFFF;
	(pc) =	sbr.abs _section_cstart, $3  }
0xc2: {  	[dreg:$0x1] =	wrdreg $0xFFFFFFFF  }
0xc3: {  	_ =	task.clear_ibuf [dreg:s8], $0x2FFFF;
	_ =	strace $0x9FFFFFFF  }
0xc4: {  	(tm) =	ssettm $0x7FFFFFFF  }
0xc5: {  	_ =	shalt  }
tec
execute0_lowered:
.L_overlay_start_1:
0x0: {  	(tag) =	ssettag $0x1  }
0x1: {  	s0 =	rddreg [dreg:$0x0]  }
0x2: {  	s3 =	srdreg.scid;
	s2 =	stileid.u32  }
0x3: {  	s1 =	rddreg [dreg:$0x1];
	s4 =	sand.u32 $0x1, s3;
	s28 =	sshll.u32 s2, $0x1  }
0x4: {  	s10 =	rddreg [dreg:$0x2];
	s5 =	sor.u32 s4, s28  }
0x5: {  	s11 =	simm.s32 $0x6400;
	s12 =	simm.s32 $0x16400;
	s7 =	smul.u32 $0xC80, s5  }
0x6: {  	s3 =	simm.s32 $0x0;
	s6 =	ssub.s32 $0x2, s4;
	s9 =	smul.u32 $0x19000, s5  }
0x7: {  	[smem:$0x7FF] =	sst s3;
	s4 =	sadd.s32 $0x400, s1;
	s30 =	smul.u32 $0xC8000, s5  }
.Ltmp0:
0x8: {  	s8 =	sshrl.u32 s6, $0x1;
	_ =	strace $0x80000047;
	(pc) =	sbr.rel .LBB2_1-.Ltmp0, $4  }
0x9: {  	s29 =	ssub.s32 s6, s8;
	s0 =	sadd.s32 s0, s7;
	[dreg:$0x7] =	wrdreg s30  }
0xa: {  	s31 =	sadd.s32 s9, s10;
	s1 =	smax.u32 s29, $0x1;
	[dreg:$0x6] =	wrdreg s0  }
0xb: {  	s15 =	simm.s32 $0xE400;
	[dreg:$0x8] =	wrdreg s1;
	s0 =	sadd.s32 $0x400, s31  }
0xc: {  	v0 =	vlaneseq.u32;
	s16 =	simm.s32 $0x18400;
	s2 =	simm.s32 $0x0;
	[dreg:$0x9] =	wrdreg s0  }
.LBB2_19:
0xd: {  	s0 =	simm.s32 $0x3  }
0xe: {  	_ =	swait.ge [sflag:s0], $0x2000  }
0xf: {  	[sflag:s0] =	ssyncset.done $0x0  }
0x10: {  	s1 =	simm.s32 $0x4;
	[sflag:s0] =	ssyncadd.s32 $0xFFFFE000  }
0x11: {  	_ =	swait.ge [sflag:s1], $0x2000  }
0x12: {  	s2 =	rddreg [dreg:$0xa]  }
0x13: {  	s31 =	rddreg [dreg:$0x8];
	s2 =	sadd.s32 $0x1, s2  }
0x14: {  	p0 =	sne.s32 s2, s31  }
.Ltmp1:
0x15: {  	_ = 	snop;
	(pc) =	sbr.rel @!p0 .LBB2_20-.Ltmp1, $3  }
0x16: {  	_ =	sdelay $0x1  }
0x17: {  	[sflag:s1] =	ssyncset.done $0x0  }
0x18: {  	[sflag:s1] =	ssyncadd.s32 $0xFFFFE000  }
.LBB2_1:
0x19: {  	[dreg:$0xa] =	wrdreg s2  }
0x1a: {  	s0 =	rddreg [dreg:$0x6];
	s31 =	simm.s32 $0x5  }
0x1b: {  	[tilespmem:s3], [sflag:$0x5] =	stream.linear.gather [hbm4b:s0+s3], $0x6400, $0x38;
	[tilespmem:$0x1A400] =	vst v63  }
0x1c: {  	_ =	swait.ge [sflag:s31], $0x6400  }
0x1d: {  	[sflag:s31] =	ssyncset.done $0x0  }
0x1e: {  	[sflag:s31] =	ssyncadd.s32 $0xFFFF9C00  }
0x1f: {  	v1 =	vld [tilespmem:s3+$0x0];
	_ =	sdelay $0x4  }
0x20: {  	v1 =	vshll.u32 v1, $0x4  }
0x21: {  	(v2sf) =	vpush v1, $0x0  }
0x22: {  	(v2sf) =	vpush v1, $0x1  }
0x23: {  	(v2sf) =	vpush v1, $0x2;
	_ =	sdelay $0x1  }
0x24: {  	(v2sf) =	vpush v1, $0x4;
	_ =	sdelay $0x1  }
0x25: {  	(v2sf) =	vpush v1, $0x3  }
0x26: {  	(v2sf) =	vpush v1, $0x5  }
0x27: {  	s21 =	simm.s32 $0x2000;
	s20 =	simm.s32 $0x0;
	s22 =	simm.s32 $0x0;
	(v2sf) =	vpush v1, $0x6  }
.LBB2_2:
0x28: {  	p0 =	sne.s32 s21, $0x1E000  }
0x29: {  	s9 =	sadd.s32 $0x6480, s20;
	s26 =	sadd.s32 $0x6980, s20;
	s23 =	smov.u32 s21  }
0x2a: {  	s21 =	sadd.s32 $0x2000, s21;
	s28 =	sadd.s32 $0x6780, s20;
	s24 =	sadd.s32 $0x6A00, s20;
	(v2sf) =	vpush v1, $0x7  }
0x2b: {  	s7 =	sadd.s32 $0x6680, s20;
	s0 =	sadd.s32 $0x6800, s20;
	s25 =	sadd.s32 $0x6A80, s20  }
0x2c: {  	s17 =	sadd.s32 $0x6400, s20;
	s29 =	sadd.s32 $0x6600, s20;
	(v2sf) =	vpush v1, $0x8  }
0x2d: {  	s19 =	simm.s32 $0x0;
	s30 =	sadd.s32 $0x6700, s20;
	s22 =	sadd.s32 $0x10, s22  }
0x2e: {  	s31 =	sadd.s32 $0x6500, s20;
	s1 =	sadd.s32 $0x6900, s20;
	s5 =	spop (v2sf);
	(v2sf) =	vpush v1, $0x9  }
0x2f: {  	s18 =	sand.u32 $0x1FFFFFF0, s5;
	s5 =	sadd.s32 $0x6880, s20;
	s2 =	spop (v2sf)  }
0x30: {  	s18 =	sadd.s32 s4, s18;
	s2 =	sand.u32 $0x1FFFFFF0, s2;
	s6 =	spop (v2sf);
	(v2sf) =	vpush v1, $0xA  }
0x31: {  	[tilespmem:s17], [sflag:$0x1] =	stream.linear.gather [hbm4b:s18+s19], $0x80, $0x38;
	[tilespmem:$0x1A400] =	vst v63  }
0x32: {  	s2 =	sadd.s32 s4, s2;
	s17 =	sadd.s32 $0x6580, s20;
	s18 =	spop (v2sf);
	(v2sf) =	vpush v1, $0xB  }
0x33: {  	[tilespmem:s9], [sflag:$0x1] =	stream.linear.gather [hbm4b:s2+s19], $0x80, $0x38;
	[tilespmem:$0x1A400] =	vst v63  }
0x34: {  	s2 =	sand.u32 $0x1FFFFFF0, s6;
	s6 =	sand.u32 $0x1FFFFFF0, s18;
	s9 =	spop (v2sf);
	(v2sf) =	vpush v1, $0xC  }
0x35: {  	s2 =	sadd.s32 s4, s2;
	s9 =	sand.u32 $0x1FFFFFF0, s9;
	s18 =	spop (v2sf)  }
0x36: {  	[tilespmem:s31], [sflag:$0x1] =	stream.linear.gather [hbm4b:s2+s19], $0x80, $0x38;
	(v2sf) =	vpush v1, $0xD;
	[tilespmem:$0x1A400] =	vst v63  }
0x37: {  	s2 =	sadd.s32 s4, s9;
	s9 =	sand.u32 $0x1FFFFFF0, s18;
	s18 =	spop (v2sf)  }
0x38: {  	[tilespmem:s17], [sflag:$0x1] =	stream.linear.gather [hbm4b:s2+s19], $0x80, $0x38;
	(v2sf) =	vpush v1, $0xE;
	[tilespmem:$0x1A400] =	vst v63  }
0x39: {  	s2 =	sadd.s32 s4, s6;
	s6 =	sand.u32 $0x1FFFFFF0, s18;
	s17 =	spop (v2sf)  }
0x3a: {  	[tilespmem:s29], [sflag:$0x1] =	stream.linear.gather [hbm4b:s2+s19], $0x80, $0x38;
	(v2sf) =	vpush v1, $0xF;
	[tilespmem:$0x1A400] =	vst v63  }
0x3b: {  	s2 =	sadd.s32 s4, s9;
	s9 =	sand.u32 $0x1FFFFFF0, s17;
	s17 =	spop (v2sf)  }
0x3c: {  	[tilespmem:s7], [sflag:$0x1] =	stream.linear.gather [hbm4b:s2+s19], $0x80, $0x38;
	[tilespmem:$0x1A400] =	vst v63  }
0x3d: {  	s2 =	sadd.s32 s4, s6;
	s6 =	sand.u32 $0x1FFFFFF0, s17;
	s7 =	spop (v2sf)  }
0x3e: {  	[tilespmem:s30], [sflag:$0x1] =	stream.linear.gather [hbm4b:s2+s19], $0x80, $0x38;
	[tilespmem:$0x1A400] =	vst v63  }
0x3f: {  	s2 =	sadd.s32 s4, s9;
	s7 =	sand.u32 $0x1FFFFFF0, s7;
	s9 =	spop (v2sf)  }
0x40: {  	[tilespmem:s28], [sflag:$0x1] =	stream.linear.gather [hbm4b:s2+s19], $0x80, $0x38;
	[tilespmem:$0x1A400] =	vst v63  }
0x41: {  	s2 =	sadd.s32 s4, s6;
	s6 =	sand.u32 $0x1FFFFFF0, s9;
	s9 =	spop (v2sf)  }
0x42: {  	[tilespmem:s0], [sflag:$0x1] =	stream.linear.gather [hbm4b:s2+s19], $0x80, $0x38;
	[tilespmem:$0x1A400] =	vst v63  }
0x43: {  	s0 =	sadd.s32 s4, s7;
	s2 =	sand.u32 $0x1FFFFFF0, s9;
	s7 =	spop (v2sf)  }
0x44: {  	[tilespmem:s5], [sflag:$0x1] =	stream.linear.gather [hbm4b:s0+s19], $0x80, $0x38;
	[tilespmem:$0x1A400] =	vst v63  }
0x45: {  	s0 =	sadd.s32 s4, s6;
	s5 =	sand.u32 $0x1FFFFFF0, s7;
	s6 =	spop (v2sf)  }
0x46: {  	[tilespmem:s1], [sflag:$0x1] =	stream.linear.gather [hbm4b:s0+s19], $0x80, $0x38;
	[tilespmem:$0x1A400] =	vst v63  }
0x47: {  	s0 =	sadd.s32 s4, s2;
	s1 =	sand.u32 $0x1FFFFFF0, s6;
	s2 =	spop (v2sf)  }
0x48: {  	[tilespmem:s26], [sflag:$0x1] =	stream.linear.gather [hbm4b:s0+s19], $0x80, $0x38;
	[tilespmem:$0x1A400] =	vst v63  }
0x49: {  	s0 =	sadd.s32 s4, s5;
	s2 =	sand.u32 $0x1FFFFFF0, s2;
	s5 =	spop (v2sf)  }
0x4a: {  	[tilespmem:s24], [sflag:$0x1] =	stream.linear.gather [hbm4b:s0+s19], $0x80, $0x38;
	[tilespmem:$0x1A400] =	vst v63  }
0x4b: {  	s0 =	sadd.s32 s4, s1;
	s1 =	sand.u32 $0x1FFFFFF0, s5  }
0x4c: {  	[tilespmem:s25], [sflag:$0x1] =	stream.linear.gather [hbm4b:s0+s19], $0x80, $0x38;
	[tilespmem:$0x1A400] =	vst v63  }
0x4d: {  	s2 =	sadd.s32 s4, s2;
	s0 =	sadd.s32 $0x6B00, s20  }
0x4e: {  	[tilespmem:s0], [sflag:$0x1] =	stream.linear.gather [hbm4b:s2+s19], $0x80, $0x38;
	[tilespmem:$0x1A400] =	vst v63  }
0x4f: {  	s1 =	sadd.s32 s4, s1;
	s0 =	sadd.s32 $0x6B80, s20  }
0x50: {  	[tilespmem:s0], [sflag:$0x1] =	stream.linear.gather [hbm4b:s1+s19], $0x80, $0x38;
	[tilespmem:$0x1A400] =	vst v63  }
0x51: {  	v1 =	vld [tilespmem:s22+$0x0];
	_ =	sdelay $0x4  }
0x52: {  	v1 =	vshll.u32 v1, $0x4  }
0x53: {  	(v2sf) =	vpush v1, $0x0  }
0x54: {  	(v2sf) =	vpush v1, $0x1  }
0x55: {  	(v2sf) =	vpush v1, $0x2;
	_ =	sdelay $0x1  }
0x56: {  	(v2sf) =	vpush v1, $0x4  }
.Ltmp2:
0x57: {  	(pc) =	sbr.rel @p0 .LBB2_2-.Ltmp2, $3  }
0x58: {  	(v2sf) =	vpush v1, $0x3  }
0x59: {  	(v2sf) =	vpush v1, $0x5;
	_ =	sdelay $0x1  }
0x5a: {  	s20 =	sshra.s32 s23, $0x2;
	(v2sf) =	vpush v1, $0x6  }
0x5b: {  	_ =	sdelay $0x1  }
0x5c: {  	s2 =	sadd.s32 $0x6480, s20;
	s5 =	sadd.s32 $0x6980, s20  }
0x5d: {  	s6 =	sadd.s32 $0x6780, s20;
	s0 =	sadd.s32 $0x6A00, s20;
	(v2sf) =	vpush v1, $0x7;
	s7 =	sadd.s32 $0x6680, s20  }
0x5e: {  	s9 =	sadd.s32 $0x6800, s20;
	s1 =	sadd.s32 $0x6A80, s20;
	s17 =	sadd.s32 $0x6400, s20  }
0x5f: {  	s18 =	sadd.s32 $0x6600, s20;
	s21 =	sadd.s32 $0x6700, s20;
	(v2sf) =	vpush v1, $0x8;
	s22 =	spop (v2sf)  }
0x60: {  	s23 =	sadd.s32 $0x6500, s20;
	s22 =	sand.u32 $0x1FFFFFF0, s22;
	s24 =	spop (v2sf)  }
0x61: {  	(v2sf) =	vpush v1, $0x9;
	s22 =	sadd.s32 s4, s22;
	s24 =	sand.u32 $0x1FFFFFF0, s24;
	s25 =	spop (v2sf)  }
0x62: {  	[tilespmem:s17], [sflag:$0x1] =	stream.linear.gather [hbm4b:s22+s19], $0x80, $0x38;
	[tilespmem:$0x1A400] =	vst v63  }
0x63: {  	s26 =	sadd.s32 $0x6580, s20;
	(v2sf) =	vpush v1, $0xA;
	s29 =	sadd.s32 s4, s24;
	s30 =	spop (v2sf)  }
0x64: {  	[tilespmem:s2], [sflag:$0x1] =	stream.linear.gather [hbm4b:s29+s19], $0x80, $0x38;
	[tilespmem:$0x1A400] =	vst v63  }
0x65: {  	s17 =	sadd.s32 $0x6900, s20;
	s31 =	sand.u32 $0x1FFFFFF0, s25;
	(v2sf) =	vpush v1, $0xB;
	s8 =	spop (v2sf)  }
0x66: {  	s22 =	sadd.s32 s4, s31;
	s2 =	sadd.s32 $0x6880, s20;
	s25 =	sand.u32 $0x1FFFFFF0, s8  }
0x67: {  	(v2sf) =	vpush v1, $0xC;
	[tilespmem:s23], [sflag:$0x1] =	stream.linear.gather [hbm4b:s22+s19], $0x80, $0x38;
	[tilespmem:$0x1A400] =	vst v63  }
0x68: {  	s10 =	sand.u32 $0x1FFFFFF0, s30;
	s13 =	spop (v2sf);
	s14 =	sadd.s32 s4, s25  }
0x69: {  	(v2sf) =	vpush v1, $0xD;
	[tilespmem:s26], [sflag:$0x1] =	stream.linear.gather [hbm4b:s14+s19], $0x80, $0x38;
	[tilespmem:$0x1A400] =	vst v63  }
0x6a: {  	s22 =	sadd.s32 s4, s10;
	s23 =	sand.u32 $0x1FFFFFF0, s13;
	s25 =	spop (v2sf)  }
0x6b: {  	(v2sf) =	vpush v1, $0xE;
	[tilespmem:s18], [sflag:$0x1] =	stream.linear.gather [hbm4b:s22+s19], $0x80, $0x38;
	[tilespmem:$0x1A400] =	vst v63  }
0x6c: {  	s23 =	sadd.s32 s4, s23;
	s26 =	sand.u32 $0x1FFFFFF0, s25;
	s28 =	spop (v2sf)  }
0x6d: {  	(v2sf) =	vpush v1, $0xF;
	[tilespmem:s7], [sflag:$0x1] =	stream.linear.gather [hbm4b:s23+s19], $0x80, $0x38;
	[tilespmem:$0x1A400] =	vst v63  }
0x6e: {  	s29 =	sand.u32 $0x1FFFFFF0, s28;
	s30 =	spop (v2sf);
	s18 =	sadd.s32 s4, s26  }
0x6f: {  	[tilespmem:s21], [sflag:$0x1] =	stream.linear.gather [hbm4b:s18+s19], $0x80, $0x38;
	[tilespmem:$0x1A400] =	vst v63  }
0x70: {  	s31 =	sand.u32 $0x1FFFFFF0, s30;
	s7 =	sadd.s32 s4, s29;
	s8 =	spop (v2sf)  }
0x71: {  	[tilespmem:s6], [sflag:$0x1] =	stream.linear.gather [hbm4b:s7+s19], $0x80, $0x38;
	[tilespmem:$0x1A400] =	vst v63  }
0x72: {  	s18 =	sadd.s32 s4, s31;
	s10 =	sand.u32 $0x1FFFFFF0, s8;
	s13 =	spop (v2sf)  }
0x73: {  	[tilespmem:s9], [sflag:$0x1] =	stream.linear.gather [hbm4b:s18+s19], $0x80, $0x38;
	[tilespmem:$0x1A400] =	vst v63  }
0x74: {  	s7 =	sand.u32 $0x1FFFFFF0, s13;
	s6 =	sadd.s32 s4, s10;
	s14 =	spop (v2sf)  }
0x75: {  	[tilespmem:s2], [sflag:$0x1] =	stream.linear.gather [hbm4b:s6+s19], $0x80, $0x38;
	[tilespmem:$0x1A400] =	vst v63  }
0x76: {  	s7 =	sadd.s32 s4, s7;
	s18 =	sand.u32 $0x1FFFFFF0, s14;
	s21 =	spop (v2sf)  }
0x77: {  	[tilespmem:s17], [sflag:$0x1] =	stream.linear.gather [hbm4b:s7+s19], $0x80, $0x38;
	[tilespmem:$0x1A400] =	vst v63  }
0x78: {  	s2 =	sadd.s32 s4, s18;
	s6 =	sand.u32 $0x1FFFFFF0, s21;
	s22 =	spop (v2sf)  }
0x79: {  	[tilespmem:s5], [sflag:$0x1] =	stream.linear.gather [hbm4b:s2+s19], $0x80, $0x38;
	[tilespmem:$0x1A400] =	vst v63  }
0x7a: {  	s23 =	sand.u32 $0x1FFFFFF0, s22;
	s6 =	sadd.s32 s4, s6;
	s24 =	spop (v2sf)  }
0x7b: {  	[tilespmem:s0], [sflag:$0x1] =	stream.linear.gather [hbm4b:s6+s19], $0x80, $0x38;
	[tilespmem:$0x1A400] =	vst v63  }
0x7c: {  	s25 =	sand.u32 $0x1FFFFFF0, s24;
	s26 =	spop (v2sf);
	s2 =	sadd.s32 s4, s23  }
0x7d: {  	[tilespmem:s1], [sflag:$0x1] =	stream.linear.gather [hbm4b:s2+s19], $0x80, $0x38;
	[tilespmem:$0x1A400] =	vst v63  }
0x7e: {  	s29 =	sadd.s32 $0x6B00, s20;
	s28 =	sand.u32 $0x1FFFFFF0, s26;
	s0 =	sadd.s32 s4, s25  }
0x7f: {  	[tilespmem:s29], [sflag:$0x1] =	stream.linear.gather [hbm4b:s0+s19], $0x80, $0x38;
	[tilespmem:$0x1A400] =	vst v63  }
0x80: {  	s30 =	sadd.s32 $0x6B80, s20;
	s31 =	sand.u32 $0xF0, s19;
	s1 =	sadd.s32 s4, s28  }
0x81: {  	[tilespmem:s30], [sflag:$0x1] =	stream.linear.gather [hbm4b:s1+s19], $0x80, $0x38;
	[tilespmem:$0x1A400] =	vst v63  }
0x82: {  	v1 =	vld [tilespmem:s31+$0x100];
	_ =	sdelay $0x4  }
0x83: {  	v1 =	vshll.u32 v1, $0x4  }
0x84: {  	(v2sf) =	vpush v1, $0x0  }
0x85: {  	(v2sf) =	vpush v1, $0x2  }
0x86: {  	(v2sf) =	vpush v1, $0x1;
	_ =	sdelay $0x1  }
0x87: {  	(v2sf) =	vpush v1, $0x3  }
0x88: {  	(v2sf) =	vpush v1, $0x4;
	_ =	sdelay $0x2  }
0x89: {  	s20 =	simm.s32 $0x2000;
	s21 =	simm.s32 $0x0;
	s22 =	simm.s32 $0x10  }
.LBB2_4:
0x8a: {  	p0 =	sne.s32 s20, $0x1E000;
	(v2sf) =	vpush v1, $0x5;
	s0 =	smov.u32 s20;
	s20 =	sadd.s32 $0x2000, s20  }
0x8b: {  	s23 =	sshra.s32 s21, $0x2;
	s21 =	smov.u32 s0  }
0x8c: {  	s2 =	sadd.s32 $0xE480, s23;
	(v2sf) =	vpush v1, $0x6  }
0x8d: {  	s6 =	sadd.s32 $0xE400, s23  }
0x8e: {  	s26 =	sadd.s32 $0xE980, s23;
	s25 =	sadd.s32 $0xEA00, s23;
	s24 =	sadd.s32 $0xEA80, s23;
	(v2sf) =	vpush v1, $0x7  }
0x8f: {  	s1 =	sadd.s32 $0xE800, s23;
	s0 =	sadd.s32 $0xE880, s23;
	s28 =	sadd.s32 $0xE900, s23  }
0x90: {  	s7 =	sadd.s32 $0xE700, s23;
	s5 =	sadd.s32 $0xE780, s23;
	s9 =	spop (v2sf);
	(v2sf) =	vpush v1, $0x8  }
0x91: {  	s17 =	sadd.s32 $0xE500, s23;
	s9 =	sand.u32 $0x1FFFFFF0, s9;
	s18 =	spop (v2sf)  }
0x92: {  	s29 =	sadd.s32 $0xE680, s23;
	s9 =	sadd.s32 s4, s9;
	s30 =	spop (v2sf);
	(v2sf) =	vpush v1, $0x9  }
0x93: {  	[tilespmem:s6], [sflag:$0x2] =	stream.linear.gather [hbm4b:s9+s19], $0x80, $0x38;
	[tilespmem:$0x1A400] =	vst v63  }
0x94: {  	s6 =	sand.u32 $0x1FFFFFF0, s30;
	s9 =	sand.u32 $0x1FFFFFF0, s18;
	s18 =	spop (v2sf);
	(v2sf) =	vpush v1, $0xA  }
0x95: {  	s30 =	sadd.s32 $0xE600, s23;
	s6 =	sadd.s32 s4, s6;
	s31 =	spop (v2sf)  }
0x96: {  	[tilespmem:s2], [sflag:$0x2] =	stream.linear.gather [hbm4b:s6+s19], $0x80, $0x38;
	(v2sf) =	vpush v1, $0xB;
	[tilespmem:$0x1A400] =	vst v63  }
0x97: {  	s2 =	sadd.s32 s4, s9;
	s6 =	sand.u32 $0x1FFFFFF0, s18;
	s9 =	sand.u32 $0x1FFFFFF0, s31  }
0x98: {  	[tilespmem:s17], [sflag:$0x2] =	stream.linear.gather [hbm4b:s2+s19], $0x80, $0x38;
	(v2sf) =	vpush v1, $0xC;
	[tilespmem:$0x1A400] =	vst v63  }
0x99: {  	s6 =	sadd.s32 s4, s6;
	s2 =	sadd.s32 $0xE580, s23;
	s17 =	spop (v2sf)  }
0x9a: {  	[tilespmem:s2], [sflag:$0x2] =	stream.linear.gather [hbm4b:s6+s19], $0x80, $0x38;
	(v2sf) =	vpush v1, $0xD;
	[tilespmem:$0x1A400] =	vst v63  }
0x9b: {  	s2 =	sadd.s32 s4, s9;
	s6 =	sand.u32 $0x1FFFFFF0, s17;
	s9 =	spop (v2sf)  }
0x9c: {  	[tilespmem:s30], [sflag:$0x2] =	stream.linear.gather [hbm4b:s2+s19], $0x80, $0x38;
	(v2sf) =	vpush v1, $0xE;
	[tilespmem:$0x1A400] =	vst v63  }
0x9d: {  	s2 =	sadd.s32 s4, s6;
	s6 =	sand.u32 $0x1FFFFFF0, s9;
	s9 =	spop (v2sf)  }
0x9e: {  	[tilespmem:s29], [sflag:$0x2] =	stream.linear.gather [hbm4b:s2+s19], $0x80, $0x38;
	(v2sf) =	vpush v1, $0xF;
	[tilespmem:$0x1A400] =	vst v63  }
0x9f: {  	s2 =	sadd.s32 s4, s6;
	s6 =	sand.u32 $0x1FFFFFF0, s9;
	s9 =	spop (v2sf)  }
0xa0: {  	[tilespmem:s7], [sflag:$0x2] =	stream.linear.gather [hbm4b:s2+s19], $0x80, $0x38;
	[tilespmem:$0x1A400] =	vst v63  }
0xa1: {  	s2 =	sadd.s32 s4, s6;
	s6 =	sand.u32 $0x1FFFFFF0, s9;
	s7 =	spop (v2sf)  }
0xa2: {  	[tilespmem:s5], [sflag:$0x2] =	stream.linear.gather [hbm4b:s2+s19], $0x80, $0x38;
	[tilespmem:$0x1A400] =	vst v63  }
0xa3: {  	s2 =	sadd.s32 s4, s6;
	s5 =	sand.u32 $0x1FFFFFF0, s7;
	s6 =	spop (v2sf)  }
0xa4: {  	[tilespmem:s1], [sflag:$0x2] =	stream.linear.gather [hbm4b:s2+s19], $0x80, $0x38;
	[tilespmem:$0x1A400] =	vst v63  }
0xa5: {  	s1 =	sadd.s32 s4, s5;
	s2 =	sand.u32 $0x1FFFFFF0, s6;
	s5 =	spop (v2sf)  }
0xa6: {  	[tilespmem:s0], [sflag:$0x2] =	stream.linear.gather [hbm4b:s1+s19], $0x80, $0x38;
	[tilespmem:$0x1A400] =	vst v63  }
0xa7: {  	s0 =	sadd.s32 s4, s2;
	s1 =	sand.u32 $0x1FFFFFF0, s5;
	s2 =	spop (v2sf)  }
0xa8: {  	[tilespmem:s28], [sflag:$0x2] =	stream.linear.gather [hbm4b:s0+s19], $0x80, $0x38;
	[tilespmem:$0x1A400] =	vst v63  }
0xa9: {  	s0 =	sadd.s32 s4, s1;
	s1 =	sand.u32 $0x1FFFFFF0, s2;
	s2 =	spop (v2sf)  }
0xaa: {  	[tilespmem:s26], [sflag:$0x2] =	stream.linear.gather [hbm4b:s0+s19], $0x80, $0x38;
	[tilespmem:$0x1A400] =	vst v63  }
0xab: {  	s0 =	sadd.s32 s4, s1;
	s1 =	sand.u32 $0x1FFFFFF0, s2;
	s2 =	spop (v2sf)  }
0xac: {  	[tilespmem:s25], [sflag:$0x2] =	stream.linear.gather [hbm4b:s0+s19], $0x80, $0x38;
	[tilespmem:$0x1A400] =	vst v63  }
0xad: {  	s0 =	sadd.s32 s4, s1;
	s1 =	sand.u32 $0x1FFFFFF0, s2;
	s2 =	spop (v2sf)  }
0xae: {  	[tilespmem:s24], [sflag:$0x2] =	stream.linear.gather [hbm4b:s0+s19], $0x80, $0x38;
	[tilespmem:$0x1A400] =	vst v63  }
0xaf: {  	s1 =	sadd.s32 s4, s1;
	s0 =	sadd.s32 $0xEB00, s23;
	s2 =	sand.u32 $0x1FFFFFF0, s2  }
0xb0: {  	[tilespmem:s0], [sflag:$0x2] =	stream.linear.gather [hbm4b:s1+s19], $0x80, $0x38;
	[tilespmem:$0x1A400] =	vst v63  }
0xb1: {  	s2 =	sadd.s32 s4, s2;
	s0 =	sand.u32 $0xF0, s22;
	s1 =	sadd.s32 $0xEB80, s23  }
0xb2: {  	[tilespmem:s1], [sflag:$0x2] =	stream.linear.gather [hbm4b:s2+s19], $0x80, $0x38;
	[tilespmem:$0x1A400] =	vst v63  }
0xb3: {  	v1 =	vld [tilespmem:s0+$0x100];
	_ =	sdelay $0x4  }
0xb4: {  	v1 =	vshll.u32 v1, $0x4  }
0xb5: {  	(v2sf) =	vpush v1, $0x0  }
0xb6: {  	(v2sf) =	vpush v1, $0x2  }
0xb7: {  	(v2sf) =	vpush v1, $0x1;
	_ =	sdelay $0x1  }
.Ltmp3:
0xb8: {  	(v2sf) =	vpush v1, $0x3;
	(pc) =	sbr.rel @p0 .LBB2_4-.Ltmp3, $2  }
0xb9: {  	(v2sf) =	vpush v1, $0x4;
	_ =	sdelay $0x2  }
0xba: {  	s22 =	sadd.s32 $0x10, s22  }
0xbb: {  	(v2sf) =	vpush v1, $0x5;
	_ =	sdelay $0x1  }
0xbc: {  	s20 =	sshra.s32 s21, $0x2;
	(v2sf) =	vpush v1, $0x6  }
0xbd: {  	s2 =	sadd.s32 $0xE480, s20;
	s6 =	sadd.s32 $0xE400, s20  }
0xbe: {  	s5 =	sadd.s32 $0xE980, s20;
	s1 =	sadd.s32 $0xEA00, s20;
	s0 =	sadd.s32 $0xEA80, s20;
	(v2sf) =	vpush v1, $0x7  }
0xbf: {  	s7 =	sadd.s32 $0xE800, s20;
	s9 =	sadd.s32 $0xE880, s20;
	s17 =	sadd.s32 $0xE900, s20  }
0xc0: {  	s18 =	sadd.s32 $0xE700, s20;
	s21 =	sadd.s32 $0xE780, s20;
	s22 =	spop (v2sf);
	(v2sf) =	vpush v1, $0x8  }
0xc1: {  	s23 =	sadd.s32 $0xE500, s20;
	s22 =	sand.u32 $0x1FFFFFF0, s22;
	s24 =	spop (v2sf)  }
0xc2: {  	s25 =	sadd.s32 $0xE680, s20;
	s22 =	sadd.s32 s4, s22;
	s26 =	spop (v2sf);
	(v2sf) =	vpush v1, $0x9  }
0xc3: {  	[tilespmem:s6], [sflag:$0x2] =	stream.linear.gather [hbm4b:s22+s19], $0x80, $0x38;
	[tilespmem:$0x1A400] =	vst v63  }
0xc4: {  	s31 =	sadd.s32 $0xE600, s20;
	s28 =	sand.u32 $0x1FFFFFF0, s26;
	s30 =	spop (v2sf);
	(v2sf) =	vpush v1, $0xA  }
0xc5: {  	s29 =	sand.u32 $0x1FFFFFF0, s24;
	s6 =	sadd.s32 s4, s28;
	s28 =	spop (v2sf)  }
0xc6: {  	[tilespmem:s2], [sflag:$0x2] =	stream.linear.gather [hbm4b:s6+s19], $0x80, $0x38;
	(v2sf) =	vpush v1, $0xB;
	[tilespmem:$0x1A400] =	vst v63  }
0xc7: {  	s13 =	sadd.s32 $0xE580, s20;
	s6 =	sadd.s32 s4, s29;
	s8 =	sand.u32 $0x1FFFFFF0, s30  }
0xc8: {  	(v2sf) =	vpush v1, $0xC;
	[tilespmem:s23], [sflag:$0x2] =	stream.linear.gather [hbm4b:s6+s19], $0x80, $0x38;
	[tilespmem:$0x1A400] =	vst v63  }
0xc9: {  	s10 =	sand.u32 $0x1FFFFFF0, s28;
	s6 =	sadd.s32 s4, s8;
	s14 =	spop (v2sf)  }
0xca: {  	[tilespmem:s13], [sflag:$0x2] =	stream.linear.gather [hbm4b:s6+s19], $0x80, $0x38;
	(v2sf) =	vpush v1, $0xD;
	[tilespmem:$0x1A400] =	vst v63  }
0xcb: {  	s24 =	sadd.s32 s4, s10;
	s28 =	sand.u32 $0x1FFFFFF0, s14;
	s29 =	spop (v2sf)  }
0xcc: {  	(v2sf) =	vpush v1, $0xE;
	[tilespmem:s31], [sflag:$0x2] =	stream.linear.gather [hbm4b:s24+s19], $0x80, $0x38;
	[tilespmem:$0x1A400] =	vst v63  }
0xcd: {  	s30 =	sadd.s32 s4, s28;
	s31 =	sand.u32 $0x1FFFFFF0, s29;
	s8 =	spop (v2sf)  }
0xce: {  	(v2sf) =	vpush v1, $0xF;
	[tilespmem:s25], [sflag:$0x2] =	stream.linear.gather [hbm4b:s30+s19], $0x80, $0x38;
	[tilespmem:$0x1A400] =	vst v63  }
0xcf: {  	s10 =	sadd.s32 s4, s31;
	s13 =	sand.u32 $0x1FFFFFF0, s8;
	s14 =	spop (v2sf)  }
0xd0: {  	[tilespmem:s18], [sflag:$0x2] =	stream.linear.gather [hbm4b:s10+s19], $0x80, $0x38;
	[tilespmem:$0x1A400] =	vst v63  }
0xd1: {  	s18 =	sadd.s32 s4, s13;
	s23 =	sand.u32 $0x1FFFFFF0, s14;
	s24 =	spop (v2sf)  }
0xd2: {  	[tilespmem:s21], [sflag:$0x2] =	stream.linear.gather [hbm4b:s18+s19], $0x80, $0x38;
	[tilespmem:$0x1A400] =	vst v63  }
0xd3: {  	s25 =	sadd.s32 s4, s23;
	s26 =	sand.u32 $0x1FFFFFF0, s24;
	s28 =	spop (v2sf)  }
0xd4: {  	[tilespmem:s7], [sflag:$0x2] =	stream.linear.gather [hbm4b:s25+s19], $0x80, $0x38;
	[tilespmem:$0x1A400] =	vst v63  }
0xd5: {  	s29 =	sadd.s32 s4, s26;
	s30 =	sand.u32 $0x1FFFFFF0, s28;
	s31 =	spop (v2sf)  }
0xd6: {  	[tilespmem:s9], [sflag:$0x2] =	stream.linear.gather [hbm4b:s29+s19], $0x80, $0x38;
	[tilespmem:$0x1A400] =	vst v63  }
0xd7: {  	s8 =	sadd.s32 s4, s30;
	s9 =	sand.u32 $0x1FFFFFF0, s31;
	s10 =	spop (v2sf)  }
0xd8: {  	[tilespmem:s17], [sflag:$0x2] =	stream.linear.gather [hbm4b:s8+s19], $0x80, $0x38;
	[tilespmem:$0x1A400] =	vst v63  }
0xd9: {  	s13 =	sadd.s32 s4, s9;
	s14 =	sand.u32 $0x1FFFFFF0, s10;
	s17 =	spop (v2sf)  }
0xda: {  	[tilespmem:s5], [sflag:$0x2] =	stream.linear.gather [hbm4b:s13+s19], $0x80, $0x38;
	[tilespmem:$0x1A400] =	vst v63  }
0xdb: {  	s18 =	sadd.s32 s4, s14;
	s21 =	sand.u32 $0x1FFFFFF0, s17;
	s22 =	spop (v2sf)  }
0xdc: {  	[tilespmem:s1], [sflag:$0x2] =	stream.linear.gather [hbm4b:s18+s19], $0x80, $0x38;
	[tilespmem:$0x1A400] =	vst v63  }
0xdd: {  	s23 =	sadd.s32 s4, s21;
	s24 =	sand.u32 $0x1FFFFFF0, s22;
	s25 =	spop (v2sf)  }
0xde: {  	[tilespmem:s0], [sflag:$0x2] =	stream.linear.gather [hbm4b:s23+s19], $0x80, $0x38;
	[tilespmem:$0x1A400] =	vst v63  }
0xdf: {  	s26 =	sadd.s32 $0xEB00, s20;
	s28 =	sadd.s32 s4, s24;
	s29 =	sand.u32 $0x1FFFFFF0, s25  }
0xe0: {  	[tilespmem:s26], [sflag:$0x2] =	stream.linear.gather [hbm4b:s28+s19], $0x80, $0x38;
	[tilespmem:$0x1A400] =	vst v63  }
0xe1: {  	s30 =	sadd.s32 $0xEB80, s20;
	s31 =	sadd.s32 s4, s29  }
0xe2: {  	[tilespmem:s30], [sflag:$0x2] =	stream.linear.gather [hbm4b:s31+s19], $0x80, $0x38;
	[tilespmem:$0x1A400] =	vst v63  }
.LBB2_6:
0xe3: {  	s0 =	simm.s32 $0x0;
	s1 =	simm.s32 $0x1  }
0xe4: {  	_ =	swait.ge [sflag:s1], $0x8000;
	v1 =	vor.u32 s0, v0  }
0xe5: {  	p1 =	seq.s32 s19, $0x0;
	[sflag:s1] =	ssyncset.done $0x0;
	v3 =	vshll.u32 v1, $0x7  }
0xe6: {  	s0 =	simm.s32 @!p1 $0x3;
	[sflag:s1] =	ssyncadd.s32 $0xFFFF8000;
	v2 =	vor.u32 $0x1, v3  }
0xe7: {  	_ =	swait.ge @!p1 [sflag:s0], $0x2000  }
0xe8: {  	v4 =	vor.u32 $0x2, v3;
	[sflag:s0] =	ssyncset.done @!p1 $0x0  }
0xe9: {  	[sflag:s0] =	ssyncadd.s32 @!p1 $0xFFFFE000  }
0xea: {  	v5 =	vor.u32 $0x3, v3;
	v6 =	vld.idx.msk [tilespmem:v3+s11+$0x0], $0xffff  }
0xeb: {  	v7 =	vld.idx.msk [tilespmem:v2+s11+$0x0], $0xffff  }
0xec: {  	v8 =	vor.u32 $0x4, v3  }
0xed: {  	v4 =	vld.idx.msk [tilespmem:v4+s11+$0x0], $0xffff  }
0xee: {  	v9 =	vor.u32 $0x5, v3  }
0xef: {  	v2 =	vld.idx.msk [tilespmem:v5+s11+$0x0], $0xffff  }
0xf0: {  	v5 =	vor.u32 $0x6, v3;
	v10 =	vmul.f32 v6, v6;
	v11 =	vmul.f32 v7, v7  }
0xf1: {  	v8 =	vld.idx.msk [tilespmem:v8+s11+$0x0], $0xffff  }
0xf2: {  	v12 =	vor.u32 $0x7, v3;
	v10 =	vadd.f32 v11, v10;
	v11 =	vmul.f32 v4, v4  }
0xf3: {  	v9 =	vld.idx.msk [tilespmem:v9+s11+$0x0], $0xffff  }
0xf4: {  	v13 =	vor.u32 $0x8, v3;
	v10 =	vadd.f32 v11, v10;
	v11 =	vmul.f32 v2, v2  }
0xf5: {  	v5 =	vld.idx.msk [tilespmem:v5+s11+$0x0], $0xffff  }
0xf6: {  	v14 =	vor.u32 $0x9, v3;
	v10 =	vadd.f32 v11, v10;
	v11 =	vmul.f32 v8, v8  }
0xf7: {  	v12 =	vld.idx.msk [tilespmem:v12+s11+$0x0], $0xffff  }
0xf8: {  	v15 =	vor.u32 $0xA, v3;
	v10 =	vadd.f32 v11, v10;
	v11 =	vmul.f32 v9, v9  }
0xf9: {  	v13 =	vld.idx.msk [tilespmem:v13+s11+$0x0], $0xffff  }
0xfa: {  	v16 =	vor.u32 $0xB, v3;
	v10 =	vadd.f32 v11, v10;
	v11 =	vmul.f32 v5, v5  }
0xfb: {  	v14 =	vld.idx.msk [tilespmem:v14+s11+$0x0], $0xffff  }
0xfc: {  	v17 =	vor.u32 $0xC, v3;
	v10 =	vadd.f32 v11, v10;
	v11 =	vmul.f32 v12, v12  }
0xfd: {  	v15 =	vld.idx.msk [tilespmem:v15+s11+$0x0], $0xffff  }
0xfe: {  	v18 =	vor.u32 $0xD, v3;
	v10 =	vadd.f32 v11, v10;
	v11 =	vmul.f32 v13, v13  }
0xff: {  	v16 =	vld.idx.msk [tilespmem:v16+s11+$0x0], $0xffff  }
0x100: {  	v19 =	vor.u32 $0xE, v3;
	v10 =	vadd.f32 v11, v10;
	v11 =	vmul.f32 v14, v14  }
0x101: {  	v17 =	vld.idx.msk [tilespmem:v17+s11+$0x0], $0xffff  }
0x102: {  	v20 =	vor.u32 $0xF, v3;
	v10 =	vadd.f32 v11, v10;
	v11 =	vmul.f32 v15, v15  }
0x103: {  	v18 =	vld.idx.msk [tilespmem:v18+s11+$0x0], $0xffff  }
0x104: {  	v21 =	vor.u32 $0x10, v3;
	v10 =	vadd.f32 v11, v10;
	v11 =	vmul.f32 v16, v16  }
0x105: {  	v19 =	vld.idx.msk [tilespmem:v19+s11+$0x0], $0xffff  }
0x106: {  	v22 =	vor.u32 $0x11, v3;
	v10 =	vadd.f32 v11, v10;
	v11 =	vmul.f32 v17, v17  }
0x107: {  	v20 =	vld.idx.msk [tilespmem:v20+s11+$0x0], $0xffff  }
0x108: {  	v23 =	vor.u32 $0x12, v3;
	v10 =	vadd.f32 v11, v10;
	v11 =	vmul.f32 v18, v18  }
0x109: {  	v21 =	vld.idx.msk [tilespmem:v21+s11+$0x0], $0xffff  }
0x10a: {  	v24 =	vor.u32 $0x13, v3;
	v10 =	vadd.f32 v11, v10;
	v11 =	vmul.f32 v19, v19  }
0x10b: {  	v22 =	vld.idx.msk [tilespmem:v22+s11+$0x0], $0xffff  }
0x10c: {  	v25 =	vor.u32 $0x14, v3;
	v10 =	vadd.f32 v11, v10;
	v11 =	vmul.f32 v20, v20  }
0x10d: {  	v23 =	vld.idx.msk [tilespmem:v23+s11+$0x0], $0xffff  }
0x10e: {  	v26 =	vor.u32 $0x15, v3;
	v10 =	vadd.f32 v11, v10;
	v11 =	vmul.f32 v21, v21  }
0x10f: {  	v24 =	vld.idx.msk [tilespmem:v24+s11+$0x0], $0xffff  }
0x110: {  	v27 =	vor.u32 $0x16, v3;
	v10 =	vadd.f32 v11, v10;
	v11 =	vmul.f32 v22, v22  }
0x111: {  	v25 =	vld.idx.msk [tilespmem:v25+s11+$0x0], $0xffff  }
0x112: {  	v28 =	vor.u32 $0x17, v3;
	v10 =	vadd.f32 v11, v10;
	v11 =	vmul.f32 v23, v23  }
0x113: {  	v26 =	vld.idx.msk [tilespmem:v26+s11+$0x0], $0xffff  }
0x114: {  	v29 =	vor.u32 $0x18, v3;
	v10 =	vadd.f32 v11, v10;
	v11 =	vmul.f32 v24, v24  }
0x115: {  	v27 =	vld.idx.msk [tilespmem:v27+s11+$0x0], $0xffff  }
0x116: {  	v30 =	vor.u32 $0x19, v3;
	v10 =	vadd.f32 v11, v10;
	v11 =	vmul.f32 v25, v25  }
0x117: {  	v28 =	vld.idx.msk [tilespmem:v28+s11+$0x0], $0xffff  }
0x118: {  	v31 =	vor.u32 $0x1A, v3;
	v10 =	vadd.f32 v11, v10;
	v11 =	vmul.f32 v26, v26  }
0x119: {  	v29 =	vld.idx.msk [tilespmem:v29+s11+$0x0], $0xffff  }
0x11a: {  	v32 =	vor.u32 $0x1B, v3;
	v10 =	vadd.f32 v11, v10;
	v11 =	vmul.f32 v27, v27  }
0x11b: {  	v30 =	vld.idx.msk [tilespmem:v30+s11+$0x0], $0xffff  }
0x11c: {  	v33 =	vor.u32 $0x1C, v3;
	v10 =	vadd.f32 v11, v10;
	v11 =	vmul.f32 v28, v28  }
0x11d: {  	v31 =	vld.idx.msk [tilespmem:v31+s11+$0x0], $0xffff  }
0x11e: {  	v34 =	vor.u32 $0x1D, v3;
	v10 =	vadd.f32 v11, v10;
	v11 =	vmul.f32 v29, v29  }
0x11f: {  	v32 =	vld.idx.msk [tilespmem:v32+s11+$0x0], $0xffff  }
0x120: {  	v3 =	vor.u32 $0x1E, v3;
	v10 =	vadd.f32 v11, v10;
	v11 =	vmul.f32 v30, v30  }
0x121: {  	v33 =	vld.idx.msk [tilespmem:v33+s11+$0x0], $0xffff  }
0x122: {  	v10 =	vadd.f32 v11, v10;
	v11 =	vmul.f32 v31, v31  }
0x123: {  	v34 =	vld.idx.msk [tilespmem:v34+s11+$0x0], $0xffff  }
0x124: {  	v10 =	vadd.f32 v11, v10;
	v11 =	vmul.f32 v32, v32  }
0x125: {  	v35 =	vld.idx.msk [tilespmem:v3+s11+$0x0], $0xffff  }
0x126: {  	v3 =	vadd.f32 v11, v10;
	v10 =	vmul.f32 v33, v33;
	_ =	sdelay $0x1  }
0x127: {  	v3 =	vadd.f32 v10, v3;
	v10 =	vmul.f32 v34, v34;
	_ =	sdelay $0x1  }
0x128: {  	v3 =	vadd.f32 v10, v3;
	v10 =	vmul.f32 v35, v35;
	_ =	sdelay $0x1  }
0x129: {  	v3 =	vadd.f32 v10, v3;
	_ =	sdelay $0x1  }
0x12a: {  	v10 =	vadd.f32 $1.000000000e+00, v3;
	_ =	sdelay $0x1  }
0x12b: {  	(erf) = vrcp.f32 v10;
	_ =	sdelay $0x8  }
0x12c: {  	v1 =	vshll.u32 v1, $0x5;
	v10 =	vpop (erf)  }
0x12d: {  	v36 =	vor.u32 $0x1, v1;
	v11 =	vadd.f32 v10, v10  }
0x12e: {  	v37 =	vor.u32 $0x2, v1  }
0x12f: {  	v38 =	vor.u32 $0x3, v1;
	v6 =	vmul.f32 v11, v6  }
0x130: {  	v39 =	vor.u32 $0x4, v1;
	v7 =	vmul.f32 v11, v7  }
0x131: {  	v4 =	vmul.f32 v11, v4;
	[tilespmem:v1+s12+$0x0] =	vst.idx.msk $0xffff, v6;
	v6 =	vor.u32 $0x5, v1  }
0x132: {  	v2 =	vmul.f32 v11, v2;
	[tilespmem:v36+s12+$0x0] =	vst.idx.msk $0xffff, v7;
	v7 =	vor.u32 $0x6, v1  }
0x133: {  	[tilespmem:v37+s12+$0x0] =	vst.idx.msk $0xffff, v4;
	v4 =	vmul.f32 v11, v8;
	v8 =	vor.u32 $0x7, v1  }
0x134: {  	[tilespmem:v38+s12+$0x0] =	vst.idx.msk $0xffff, v2;
	v2 =	vmul.f32 v11, v9;
	v9 =	vor.u32 $0x8, v1  }
0x135: {  	[tilespmem:v39+s12+$0x0] =	vst.idx.msk $0xffff, v4;
	v4 =	vmul.f32 v11, v5;
	v5 =	vor.u32 $0x9, v1  }
0x136: {  	[tilespmem:v6+s12+$0x0] =	vst.idx.msk $0xffff, v2;
	v2 =	vmul.f32 v11, v12;
	v6 =	vor.u32 $0xA, v1  }
0x137: {  	[tilespmem:v7+s12+$0x0] =	vst.idx.msk $0xffff, v4;
	v4 =	vmul.f32 v11, v13;
	v7 =	vor.u32 $0xB, v1  }
0x138: {  	[tilespmem:v8+s12+$0x0] =	vst.idx.msk $0xffff, v2;
	v2 =	vmul.f32 v11, v14;
	v8 =	vor.u32 $0xC, v1  }
0x139: {  	[tilespmem:v9+s12+$0x0] =	vst.idx.msk $0xffff, v4;
	v4 =	vmul.f32 v11, v15;
	v9 =	vor.u32 $0xD, v1  }
0x13a: {  	[tilespmem:v5+s12+$0x0] =	vst.idx.msk $0xffff, v2;
	v2 =	vmul.f32 v11, v16;
	v5 =	vor.u32 $0xE, v1  }
0x13b: {  	[tilespmem:v6+s12+$0x0] =	vst.idx.msk $0xffff, v4;
	v4 =	vmul.f32 v11, v17;
	v6 =	vor.u32 $0xF, v1  }
0x13c: {  	[tilespmem:v7+s12+$0x0] =	vst.idx.msk $0xffff, v2;
	v2 =	vmul.f32 v11, v18;
	v7 =	vor.u32 $0x10, v1  }
0x13d: {  	[tilespmem:v8+s12+$0x0] =	vst.idx.msk $0xffff, v4;
	v4 =	vmul.f32 v11, v19;
	v8 =	vor.u32 $0x11, v1  }
0x13e: {  	[tilespmem:v9+s12+$0x0] =	vst.idx.msk $0xffff, v2;
	v2 =	vmul.f32 v11, v20;
	v9 =	vor.u32 $0x12, v1  }
0x13f: {  	[tilespmem:v5+s12+$0x0] =	vst.idx.msk $0xffff, v4;
	v4 =	vmul.f32 v11, v21;
	v5 =	vor.u32 $0x13, v1  }
0x140: {  	[tilespmem:v6+s12+$0x0] =	vst.idx.msk $0xffff, v2;
	v2 =	vmul.f32 v11, v22;
	v6 =	vor.u32 $0x14, v1  }
0x141: {  	[tilespmem:v7+s12+$0x0] =	vst.idx.msk $0xffff, v4;
	v4 =	vmul.f32 v11, v23;
	v7 =	vor.u32 $0x15, v1  }
0x142: {  	[tilespmem:v8+s12+$0x0] =	vst.idx.msk $0xffff, v2;
	v2 =	vmul.f32 v11, v24;
	v8 =	vor.u32 $0x16, v1  }
0x143: {  	[tilespmem:v9+s12+$0x0] =	vst.idx.msk $0xffff, v4;
	v4 =	vmul.f32 v11, v25;
	v9 =	vor.u32 $0x17, v1  }
0x144: {  	[tilespmem:v5+s12+$0x0] =	vst.idx.msk $0xffff, v2;
	v2 =	vmul.f32 v11, v26;
	v5 =	vor.u32 $0x18, v1  }
0x145: {  	[tilespmem:v6+s12+$0x0] =	vst.idx.msk $0xffff, v4;
	v4 =	vmul.f32 v11, v27;
	v6 =	vor.u32 $0x19, v1  }
0x146: {  	[tilespmem:v7+s12+$0x0] =	vst.idx.msk $0xffff, v2;
	v2 =	vmul.f32 v11, v28;
	v7 =	vor.u32 $0x1A, v1  }
0x147: {  	[tilespmem:v8+s12+$0x0] =	vst.idx.msk $0xffff, v4;
	v4 =	vmul.f32 v11, v29;
	v8 =	vor.u32 $0x1B, v1  }
0x148: {  	v3 =	vadd.f32 $-1.000000000e+00, v3;
	[tilespmem:v9+s12+$0x0] =	vst.idx.msk $0xffff, v2;
	v2 =	vmul.f32 v11, v30;
	v9 =	vor.u32 $0x1C, v1  }
0x149: {  	v14 =	vor.u32 $0x1D, v1;
	[tilespmem:v5+s12+$0x0] =	vst.idx.msk $0xffff, v4;
	v4 =	vmul.f32 v11, v31  }
0x14a: {  	s31 =	simm.s32 $0x10;
	v3 =	vmul.f32 v10, v3;
	v15 =	vor.u32 $0x1E, v1;
	v5 =	vmul.f32 v11, v32;
	[tilespmem:v6+s12+$0x0] =	vst.idx.msk $0xffff, v2  }
0x14b: {  	v2 =	vor.u32 $0x1F, v1;
	v1 =	vor.u32 s31, v0;
	[tilespmem:v7+s12+$0x0] =	vst.idx.msk $0xffff, v4;
	v7 =	vmul.f32 v11, v33  }
0x14c: {  	v10 =	vmul.f32 v11, v34;
	v63 =	vmul.f32 v11, v35;
	v6 =	vshll.u32 v1, $0x7;
	[tilespmem:v8+s12+$0x0] =	vst.idx.msk $0xffff, v5  }
0x14d: {  	v13 =	vor.u32 $0x1, v6;
	v4 =	vor.u32 $0x2, v6;
	v5 =	vor.u32 $0x3, v6;
	[tilespmem:v9+s12+$0x0] =	vst.idx.msk $0xffff, v7  }
0x14e: {  	v12 =	vor.u32 $0x4, v6;
	v8 =	vor.u32 $0x6, v6;
	v11 =	vor.u32 $0x9, v6;
	[tilespmem:v14+s12+$0x0] =	vst.idx.msk $0xffff, v10  }
0x14f: {  	s20 =	simm.s32 $0x20;
	v7 =	vor.u32 $0x5, v6;
	v9 =	vor.u32 $0x7, v6;
	v10 =	vor.u32 $0x8, v6;
	[tilespmem:v15+s12+$0x0] =	vst.idx.msk $0xffff, v63  }
.LBB2_7:
0x150: {  	p0 =	sne.s32 s20, $0xF0;
	v14 =	vor.u32 $0xA, v6;
	v15 =	vor.u32 $0xB, v6;
	v16 =	vor.u32 $0xC, v6;
	[tilespmem:v2+s12+$0x0] =	vst.idx.msk $0xffff, v3;
	s21 =	smov.u32 s20;
	s20 =	sadd.s32 $0x10, s20  }
0x151: {  	v17 =	vor.u32 $0xD, v6;
	v18 =	vor.u32 $0xE, v6;
	v19 =	vor.u32 $0xF, v6;
	v2 =	vld.idx.msk [tilespmem:v6+s11+$0x0], $0xffff  }
0x152: {  	v20 =	vor.u32 $0x10, v6;
	v21 =	vor.u32 $0x11, v6;
	v22 =	vor.u32 $0x12, v6;
	v3 =	vld.idx.msk [tilespmem:v13+s11+$0x0], $0xffff  }
0x153: {  	v23 =	vor.u32 $0x13, v6;
	v24 =	vor.u32 $0x14, v6;
	v25 =	vor.u32 $0x15, v6  }
0x154: {  	v26 =	vor.u32 $0x16, v6;
	v27 =	vor.u32 $0x17, v6;
	v28 =	vor.u32 $0x18, v6;
	v4 =	vld.idx.msk [tilespmem:v4+s11+$0x0], $0xffff  }
0x155: {  	v30 =	vor.u32 $0x19, v6;
	v31 =	vor.u32 $0x1A, v6;
	v33 =	vor.u32 $0x1B, v6  }
0x156: {  	v34 =	vor.u32 $0x1C, v6;
	v29 =	vor.u32 $0x1D, v6;
	v32 =	vor.u32 $0x1E, v6;
	v5 =	vld.idx.msk [tilespmem:v5+s11+$0x0], $0xffff;
	_ =	sdelay $0x1  }
0x157: {  	v13 =	vmul.f32 v2, v2;
	v35 =	vmul.f32 v3, v3;
	v6 =	vld.idx.msk [tilespmem:v12+s11+$0x0], $0xffff;
	_ =	sdelay $0x1  }
0x158: {  	v12 =	vadd.f32 v35, v13;
	v13 =	vmul.f32 v4, v4;
	v7 =	vld.idx.msk [tilespmem:v7+s11+$0x0], $0xffff;
	_ =	sdelay $0x1  }
0x159: {  	v12 =	vadd.f32 v13, v12;
	v13 =	vmul.f32 v5, v5;
	v8 =	vld.idx.msk [tilespmem:v8+s11+$0x0], $0xffff;
	_ =	sdelay $0x1  }
0x15a: {  	v12 =	vadd.f32 v13, v12;
	v13 =	vmul.f32 v6, v6;
	v9 =	vld.idx.msk [tilespmem:v9+s11+$0x0], $0xffff;
	_ =	sdelay $0x1  }
0x15b: {  	v12 =	vadd.f32 v13, v12;
	v13 =	vmul.f32 v7, v7;
	v10 =	vld.idx.msk [tilespmem:v10+s11+$0x0], $0xffff;
	_ =	sdelay $0x1  }
0x15c: {  	v12 =	vadd.f32 v13, v12;
	v13 =	vmul.f32 v8, v8;
	v11 =	vld.idx.msk [tilespmem:v11+s11+$0x0], $0xffff;
	_ =	sdelay $0x1  }
0x15d: {  	v13 =	vadd.f32 v13, v12;
	v35 =	vmul.f32 v9, v9;
	v12 =	vld.idx.msk [tilespmem:v14+s11+$0x0], $0xffff;
	_ =	sdelay $0x1  }
0x15e: {  	v14 =	vadd.f32 v35, v13;
	v35 =	vmul.f32 v10, v10;
	v13 =	vld.idx.msk [tilespmem:v15+s11+$0x0], $0xffff;
	_ =	sdelay $0x1  }
0x15f: {  	v15 =	vadd.f32 v35, v14;
	v35 =	vmul.f32 v11, v11;
	v14 =	vld.idx.msk [tilespmem:v16+s11+$0x0], $0xffff;
	_ =	sdelay $0x1  }
0x160: {  	v16 =	vadd.f32 v35, v15;
	v35 =	vmul.f32 v12, v12;
	v15 =	vld.idx.msk [tilespmem:v17+s11+$0x0], $0xffff;
	_ =	sdelay $0x1  }
0x161: {  	v17 =	vadd.f32 v35, v16;
	v35 =	vmul.f32 v13, v13;
	v16 =	vld.idx.msk [tilespmem:v18+s11+$0x0], $0xffff;
	_ =	sdelay $0x1  }
0x162: {  	v18 =	vadd.f32 v35, v17;
	v35 =	vmul.f32 v14, v14;
	v17 =	vld.idx.msk [tilespmem:v19+s11+$0x0], $0xffff;
	_ =	sdelay $0x1  }
0x163: {  	v19 =	vadd.f32 v35, v18;
	v35 =	vmul.f32 v15, v15;
	v18 =	vld.idx.msk [tilespmem:v20+s11+$0x0], $0xffff;
	_ =	sdelay $0x1  }
0x164: {  	v20 =	vadd.f32 v35, v19;
	v35 =	vmul.f32 v16, v16;
	v19 =	vld.idx.msk [tilespmem:v21+s11+$0x0], $0xffff;
	_ =	sdelay $0x1  }
0x165: {  	v21 =	vadd.f32 v35, v20;
	v35 =	vmul.f32 v17, v17;
	v20 =	vld.idx.msk [tilespmem:v22+s11+$0x0], $0xffff;
	_ =	sdelay $0x1  }
0x166: {  	v22 =	vadd.f32 v35, v21;
	v35 =	vmul.f32 v18, v18;
	v21 =	vld.idx.msk [tilespmem:v23+s11+$0x0], $0xffff;
	_ =	sdelay $0x1  }
0x167: {  	v23 =	vadd.f32 v35, v22;
	v35 =	vmul.f32 v19, v19;
	v22 =	vld.idx.msk [tilespmem:v24+s11+$0x0], $0xffff;
	_ =	sdelay $0x1  }
0x168: {  	v24 =	vadd.f32 v35, v23;
	v35 =	vmul.f32 v20, v20;
	v23 =	vld.idx.msk [tilespmem:v25+s11+$0x0], $0xffff;
	_ =	sdelay $0x1  }
0x169: {  	v25 =	vadd.f32 v35, v24;
	v35 =	vmul.f32 v21, v21;
	v24 =	vld.idx.msk [tilespmem:v26+s11+$0x0], $0xffff;
	_ =	sdelay $0x1  }
0x16a: {  	v26 =	vadd.f32 v35, v25;
	v35 =	vmul.f32 v22, v22;
	v25 =	vld.idx.msk [tilespmem:v27+s11+$0x0], $0xffff;
	_ =	sdelay $0x1  }
0x16b: {  	v27 =	vadd.f32 v35, v26;
	v35 =	vmul.f32 v23, v23;
	v26 =	vld.idx.msk [tilespmem:v28+s11+$0x0], $0xffff;
	_ =	sdelay $0x1  }
0x16c: {  	v28 =	vadd.f32 v35, v27;
	v35 =	vmul.f32 v24, v24;
	v27 =	vld.idx.msk [tilespmem:v30+s11+$0x0], $0xffff;
	_ =	sdelay $0x1  }
0x16d: {  	v28 =	vadd.f32 v35, v28;
	v35 =	vmul.f32 v25, v25;
	v30 =	vld.idx.msk [tilespmem:v31+s11+$0x0], $0xffff;
	_ =	sdelay $0x1  }
0x16e: {  	v28 =	vadd.f32 v35, v28;
	v35 =	vmul.f32 v26, v26;
	v31 =	vld.idx.msk [tilespmem:v33+s11+$0x0], $0xffff;
	_ =	sdelay $0x1  }
0x16f: {  	v33 =	vadd.f32 v35, v28;
	v35 =	vmul.f32 v27, v27;
	v28 =	vld.idx.msk [tilespmem:v34+s11+$0x0], $0xffff;
	_ =	sdelay $0x1  }
0x170: {  	v33 =	vadd.f32 v35, v33;
	v34 =	vmul.f32 v30, v30;
	v29 =	vld.idx.msk [tilespmem:v29+s11+$0x0], $0xffff;
	_ =	sdelay $0x1  }
0x171: {  	v33 =	vadd.f32 v34, v33;
	v34 =	vmul.f32 v31, v31;
	v32 =	vld.idx.msk [tilespmem:v32+s11+$0x0], $0xffff;
	_ =	sdelay $0x1  }
0x172: {  	v33 =	vadd.f32 v34, v33;
	v34 =	vmul.f32 v28, v28;
	_ =	sdelay $0x1  }
0x173: {  	v33 =	vadd.f32 v34, v33;
	v34 =	vmul.f32 v29, v29;
	_ =	sdelay $0x1  }
0x174: {  	v33 =	vadd.f32 v34, v33;
	v34 =	vmul.f32 v32, v32;
	_ =	sdelay $0x1  }
0x175: {  	v33 =	vadd.f32 v34, v33;
	_ =	sdelay $0x1  }
0x176: {  	v34 =	vadd.f32 $1.000000000e+00, v33;
	_ =	sdelay $0x1  }
0x177: {  	(erf) = vrcp.f32 v34;
	_ =	sdelay $0x8  }
0x178: {  	v1 =	vshll.u32 v1, $0x5;
	v34 =	vpop (erf)  }
0x179: {  	v36 =	vor.u32 $0x1, v1;
	v35 =	vadd.f32 v34, v34  }
0x17a: {  	v37 =	vor.u32 $0x2, v1  }
0x17b: {  	v38 =	vor.u32 $0x3, v1;
	v2 =	vmul.f32 v35, v2;
	v3 =	vmul.f32 v35, v3  }
0x17c: {  	v39 =	vor.u32 $0x4, v1;
	v4 =	vmul.f32 v35, v4  }
0x17d: {  	[tilespmem:v1+s12+$0x0] =	vst.idx.msk $0xffff, v2;
	v2 =	vor.u32 $0x5, v1  }
0x17e: {  	[tilespmem:v36+s12+$0x0] =	vst.idx.msk $0xffff, v3;
	v3 =	vmul.f32 v35, v5;
	v5 =	vor.u32 $0x6, v1  }
0x17f: {  	[tilespmem:v37+s12+$0x0] =	vst.idx.msk $0xffff, v4;
	v4 =	vmul.f32 v35, v6;
	v6 =	vor.u32 $0x7, v1  }
0x180: {  	[tilespmem:v38+s12+$0x0] =	vst.idx.msk $0xffff, v3;
	v3 =	vmul.f32 v35, v7;
	v7 =	vor.u32 $0x8, v1  }
0x181: {  	[tilespmem:v39+s12+$0x0] =	vst.idx.msk $0xffff, v4;
	v4 =	vmul.f32 v35, v8;
	v8 =	vor.u32 $0x9, v1  }
0x182: {  	[tilespmem:v2+s12+$0x0] =	vst.idx.msk $0xffff, v3;
	v2 =	vmul.f32 v35, v9;
	v3 =	vor.u32 $0xA, v1  }
0x183: {  	[tilespmem:v5+s12+$0x0] =	vst.idx.msk $0xffff, v4;
	v4 =	vmul.f32 v35, v10;
	v5 =	vor.u32 $0xB, v1  }
0x184: {  	[tilespmem:v6+s12+$0x0] =	vst.idx.msk $0xffff, v2;
	v2 =	vmul.f32 v35, v11;
	v6 =	vor.u32 $0xC, v1  }
0x185: {  	[tilespmem:v7+s12+$0x0] =	vst.idx.msk $0xffff, v4;
	v4 =	vmul.f32 v35, v12;
	v7 =	vor.u32 $0xD, v1  }
0x186: {  	[tilespmem:v8+s12+$0x0] =	vst.idx.msk $0xffff, v2;
	v2 =	vmul.f32 v35, v13;
	v8 =	vor.u32 $0xE, v1  }
0x187: {  	[tilespmem:v3+s12+$0x0] =	vst.idx.msk $0xffff, v4;
	v3 =	vmul.f32 v35, v14;
	v4 =	vor.u32 $0xF, v1  }
0x188: {  	[tilespmem:v5+s12+$0x0] =	vst.idx.msk $0xffff, v2;
	v2 =	vmul.f32 v35, v15;
	v5 =	vor.u32 $0x10, v1  }
0x189: {  	[tilespmem:v6+s12+$0x0] =	vst.idx.msk $0xffff, v3;
	v3 =	vmul.f32 v35, v16;
	v6 =	vor.u32 $0x11, v1  }
0x18a: {  	[tilespmem:v7+s12+$0x0] =	vst.idx.msk $0xffff, v2;
	v2 =	vmul.f32 v35, v17;
	v7 =	vor.u32 $0x12, v1  }
0x18b: {  	[tilespmem:v8+s12+$0x0] =	vst.idx.msk $0xffff, v3;
	v3 =	vmul.f32 v35, v18;
	v8 =	vor.u32 $0x13, v1  }
0x18c: {  	[tilespmem:v4+s12+$0x0] =	vst.idx.msk $0xffff, v2;
	v2 =	vmul.f32 v35, v19;
	v4 =	vor.u32 $0x14, v1  }
0x18d: {  	[tilespmem:v5+s12+$0x0] =	vst.idx.msk $0xffff, v3;
	v3 =	vmul.f32 v35, v20;
	v5 =	vor.u32 $0x15, v1  }
0x18e: {  	[tilespmem:v6+s12+$0x0] =	vst.idx.msk $0xffff, v2;
	v2 =	vmul.f32 v35, v21;
	v6 =	vor.u32 $0x16, v1  }
0x18f: {  	[tilespmem:v7+s12+$0x0] =	vst.idx.msk $0xffff, v3;
	v3 =	vmul.f32 v35, v22;
	v7 =	vor.u32 $0x17, v1  }
0x190: {  	[tilespmem:v8+s12+$0x0] =	vst.idx.msk $0xffff, v2;
	v2 =	vmul.f32 v35, v23;
	v8 =	vor.u32 $0x18, v1  }
0x191: {  	[tilespmem:v4+s12+$0x0] =	vst.idx.msk $0xffff, v3;
	v3 =	vmul.f32 v35, v24;
	v4 =	vor.u32 $0x19, v1  }
0x192: {  	[tilespmem:v5+s12+$0x0] =	vst.idx.msk $0xffff, v2;
	v2 =	vmul.f32 v35, v25;
	v5 =	vor.u32 $0x1A, v1  }
0x193: {  	v9 =	vor.u32 $0x1B, v1;
	[tilespmem:v6+s12+$0x0] =	vst.idx.msk $0xffff, v3;
	v3 =	vmul.f32 v35, v26  }
0x194: {  	[tilespmem:v7+s12+$0x0] =	vst.idx.msk $0xffff, v2;
	v2 =	vmul.f32 v35, v27;
	v7 =	vor.u32 $0x1C, v1  }
0x195: {  	v10 =	vor.u32 $0x1D, v1;
	v6 =	vadd.f32 $-1.000000000e+00, v33;
	[tilespmem:v8+s12+$0x0] =	vst.idx.msk $0xffff, v3;
	v3 =	vmul.f32 v35, v30  }
0x196: {  	v14 =	vor.u32 $0x1E, v1;
	[tilespmem:v4+s12+$0x0] =	vst.idx.msk $0xffff, v2;
	v4 =	vmul.f32 v35, v31;
	v2 =	vor.u32 $0x1F, v1  }
.Ltmp4:
0x197: {  	v8 =	vmul.f32 v35, v28;
	v1 =	vor.u32 s21, v0;
	[tilespmem:v5+s12+$0x0] =	vst.idx.msk $0xffff, v3;
	v3 =	vmul.f32 v34, v6;
	(pc) =	sbr.rel @p0 .LBB2_7-.Ltmp4, $4  }
0x198: {  	v15 =	vmul.f32 v35, v32;
	v6 =	vshll.u32 v1, $0x7;
	[tilespmem:v9+s12+$0x0] =	vst.idx.msk $0xffff, v4;
	v9 =	vmul.f32 v35, v29  }
0x199: {  	v13 =	vor.u32 $0x1, v6;
	v4 =	vor.u32 $0x2, v6;
	v5 =	vor.u32 $0x3, v6;
	[tilespmem:v7+s12+$0x0] =	vst.idx.msk $0xffff, v8  }
0x19a: {  	v12 =	vor.u32 $0x4, v6;
	v7 =	vor.u32 $0x5, v6;
	v8 =	vor.u32 $0x6, v6;
	[tilespmem:v10+s12+$0x0] =	vst.idx.msk $0xffff, v9  }
0x19b: {  	v11 =	vor.u32 $0x9, v6;
	v9 =	vor.u32 $0x7, v6;
	v10 =	vor.u32 $0x8, v6;
	[tilespmem:v14+s12+$0x0] =	vst.idx.msk $0xffff, v15  }
0x19c: {  	_ =	sdelay $0x3  }
0x19d: {  	[tilespmem:v2+s12+$0x0] =	vst.idx.msk $0xffff, v3  }
0x19e: {  	v2 =	vld.idx.msk [tilespmem:v6+s11+$0x0], $0xffff  }
0x19f: {  	v3 =	vld.idx.msk [tilespmem:v13+s11+$0x0], $0xffff;
	_ =	sdelay $0x1  }
0x1a0: {  	v4 =	vld.idx.msk [tilespmem:v4+s11+$0x0], $0xffff;
	_ =	sdelay $0x1  }
0x1a1: {  	v5 =	vld.idx.msk [tilespmem:v5+s11+$0x0], $0xffff  }
0x1a2: {  	v32 =	vmul.f32 v2, v2;
	v14 =	vmul.f32 v3, v3  }
0x1a3: {  	v12 =	vld.idx.msk [tilespmem:v12+s11+$0x0], $0xffff  }
0x1a4: {  	v33 =	vmul.f32 v4, v4;
	v13 =	vadd.f32 v14, v32  }
0x1a5: {  	v7 =	vld.idx.msk [tilespmem:v7+s11+$0x0], $0xffff  }
0x1a6: {  	v34 =	vmul.f32 v5, v5;
	v13 =	vadd.f32 v33, v13  }
0x1a7: {  	v8 =	vld.idx.msk [tilespmem:v8+s11+$0x0], $0xffff  }
0x1a8: {  	v35 =	vmul.f32 v12, v12;
	v13 =	vadd.f32 v34, v13  }
0x1a9: {  	v9 =	vld.idx.msk [tilespmem:v9+s11+$0x0], $0xffff  }
0x1aa: {  	v15 =	vor.u32 $0xA, v6;
	v36 =	vmul.f32 v7, v7;
	v13 =	vadd.f32 v35, v13  }
0x1ab: {  	v10 =	vld.idx.msk [tilespmem:v10+s11+$0x0], $0xffff  }
0x1ac: {  	v16 =	vor.u32 $0xB, v6;
	v37 =	vmul.f32 v8, v8;
	v13 =	vadd.f32 v36, v13  }
0x1ad: {  	v11 =	vld.idx.msk [tilespmem:v11+s11+$0x0], $0xffff  }
0x1ae: {  	v17 =	vor.u32 $0xC, v6;
	v38 =	vmul.f32 v9, v9;
	v13 =	vadd.f32 v37, v13  }
0x1af: {  	v15 =	vld.idx.msk [tilespmem:v15+s11+$0x0], $0xffff  }
0x1b0: {  	v18 =	vor.u32 $0xD, v6;
	v39 =	vmul.f32 v10, v10;
	v13 =	vadd.f32 v38, v13  }
0x1b1: {  	v16 =	vld.idx.msk [tilespmem:v16+s11+$0x0], $0xffff  }
0x1b2: {  	v19 =	vor.u32 $0xE, v6;
	v40 =	vmul.f32 v11, v11;
	v13 =	vadd.f32 v39, v13  }
0x1b3: {  	v17 =	vld.idx.msk [tilespmem:v17+s11+$0x0], $0xffff  }
0x1b4: {  	v20 =	vor.u32 $0xF, v6;
	v41 =	vmul.f32 v15, v15;
	v13 =	vadd.f32 v40, v13  }
0x1b5: {  	v18 =	vld.idx.msk [tilespmem:v18+s11+$0x0], $0xffff  }
0x1b6: {  	v21 =	vor.u32 $0x10, v6;
	v42 =	vmul.f32 v16, v16;
	v13 =	vadd.f32 v41, v13  }
0x1b7: {  	v19 =	vld.idx.msk [tilespmem:v19+s11+$0x0], $0xffff  }
0x1b8: {  	v22 =	vor.u32 $0x11, v6;
	v43 =	vmul.f32 v17, v17;
	v13 =	vadd.f32 v42, v13  }
0x1b9: {  	v20 =	vld.idx.msk [tilespmem:v20+s11+$0x0], $0xffff  }
0x1ba: {  	v23 =	vor.u32 $0x12, v6;
	v44 =	vmul.f32 v18, v18;
	v13 =	vadd.f32 v43, v13  }
0x1bb: {  	v21 =	vld.idx.msk [tilespmem:v21+s11+$0x0], $0xffff  }
0x1bc: {  	v24 =	vor.u32 $0x13, v6;
	v45 =	vmul.f32 v19, v19;
	v13 =	vadd.f32 v44, v13  }
0x1bd: {  	v22 =	vld.idx.msk [tilespmem:v22+s11+$0x0], $0xffff  }
0x1be: {  	v25 =	vor.u32 $0x14, v6;
	v46 =	vmul.f32 v20, v20;
	v13 =	vadd.f32 v45, v13  }
0x1bf: {  	v23 =	vld.idx.msk [tilespmem:v23+s11+$0x0], $0xffff  }
0x1c0: {  	v26 =	vor.u32 $0x15, v6;
	v47 =	vmul.f32 v21, v21;
	v13 =	vadd.f32 v46, v13  }
0x1c1: {  	v24 =	vld.idx.msk [tilespmem:v24+s11+$0x0], $0xffff  }
0x1c2: {  	v27 =	vor.u32 $0x16, v6;
	v48 =	vmul.f32 v22, v22;
	v13 =	vadd.f32 v47, v13  }
0x1c3: {  	v25 =	vld.idx.msk [tilespmem:v25+s11+$0x0], $0xffff  }
0x1c4: {  	v28 =	vor.u32 $0x17, v6;
	v49 =	vmul.f32 v23, v23;
	v13 =	vadd.f32 v48, v13  }
0x1c5: {  	v26 =	vld.idx.msk [tilespmem:v26+s11+$0x0], $0xffff  }
0x1c6: {  	v29 =	vor.u32 $0x18, v6;
	v50 =	vmul.f32 v24, v24;
	v13 =	vadd.f32 v49, v13  }
0x1c7: {  	v27 =	vld.idx.msk [tilespmem:v27+s11+$0x0], $0xffff  }
0x1c8: {  	v30 =	vor.u32 $0x19, v6;
	v51 =	vmul.f32 v25, v25;
	v13 =	vadd.f32 v50, v13  }
0x1c9: {  	v28 =	vld.idx.msk [tilespmem:v28+s11+$0x0], $0xffff  }
0x1ca: {  	v31 =	vor.u32 $0x1A, v6;
	v52 =	vmul.f32 v26, v26;
	v13 =	vadd.f32 v51, v13  }
0x1cb: {  	v29 =	vld.idx.msk [tilespmem:v29+s11+$0x0], $0xffff  }
0x1cc: {  	v32 =	vor.u32 $0x1B, v6;
	v53 =	vmul.f32 v27, v27;
	v13 =	vadd.f32 v52, v13  }
0x1cd: {  	v30 =	vld.idx.msk [tilespmem:v30+s11+$0x0], $0xffff  }
0x1ce: {  	v33 =	vor.u32 $0x1C, v6;
	v54 =	vmul.f32 v28, v28;
	v13 =	vadd.f32 v53, v13  }
0x1cf: {  	v31 =	vld.idx.msk [tilespmem:v31+s11+$0x0], $0xffff  }
0x1d0: {  	v55 =	vmul.f32 v29, v29;
	v34 =	vor.u32 $0x1D, v6;
	v13 =	vadd.f32 v54, v13  }
0x1d1: {  	v32 =	vld.idx.msk [tilespmem:v32+s11+$0x0], $0xffff  }
0x1d2: {  	v56 =	vor.u32 $0x1E, v6;
	v57 =	vmul.f32 v30, v30;
	v13 =	vadd.f32 v55, v13  }
0x1d3: {  	v33 =	vld.idx.msk [tilespmem:v33+s11+$0x0], $0xffff  }
0x1d4: {  	v58 =	vmul.f32 v31, v31;
	v13 =	vadd.f32 v57, v13  }
0x1d5: {  	v34 =	vld.idx.msk [tilespmem:v34+s11+$0x0], $0xffff  }
0x1d6: {  	v59 =	vmul.f32 v32, v32;
	v13 =	vadd.f32 v58, v13  }
0x1d7: {  	v6 =	vld.idx.msk [tilespmem:v56+s11+$0x0], $0xffff  }
0x1d8: {  	v60 =	vmul.f32 v33, v33;
	v13 =	vadd.f32 v59, v13;
	_ =	sdelay $0x1  }
0x1d9: {  	v61 =	vmul.f32 v34, v34;
	v13 =	vadd.f32 v60, v13;
	_ =	sdelay $0x1  }
0x1da: {  	v62 =	vmul.f32 v6, v6;
	v13 =	vadd.f32 v61, v13;
	_ =	sdelay $0x1  }
0x1db: {  	v13 =	vadd.f32 v62, v13;
	_ =	sdelay $0x1  }
0x1dc: {  	v14 =	vadd.f32 $1.000000000e+00, v13;
	_ =	sdelay $0x1  }
0x1dd: {  	(erf) = vrcp.f32 v14;
	_ =	sdelay $0x8  }
0x1de: {  	v1 =	vshll.u32 v1, $0x5;
	v14 =	vpop (erf)  }
0x1df: {  	v36 =	vor.u32 $0x1, v1;
	v35 =	vadd.f32 v14, v14  }
0x1e0: {  	v37 =	vor.u32 $0x2, v1  }
0x1e1: {  	v38 =	vor.u32 $0x3, v1;
	v2 =	vmul.f32 v35, v2  }
0x1e2: {  	v39 =	vor.u32 $0x4, v1;
	v3 =	vmul.f32 v35, v3  }
0x1e3: {  	v4 =	vmul.f32 v35, v4;
	[tilespmem:v1+s12+$0x0] =	vst.idx.msk $0xffff, v2;
	v2 =	vor.u32 $0x5, v1  }
0x1e4: {  	v63 =	vor.u32 $0x6, v1;
	[tilespmem:v36+s12+$0x0] =	vst.idx.msk $0xffff, v3;
	v3 =	vmul.f32 v35, v5  }
0x1e5: {  	v36 =	vmul.f32 v35, v12;
	[tilespmem:v37+s12+$0x0] =	vst.idx.msk $0xffff, v4;
	v37 =	vor.u32 $0x7, v1  }
0x1e6: {  	[tilespmem:v38+s12+$0x0] =	vst.idx.msk $0xffff, v3;
	v3 =	vmul.f32 v35, v7;
	v38 =	vor.u32 $0x8, v1  }
0x1e7: {  	v40 =	vor.u32 $0x9, v1;
	[tilespmem:v39+s12+$0x0] =	vst.idx.msk $0xffff, v36;
	v39 =	vmul.f32 v35, v8  }
0x1e8: {  	[tilespmem:v2+s12+$0x0] =	vst.idx.msk $0xffff, v3;
	v2 =	vmul.f32 v35, v9;
	v3 =	vor.u32 $0xA, v1  }
0x1e9: {  	v42 =	vor.u32 $0xB, v1;
	v41 =	vmul.f32 v35, v10;
	[tilespmem:v63+s12+$0x0] =	vst.idx.msk $0xffff, v39  }
0x1ea: {  	v43 =	vor.u32 $0xC, v1;
	[tilespmem:v37+s12+$0x0] =	vst.idx.msk $0xffff, v2;
	v2 =	vmul.f32 v35, v11  }
0x1eb: {  	v45 =	vor.u32 $0xD, v1;
	v44 =	vmul.f32 v35, v15;
	[tilespmem:v38+s12+$0x0] =	vst.idx.msk $0xffff, v41  }
0x1ec: {  	v46 =	vor.u32 $0xE, v1;
	[tilespmem:v40+s12+$0x0] =	vst.idx.msk $0xffff, v2;
	v2 =	vmul.f32 v35, v16  }
0x1ed: {  	v47 =	vor.u32 $0xF, v1;
	[tilespmem:v3+s12+$0x0] =	vst.idx.msk $0xffff, v44;
	v3 =	vmul.f32 v35, v17  }
0x1ee: {  	v48 =	vor.u32 $0x10, v1;
	[tilespmem:v42+s12+$0x0] =	vst.idx.msk $0xffff, v2;
	v2 =	vmul.f32 v35, v18  }
0x1ef: {  	v49 =	vor.u32 $0x11, v1;
	[tilespmem:v43+s12+$0x0] =	vst.idx.msk $0xffff, v3;
	v3 =	vmul.f32 v35, v19  }
0x1f0: {  	v50 =	vor.u32 $0x12, v1;
	[tilespmem:v45+s12+$0x0] =	vst.idx.msk $0xffff, v2;
	v2 =	vmul.f32 v35, v20  }
0x1f1: {  	v51 =	vor.u32 $0x13, v1;
	[tilespmem:v46+s12+$0x0] =	vst.idx.msk $0xffff, v3;
	v3 =	vmul.f32 v35, v21  }
0x1f2: {  	v52 =	vor.u32 $0x14, v1;
	[tilespmem:v47+s12+$0x0] =	vst.idx.msk $0xffff, v2;
	v2 =	vmul.f32 v35, v22  }
0x1f3: {  	v53 =	vor.u32 $0x15, v1;
	[tilespmem:v48+s12+$0x0] =	vst.idx.msk $0xffff, v3;
	v3 =	vmul.f32 v35, v23  }
0x1f4: {  	v54 =	vor.u32 $0x16, v1;
	[tilespmem:v49+s12+$0x0] =	vst.idx.msk $0xffff, v2;
	v2 =	vmul.f32 v35, v24  }
0x1f5: {  	v55 =	vor.u32 $0x17, v1;
	[tilespmem:v50+s12+$0x0] =	vst.idx.msk $0xffff, v3;
	v3 =	vmul.f32 v35, v25  }
0x1f6: {  	v56 =	vor.u32 $0x18, v1;
	[tilespmem:v51+s12+$0x0] =	vst.idx.msk $0xffff, v2;
	v2 =	vmul.f32 v35, v26  }
0x1f7: {  	v57 =	vor.u32 $0x19, v1;
	[tilespmem:v52+s12+$0x0] =	vst.idx.msk $0xffff, v3;
	v3 =	vmul.f32 v35, v27  }
0x1f8: {  	v58 =	vor.u32 $0x1A, v1;
	[tilespmem:v53+s12+$0x0] =	vst.idx.msk $0xffff, v2;
	v2 =	vmul.f32 v35, v28  }
0x1f9: {  	v59 =	vor.u32 $0x1B, v1;
	[tilespmem:v54+s12+$0x0] =	vst.idx.msk $0xffff, v3;
	v3 =	vmul.f32 v35, v29  }
0x1fa: {  	v60 =	vor.u32 $0x1C, v1;
	[tilespmem:v55+s12+$0x0] =	vst.idx.msk $0xffff, v2;
	v2 =	vmul.f32 v35, v30  }
0x1fb: {  	v61 =	vor.u32 $0x1D, v1;
	[tilespmem:v56+s12+$0x0] =	vst.idx.msk $0xffff, v3;
	v3 =	vmul.f32 v35, v31  }
0x1fc: {  	v62 =	vor.u32 $0x1E, v1;
	[tilespmem:v57+s12+$0x0] =	vst.idx.msk $0xffff, v2;
	v2 =	vmul.f32 v35, v32  }
0x1fd: {  	v1 =	vor.u32 $0x1F, v1;
	[tilespmem:v58+s12+$0x0] =	vst.idx.msk $0xffff, v3;
	v3 =	vmul.f32 v35, v33  }
0x1fe: {  	p0 =	seq.s32 s19, $0x31;
	v63 =	vadd.f32 $-1.000000000e+00, v13;
	[tilespmem:v59+s12+$0x0] =	vst.idx.msk $0xffff, v2;
	v2 =	vmul.f32 v35, v34  }
.Ltmp5:
0x1ff: {  	s0 =	sshll.u32 s19, $0xE;
	s1 =	rddreg [dreg:$0x7];
	v6 =	vmul.f32 v35, v6;
	[tilespmem:v60+s12+$0x0] =	vst.idx.msk $0xffff, v3;
	(pc) =	sbr.rel @!p0 .LBB2_9-.Ltmp5, $4  }
0x200: {  	s0 =	sadd.s32 s1, s0;
	v3 =	vmul.f32 v14, v63;
	[tilespmem:v61+s12+$0x0] =	vst.idx.msk $0xffff, v2  }
0x201: {  	s31 =	rddreg [dreg:$0x2];
	s0 =	sshrl.u32 s0, $0x3;
	[tilespmem:v62+s12+$0x0] =	vst.idx.msk $0xffff, v6  }
0x202: {  	s0 =	sadd.s32 s31, s0;
	[tilespmem:v1+s12+$0x0] =	vst.idx.msk $0xffff, v3  }
0x203: {  	[hbm4b:s0+s3] =	stream.linear.scatter [tilespmem:s12], [sflag:$0x3], $0x2000, $0x38;
	[tilespmem:$0x1A400] =	vst v63  }
.Ltmp6:
0x204: {  	(pc) =	sbr.rel .LBB2_12-.Ltmp6, $4  }
0x205: {  	s0 =	simm.s32 $0x2  }
0x206: {  	_ =	swait.ge [sflag:s0], $0x8000  }
0x207: {  	[sflag:s0] =	ssyncset.done $0x0  }
0x208: {  	[sflag:s0] =	ssyncadd.s32 $0xFFFF8000  }
.LBB2_9:
0x209: {  	s0 =	sshll.u32 s19, $0x9  }
0x20a: {  	s0 =	sand.u32 $0x3FFFFE00, s0  }
0x20b: {  	s0 =	sadd.s32 $0x200, s0  }
0x20c: {  	s13 =	simm.s32 $0x0;
	[dreg:$0x4] =	wrdreg s0  }
0x20d: {  	s2 =	sand.u32 $0x80, s13;
	s1 =	rddreg [dreg:$0x4]  }
0x20e: {  	s0 =	sand.u32 $0x70, s13;
	s1 =	sadd.s32 s2, s1  }
0x20f: {  	s0 =	sadd.s32 s0, s1  }
0x210: {  	v1 =	vld [tilespmem:s0+$0x0];
	_ =	sdelay $0x4  }
0x211: {  	v1 =	vshll.u32 v1, $0x4  }
0x212: {  	(v2sf) =	vpush v1, $0x0  }
0x213: {  	(v2sf) =	vpush v1, $0x1  }
0x214: {  	(v2sf) =	vpush v1, $0x2;
	_ =	sdelay $0x1  }
0x215: {  	(v2sf) =	vpush v1, $0x3;
	_ =	sdelay $0x1  }
0x216: {  	(v2sf) =	vpush v1, $0x4;
	_ =	sdelay $0x1  }
0x217: {  	(v2sf) =	vpush v1, $0x5  }
0x218: {  	(v2sf) =	vpush v1, $0x6  }
0x219: {  	s20 =	simm.s32 $0x2000;
	s22 =	simm.s32 $0x4000;
	s21 =	simm.s32 $0x10  }
0x21a: {  	s23 =	simm.s32 $0x0;
	s5 =	simm.s32 $0x6880;
	s25 =	simm.s32 $0x6900;
	(v2sf) =	vpush v1, $0x7  }
0x21b: {  	s6 =	simm.s32 $0x6400;
	s7 =	simm.s32 $0x6700;
	s9 =	simm.s32 $0x6780  }
0x21c: {  	s17 =	simm.s32 $0x6680;
	s18 =	simm.s32 $0x6800;
	s24 =	simm.s32 $0x6B80;
	(v2sf) =	vpush v1, $0x8  }
0x21d: {  	s28 =	simm.s32 $0x6580;
	s30 =	simm.s32 $0x6480;
	s31 =	simm.s32 $0x6500  }
0x21e: {  	s2 =	simm.s32 $0x6600;
	s1 =	rddreg [dreg:$0x4];
	s26 =	spop (v2sf)  }
0x21f: {  	s0 =	sand.u32 $0x80, s21;
	s29 =	spop (v2sf);
	s26 =	sand.u32 $0x1FFFFFF0, s26  }
0x220: {  	(v2sf) =	vpush v1, $0x9;
	s29 =	sand.u32 $0x1FFFFFF0, s29;
	s8 =	spop (v2sf);
	s26 =	sadd.s32 s4, s26  }
0x221: {  	[tilespmem:s6], [sflag:$0x1] =	stream.linear.gather [hbm4b:s26+s3], $0x80, $0x38;
	[tilespmem:$0x1A400] =	vst v63  }
0x222: {  	(v2sf) =	vpush v1, $0xA;
	s6 =	sand.u32 $0x1FFFFFF0, s8;
	s14 =	spop (v2sf);
	s10 =	sadd.s32 s4, s29  }
0x223: {  	[tilespmem:s30], [sflag:$0x1] =	stream.linear.gather [hbm4b:s10+s3], $0x80, $0x38;
	[tilespmem:$0x1A400] =	vst v63  }
0x224: {  	(v2sf) =	vpush v1, $0xB;
	s29 =	simm.s32 $0x6980;
	s13 =	spop (v2sf);
	s6 =	sadd.s32 s4, s6  }
0x225: {  	[tilespmem:s31], [sflag:$0x1] =	stream.linear.gather [hbm4b:s6+s3], $0x80, $0x38;
	[tilespmem:$0x1A400] =	vst v63  }
0x226: {  	s8 =	sand.u32 $0x1FFFFFF0, s14;
	s14 =	sand.u32 $0x1FFFFFF0, s13;
	s31 =	spop (v2sf)  }
0x227: {  	s8 =	sadd.s32 s4, s8;
	s30 =	simm.s32 $0x6A00;
	s13 =	spop (v2sf)  }
0x228: {  	[tilespmem:s28], [sflag:$0x1] =	stream.linear.gather [hbm4b:s8+s3], $0x80, $0x38;
	[tilespmem:$0x1A400] =	vst v63  }
0x229: {  	s6 =	sadd.s32 s4, s14;
	s10 =	sand.u32 $0x1FFFFFF0, s31;
	s26 =	spop (v2sf)  }
0x22a: {  	[tilespmem:s2], [sflag:$0x1] =	stream.linear.gather [hbm4b:s6+s3], $0x80, $0x38;
	[tilespmem:$0x1A400] =	vst v63  }
0x22b: {  	s14 =	sand.u32 $0x1FFFFFF0, s13;
	s8 =	sadd.s32 s4, s10;
	s31 =	spop (v2sf)  }
0x22c: {  	[tilespmem:s17], [sflag:$0x1] =	stream.linear.gather [hbm4b:s8+s3], $0x80, $0x38;
	[tilespmem:$0x1A400] =	vst v63  }
0x22d: {  	s6 =	sand.u32 $0x1FFFFFF0, s26;
	s2 =	sadd.s32 s4, s14;
	s26 =	sadd.s32 s0, s1  }
0x22e: {  	[tilespmem:s7], [sflag:$0x1] =	stream.linear.gather [hbm4b:s2+s3], $0x80, $0x38;
	[tilespmem:$0x1A400] =	vst v63  }
0x22f: {  	s6 =	sadd.s32 s4, s6;
	s8 =	sand.u32 $0x1FFFFFF0, s31;
	s10 =	spop (v2sf)  }
0x230: {  	[tilespmem:s9], [sflag:$0x1] =	stream.linear.gather [hbm4b:s6+s3], $0x80, $0x38;
	[tilespmem:$0x1A400] =	vst v63  }
0x231: {  	s14 =	sadd.s32 s4, s8;
	s13 =	sand.u32 $0x1FFFFFF0, s10;
	s17 =	spop (v2sf)  }
0x232: {  	(v2sf) =	vpush v1, $0xC;
	[tilespmem:s18], [sflag:$0x1] =	stream.linear.gather [hbm4b:s14+s3], $0x80, $0x38;
	[tilespmem:$0x1A400] =	vst v63  }
0x233: {  	(v2sf) =	vpush v1, $0xD;
	s0 =	sadd.s32 s4, s13;
	s31 =	spop (v2sf);
	s18 =	sand.u32 $0x1FFFFFF0, s17  }
0x234: {  	(v2sf) =	vpush v1, $0xE;
	[tilespmem:s5], [sflag:$0x1] =	stream.linear.gather [hbm4b:s0+s3], $0x80, $0x38;
	[tilespmem:$0x1A400] =	vst v63  }
0x235: {  	s28 =	simm.s32 $0x6A80;
	(v2sf) =	vpush v1, $0xF;
	s1 =	sand.u32 $0x1FFFFFF0, s31;
	s5 =	sadd.s32 s4, s18  }
.LBB2_10:
0x236: {  	_ =	sdelay $0x7  }
0x237: {  	[tilespmem:s25], [sflag:$0x1] =	stream.linear.gather [hbm4b:s5+s3], $0x80, $0x38;
	[tilespmem:$0x1A400] =	vst v63  }
0x238: {  	s1 =	sadd.s32 s4, s1  }
0x239: {  	[tilespmem:s29], [sflag:$0x1] =	stream.linear.gather [hbm4b:s1+s3], $0x80, $0x38;
	[tilespmem:$0x1A400] =	vst v63  }
0x23a: {  	s6 =	spop (v2sf)  }
0x23b: {  	s2 =	sand.u32 $0x70, s21;
	s9 =	sand.u32 $0x1FFFFFF0, s6;
	s10 =	spop (v2sf)  }
0x23c: {  	s13 =	sadd.s32 s4, s9;
	s14 =	sand.u32 $0x1FFFFFF0, s10;
	s17 =	spop (v2sf)  }
0x23d: {  	[tilespmem:s30], [sflag:$0x1] =	stream.linear.gather [hbm4b:s13+s3], $0x80, $0x38;
	[tilespmem:$0x1A400] =	vst v63  }
0x23e: {  	s18 =	sadd.s32 s4, s14;
	s25 =	sand.u32 $0x1FFFFFF0, s17;
	s31 =	spop (v2sf)  }
0x23f: {  	[tilespmem:s28], [sflag:$0x1] =	stream.linear.gather [hbm4b:s18+s3], $0x80, $0x38;
	[tilespmem:$0x1A400] =	vst v63  }
0x240: {  	s7 =	sadd.s32 $0x6B00, s23;
	s5 =	sadd.s32 s4, s25;
	s6 =	sand.u32 $0x1FFFFFF0, s31  }
0x241: {  	[tilespmem:s7], [sflag:$0x1] =	stream.linear.gather [hbm4b:s5+s3], $0x80, $0x38;
	[tilespmem:$0x1A400] =	vst v63  }
0x242: {  	s8 =	sadd.s32 s2, s26;
	s9 =	sadd.s32 s4, s6  }
0x243: {  	[tilespmem:s24], [sflag:$0x1] =	stream.linear.gather [hbm4b:s9+s3], $0x80, $0x38;
	[tilespmem:$0x1A400] =	vst v63  }
0x244: {  	v1 =	vld [tilespmem:s8+$0x0];
	_ =	sdelay $0x4  }
0x245: {  	v1 =	vshll.u32 v1, $0x4  }
0x246: {  	(v2sf) =	vpush v1, $0x0  }
0x247: {  	(v2sf) =	vpush v1, $0x1  }
0x248: {  	(v2sf) =	vpush v1, $0x2;
	_ =	sdelay $0x1  }
0x249: {  	(v2sf) =	vpush v1, $0x3;
	_ =	sdelay $0x1  }
0x24a: {  	(v2sf) =	vpush v1, $0x4;
	_ =	sdelay $0x1  }
0x24b: {  	p2 =	sne.s32 s22, $0x1E000;
	s0 =	smov.u32 s22;
	s23 =	sshra.s32 s20, $0x2;
	(v2sf) =	vpush v1, $0x5  }
0x24c: {  	s22 =	sadd.s32 $0x2000, s22;
	s21 =	sadd.s32 $0x10, s21;
	s2 =	sadd.s32 $0x6580, s23  }
0x24d: {  	s20 =	smov.u32 s0;
	s1 =	sadd.s32 $0x6800, s23;
	s29 =	sadd.s32 $0x6980, s23;
	(v2sf) =	vpush v1, $0x6  }
0x24e: {  	s10 =	sand.u32 $0x80, s21;
	s13 =	rddreg [dreg:$0x4];
	s17 =	sadd.s32 $0x6680, s23  }
0x24f: {  	s30 =	sadd.s32 $0x6A00, s23;
	s31 =	sadd.s32 $0x6880, s23;
	s25 =	sadd.s32 $0x6900, s23;
	(v2sf) =	vpush v1, $0x7  }
0x250: {  	s26 =	sadd.s32 s10, s13;
	s6 =	sadd.s32 $0x6480, s23;
	s28 =	sadd.s32 $0x6A80, s23  }
0x251: {  	s7 =	sadd.s32 $0x6700, s23;
	s5 =	sadd.s32 $0x6780, s23;
	s9 =	sadd.s32 $0x6600, s23;
	(v2sf) =	vpush v1, $0x8  }
0x252: {  	s24 =	sadd.s32 $0x6B80, s23;
	s8 =	sadd.s32 $0x6400, s23;
	s14 =	spop (v2sf)  }
0x253: {  	(v2sf) =	vpush v1, $0x9;
	s0 =	sand.u32 $0x1FFFFFF0, s14;
	s18 =	spop (v2sf);
	s14 =	sadd.s32 $0x6500, s23  }
0x254: {  	s18 =	sand.u32 $0x1FFFFFF0, s18;
	s10 =	spop (v2sf);
	s0 =	sadd.s32 s4, s0  }
0x255: {  	(v2sf) =	vpush v1, $0xA;
	[tilespmem:s8], [sflag:$0x1] =	stream.linear.gather [hbm4b:s0+s3], $0x80, $0x38;
	[tilespmem:$0x1A400] =	vst v63  }
0x256: {  	s10 =	sand.u32 $0x1FFFFFF0, s10;
	s13 =	spop (v2sf);
	(v2sf) =	vpush v1, $0xB;
	s0 =	sadd.s32 s4, s18  }
0x257: {  	[tilespmem:s6], [sflag:$0x1] =	stream.linear.gather [hbm4b:s0+s3], $0x80, $0x38;
	[tilespmem:$0x1A400] =	vst v63  }
0x258: {  	s8 =	sand.u32 $0x1FFFFFF0, s13;
	s18 =	spop (v2sf);
	s10 =	sadd.s32 s4, s10  }
0x259: {  	[tilespmem:s14], [sflag:$0x1] =	stream.linear.gather [hbm4b:s10+s3], $0x80, $0x38;
	[tilespmem:$0x1A400] =	vst v63  }
0x25a: {  	s6 =	sand.u32 $0x1FFFFFF0, s18;
	s13 =	spop (v2sf);
	s14 =	sadd.s32 s4, s8  }
0x25b: {  	[tilespmem:s2], [sflag:$0x1] =	stream.linear.gather [hbm4b:s14+s3], $0x80, $0x38;
	[tilespmem:$0x1A400] =	vst v63  }
0x25c: {  	s18 =	spop (v2sf);
	s8 =	sand.u32 $0x1FFFFFF0, s13;
	s13 =	sadd.s32 s4, s6  }
0x25d: {  	[tilespmem:s9], [sflag:$0x1] =	stream.linear.gather [hbm4b:s13+s3], $0x80, $0x38;
	[tilespmem:$0x1A400] =	vst v63  }
0x25e: {  	s10 =	sadd.s32 s4, s8;
	s14 =	sand.u32 $0x1FFFFFF0, s18;
	s18 =	spop (v2sf)  }
0x25f: {  	[tilespmem:s17], [sflag:$0x1] =	stream.linear.gather [hbm4b:s10+s3], $0x80, $0x38;
	[tilespmem:$0x1A400] =	vst v63  }
0x260: {  	s6 =	sand.u32 $0x1FFFFFF0, s18;
	s14 =	sadd.s32 s4, s14;
	s13 =	spop (v2sf)  }
0x261: {  	[tilespmem:s7], [sflag:$0x1] =	stream.linear.gather [hbm4b:s14+s3], $0x80, $0x38;
	[tilespmem:$0x1A400] =	vst v63  }
0x262: {  	s17 =	sand.u32 $0x1FFFFFF0, s13;
	s18 =	spop (v2sf);
	s7 =	sadd.s32 s4, s6  }
0x263: {  	[tilespmem:s5], [sflag:$0x1] =	stream.linear.gather [hbm4b:s7+s3], $0x80, $0x38;
	[tilespmem:$0x1A400] =	vst v63  }
.Ltmp7:
0x264: {  	s13 =	sadd.s32 s4, s17;
	s10 =	spop (v2sf);
	(pc) =	sbr.rel @p2 .LBB2_10-.Ltmp7, $4  }
0x265: {  	(v2sf) =	vpush v1, $0xC;
	s9 =	sand.u32 $0x1FFFFFF0, s18;
	s14 =	sand.u32 $0x1FFFFFF0, s10;
	s17 =	spop (v2sf)  }
0x266: {  	(v2sf) =	vpush v1, $0xD;
	[tilespmem:s1], [sflag:$0x1] =	stream.linear.gather [hbm4b:s13+s3], $0x80, $0x38;
	[tilespmem:$0x1A400] =	vst v63  }
0x267: {  	(v2sf) =	vpush v1, $0xE;
	s18 =	sadd.s32 s4, s9;
	s5 =	sadd.s32 s4, s14;
	s1 =	sand.u32 $0x1FFFFFF0, s17  }
0x268: {  	(v2sf) =	vpush v1, $0xF;
	[tilespmem:s31], [sflag:$0x1] =	stream.linear.gather [hbm4b:s18+s3], $0x80, $0x38;
	[tilespmem:$0x1A400] =	vst v63  }
0x269: {  	_ =	sdelay $0x7  }
0x26a: {  	[tilespmem:s25], [sflag:$0x1] =	stream.linear.gather [hbm4b:s5+s3], $0x80, $0x38;
	[tilespmem:$0x1A400] =	vst v63  }
0x26b: {  	s1 =	sadd.s32 s4, s1  }
0x26c: {  	[tilespmem:s29], [sflag:$0x1] =	stream.linear.gather [hbm4b:s1+s3], $0x80, $0x38;
	[tilespmem:$0x1A400] =	vst v63  }
0x26d: {  	s2 =	spop (v2sf)  }
0x26e: {  	s0 =	sand.u32 $0x70, s21;
	s2 =	sand.u32 $0x1FFFFFF0, s2;
	s10 =	spop (v2sf)  }
0x26f: {  	s13 =	sadd.s32 s4, s2;
	s14 =	sand.u32 $0x1FFFFFF0, s10;
	s17 =	spop (v2sf)  }
0x270: {  	[tilespmem:s30], [sflag:$0x1] =	stream.linear.gather [hbm4b:s13+s3], $0x80, $0x38;
	[tilespmem:$0x1A400] =	vst v63  }
0x271: {  	s18 =	sadd.s32 s4, s14;
	s21 =	sand.u32 $0x1FFFFFF0, s17;
	s22 =	spop (v2sf)  }
0x272: {  	[tilespmem:s28], [sflag:$0x1] =	stream.linear.gather [hbm4b:s18+s3], $0x80, $0x38;
	[tilespmem:$0x1A400] =	vst v63  }
0x273: {  	s25 =	sadd.s32 $0x6B00, s23;
	s2 =	sadd.s32 s4, s21;
	s5 =	sand.u32 $0x1FFFFFF0, s22  }
0x274: {  	[tilespmem:s25], [sflag:$0x1] =	stream.linear.gather [hbm4b:s2+s3], $0x80, $0x38;
	[tilespmem:$0x1A400] =	vst v63  }
0x275: {  	s0 =	sadd.s32 s0, s26;
	s28 =	sadd.s32 s4, s5  }
0x276: {  	[tilespmem:s24], [sflag:$0x1] =	stream.linear.gather [hbm4b:s28+s3], $0x80, $0x38;
	[tilespmem:$0x1A400] =	vst v63  }
0x277: {  	v1 =	vld [tilespmem:s0+$0x0];
	_ =	sdelay $0x4  }
0x278: {  	v1 =	vshll.u32 v1, $0x4  }
0x279: {  	(v2sf) =	vpush v1, $0x0  }
0x27a: {  	(v2sf) =	vpush v1, $0x1  }
0x27b: {  	(v2sf) =	vpush v1, $0x2;
	_ =	sdelay $0x1  }
0x27c: {  	(v2sf) =	vpush v1, $0x3;
	_ =	sdelay $0x1  }
0x27d: {  	(v2sf) =	vpush v1, $0x4;
	_ =	sdelay $0x1  }
0x27e: {  	(v2sf) =	vpush v1, $0x5  }
0x27f: {  	(v2sf) =	vpush v1, $0x6;
	_ =	sdelay $0x1  }
0x280: {  	s20 =	sshra.s32 s20, $0x2;
	(v2sf) =	vpush v1, $0x7  }
0x281: {  	s6 =	sadd.s32 $0x6400, s20;
	s8 =	sadd.s32 $0x6700, s20;
	s9 =	sadd.s32 $0x6780, s20  }
0x282: {  	s7 =	sadd.s32 $0x6980, s20;
	s1 =	sadd.s32 $0x6A80, s20;
	s10 =	sadd.s32 $0x6680, s20;
	(v2sf) =	vpush v1, $0x8  }
0x283: {  	s13 =	sadd.s32 $0x6800, s20;
	s14 =	sadd.s32 $0x6580, s20;
	s30 =	sadd.s32 $0x6500, s20  }
0x284: {  	s22 =	sadd.s32 $0x6A00, s20;
	s5 =	sadd.s32 $0x6880, s20;
	s17 =	spop (v2sf)  }
0x285: {  	s18 =	sadd.s32 $0x6480, s20;
	s29 =	spop (v2sf);
	s17 =	sand.u32 $0x1FFFFFF0, s17  }
0x286: {  	(v2sf) =	vpush v1, $0x9;
	s21 =	sand.u32 $0x1FFFFFF0, s29;
	s31 =	spop (v2sf);
	s17 =	sadd.s32 s4, s17  }
0x287: {  	[tilespmem:s6], [sflag:$0x1] =	stream.linear.gather [hbm4b:s17+s3], $0x80, $0x38;
	[tilespmem:$0x1A400] =	vst v63  }
0x288: {  	(v2sf) =	vpush v1, $0xA;
	s25 =	sand.u32 $0x1FFFFFF0, s31;
	s26 =	spop (v2sf);
	s21 =	sadd.s32 s4, s21  }
0x289: {  	[tilespmem:s18], [sflag:$0x1] =	stream.linear.gather [hbm4b:s21+s3], $0x80, $0x38;
	[tilespmem:$0x1A400] =	vst v63  }
0x28a: {  	s2 =	sadd.s32 $0x6600, s20;
	(v2sf) =	vpush v1, $0xB;
	s28 =	spop (v2sf);
	s6 =	sadd.s32 s4, s25  }
0x28b: {  	[tilespmem:s30], [sflag:$0x1] =	stream.linear.gather [hbm4b:s6+s3], $0x80, $0x38;
	[tilespmem:$0x1A400] =	vst v63  }
0x28c: {  	s0 =	sadd.s32 $0x6900, s20;
	(v2sf) =	vpush v1, $0xC;
	s17 =	sand.u32 $0x1FFFFFF0, s26;
	s30 =	spop (v2sf)  }
0x28d: {  	s29 =	sand.u32 $0x1FFFFFF0, s28;
	s17 =	sadd.s32 s4, s17;
	s18 =	spop (v2sf)  }
0x28e: {  	(v2sf) =	vpush v1, $0xD;
	[tilespmem:s14], [sflag:$0x1] =	stream.linear.gather [hbm4b:s17+s3], $0x80, $0x38;
	[tilespmem:$0x1A400] =	vst v63  }
0x28f: {  	s6 =	sadd.s32 s4, s29;
	s31 =	sand.u32 $0x1FFFFFF0, s30;
	s23 =	spop (v2sf)  }
0x290: {  	(v2sf) =	vpush v1, $0xE;
	[tilespmem:s2], [sflag:$0x1] =	stream.linear.gather [hbm4b:s6+s3], $0x80, $0x38;
	[tilespmem:$0x1A400] =	vst v63  }
0x291: {  	s21 =	sand.u32 $0x1FFFFFF0, s18;
	s14 =	sadd.s32 s4, s31;
	s24 =	spop (v2sf)  }
0x292: {  	(v2sf) =	vpush v1, $0xF;
	[tilespmem:s10], [sflag:$0x1] =	stream.linear.gather [hbm4b:s14+s3], $0x80, $0x38;
	[tilespmem:$0x1A400] =	vst v63  }
0x293: {  	s6 =	sand.u32 $0x1FFFFFF0, s23;
	s2 =	sadd.s32 s4, s21;
	s25 =	sand.u32 $0x1FFFFFF0, s24  }
0x294: {  	[tilespmem:s8], [sflag:$0x1] =	stream.linear.gather [hbm4b:s2+s3], $0x80, $0x38;
	[tilespmem:$0x1A400] =	vst v63  }
0x295: {  	s6 =	sadd.s32 s4, s6;
	s26 =	spop (v2sf);
	s2 =	sadd.s32 s4, s25  }
0x296: {  	[tilespmem:s9], [sflag:$0x1] =	stream.linear.gather [hbm4b:s6+s3], $0x80, $0x38;
	[tilespmem:$0x1A400] =	vst v63  }
0x297: {  	s25 =	sadd.s32 $0x6B00, s20;
	s28 =	sand.u32 $0x1FFFFFF0, s26;
	s29 =	spop (v2sf)  }
0x298: {  	[tilespmem:s13], [sflag:$0x1] =	stream.linear.gather [hbm4b:s2+s3], $0x80, $0x38;
	[tilespmem:$0x1A400] =	vst v63  }
0x299: {  	s30 =	sand.u32 $0x1FFFFFF0, s29;
	s31 =	spop (v2sf);
	s6 =	sadd.s32 s4, s28  }
0x29a: {  	[tilespmem:s5], [sflag:$0x1] =	stream.linear.gather [hbm4b:s6+s3], $0x80, $0x38;
	[tilespmem:$0x1A400] =	vst v63  }
0x29b: {  	s8 =	sand.u32 $0x1FFFFFF0, s31;
	s9 =	spop (v2sf);
	s2 =	sadd.s32 s4, s30  }
0x29c: {  	[tilespmem:s0], [sflag:$0x1] =	stream.linear.gather [hbm4b:s2+s3], $0x80, $0x38;
	[tilespmem:$0x1A400] =	vst v63  }
0x29d: {  	s10 =	sadd.s32 s4, s8;
	s13 =	sand.u32 $0x1FFFFFF0, s9;
	s14 =	spop (v2sf)  }
0x29e: {  	[tilespmem:s7], [sflag:$0x1] =	stream.linear.gather [hbm4b:s10+s3], $0x80, $0x38;
	[tilespmem:$0x1A400] =	vst v63  }
0x29f: {  	s17 =	sadd.s32 s4, s13;
	s18 =	sand.u32 $0x1FFFFFF0, s14;
	s21 =	spop (v2sf)  }
0x2a0: {  	[tilespmem:s22], [sflag:$0x1] =	stream.linear.gather [hbm4b:s17+s3], $0x80, $0x38;
	[tilespmem:$0x1A400] =	vst v63  }
0x2a1: {  	s23 =	sand.u32 $0x1FFFFFF0, s21;
	s24 =	spop (v2sf);
	s22 =	sadd.s32 s4, s18  }
0x2a2: {  	[tilespmem:s1], [sflag:$0x1] =	stream.linear.gather [hbm4b:s22+s3], $0x80, $0x38;
	[tilespmem:$0x1A400] =	vst v63  }
0x2a3: {  	s29 =	sadd.s32 $0x6B80, s20;
	s26 =	sadd.s32 s4, s23;
	s28 =	sand.u32 $0x1FFFFFF0, s24  }
0x2a4: {  	[tilespmem:s25], [sflag:$0x1] =	stream.linear.gather [hbm4b:s26+s3], $0x80, $0x38;
	[tilespmem:$0x1A400] =	vst v63  }
.Ltmp8:
0x2a5: {  	s31 =	simm.s32 $0x2;
	s30 =	sadd.s32 s4, s28;
	(pc) =	sbr.rel @p1 .LBB2_13-.Ltmp8, $4  }
0x2a6: {  	[tilespmem:s29], [sflag:$0x1] =	stream.linear.gather [hbm4b:s30+s3], $0x80, $0x38;
	[tilespmem:$0x1A400] =	vst v63  }
0x2a7: {  	_ =	swait.ge [sflag:s31], $0x8000  }
0x2a8: {  	[sflag:s31] =	ssyncset.done $0x0  }
0x2a9: {  	[sflag:s31] =	ssyncadd.s32 $0xFFFF8000  }
.LBB2_12:
0x2aa: {  	s0 =	simm.s32 $0x4  }
0x2ab: {  	_ =	swait.ge [sflag:s0], $0x2000  }
0x2ac: {  	[sflag:s0] =	ssyncset.done $0x0  }
0x2ad: {  	[sflag:s0] =	ssyncadd.s32 $0xFFFFE000  }
.LBB2_13:
0x2ae: {  	s0 =	simm.s32 $0x0  }
0x2af: {  	v2 =	vor.u32 s0, v0  }
0x2b0: {  	v3 =	vshll.u32 v2, $0x7  }
0x2b1: {  	v1 =	vor.u32 $0x1, v3;
	_ =	sdelay $0x1  }
0x2b2: {  	v4 =	vor.u32 $0x2, v3;
	_ =	sdelay $0x1  }
0x2b3: {  	v5 =	vor.u32 $0x3, v3;
	v6 =	vld.idx.msk [tilespmem:v3+s15+$0x0], $0xffff  }
0x2b4: {  	v7 =	vld.idx.msk [tilespmem:v1+s15+$0x0], $0xffff  }
0x2b5: {  	v8 =	vor.u32 $0x4, v3  }
0x2b6: {  	v4 =	vld.idx.msk [tilespmem:v4+s15+$0x0], $0xffff  }
0x2b7: {  	v9 =	vor.u32 $0x5, v3  }
0x2b8: {  	v1 =	vld.idx.msk [tilespmem:v5+s15+$0x0], $0xffff  }
0x2b9: {  	v5 =	vor.u32 $0x6, v3;
	v10 =	vmul.f32 v6, v6;
	v11 =	vmul.f32 v7, v7  }
0x2ba: {  	v8 =	vld.idx.msk [tilespmem:v8+s15+$0x0], $0xffff  }
0x2bb: {  	v12 =	vor.u32 $0x7, v3;
	v10 =	vadd.f32 v11, v10;
	v11 =	vmul.f32 v4, v4  }
0x2bc: {  	v9 =	vld.idx.msk [tilespmem:v9+s15+$0x0], $0xffff  }
0x2bd: {  	v13 =	vor.u32 $0x8, v3;
	v10 =	vadd.f32 v11, v10;
	v11 =	vmul.f32 v1, v1  }
0x2be: {  	v5 =	vld.idx.msk [tilespmem:v5+s15+$0x0], $0xffff  }
0x2bf: {  	v14 =	vor.u32 $0x9, v3;
	v10 =	vadd.f32 v11, v10;
	v11 =	vmul.f32 v8, v8  }
0x2c0: {  	v12 =	vld.idx.msk [tilespmem:v12+s15+$0x0], $0xffff  }
0x2c1: {  	v15 =	vor.u32 $0xA, v3;
	v10 =	vadd.f32 v11, v10;
	v11 =	vmul.f32 v9, v9  }
0x2c2: {  	v13 =	vld.idx.msk [tilespmem:v13+s15+$0x0], $0xffff  }
0x2c3: {  	v16 =	vor.u32 $0xB, v3;
	v10 =	vadd.f32 v11, v10;
	v11 =	vmul.f32 v5, v5  }
0x2c4: {  	v14 =	vld.idx.msk [tilespmem:v14+s15+$0x0], $0xffff  }
0x2c5: {  	v17 =	vor.u32 $0xC, v3;
	v10 =	vadd.f32 v11, v10;
	v11 =	vmul.f32 v12, v12  }
0x2c6: {  	v15 =	vld.idx.msk [tilespmem:v15+s15+$0x0], $0xffff  }
0x2c7: {  	v18 =	vor.u32 $0xD, v3;
	v10 =	vadd.f32 v11, v10;
	v11 =	vmul.f32 v13, v13  }
0x2c8: {  	v16 =	vld.idx.msk [tilespmem:v16+s15+$0x0], $0xffff  }
0x2c9: {  	v19 =	vor.u32 $0xE, v3;
	v10 =	vadd.f32 v11, v10;
	v11 =	vmul.f32 v14, v14  }
0x2ca: {  	v17 =	vld.idx.msk [tilespmem:v17+s15+$0x0], $0xffff  }
0x2cb: {  	v20 =	vor.u32 $0xF, v3;
	v10 =	vadd.f32 v11, v10;
	v11 =	vmul.f32 v15, v15  }
0x2cc: {  	v18 =	vld.idx.msk [tilespmem:v18+s15+$0x0], $0xffff  }
0x2cd: {  	v21 =	vor.u32 $0x10, v3;
	v10 =	vadd.f32 v11, v10;
	v11 =	vmul.f32 v16, v16  }
0x2ce: {  	v19 =	vld.idx.msk [tilespmem:v19+s15+$0x0], $0xffff  }
0x2cf: {  	v22 =	vor.u32 $0x11, v3;
	v10 =	vadd.f32 v11, v10;
	v11 =	vmul.f32 v17, v17  }
0x2d0: {  	v20 =	vld.idx.msk [tilespmem:v20+s15+$0x0], $0xffff  }
0x2d1: {  	v23 =	vor.u32 $0x12, v3;
	v10 =	vadd.f32 v11, v10;
	v11 =	vmul.f32 v18, v18  }
0x2d2: {  	v21 =	vld.idx.msk [tilespmem:v21+s15+$0x0], $0xffff  }
0x2d3: {  	v24 =	vor.u32 $0x13, v3;
	v10 =	vadd.f32 v11, v10;
	v11 =	vmul.f32 v19, v19  }
0x2d4: {  	v22 =	vld.idx.msk [tilespmem:v22+s15+$0x0], $0xffff  }
0x2d5: {  	v25 =	vor.u32 $0x14, v3;
	v10 =	vadd.f32 v11, v10;
	v11 =	vmul.f32 v20, v20  }
0x2d6: {  	v23 =	vld.idx.msk [tilespmem:v23+s15+$0x0], $0xffff  }
0x2d7: {  	v26 =	vor.u32 $0x15, v3;
	v10 =	vadd.f32 v11, v10;
	v11 =	vmul.f32 v21, v21  }
0x2d8: {  	v24 =	vld.idx.msk [tilespmem:v24+s15+$0x0], $0xffff  }
0x2d9: {  	v27 =	vor.u32 $0x16, v3;
	v10 =	vadd.f32 v11, v10;
	v11 =	vmul.f32 v22, v22  }
0x2da: {  	v25 =	vld.idx.msk [tilespmem:v25+s15+$0x0], $0xffff  }
0x2db: {  	v28 =	vor.u32 $0x17, v3;
	v10 =	vadd.f32 v11, v10;
	v11 =	vmul.f32 v23, v23  }
0x2dc: {  	v26 =	vld.idx.msk [tilespmem:v26+s15+$0x0], $0xffff  }
0x2dd: {  	v29 =	vor.u32 $0x18, v3;
	v10 =	vadd.f32 v11, v10;
	v11 =	vmul.f32 v24, v24  }
0x2de: {  	v27 =	vld.idx.msk [tilespmem:v27+s15+$0x0], $0xffff  }
0x2df: {  	v30 =	vor.u32 $0x19, v3;
	v10 =	vadd.f32 v11, v10;
	v11 =	vmul.f32 v25, v25  }
0x2e0: {  	v28 =	vld.idx.msk [tilespmem:v28+s15+$0x0], $0xffff  }
0x2e1: {  	v31 =	vor.u32 $0x1A, v3;
	v10 =	vadd.f32 v11, v10;
	v11 =	vmul.f32 v26, v26  }
0x2e2: {  	v29 =	vld.idx.msk [tilespmem:v29+s15+$0x0], $0xffff  }
0x2e3: {  	v32 =	vor.u32 $0x1B, v3;
	v10 =	vadd.f32 v11, v10;
	v11 =	vmul.f32 v27, v27  }
0x2e4: {  	v30 =	vld.idx.msk [tilespmem:v30+s15+$0x0], $0xffff  }
0x2e5: {  	v33 =	vor.u32 $0x1C, v3;
	v10 =	vadd.f32 v11, v10;
	v11 =	vmul.f32 v28, v28  }
0x2e6: {  	v31 =	vld.idx.msk [tilespmem:v31+s15+$0x0], $0xffff  }
0x2e7: {  	v34 =	vor.u32 $0x1D, v3;
	v10 =	vadd.f32 v11, v10;
	v11 =	vmul.f32 v29, v29  }
0x2e8: {  	v32 =	vld.idx.msk [tilespmem:v32+s15+$0x0], $0xffff  }
0x2e9: {  	v3 =	vor.u32 $0x1E, v3;
	v10 =	vadd.f32 v11, v10;
	v11 =	vmul.f32 v30, v30  }
0x2ea: {  	v33 =	vld.idx.msk [tilespmem:v33+s15+$0x0], $0xffff  }
0x2eb: {  	v10 =	vadd.f32 v11, v10;
	v11 =	vmul.f32 v31, v31  }
0x2ec: {  	v34 =	vld.idx.msk [tilespmem:v34+s15+$0x0], $0xffff  }
0x2ed: {  	v10 =	vadd.f32 v11, v10;
	v11 =	vmul.f32 v32, v32  }
0x2ee: {  	v35 =	vld.idx.msk [tilespmem:v3+s15+$0x0], $0xffff  }
0x2ef: {  	v3 =	vadd.f32 v11, v10;
	v10 =	vmul.f32 v33, v33;
	_ =	sdelay $0x1  }
0x2f0: {  	v3 =	vadd.f32 v10, v3;
	v10 =	vmul.f32 v34, v34;
	_ =	sdelay $0x1  }
0x2f1: {  	v3 =	vadd.f32 v10, v3;
	v10 =	vmul.f32 v35, v35;
	_ =	sdelay $0x1  }
0x2f2: {  	v3 =	vadd.f32 v10, v3;
	_ =	sdelay $0x1  }
0x2f3: {  	v10 =	vadd.f32 $1.000000000e+00, v3;
	_ =	sdelay $0x1  }
0x2f4: {  	(erf) = vrcp.f32 v10;
	_ =	sdelay $0x8  }
0x2f5: {  	v2 =	vshll.u32 v2, $0x5;
	v10 =	vpop (erf)  }
0x2f6: {  	v36 =	vor.u32 $0x1, v2;
	v11 =	vadd.f32 v10, v10  }
0x2f7: {  	v37 =	vor.u32 $0x2, v2  }
0x2f8: {  	v38 =	vor.u32 $0x3, v2;
	v6 =	vmul.f32 v11, v6  }
0x2f9: {  	v39 =	vor.u32 $0x4, v2;
	v7 =	vmul.f32 v11, v7  }
0x2fa: {  	v4 =	vmul.f32 v11, v4;
	[tilespmem:v2+s16+$0x0] =	vst.idx.msk $0xffff, v6;
	v6 =	vor.u32 $0x5, v2  }
0x2fb: {  	v1 =	vmul.f32 v11, v1;
	[tilespmem:v36+s16+$0x0] =	vst.idx.msk $0xffff, v7;
	v7 =	vor.u32 $0x6, v2  }
0x2fc: {  	[tilespmem:v37+s16+$0x0] =	vst.idx.msk $0xffff, v4;
	v4 =	vmul.f32 v11, v8;
	v8 =	vor.u32 $0x7, v2  }
0x2fd: {  	[tilespmem:v38+s16+$0x0] =	vst.idx.msk $0xffff, v1;
	v1 =	vmul.f32 v11, v9;
	v9 =	vor.u32 $0x8, v2  }
0x2fe: {  	[tilespmem:v39+s16+$0x0] =	vst.idx.msk $0xffff, v4;
	v4 =	vmul.f32 v11, v5;
	v5 =	vor.u32 $0x9, v2  }
0x2ff: {  	[tilespmem:v6+s16+$0x0] =	vst.idx.msk $0xffff, v1;
	v1 =	vmul.f32 v11, v12;
	v6 =	vor.u32 $0xA, v2  }
0x300: {  	[tilespmem:v7+s16+$0x0] =	vst.idx.msk $0xffff, v4;
	v4 =	vmul.f32 v11, v13;
	v7 =	vor.u32 $0xB, v2  }
0x301: {  	[tilespmem:v8+s16+$0x0] =	vst.idx.msk $0xffff, v1;
	v1 =	vmul.f32 v11, v14;
	v8 =	vor.u32 $0xC, v2  }
0x302: {  	[tilespmem:v9+s16+$0x0] =	vst.idx.msk $0xffff, v4;
	v4 =	vmul.f32 v11, v15;
	v9 =	vor.u32 $0xD, v2  }
0x303: {  	[tilespmem:v5+s16+$0x0] =	vst.idx.msk $0xffff, v1;
	v1 =	vmul.f32 v11, v16;
	v5 =	vor.u32 $0xE, v2  }
0x304: {  	[tilespmem:v6+s16+$0x0] =	vst.idx.msk $0xffff, v4;
	v4 =	vmul.f32 v11, v17;
	v6 =	vor.u32 $0xF, v2  }
0x305: {  	[tilespmem:v7+s16+$0x0] =	vst.idx.msk $0xffff, v1;
	v1 =	vmul.f32 v11, v18;
	v7 =	vor.u32 $0x10, v2  }
0x306: {  	[tilespmem:v8+s16+$0x0] =	vst.idx.msk $0xffff, v4;
	v4 =	vmul.f32 v11, v19;
	v8 =	vor.u32 $0x11, v2  }
0x307: {  	[tilespmem:v9+s16+$0x0] =	vst.idx.msk $0xffff, v1;
	v1 =	vmul.f32 v11, v20;
	v9 =	vor.u32 $0x12, v2  }
0x308: {  	[tilespmem:v5+s16+$0x0] =	vst.idx.msk $0xffff, v4;
	v4 =	vmul.f32 v11, v21;
	v5 =	vor.u32 $0x13, v2  }
0x309: {  	[tilespmem:v6+s16+$0x0] =	vst.idx.msk $0xffff, v1;
	v1 =	vmul.f32 v11, v22;
	v6 =	vor.u32 $0x14, v2  }
0x30a: {  	[tilespmem:v7+s16+$0x0] =	vst.idx.msk $0xffff, v4;
	v4 =	vmul.f32 v11, v23;
	v7 =	vor.u32 $0x15, v2  }
0x30b: {  	[tilespmem:v8+s16+$0x0] =	vst.idx.msk $0xffff, v1;
	v1 =	vmul.f32 v11, v24;
	v8 =	vor.u32 $0x16, v2  }
0x30c: {  	[tilespmem:v9+s16+$0x0] =	vst.idx.msk $0xffff, v4;
	v4 =	vmul.f32 v11, v25;
	v9 =	vor.u32 $0x17, v2  }
0x30d: {  	[tilespmem:v5+s16+$0x0] =	vst.idx.msk $0xffff, v1;
	v1 =	vmul.f32 v11, v26;
	v5 =	vor.u32 $0x18, v2  }
0x30e: {  	[tilespmem:v6+s16+$0x0] =	vst.idx.msk $0xffff, v4;
	v4 =	vmul.f32 v11, v27;
	v6 =	vor.u32 $0x19, v2  }
0x30f: {  	[tilespmem:v7+s16+$0x0] =	vst.idx.msk $0xffff, v1;
	v1 =	vmul.f32 v11, v28;
	v7 =	vor.u32 $0x1A, v2  }
0x310: {  	[tilespmem:v8+s16+$0x0] =	vst.idx.msk $0xffff, v4;
	v4 =	vmul.f32 v11, v29;
	v8 =	vor.u32 $0x1B, v2  }
0x311: {  	v3 =	vadd.f32 $-1.000000000e+00, v3;
	[tilespmem:v9+s16+$0x0] =	vst.idx.msk $0xffff, v1;
	v1 =	vmul.f32 v11, v30;
	v9 =	vor.u32 $0x1C, v2  }
0x312: {  	v14 =	vor.u32 $0x1D, v2;
	[tilespmem:v5+s16+$0x0] =	vst.idx.msk $0xffff, v4;
	v4 =	vmul.f32 v11, v31  }
0x313: {  	s31 =	simm.s32 $0x10;
	v3 =	vmul.f32 v10, v3;
	v15 =	vor.u32 $0x1E, v2;
	v5 =	vmul.f32 v11, v32;
	[tilespmem:v6+s16+$0x0] =	vst.idx.msk $0xffff, v1  }
0x314: {  	v2 =	vor.u32 $0x1F, v2;
	v1 =	vor.u32 s31, v0;
	[tilespmem:v7+s16+$0x0] =	vst.idx.msk $0xffff, v4;
	v7 =	vmul.f32 v11, v33  }
0x315: {  	v10 =	vmul.f32 v11, v34;
	v63 =	vmul.f32 v11, v35;
	v6 =	vshll.u32 v1, $0x7;
	[tilespmem:v8+s16+$0x0] =	vst.idx.msk $0xffff, v5  }
0x316: {  	v13 =	vor.u32 $0x1, v6;
	v4 =	vor.u32 $0x2, v6;
	v5 =	vor.u32 $0x3, v6;
	[tilespmem:v9+s16+$0x0] =	vst.idx.msk $0xffff, v7  }
0x317: {  	v12 =	vor.u32 $0x4, v6;
	v8 =	vor.u32 $0x6, v6;
	v11 =	vor.u32 $0x9, v6;
	[tilespmem:v14+s16+$0x0] =	vst.idx.msk $0xffff, v10  }
0x318: {  	s20 =	simm.s32 $0x20;
	v7 =	vor.u32 $0x5, v6;
	v9 =	vor.u32 $0x7, v6;
	v10 =	vor.u32 $0x8, v6;
	[tilespmem:v15+s16+$0x0] =	vst.idx.msk $0xffff, v63  }
.LBB2_14:
0x319: {  	p1 =	sne.s32 s20, $0xF0;
	v14 =	vor.u32 $0xA, v6;
	v15 =	vor.u32 $0xB, v6;
	v16 =	vor.u32 $0xC, v6;
	[tilespmem:v2+s16+$0x0] =	vst.idx.msk $0xffff, v3;
	s21 =	smov.u32 s20;
	s20 =	sadd.s32 $0x10, s20  }
0x31a: {  	v17 =	vor.u32 $0xD, v6;
	v18 =	vor.u32 $0xE, v6;
	v19 =	vor.u32 $0xF, v6;
	v2 =	vld.idx.msk [tilespmem:v6+s15+$0x0], $0xffff  }
0x31b: {  	v20 =	vor.u32 $0x10, v6;
	v21 =	vor.u32 $0x11, v6;
	v22 =	vor.u32 $0x12, v6;
	v3 =	vld.idx.msk [tilespmem:v13+s15+$0x0], $0xffff  }
0x31c: {  	v23 =	vor.u32 $0x13, v6;
	v24 =	vor.u32 $0x14, v6;
	v25 =	vor.u32 $0x15, v6  }
0x31d: {  	v26 =	vor.u32 $0x16, v6;
	v27 =	vor.u32 $0x17, v6;
	v28 =	vor.u32 $0x18, v6;
	v4 =	vld.idx.msk [tilespmem:v4+s15+$0x0], $0xffff  }
0x31e: {  	v30 =	vor.u32 $0x19, v6;
	v31 =	vor.u32 $0x1A, v6;
	v33 =	vor.u32 $0x1B, v6  }
0x31f: {  	v34 =	vor.u32 $0x1C, v6;
	v29 =	vor.u32 $0x1D, v6;
	v32 =	vor.u32 $0x1E, v6;
	v5 =	vld.idx.msk [tilespmem:v5+s15+$0x0], $0xffff;
	_ =	sdelay $0x1  }
0x320: {  	v13 =	vmul.f32 v2, v2;
	v35 =	vmul.f32 v3, v3;
	v6 =	vld.idx.msk [tilespmem:v12+s15+$0x0], $0xffff;
	_ =	sdelay $0x1  }
0x321: {  	v12 =	vadd.f32 v35, v13;
	v13 =	vmul.f32 v4, v4;
	v7 =	vld.idx.msk [tilespmem:v7+s15+$0x0], $0xffff;
	_ =	sdelay $0x1  }
0x322: {  	v12 =	vadd.f32 v13, v12;
	v13 =	vmul.f32 v5, v5;
	v8 =	vld.idx.msk [tilespmem:v8+s15+$0x0], $0xffff;
	_ =	sdelay $0x1  }
0x323: {  	v12 =	vadd.f32 v13, v12;
	v13 =	vmul.f32 v6, v6;
	v9 =	vld.idx.msk [tilespmem:v9+s15+$0x0], $0xffff;
	_ =	sdelay $0x1  }
0x324: {  	v12 =	vadd.f32 v13, v12;
	v13 =	vmul.f32 v7, v7;
	v10 =	vld.idx.msk [tilespmem:v10+s15+$0x0], $0xffff;
	_ =	sdelay $0x1  }
0x325: {  	v12 =	vadd.f32 v13, v12;
	v13 =	vmul.f32 v8, v8;
	v11 =	vld.idx.msk [tilespmem:v11+s15+$0x0], $0xffff;
	_ =	sdelay $0x1  }
0x326: {  	v13 =	vadd.f32 v13, v12;
	v35 =	vmul.f32 v9, v9;
	v12 =	vld.idx.msk [tilespmem:v14+s15+$0x0], $0xffff;
	_ =	sdelay $0x1  }
0x327: {  	v14 =	vadd.f32 v35, v13;
	v35 =	vmul.f32 v10, v10;
	v13 =	vld.idx.msk [tilespmem:v15+s15+$0x0], $0xffff;
	_ =	sdelay $0x1  }
0x328: {  	v15 =	vadd.f32 v35, v14;
	v35 =	vmul.f32 v11, v11;
	v14 =	vld.idx.msk [tilespmem:v16+s15+$0x0], $0xffff;
	_ =	sdelay $0x1  }
0x329: {  	v16 =	vadd.f32 v35, v15;
	v35 =	vmul.f32 v12, v12;
	v15 =	vld.idx.msk [tilespmem:v17+s15+$0x0], $0xffff;
	_ =	sdelay $0x1  }
0x32a: {  	v17 =	vadd.f32 v35, v16;
	v35 =	vmul.f32 v13, v13;
	v16 =	vld.idx.msk [tilespmem:v18+s15+$0x0], $0xffff;
	_ =	sdelay $0x1  }
0x32b: {  	v18 =	vadd.f32 v35, v17;
	v35 =	vmul.f32 v14, v14;
	v17 =	vld.idx.msk [tilespmem:v19+s15+$0x0], $0xffff;
	_ =	sdelay $0x1  }
0x32c: {  	v19 =	vadd.f32 v35, v18;
	v35 =	vmul.f32 v15, v15;
	v18 =	vld.idx.msk [tilespmem:v20+s15+$0x0], $0xffff;
	_ =	sdelay $0x1  }
0x32d: {  	v20 =	vadd.f32 v35, v19;
	v35 =	vmul.f32 v16, v16;
	v19 =	vld.idx.msk [tilespmem:v21+s15+$0x0], $0xffff;
	_ =	sdelay $0x1  }
0x32e: {  	v21 =	vadd.f32 v35, v20;
	v35 =	vmul.f32 v17, v17;
	v20 =	vld.idx.msk [tilespmem:v22+s15+$0x0], $0xffff;
	_ =	sdelay $0x1  }
0x32f: {  	v22 =	vadd.f32 v35, v21;
	v35 =	vmul.f32 v18, v18;
	v21 =	vld.idx.msk [tilespmem:v23+s15+$0x0], $0xffff;
	_ =	sdelay $0x1  }
0x330: {  	v23 =	vadd.f32 v35, v22;
	v35 =	vmul.f32 v19, v19;
	v22 =	vld.idx.msk [tilespmem:v24+s15+$0x0], $0xffff;
	_ =	sdelay $0x1  }
0x331: {  	v24 =	vadd.f32 v35, v23;
	v35 =	vmul.f32 v20, v20;
	v23 =	vld.idx.msk [tilespmem:v25+s15+$0x0], $0xffff;
	_ =	sdelay $0x1  }
0x332: {  	v25 =	vadd.f32 v35, v24;
	v35 =	vmul.f32 v21, v21;
	v24 =	vld.idx.msk [tilespmem:v26+s15+$0x0], $0xffff;
	_ =	sdelay $0x1  }
0x333: {  	v26 =	vadd.f32 v35, v25;
	v35 =	vmul.f32 v22, v22;
	v25 =	vld.idx.msk [tilespmem:v27+s15+$0x0], $0xffff;
	_ =	sdelay $0x1  }
0x334: {  	v27 =	vadd.f32 v35, v26;
	v35 =	vmul.f32 v23, v23;
	v26 =	vld.idx.msk [tilespmem:v28+s15+$0x0], $0xffff;
	_ =	sdelay $0x1  }
0x335: {  	v28 =	vadd.f32 v35, v27;
	v35 =	vmul.f32 v24, v24;
	v27 =	vld.idx.msk [tilespmem:v30+s15+$0x0], $0xffff;
	_ =	sdelay $0x1  }
0x336: {  	v28 =	vadd.f32 v35, v28;
	v35 =	vmul.f32 v25, v25;
	v30 =	vld.idx.msk [tilespmem:v31+s15+$0x0], $0xffff;
	_ =	sdelay $0x1  }
0x337: {  	v28 =	vadd.f32 v35, v28;
	v35 =	vmul.f32 v26, v26;
	v31 =	vld.idx.msk [tilespmem:v33+s15+$0x0], $0xffff;
	_ =	sdelay $0x1  }
0x338: {  	v33 =	vadd.f32 v35, v28;
	v35 =	vmul.f32 v27, v27;
	v28 =	vld.idx.msk [tilespmem:v34+s15+$0x0], $0xffff;
	_ =	sdelay $0x1  }
0x339: {  	v33 =	vadd.f32 v35, v33;
	v34 =	vmul.f32 v30, v30;
	v29 =	vld.idx.msk [tilespmem:v29+s15+$0x0], $0xffff;
	_ =	sdelay $0x1  }
0x33a: {  	v33 =	vadd.f32 v34, v33;
	v34 =	vmul.f32 v31, v31;
	v32 =	vld.idx.msk [tilespmem:v32+s15+$0x0], $0xffff;
	_ =	sdelay $0x1  }
0x33b: {  	v33 =	vadd.f32 v34, v33;
	v34 =	vmul.f32 v28, v28;
	_ =	sdelay $0x1  }
0x33c: {  	v33 =	vadd.f32 v34, v33;
	v34 =	vmul.f32 v29, v29;
	_ =	sdelay $0x1  }
0x33d: {  	v33 =	vadd.f32 v34, v33;
	v34 =	vmul.f32 v32, v32;
	_ =	sdelay $0x1  }
0x33e: {  	v33 =	vadd.f32 v34, v33;
	_ =	sdelay $0x1  }
0x33f: {  	v34 =	vadd.f32 $1.000000000e+00, v33;
	_ =	sdelay $0x1  }
0x340: {  	(erf) = vrcp.f32 v34;
	_ =	sdelay $0x8  }
0x341: {  	v1 =	vshll.u32 v1, $0x5;
	v34 =	vpop (erf)  }
0x342: {  	v36 =	vor.u32 $0x1, v1;
	v35 =	vadd.f32 v34, v34  }
0x343: {  	v37 =	vor.u32 $0x2, v1  }
0x344: {  	v38 =	vor.u32 $0x3, v1;
	v2 =	vmul.f32 v35, v2;
	v3 =	vmul.f32 v35, v3  }
0x345: {  	v39 =	vor.u32 $0x4, v1;
	v4 =	vmul.f32 v35, v4  }
0x346: {  	[tilespmem:v1+s16+$0x0] =	vst.idx.msk $0xffff, v2;
	v2 =	vor.u32 $0x5, v1  }
0x347: {  	[tilespmem:v36+s16+$0x0] =	vst.idx.msk $0xffff, v3;
	v3 =	vmul.f32 v35, v5;
	v5 =	vor.u32 $0x6, v1  }
0x348: {  	[tilespmem:v37+s16+$0x0] =	vst.idx.msk $0xffff, v4;
	v4 =	vmul.f32 v35, v6;
	v6 =	vor.u32 $0x7, v1  }
0x349: {  	[tilespmem:v38+s16+$0x0] =	vst.idx.msk $0xffff, v3;
	v3 =	vmul.f32 v35, v7;
	v7 =	vor.u32 $0x8, v1  }
0x34a: {  	[tilespmem:v39+s16+$0x0] =	vst.idx.msk $0xffff, v4;
	v4 =	vmul.f32 v35, v8;
	v8 =	vor.u32 $0x9, v1  }
0x34b: {  	[tilespmem:v2+s16+$0x0] =	vst.idx.msk $0xffff, v3;
	v2 =	vmul.f32 v35, v9;
	v3 =	vor.u32 $0xA, v1  }
0x34c: {  	[tilespmem:v5+s16+$0x0] =	vst.idx.msk $0xffff, v4;
	v4 =	vmul.f32 v35, v10;
	v5 =	vor.u32 $0xB, v1  }
0x34d: {  	[tilespmem:v6+s16+$0x0] =	vst.idx.msk $0xffff, v2;
	v2 =	vmul.f32 v35, v11;
	v6 =	vor.u32 $0xC, v1  }
0x34e: {  	[tilespmem:v7+s16+$0x0] =	vst.idx.msk $0xffff, v4;
	v4 =	vmul.f32 v35, v12;
	v7 =	vor.u32 $0xD, v1  }
0x34f: {  	[tilespmem:v8+s16+$0x0] =	vst.idx.msk $0xffff, v2;
	v2 =	vmul.f32 v35, v13;
	v8 =	vor.u32 $0xE, v1  }
0x350: {  	[tilespmem:v3+s16+$0x0] =	vst.idx.msk $0xffff, v4;
	v3 =	vmul.f32 v35, v14;
	v4 =	vor.u32 $0xF, v1  }
0x351: {  	[tilespmem:v5+s16+$0x0] =	vst.idx.msk $0xffff, v2;
	v2 =	vmul.f32 v35, v15;
	v5 =	vor.u32 $0x10, v1  }
0x352: {  	[tilespmem:v6+s16+$0x0] =	vst.idx.msk $0xffff, v3;
	v3 =	vmul.f32 v35, v16;
	v6 =	vor.u32 $0x11, v1  }
0x353: {  	[tilespmem:v7+s16+$0x0] =	vst.idx.msk $0xffff, v2;
	v2 =	vmul.f32 v35, v17;
	v7 =	vor.u32 $0x12, v1  }
0x354: {  	[tilespmem:v8+s16+$0x0] =	vst.idx.msk $0xffff, v3;
	v3 =	vmul.f32 v35, v18;
	v8 =	vor.u32 $0x13, v1  }
0x355: {  	[tilespmem:v4+s16+$0x0] =	vst.idx.msk $0xffff, v2;
	v2 =	vmul.f32 v35, v19;
	v4 =	vor.u32 $0x14, v1  }
0x356: {  	[tilespmem:v5+s16+$0x0] =	vst.idx.msk $0xffff, v3;
	v3 =	vmul.f32 v35, v20;
	v5 =	vor.u32 $0x15, v1  }
0x357: {  	[tilespmem:v6+s16+$0x0] =	vst.idx.msk $0xffff, v2;
	v2 =	vmul.f32 v35, v21;
	v6 =	vor.u32 $0x16, v1  }
0x358: {  	[tilespmem:v7+s16+$0x0] =	vst.idx.msk $0xffff, v3;
	v3 =	vmul.f32 v35, v22;
	v7 =	vor.u32 $0x17, v1  }
0x359: {  	[tilespmem:v8+s16+$0x0] =	vst.idx.msk $0xffff, v2;
	v2 =	vmul.f32 v35, v23;
	v8 =	vor.u32 $0x18, v1  }
0x35a: {  	[tilespmem:v4+s16+$0x0] =	vst.idx.msk $0xffff, v3;
	v3 =	vmul.f32 v35, v24;
	v4 =	vor.u32 $0x19, v1  }
0x35b: {  	[tilespmem:v5+s16+$0x0] =	vst.idx.msk $0xffff, v2;
	v2 =	vmul.f32 v35, v25;
	v5 =	vor.u32 $0x1A, v1  }
0x35c: {  	v9 =	vor.u32 $0x1B, v1;
	[tilespmem:v6+s16+$0x0] =	vst.idx.msk $0xffff, v3;
	v3 =	vmul.f32 v35, v26  }
0x35d: {  	[tilespmem:v7+s16+$0x0] =	vst.idx.msk $0xffff, v2;
	v2 =	vmul.f32 v35, v27;
	v7 =	vor.u32 $0x1C, v1  }
0x35e: {  	v10 =	vor.u32 $0x1D, v1;
	v6 =	vadd.f32 $-1.000000000e+00, v33;
	[tilespmem:v8+s16+$0x0] =	vst.idx.msk $0xffff, v3;
	v3 =	vmul.f32 v35, v30  }
0x35f: {  	v14 =	vor.u32 $0x1E, v1;
	[tilespmem:v4+s16+$0x0] =	vst.idx.msk $0xffff, v2;
	v4 =	vmul.f32 v35, v31;
	v2 =	vor.u32 $0x1F, v1  }
.Ltmp9:
0x360: {  	v8 =	vmul.f32 v35, v28;
	v1 =	vor.u32 s21, v0;
	[tilespmem:v5+s16+$0x0] =	vst.idx.msk $0xffff, v3;
	v3 =	vmul.f32 v34, v6;
	(pc) =	sbr.rel @p1 .LBB2_14-.Ltmp9, $4  }
0x361: {  	v15 =	vmul.f32 v35, v32;
	v6 =	vshll.u32 v1, $0x7;
	[tilespmem:v9+s16+$0x0] =	vst.idx.msk $0xffff, v4;
	v9 =	vmul.f32 v35, v29  }
0x362: {  	v13 =	vor.u32 $0x1, v6;
	v4 =	vor.u32 $0x2, v6;
	v5 =	vor.u32 $0x3, v6;
	[tilespmem:v7+s16+$0x0] =	vst.idx.msk $0xffff, v8  }
0x363: {  	v12 =	vor.u32 $0x4, v6;
	v7 =	vor.u32 $0x5, v6;
	v8 =	vor.u32 $0x6, v6;
	[tilespmem:v10+s16+$0x0] =	vst.idx.msk $0xffff, v9  }
0x364: {  	v11 =	vor.u32 $0x9, v6;
	v9 =	vor.u32 $0x7, v6;
	v10 =	vor.u32 $0x8, v6;
	[tilespmem:v14+s16+$0x0] =	vst.idx.msk $0xffff, v15  }
0x365: {  	_ =	sdelay $0x3  }
0x366: {  	[tilespmem:v2+s16+$0x0] =	vst.idx.msk $0xffff, v3  }
0x367: {  	v2 =	vld.idx.msk [tilespmem:v6+s15+$0x0], $0xffff  }
0x368: {  	v3 =	vld.idx.msk [tilespmem:v13+s15+$0x0], $0xffff;
	_ =	sdelay $0x1  }
0x369: {  	v4 =	vld.idx.msk [tilespmem:v4+s15+$0x0], $0xffff;
	_ =	sdelay $0x1  }
0x36a: {  	v5 =	vld.idx.msk [tilespmem:v5+s15+$0x0], $0xffff  }
0x36b: {  	v32 =	vmul.f32 v2, v2;
	v14 =	vmul.f32 v3, v3  }
0x36c: {  	v12 =	vld.idx.msk [tilespmem:v12+s15+$0x0], $0xffff  }
0x36d: {  	v33 =	vmul.f32 v4, v4;
	v13 =	vadd.f32 v14, v32  }
0x36e: {  	v7 =	vld.idx.msk [tilespmem:v7+s15+$0x0], $0xffff  }
0x36f: {  	v34 =	vmul.f32 v5, v5;
	v13 =	vadd.f32 v33, v13  }
0x370: {  	v8 =	vld.idx.msk [tilespmem:v8+s15+$0x0], $0xffff  }
0x371: {  	v35 =	vmul.f32 v12, v12;
	v13 =	vadd.f32 v34, v13  }
0x372: {  	v9 =	vld.idx.msk [tilespmem:v9+s15+$0x0], $0xffff  }
0x373: {  	v15 =	vor.u32 $0xA, v6;
	v36 =	vmul.f32 v7, v7;
	v13 =	vadd.f32 v35, v13  }
0x374: {  	v10 =	vld.idx.msk [tilespmem:v10+s15+$0x0], $0xffff  }
0x375: {  	v16 =	vor.u32 $0xB, v6;
	v37 =	vmul.f32 v8, v8;
	v13 =	vadd.f32 v36, v13  }
0x376: {  	v11 =	vld.idx.msk [tilespmem:v11+s15+$0x0], $0xffff  }
0x377: {  	v17 =	vor.u32 $0xC, v6;
	v38 =	vmul.f32 v9, v9;
	v13 =	vadd.f32 v37, v13  }
0x378: {  	v15 =	vld.idx.msk [tilespmem:v15+s15+$0x0], $0xffff  }
0x379: {  	v18 =	vor.u32 $0xD, v6;
	v39 =	vmul.f32 v10, v10;
	v13 =	vadd.f32 v38, v13  }
0x37a: {  	v16 =	vld.idx.msk [tilespmem:v16+s15+$0x0], $0xffff  }
0x37b: {  	v19 =	vor.u32 $0xE, v6;
	v40 =	vmul.f32 v11, v11;
	v13 =	vadd.f32 v39, v13  }
0x37c: {  	v17 =	vld.idx.msk [tilespmem:v17+s15+$0x0], $0xffff  }
0x37d: {  	v20 =	vor.u32 $0xF, v6;
	v41 =	vmul.f32 v15, v15;
	v13 =	vadd.f32 v40, v13  }
0x37e: {  	v18 =	vld.idx.msk [tilespmem:v18+s15+$0x0], $0xffff  }
0x37f: {  	v21 =	vor.u32 $0x10, v6;
	v42 =	vmul.f32 v16, v16;
	v13 =	vadd.f32 v41, v13  }
0x380: {  	v19 =	vld.idx.msk [tilespmem:v19+s15+$0x0], $0xffff  }
0x381: {  	v22 =	vor.u32 $0x11, v6;
	v43 =	vmul.f32 v17, v17;
	v13 =	vadd.f32 v42, v13  }
0x382: {  	v20 =	vld.idx.msk [tilespmem:v20+s15+$0x0], $0xffff  }
0x383: {  	v23 =	vor.u32 $0x12, v6;
	v44 =	vmul.f32 v18, v18;
	v13 =	vadd.f32 v43, v13  }
0x384: {  	v21 =	vld.idx.msk [tilespmem:v21+s15+$0x0], $0xffff  }
0x385: {  	v24 =	vor.u32 $0x13, v6;
	v45 =	vmul.f32 v19, v19;
	v13 =	vadd.f32 v44, v13  }
0x386: {  	v22 =	vld.idx.msk [tilespmem:v22+s15+$0x0], $0xffff  }
0x387: {  	v25 =	vor.u32 $0x14, v6;
	v46 =	vmul.f32 v20, v20;
	v13 =	vadd.f32 v45, v13  }
0x388: {  	v23 =	vld.idx.msk [tilespmem:v23+s15+$0x0], $0xffff  }
0x389: {  	v26 =	vor.u32 $0x15, v6;
	v47 =	vmul.f32 v21, v21;
	v13 =	vadd.f32 v46, v13  }
0x38a: {  	v24 =	vld.idx.msk [tilespmem:v24+s15+$0x0], $0xffff  }
0x38b: {  	v27 =	vor.u32 $0x16, v6;
	v48 =	vmul.f32 v22, v22;
	v13 =	vadd.f32 v47, v13  }
0x38c: {  	v25 =	vld.idx.msk [tilespmem:v25+s15+$0x0], $0xffff  }
0x38d: {  	v28 =	vor.u32 $0x17, v6;
	v49 =	vmul.f32 v23, v23;
	v13 =	vadd.f32 v48, v13  }
0x38e: {  	v26 =	vld.idx.msk [tilespmem:v26+s15+$0x0], $0xffff  }
0x38f: {  	v29 =	vor.u32 $0x18, v6;
	v50 =	vmul.f32 v24, v24;
	v13 =	vadd.f32 v49, v13  }
0x390: {  	v27 =	vld.idx.msk [tilespmem:v27+s15+$0x0], $0xffff  }
0x391: {  	v30 =	vor.u32 $0x19, v6;
	v51 =	vmul.f32 v25, v25;
	v13 =	vadd.f32 v50, v13  }
0x392: {  	v28 =	vld.idx.msk [tilespmem:v28+s15+$0x0], $0xffff  }
0x393: {  	v31 =	vor.u32 $0x1A, v6;
	v52 =	vmul.f32 v26, v26;
	v13 =	vadd.f32 v51, v13  }
0x394: {  	v29 =	vld.idx.msk [tilespmem:v29+s15+$0x0], $0xffff  }
0x395: {  	v32 =	vor.u32 $0x1B, v6;
	v53 =	vmul.f32 v27, v27;
	v13 =	vadd.f32 v52, v13  }
0x396: {  	v30 =	vld.idx.msk [tilespmem:v30+s15+$0x0], $0xffff  }
0x397: {  	v33 =	vor.u32 $0x1C, v6;
	v54 =	vmul.f32 v28, v28;
	v13 =	vadd.f32 v53, v13  }
0x398: {  	v31 =	vld.idx.msk [tilespmem:v31+s15+$0x0], $0xffff  }
0x399: {  	v55 =	vmul.f32 v29, v29;
	v34 =	vor.u32 $0x1D, v6;
	v13 =	vadd.f32 v54, v13  }
0x39a: {  	v32 =	vld.idx.msk [tilespmem:v32+s15+$0x0], $0xffff  }
0x39b: {  	v56 =	vor.u32 $0x1E, v6;
	v57 =	vmul.f32 v30, v30;
	v13 =	vadd.f32 v55, v13  }
0x39c: {  	v33 =	vld.idx.msk [tilespmem:v33+s15+$0x0], $0xffff  }
0x39d: {  	v58 =	vmul.f32 v31, v31;
	v13 =	vadd.f32 v57, v13  }
0x39e: {  	v34 =	vld.idx.msk [tilespmem:v34+s15+$0x0], $0xffff  }
0x39f: {  	v59 =	vmul.f32 v32, v32;
	v13 =	vadd.f32 v58, v13  }
0x3a0: {  	v6 =	vld.idx.msk [tilespmem:v56+s15+$0x0], $0xffff  }
0x3a1: {  	v60 =	vmul.f32 v33, v33;
	v13 =	vadd.f32 v59, v13;
	_ =	sdelay $0x1  }
0x3a2: {  	v61 =	vmul.f32 v34, v34;
	v13 =	vadd.f32 v60, v13;
	_ =	sdelay $0x1  }
0x3a3: {  	v62 =	vmul.f32 v6, v6;
	v13 =	vadd.f32 v61, v13;
	_ =	sdelay $0x1  }
0x3a4: {  	v13 =	vadd.f32 v62, v13;
	_ =	sdelay $0x1  }
0x3a5: {  	v14 =	vadd.f32 $1.000000000e+00, v13;
	_ =	sdelay $0x1  }
0x3a6: {  	(erf) = vrcp.f32 v14;
	_ =	sdelay $0x8  }
0x3a7: {  	v1 =	vshll.u32 v1, $0x5;
	v14 =	vpop (erf)  }
0x3a8: {  	v36 =	vor.u32 $0x1, v1;
	v35 =	vadd.f32 v14, v14  }
0x3a9: {  	v37 =	vor.u32 $0x2, v1  }
0x3aa: {  	v38 =	vor.u32 $0x3, v1;
	v2 =	vmul.f32 v35, v2  }
0x3ab: {  	v39 =	vor.u32 $0x4, v1;
	v3 =	vmul.f32 v35, v3  }
0x3ac: {  	v4 =	vmul.f32 v35, v4;
	[tilespmem:v1+s16+$0x0] =	vst.idx.msk $0xffff, v2;
	v2 =	vor.u32 $0x5, v1  }
0x3ad: {  	v63 =	vor.u32 $0x6, v1;
	[tilespmem:v36+s16+$0x0] =	vst.idx.msk $0xffff, v3;
	v3 =	vmul.f32 v35, v5  }
0x3ae: {  	v36 =	vmul.f32 v35, v12;
	[tilespmem:v37+s16+$0x0] =	vst.idx.msk $0xffff, v4;
	v37 =	vor.u32 $0x7, v1  }
0x3af: {  	[tilespmem:v38+s16+$0x0] =	vst.idx.msk $0xffff, v3;
	v3 =	vmul.f32 v35, v7;
	v38 =	vor.u32 $0x8, v1  }
0x3b0: {  	v40 =	vor.u32 $0x9, v1;
	[tilespmem:v39+s16+$0x0] =	vst.idx.msk $0xffff, v36;
	v39 =	vmul.f32 v35, v8  }
0x3b1: {  	[tilespmem:v2+s16+$0x0] =	vst.idx.msk $0xffff, v3;
	v2 =	vmul.f32 v35, v9;
	v3 =	vor.u32 $0xA, v1  }
0x3b2: {  	v42 =	vor.u32 $0xB, v1;
	v41 =	vmul.f32 v35, v10;
	[tilespmem:v63+s16+$0x0] =	vst.idx.msk $0xffff, v39  }
0x3b3: {  	v43 =	vor.u32 $0xC, v1;
	[tilespmem:v37+s16+$0x0] =	vst.idx.msk $0xffff, v2;
	v2 =	vmul.f32 v35, v11  }
0x3b4: {  	v45 =	vor.u32 $0xD, v1;
	v44 =	vmul.f32 v35, v15;
	[tilespmem:v38+s16+$0x0] =	vst.idx.msk $0xffff, v41  }
0x3b5: {  	v46 =	vor.u32 $0xE, v1;
	[tilespmem:v40+s16+$0x0] =	vst.idx.msk $0xffff, v2;
	v2 =	vmul.f32 v35, v16  }
0x3b6: {  	v47 =	vor.u32 $0xF, v1;
	[tilespmem:v3+s16+$0x0] =	vst.idx.msk $0xffff, v44;
	v3 =	vmul.f32 v35, v17  }
0x3b7: {  	v48 =	vor.u32 $0x10, v1;
	[tilespmem:v42+s16+$0x0] =	vst.idx.msk $0xffff, v2;
	v2 =	vmul.f32 v35, v18  }
0x3b8: {  	v49 =	vor.u32 $0x11, v1;
	[tilespmem:v43+s16+$0x0] =	vst.idx.msk $0xffff, v3;
	v3 =	vmul.f32 v35, v19  }
0x3b9: {  	v50 =	vor.u32 $0x12, v1;
	[tilespmem:v45+s16+$0x0] =	vst.idx.msk $0xffff, v2;
	v2 =	vmul.f32 v35, v20  }
0x3ba: {  	v51 =	vor.u32 $0x13, v1;
	[tilespmem:v46+s16+$0x0] =	vst.idx.msk $0xffff, v3;
	v3 =	vmul.f32 v35, v21  }
0x3bb: {  	v52 =	vor.u32 $0x14, v1;
	[tilespmem:v47+s16+$0x0] =	vst.idx.msk $0xffff, v2;
	v2 =	vmul.f32 v35, v22  }
0x3bc: {  	v53 =	vor.u32 $0x15, v1;
	[tilespmem:v48+s16+$0x0] =	vst.idx.msk $0xffff, v3;
	v3 =	vmul.f32 v35, v23  }
0x3bd: {  	v54 =	vor.u32 $0x16, v1;
	[tilespmem:v49+s16+$0x0] =	vst.idx.msk $0xffff, v2;
	v2 =	vmul.f32 v35, v24  }
0x3be: {  	v55 =	vor.u32 $0x17, v1;
	[tilespmem:v50+s16+$0x0] =	vst.idx.msk $0xffff, v3;
	v3 =	vmul.f32 v35, v25  }
0x3bf: {  	v56 =	vor.u32 $0x18, v1;
	[tilespmem:v51+s16+$0x0] =	vst.idx.msk $0xffff, v2;
	v2 =	vmul.f32 v35, v26  }
0x3c0: {  	v57 =	vor.u32 $0x19, v1;
	[tilespmem:v52+s16+$0x0] =	vst.idx.msk $0xffff, v3;
	v3 =	vmul.f32 v35, v27  }
0x3c1: {  	v58 =	vor.u32 $0x1A, v1;
	[tilespmem:v53+s16+$0x0] =	vst.idx.msk $0xffff, v2;
	v2 =	vmul.f32 v35, v28  }
0x3c2: {  	v59 =	vor.u32 $0x1B, v1;
	[tilespmem:v54+s16+$0x0] =	vst.idx.msk $0xffff, v3;
	v3 =	vmul.f32 v35, v29  }
0x3c3: {  	v60 =	vor.u32 $0x1C, v1;
	[tilespmem:v55+s16+$0x0] =	vst.idx.msk $0xffff, v2;
	v2 =	vmul.f32 v35, v30  }
0x3c4: {  	v61 =	vor.u32 $0x1D, v1;
	[tilespmem:v56+s16+$0x0] =	vst.idx.msk $0xffff, v3;
	v3 =	vmul.f32 v35, v31  }
0x3c5: {  	v62 =	vor.u32 $0x1E, v1;
	[tilespmem:v57+s16+$0x0] =	vst.idx.msk $0xffff, v2;
	v2 =	vmul.f32 v35, v32  }
0x3c6: {  	v1 =	vor.u32 $0x1F, v1;
	[tilespmem:v58+s16+$0x0] =	vst.idx.msk $0xffff, v3;
	v3 =	vmul.f32 v35, v33  }
0x3c7: {  	v63 =	vadd.f32 $-1.000000000e+00, v13;
	[tilespmem:v59+s16+$0x0] =	vst.idx.msk $0xffff, v2;
	v2 =	vmul.f32 v35, v34  }
.Ltmp10:
0x3c8: {  	v6 =	vmul.f32 v35, v6;
	[tilespmem:v60+s16+$0x0] =	vst.idx.msk $0xffff, v3;
	(pc) =	sbr.rel @p0 .LBB2_19-.Ltmp10, $4  }
0x3c9: {  	v3 =	vmul.f32 v14, v63;
	[tilespmem:v61+s16+$0x0] =	vst.idx.msk $0xffff, v2  }
0x3ca: {  	s0 =	sshll.u32 s19, $0xB;
	s1 =	rddreg [dreg:$0x9];
	[tilespmem:v62+s16+$0x0] =	vst.idx.msk $0xffff, v6  }
0x3cb: {  	s1 =	sadd.s32 s1, s0;
	[tilespmem:v1+s16+$0x0] =	vst.idx.msk $0xffff, v3  }
0x3cc: {  	[hbm4b:s1+s3] =	stream.linear.scatter [tilespmem:s16], [sflag:$0x4], $0x2000, $0x38;
	[tilespmem:$0x1A400] =	vst v63  }
0x3cd: {  	s0 =	sshra.s32 s0, $0x2  }
0x3ce: {  	s0 =	sadd.s32 $0x300, s0  }
0x3cf: {  	s1 =	simm.s32 $0x0;
	[dreg:$0x5] =	wrdreg s0  }
0x3d0: {  	s2 =	sand.u32 $0x80, s1;
	s0 =	rddreg [dreg:$0x5]  }
0x3d1: {  	s1 =	sand.u32 $0x70, s1;
	s0 =	sadd.s32 s2, s0  }
0x3d2: {  	s0 =	sadd.s32 s1, s0  }
0x3d3: {  	v1 =	vld [tilespmem:s0+$0x0];
	_ =	sdelay $0x4  }
0x3d4: {  	v1 =	vshll.u32 v1, $0x4  }
0x3d5: {  	(v2sf) =	vpush v1, $0x0  }
0x3d6: {  	(v2sf) =	vpush v1, $0x1  }
0x3d7: {  	(v2sf) =	vpush v1, $0x2;
	_ =	sdelay $0x1  }
0x3d8: {  	(v2sf) =	vpush v1, $0x3  }
0x3d9: {  	(v2sf) =	vpush v1, $0x4;
	_ =	sdelay $0x1  }
0x3da: {  	(v2sf) =	vpush v1, $0x5;
	_ =	sdelay $0x1  }
0x3db: {  	(v2sf) =	vpush v1, $0x6  }
0x3dc: {  	s20 =	simm.s32 $0x2000;
	s22 =	simm.s32 $0x4000;
	s21 =	simm.s32 $0x10  }
0x3dd: {  	s23 =	simm.s32 $0x0;
	s5 =	simm.s32 $0xE880;
	s25 =	simm.s32 $0xE900;
	(v2sf) =	vpush v1, $0x7  }
0x3de: {  	s6 =	simm.s32 $0xE400;
	s7 =	simm.s32 $0xE700;
	s8 =	simm.s32 $0xE780  }
0x3df: {  	s9 =	simm.s32 $0xE680;
	s10 =	simm.s32 $0xE800;
	s24 =	simm.s32 $0xEB80;
	(v2sf) =	vpush v1, $0x8  }
0x3e0: {  	s14 =	simm.s32 $0xE580;
	s18 =	simm.s32 $0xE480;
	s26 =	simm.s32 $0xE500  }
0x3e1: {  	s29 =	simm.s32 $0xE980;
	s30 =	simm.s32 $0xEA00;
	s13 =	spop (v2sf)  }
0x3e2: {  	s2 =	simm.s32 $0xE600;
	s17 =	spop (v2sf);
	s13 =	sand.u32 $0x1FFFFFF0, s13  }
0x3e3: {  	s1 =	rddreg [dreg:$0x5];
	(v2sf) =	vpush v1, $0x9;
	s28 =	spop (v2sf);
	s13 =	sadd.s32 s4, s13  }
0x3e4: {  	[tilespmem:s6], [sflag:$0x2] =	stream.linear.gather [hbm4b:s13+s3], $0x80, $0x38;
	[tilespmem:$0x1A400] =	vst v63  }
0x3e5: {  	(v2sf) =	vpush v1, $0xA;
	s17 =	sand.u32 $0x1FFFFFF0, s17;
	s6 =	sand.u32 $0x1FFFFFF0, s28;
	s31 =	spop (v2sf)  }
0x3e6: {  	s17 =	sadd.s32 s4, s17;
	s13 =	sand.u32 $0x1FFFFFF0, s31;
	s31 =	spop (v2sf)  }
0x3e7: {  	(v2sf) =	vpush v1, $0xB;
	[tilespmem:s18], [sflag:$0x2] =	stream.linear.gather [hbm4b:s17+s3], $0x80, $0x38;
	[tilespmem:$0x1A400] =	vst v63  }
0x3e8: {  	s0 =	sand.u32 $0x80, s21;
	s6 =	sadd.s32 s4, s6;
	s18 =	spop (v2sf)  }
0x3e9: {  	[tilespmem:s26], [sflag:$0x2] =	stream.linear.gather [hbm4b:s6+s3], $0x80, $0x38;
	[tilespmem:$0x1A400] =	vst v63  }
0x3ea: {  	s13 =	sadd.s32 s4, s13;
	s6 =	sand.u32 $0x1FFFFFF0, s31;
	s31 =	spop (v2sf)  }
0x3eb: {  	[tilespmem:s14], [sflag:$0x2] =	stream.linear.gather [hbm4b:s13+s3], $0x80, $0x38;
	[tilespmem:$0x1A400] =	vst v63  }
0x3ec: {  	s26 =	sand.u32 $0x1FFFFFF0, s18;
	s6 =	sadd.s32 s4, s6;
	s18 =	spop (v2sf)  }
0x3ed: {  	[tilespmem:s2], [sflag:$0x2] =	stream.linear.gather [hbm4b:s6+s3], $0x80, $0x38;
	[tilespmem:$0x1A400] =	vst v63  }
0x3ee: {  	s17 =	sand.u32 $0x1FFFFFF0, s31;
	s13 =	sadd.s32 s4, s26;
	s26 =	spop (v2sf)  }
0x3ef: {  	[tilespmem:s9], [sflag:$0x2] =	stream.linear.gather [hbm4b:s13+s3], $0x80, $0x38;
	[tilespmem:$0x1A400] =	vst v63  }
0x3f0: {  	s31 =	sand.u32 $0x1FFFFFF0, s26;
	s6 =	sand.u32 $0x1FFFFFF0, s18;
	s2 =	sadd.s32 s4, s17  }
0x3f1: {  	[tilespmem:s7], [sflag:$0x2] =	stream.linear.gather [hbm4b:s2+s3], $0x80, $0x38;
	[tilespmem:$0x1A400] =	vst v63  }
0x3f2: {  	s26 =	sadd.s32 s0, s1;
	s6 =	sadd.s32 s4, s6;
	s9 =	spop (v2sf)  }
0x3f3: {  	[tilespmem:s8], [sflag:$0x2] =	stream.linear.gather [hbm4b:s6+s3], $0x80, $0x38;
	[tilespmem:$0x1A400] =	vst v63  }
0x3f4: {  	s14 =	sadd.s32 s4, s31;
	s13 =	sand.u32 $0x1FFFFFF0, s9;
	s17 =	spop (v2sf)  }
0x3f5: {  	(v2sf) =	vpush v1, $0xC;
	[tilespmem:s10], [sflag:$0x2] =	stream.linear.gather [hbm4b:s14+s3], $0x80, $0x38;
	[tilespmem:$0x1A400] =	vst v63  }
0x3f6: {  	(v2sf) =	vpush v1, $0xD;
	s0 =	sadd.s32 s4, s13;
	s18 =	sand.u32 $0x1FFFFFF0, s17;
	s31 =	spop (v2sf)  }
0x3f7: {  	(v2sf) =	vpush v1, $0xE;
	[tilespmem:s5], [sflag:$0x2] =	stream.linear.gather [hbm4b:s0+s3], $0x80, $0x38;
	[tilespmem:$0x1A400] =	vst v63  }
0x3f8: {  	s28 =	simm.s32 $0xEA80;
	(v2sf) =	vpush v1, $0xF;
	s1 =	sand.u32 $0x1FFFFFF0, s31;
	s5 =	sadd.s32 s4, s18  }
.LBB2_17:
0x3f9: {  	_ =	sdelay $0x7  }
0x3fa: {  	[tilespmem:s25], [sflag:$0x2] =	stream.linear.gather [hbm4b:s5+s3], $0x80, $0x38;
	[tilespmem:$0x1A400] =	vst v63  }
0x3fb: {  	s1 =	sadd.s32 s4, s1  }
0x3fc: {  	[tilespmem:s29], [sflag:$0x2] =	stream.linear.gather [hbm4b:s1+s3], $0x80, $0x38;
	[tilespmem:$0x1A400] =	vst v63  }
0x3fd: {  	s6 =	spop (v2sf)  }
0x3fe: {  	s2 =	sand.u32 $0x70, s21;
	s14 =	sand.u32 $0x1FFFFFF0, s6;
	s17 =	spop (v2sf)  }
0x3ff: {  	s18 =	sadd.s32 s4, s14;
	s25 =	sand.u32 $0x1FFFFFF0, s17;
	s31 =	spop (v2sf)  }
0x400: {  	[tilespmem:s30], [sflag:$0x2] =	stream.linear.gather [hbm4b:s18+s3], $0x80, $0x38;
	[tilespmem:$0x1A400] =	vst v63  }
0x401: {  	s5 =	sadd.s32 s4, s25;
	s6 =	sand.u32 $0x1FFFFFF0, s31;
	s7 =	spop (v2sf)  }
0x402: {  	[tilespmem:s28], [sflag:$0x2] =	stream.linear.gather [hbm4b:s5+s3], $0x80, $0x38;
	[tilespmem:$0x1A400] =	vst v63  }
0x403: {  	s8 =	sadd.s32 $0xEB00, s23;
	s5 =	sadd.s32 s4, s6;
	s6 =	sand.u32 $0x1FFFFFF0, s7  }
0x404: {  	[tilespmem:s8], [sflag:$0x2] =	stream.linear.gather [hbm4b:s5+s3], $0x80, $0x38;
	[tilespmem:$0x1A400] =	vst v63  }
0x405: {  	s9 =	sadd.s32 s2, s26;
	s10 =	sadd.s32 s4, s6  }
0x406: {  	[tilespmem:s24], [sflag:$0x2] =	stream.linear.gather [hbm4b:s10+s3], $0x80, $0x38;
	[tilespmem:$0x1A400] =	vst v63  }
0x407: {  	v1 =	vld [tilespmem:s9+$0x0];
	_ =	sdelay $0x4  }
0x408: {  	v1 =	vshll.u32 v1, $0x4  }
0x409: {  	(v2sf) =	vpush v1, $0x0  }
0x40a: {  	(v2sf) =	vpush v1, $0x1  }
0x40b: {  	(v2sf) =	vpush v1, $0x2;
	_ =	sdelay $0x1  }
0x40c: {  	(v2sf) =	vpush v1, $0x3;
	_ =	sdelay $0x1  }
0x40d: {  	(v2sf) =	vpush v1, $0x4;
	_ =	sdelay $0x1  }
0x40e: {  	p0 =	sne.s32 s22, $0x1E000;
	s0 =	smov.u32 s22;
	s21 =	sadd.s32 $0x10, s21;
	(v2sf) =	vpush v1, $0x5  }
0x40f: {  	s22 =	sadd.s32 $0x2000, s22;
	s23 =	sshra.s32 s20, $0x2;
	s13 =	sand.u32 $0x80, s21  }
0x410: {  	s2 =	sadd.s32 $0xE580, s23;
	s20 =	smov.u32 s0;
	s1 =	sadd.s32 $0xE800, s23;
	(v2sf) =	vpush v1, $0x6  }
0x411: {  	s29 =	sadd.s32 $0xE980, s23;
	s14 =	rddreg [dreg:$0x5];
	s17 =	sadd.s32 $0xE680, s23  }
0x412: {  	s31 =	sadd.s32 $0xE880, s23;
	s25 =	sadd.s32 $0xE900, s23;
	s26 =	sadd.s32 s13, s14;
	(v2sf) =	vpush v1, $0x7  }
0x413: {  	s30 =	sadd.s32 $0xEA00, s23;
	s13 =	sadd.s32 $0xE500, s23;
	s7 =	sadd.s32 $0xE700, s23  }
0x414: {  	s28 =	sadd.s32 $0xEA80, s23;
	s6 =	sadd.s32 $0xE480, s23;
	s8 =	sadd.s32 $0xE400, s23;
	(v2sf) =	vpush v1, $0x8  }
0x415: {  	s5 =	sadd.s32 $0xE780, s23;
	s24 =	sadd.s32 $0xEB80, s23;
	s18 =	spop (v2sf)  }
0x416: {  	s9 =	sadd.s32 $0xE600, s23;
	(v2sf) =	vpush v1, $0x9;
	s0 =	sand.u32 $0x1FFFFFF0, s18;
	s10 =	spop (v2sf)  }
0x417: {  	s10 =	sand.u32 $0x1FFFFFF0, s10;
	s14 =	spop (v2sf);
	s0 =	sadd.s32 s4, s0  }
0x418: {  	(v2sf) =	vpush v1, $0xA;
	[tilespmem:s8], [sflag:$0x2] =	stream.linear.gather [hbm4b:s0+s3], $0x80, $0x38;
	[tilespmem:$0x1A400] =	vst v63  }
0x419: {  	s14 =	sand.u32 $0x1FFFFFF0, s14;
	s18 =	spop (v2sf);
	(v2sf) =	vpush v1, $0xB;
	s10 =	sadd.s32 s4, s10  }
0x41a: {  	[tilespmem:s6], [sflag:$0x2] =	stream.linear.gather [hbm4b:s10+s3], $0x80, $0x38;
	[tilespmem:$0x1A400] =	vst v63  }
0x41b: {  	s8 =	sand.u32 $0x1FFFFFF0, s18;
	s18 =	spop (v2sf);
	s14 =	sadd.s32 s4, s14  }
0x41c: {  	[tilespmem:s13], [sflag:$0x2] =	stream.linear.gather [hbm4b:s14+s3], $0x80, $0x38;
	[tilespmem:$0x1A400] =	vst v63  }
0x41d: {  	s6 =	sand.u32 $0x1FFFFFF0, s18;
	s18 =	spop (v2sf);
	s14 =	sadd.s32 s4, s8  }
0x41e: {  	[tilespmem:s2], [sflag:$0x2] =	stream.linear.gather [hbm4b:s14+s3], $0x80, $0x38;
	[tilespmem:$0x1A400] =	vst v63  }
0x41f: {  	s8 =	sand.u32 $0x1FFFFFF0, s18;
	s18 =	spop (v2sf);
	s13 =	sadd.s32 s4, s6  }
0x420: {  	[tilespmem:s9], [sflag:$0x2] =	stream.linear.gather [hbm4b:s13+s3], $0x80, $0x38;
	[tilespmem:$0x1A400] =	vst v63  }
0x421: {  	s10 =	sadd.s32 s4, s8;
	s14 =	sand.u32 $0x1FFFFFF0, s18;
	s18 =	spop (v2sf)  }
0x422: {  	[tilespmem:s17], [sflag:$0x2] =	stream.linear.gather [hbm4b:s10+s3], $0x80, $0x38;
	[tilespmem:$0x1A400] =	vst v63  }
0x423: {  	s6 =	sand.u32 $0x1FFFFFF0, s18;
	s14 =	sadd.s32 s4, s14;
	s13 =	spop (v2sf)  }
0x424: {  	[tilespmem:s7], [sflag:$0x2] =	stream.linear.gather [hbm4b:s14+s3], $0x80, $0x38;
	[tilespmem:$0x1A400] =	vst v63  }
0x425: {  	s17 =	sand.u32 $0x1FFFFFF0, s13;
	s18 =	spop (v2sf);
	s7 =	sadd.s32 s4, s6  }
0x426: {  	[tilespmem:s5], [sflag:$0x2] =	stream.linear.gather [hbm4b:s7+s3], $0x80, $0x38;
	[tilespmem:$0x1A400] =	vst v63  }
.Ltmp11:
0x427: {  	s13 =	sadd.s32 s4, s17;
	s10 =	spop (v2sf);
	(pc) =	sbr.rel @p0 .LBB2_17-.Ltmp11, $4  }
0x428: {  	(v2sf) =	vpush v1, $0xC;
	s9 =	sand.u32 $0x1FFFFFF0, s18;
	s14 =	sand.u32 $0x1FFFFFF0, s10;
	s17 =	spop (v2sf)  }
0x429: {  	(v2sf) =	vpush v1, $0xD;
	[tilespmem:s1], [sflag:$0x2] =	stream.linear.gather [hbm4b:s13+s3], $0x80, $0x38;
	[tilespmem:$0x1A400] =	vst v63  }
0x42a: {  	(v2sf) =	vpush v1, $0xE;
	s18 =	sadd.s32 s4, s9;
	s5 =	sadd.s32 s4, s14;
	s1 =	sand.u32 $0x1FFFFFF0, s17  }
0x42b: {  	(v2sf) =	vpush v1, $0xF;
	[tilespmem:s31], [sflag:$0x2] =	stream.linear.gather [hbm4b:s18+s3], $0x80, $0x38;
	[tilespmem:$0x1A400] =	vst v63  }
0x42c: {  	_ =	sdelay $0x7  }
0x42d: {  	[tilespmem:s25], [sflag:$0x2] =	stream.linear.gather [hbm4b:s5+s3], $0x80, $0x38;
	[tilespmem:$0x1A400] =	vst v63  }
0x42e: {  	s1 =	sadd.s32 s4, s1  }
0x42f: {  	[tilespmem:s29], [sflag:$0x2] =	stream.linear.gather [hbm4b:s1+s3], $0x80, $0x38;
	[tilespmem:$0x1A400] =	vst v63  }
0x430: {  	s2 =	spop (v2sf)  }
0x431: {  	s0 =	sand.u32 $0x70, s21;
	s2 =	sand.u32 $0x1FFFFFF0, s2;
	s10 =	spop (v2sf)  }
0x432: {  	s13 =	sadd.s32 s4, s2;
	s14 =	sand.u32 $0x1FFFFFF0, s10;
	s17 =	spop (v2sf)  }
0x433: {  	[tilespmem:s30], [sflag:$0x2] =	stream.linear.gather [hbm4b:s13+s3], $0x80, $0x38;
	[tilespmem:$0x1A400] =	vst v63  }
0x434: {  	s18 =	sadd.s32 s4, s14;
	s21 =	sand.u32 $0x1FFFFFF0, s17;
	s22 =	spop (v2sf)  }
0x435: {  	[tilespmem:s28], [sflag:$0x2] =	stream.linear.gather [hbm4b:s18+s3], $0x80, $0x38;
	[tilespmem:$0x1A400] =	vst v63  }
0x436: {  	s25 =	sadd.s32 $0xEB00, s23;
	s2 =	sadd.s32 s4, s21;
	s5 =	sand.u32 $0x1FFFFFF0, s22  }
0x437: {  	[tilespmem:s25], [sflag:$0x2] =	stream.linear.gather [hbm4b:s2+s3], $0x80, $0x38;
	[tilespmem:$0x1A400] =	vst v63  }
0x438: {  	s0 =	sadd.s32 s0, s26;
	s28 =	sadd.s32 s4, s5  }
0x439: {  	[tilespmem:s24], [sflag:$0x2] =	stream.linear.gather [hbm4b:s28+s3], $0x80, $0x38;
	[tilespmem:$0x1A400] =	vst v63  }
0x43a: {  	v1 =	vld [tilespmem:s0+$0x0];
	_ =	sdelay $0x4  }
0x43b: {  	v1 =	vshll.u32 v1, $0x4  }
0x43c: {  	(v2sf) =	vpush v1, $0x0  }
0x43d: {  	(v2sf) =	vpush v1, $0x1  }
0x43e: {  	(v2sf) =	vpush v1, $0x2;
	_ =	sdelay $0x1  }
0x43f: {  	(v2sf) =	vpush v1, $0x3;
	_ =	sdelay $0x1  }
0x440: {  	(v2sf) =	vpush v1, $0x4;
	_ =	sdelay $0x1  }
0x441: {  	(v2sf) =	vpush v1, $0x5;
	_ =	sdelay $0x1  }
0x442: {  	(v2sf) =	vpush v1, $0x6  }
0x443: {  	s20 =	sshra.s32 s20, $0x2  }
0x444: {  	s6 =	sadd.s32 $0xE400, s20;
	s8 =	sadd.s32 $0xE700, s20;
	s9 =	sadd.s32 $0xE780, s20;
	(v2sf) =	vpush v1, $0x7  }
0x445: {  	s7 =	sadd.s32 $0xE980, s20;
	s10 =	sadd.s32 $0xE680, s20;
	s13 =	sadd.s32 $0xE800, s20  }
0x446: {  	s14 =	sadd.s32 $0xE580, s20;
	s30 =	sadd.s32 $0xE500, s20;
	s5 =	sadd.s32 $0xE880, s20;
	(v2sf) =	vpush v1, $0x8  }
0x447: {  	s18 =	sadd.s32 $0xE480, s20;
	s2 =	sadd.s32 $0xE600, s20;
	s17 =	spop (v2sf)  }
0x448: {  	s0 =	sadd.s32 $0xE900, s20;
	(v2sf) =	vpush v1, $0x9;
	s29 =	spop (v2sf);
	s17 =	sand.u32 $0x1FFFFFF0, s17  }
0x449: {  	s21 =	sand.u32 $0x1FFFFFF0, s29;
	s31 =	spop (v2sf);
	s17 =	sadd.s32 s4, s17  }
0x44a: {  	(v2sf) =	vpush v1, $0xA;
	[tilespmem:s6], [sflag:$0x2] =	stream.linear.gather [hbm4b:s17+s3], $0x80, $0x38;
	[tilespmem:$0x1A400] =	vst v63  }
0x44b: {  	s25 =	sand.u32 $0x1FFFFFF0, s31;
	s26 =	spop (v2sf);
	s21 =	sadd.s32 s4, s21  }
0x44c: {  	(v2sf) =	vpush v1, $0xB;
	[tilespmem:s18], [sflag:$0x2] =	stream.linear.gather [hbm4b:s21+s3], $0x80, $0x38;
	[tilespmem:$0x1A400] =	vst v63  }
0x44d: {  	s17 =	sand.u32 $0x1FFFFFF0, s26;
	s28 =	spop (v2sf);
	s6 =	sadd.s32 s4, s25  }
0x44e: {  	(v2sf) =	vpush v1, $0xC;
	[tilespmem:s30], [sflag:$0x2] =	stream.linear.gather [hbm4b:s6+s3], $0x80, $0x38;
	[tilespmem:$0x1A400] =	vst v63  }
0x44f: {  	s29 =	sand.u32 $0x1FFFFFF0, s28;
	s17 =	sadd.s32 s4, s17;
	s30 =	spop (v2sf)  }
0x450: {  	(v2sf) =	vpush v1, $0xD;
	[tilespmem:s14], [sflag:$0x2] =	stream.linear.gather [hbm4b:s17+s3], $0x80, $0x38;
	[tilespmem:$0x1A400] =	vst v63  }
0x451: {  	s6 =	sadd.s32 s4, s29;
	s31 =	sand.u32 $0x1FFFFFF0, s30;
	s18 =	spop (v2sf)  }
0x452: {  	[tilespmem:s2], [sflag:$0x2] =	stream.linear.gather [hbm4b:s6+s3], $0x80, $0x38;
	[tilespmem:$0x1A400] =	vst v63  }
0x453: {  	s21 =	sand.u32 $0x1FFFFFF0, s18;
	s23 =	spop (v2sf);
	s14 =	sadd.s32 s4, s31  }
0x454: {  	(v2sf) =	vpush v1, $0xE;
	[tilespmem:s10], [sflag:$0x2] =	stream.linear.gather [hbm4b:s14+s3], $0x80, $0x38;
	[tilespmem:$0x1A400] =	vst v63  }
0x455: {  	s24 =	spop (v2sf);
	s6 =	sand.u32 $0x1FFFFFF0, s23;
	s2 =	sadd.s32 s4, s21  }
0x456: {  	(v2sf) =	vpush v1, $0xF;
	[tilespmem:s8], [sflag:$0x2] =	stream.linear.gather [hbm4b:s2+s3], $0x80, $0x38;
	[tilespmem:$0x1A400] =	vst v63  }
0x457: {  	s25 =	sand.u32 $0x1FFFFFF0, s24;
	s6 =	sadd.s32 s4, s6;
	s26 =	spop (v2sf)  }
0x458: {  	[tilespmem:s9], [sflag:$0x2] =	stream.linear.gather [hbm4b:s6+s3], $0x80, $0x38;
	[tilespmem:$0x1A400] =	vst v63  }
0x459: {  	s2 =	sadd.s32 s4, s25;
	s28 =	sand.u32 $0x1FFFFFF0, s26;
	s29 =	spop (v2sf)  }
0x45a: {  	[tilespmem:s13], [sflag:$0x2] =	stream.linear.gather [hbm4b:s2+s3], $0x80, $0x38;
	[tilespmem:$0x1A400] =	vst v63  }
0x45b: {  	s30 =	sand.u32 $0x1FFFFFF0, s29;
	s31 =	spop (v2sf);
	s6 =	sadd.s32 s4, s28  }
0x45c: {  	[tilespmem:s5], [sflag:$0x2] =	stream.linear.gather [hbm4b:s6+s3], $0x80, $0x38;
	[tilespmem:$0x1A400] =	vst v63  }
0x45d: {  	s8 =	sand.u32 $0x1FFFFFF0, s31;
	s9 =	spop (v2sf);
	s2 =	sadd.s32 s4, s30  }
0x45e: {  	[tilespmem:s0], [sflag:$0x2] =	stream.linear.gather [hbm4b:s2+s3], $0x80, $0x38;
	[tilespmem:$0x1A400] =	vst v63  }
0x45f: {  	s10 =	sadd.s32 s4, s8;
	s13 =	sand.u32 $0x1FFFFFF0, s9;
	s14 =	spop (v2sf)  }
0x460: {  	[tilespmem:s7], [sflag:$0x2] =	stream.linear.gather [hbm4b:s10+s3], $0x80, $0x38;
	[tilespmem:$0x1A400] =	vst v63  }
0x461: {  	s22 =	sadd.s32 $0xEA00, s20;
	s17 =	sadd.s32 s4, s13;
	s18 =	sand.u32 $0x1FFFFFF0, s14  }
0x462: {  	[tilespmem:s22], [sflag:$0x2] =	stream.linear.gather [hbm4b:s17+s3], $0x80, $0x38;
	[tilespmem:$0x1A400] =	vst v63  }
0x463: {  	s1 =	sadd.s32 $0xEA80, s20;
	s23 =	sadd.s32 s4, s18;
	s21 =	spop (v2sf)  }
0x464: {  	[tilespmem:s1], [sflag:$0x2] =	stream.linear.gather [hbm4b:s23+s3], $0x80, $0x38;
	[tilespmem:$0x1A400] =	vst v63  }
.Ltmp12:
0x465: {  	s24 =	sand.u32 $0x1FFFFFF0, s21;
	s25 =	spop (v2sf);
	(pc) =	sbr.rel .LBB2_6-.Ltmp12, $4  }
0x466: {  	s26 =	sadd.s32 $0xEB00, s20;
	s28 =	sadd.s32 s4, s24;
	s29 =	sand.u32 $0x1FFFFFF0, s25  }
0x467: {  	[tilespmem:s26], [sflag:$0x2] =	stream.linear.gather [hbm4b:s28+s3], $0x80, $0x38;
	[tilespmem:$0x1A400] =	vst v63  }
0x468: {  	s19 =	sadd.s32 $0x1, s19;
	s30 =	sadd.s32 $0xEB80, s20;
	s31 =	sadd.s32 s4, s29  }
0x469: {  	[tilespmem:s30], [sflag:$0x2] =	stream.linear.gather [hbm4b:s31+s3], $0x80, $0x38;
	[tilespmem:$0x1A400] =	vst v63  }
.LBB2_20:
0x46a: {  	_ =	sfence.sel $0x180000  }
0x46b: {  	[bflag:$0x0] =	sbarrier.arrive $0xFFFF  }
0x46c: {  	_ =	strace $0x90000047  }
0x46d: {  	s0 =	stileid.u32;
	[bflag:$0x2] =	sbarrier.arrive $0xFFFF  }
0x46e: {  	p0 =	sne.s32 s0, $0x0;
	s0 =	rddreg [dreg:$0x3]  }
0x46f: {  	s0 =	sadd.s32 @!p0 $0x100000, s0  }
0x470: {  	[sflag:s0] =	ssyncadd.tile.s32 @!p0 $0x1;
	_ =	shalt  }
.Lfunc_end2:
_tile_overlayer_lowered:
.L_overlay_start_2:
0x471: {  	(tag) =	ssettag $0x2  }
0x472: {  	s0 =	rddreg [dreg:$0x0];
	s2 =	stileid.u32  }
0x473: {  	s1 =	rddreg [dreg:$0x1];
	p0 =	sne.s32 s2, $0x0  }
0x474: {  	s3 =	rddreg [dreg:$0x2];
	[bflag:$0x3] =	sbarrier.arrive $0xFFFF;
	s2 =	simm.s32 @!p0 $0x1C05  }
0x475: {  	[timem:s3], [sflag:s2] =	dma.local @!p0 [hbm:s0], s1  }
0x476: {  	s0 =	simm.s32 @!p0 $0x5  }
0x477: {  	_ =	swait.ge @!p0 [sflag:s0], s1  }
0x478: {  	s1 =	ssub.s32 @!p0 $0x0, s1;
	[sflag:s0] =	ssyncset.done @!p0 $0x0  }
0x479: {  	[sflag:s0] =	ssyncadd.s32 @!p0 s1  }
0x47a: {  	[bflag:$0x3] =	sbarrier.arrive $0xFFFF  }
0x47b: {  	_ =	shalt  }

</sc_bundles>
